<compile_context>
chip_gen: v7x
topology: tpu7x:2x2x1
jax: 0.10.2.dev20260603
libtpu: 0.0.44.dev20260713+nightly
codegen_flags: <defaults>
</compile_context>

<pallas_src>
import functools

import jax
import jax.numpy as jnp
from jax import lax
from jax.experimental import pallas as pl
from jax.experimental.pallas import tpu as pltpu
from jax.experimental.pallas import tpu_sc as plsc

NC = 2
NS = 16
NW = NC * NS
L = 16

S = 8
SCS = 4
TCS = S - SCS
B = 4096
C = 1000
RT = S * C
CPW = B // NW
G = CPW // L
CHUNK = 200
CPS = C // CHUNK
NCHUNKS = SCS * CPS
BBLK = 512
NBB = B // BBLK
NBUF = 4
assert NCHUNKS % NBUF == 0
RB = CHUNK // 8

_mesh = plsc.VectorSubcoreMesh(
    core_axis_name="c", subcore_axis_name="s", num_cores=NC, num_subcores=NS
)


@functools.partial(
    pl.kernel,
    out_type=jax.ShapeDtypeStruct((NW, L), jnp.float32),
    mesh=_mesh,
    compiler_params=pltpu.CompilerParams(needs_layout_passes=False),
    scratch_types=[
        pltpu.VMEM((CHUNK, CPW), jnp.float32),
        pltpu.VMEM((CHUNK, CPW), jnp.float32),
        pltpu.VMEM((CHUNK, CPW), jnp.float32),
        pltpu.VMEM((CHUNK, CPW), jnp.float32),
        pltpu.VMEM((CPW,), jnp.int32),
        pltpu.VMEM((L,), jnp.float32),
        pltpu.SemaphoreType.DMA,
        pltpu.SemaphoreType.DMA,
        pltpu.SemaphoreType.DMA,
        pltpu.SemaphoreType.DMA,
    ],
)
def _loss_partials(
    pred_hbm, label_hbm, out_hbm, buf0, buf1, buf2, buf3, lbl, res,
    sem0, sem1, sem2, sem3,
):
    cid = lax.axis_index("c")
    sid = lax.axis_index("s")
    wid = sid * NC + cid
    col0 = wid * CPW
    pltpu.sync_copy(label_hbm.at[pl.ds(col0, CPW)], lbl)

    lane = lax.iota(jnp.int32, L)
    ninf = jnp.full((L,), -jnp.inf, jnp.float32)
    zero = jnp.zeros((L,), jnp.float32)
    sems = (sem0, sem1, sem2, sem3)
    bufs = (buf0, buf1, buf2, buf3)

    def chunk_src(c):
        return pred_hbm.at[pl.ds(c * CHUNK, CHUNK), pl.ds(col0, CPW)]

    for b in range(NBUF):
        pltpu.async_copy(chunk_src(b), bufs[b], sems[b])

    def ring_body(g2, carry):
        acc, ms, fys = carry
        for b in range(NBUF):
            c = g2 * NBUF + b
            pltpu.make_async_copy(chunk_src(c), bufs[b], sems[b]).wait()
            buf = bufs[b]
            base = lax.rem(c, CPS) * CHUNK

            ms = list(ms)
            fys = list(fys)
            for g in range(G):
                lblg = lbl[pl.ds(g * L, L)]
                li = lblg - base
                valid = (li >= 0) & (li < CHUNK)
                lic = jnp.clip(li, 0, CHUNK - 1)
                colg = lane + g * L
                got = plsc.load_gather(buf, [lic, colg], mask=valid)
                fys[g] = jnp.where(valid, got, fys[g])
                plsc.store_scatter(
                    buf, [lic, colg],
                    jnp.full((L,), -1e10, jnp.float32), mask=valid,
                )

            def rb_body(rb, ms_t):
                out = list(ms_t)
                for rr in range(8):
                    r = rb * 8 + rr
                    for g in range(G):
                        out[g] = jnp.maximum(out[g], buf[r, pl.ds(g * L, L)])
                return tuple(out)

            ms = lax.fori_loop(0, RB, rb_body, tuple(ms))

            done = jnp.broadcast_to(lax.rem(c, CPS) == CPS - 1, (L,))
            loss_sum = zero
            for g in range(G):
                loss_sum = (
                    loss_sum
                    + jnp.maximum(2.0 - fys[g], 0.0)
                    + jnp.maximum(1.0 + ms[g], 0.0)
                )
            acc = jnp.where(done, acc + loss_sum, acc)
            ms = tuple(jnp.where(done, ninf, m) for m in ms)
            fys = tuple(jnp.where(done, zero, f) for f in fys)

            @pl.when(c + NBUF < NCHUNKS)
            def _():
                pltpu.async_copy(chunk_src(c + NBUF), bufs[b], sems[b])

        return acc, ms, fys

    init = (zero, (ninf,) * G, (zero,) * G)
    acc, _, _ = lax.fori_loop(0, NCHUNKS // NBUF, ring_body, init)
    res[...] = acc
    pltpu.sync_copy(res, out_hbm.at[wid])


def _tc_body(lbl_ref, x_ref, o_ref):
    s = pl.program_id(0)
    bb = pl.program_id(1)
    x = x_ref[...]
    lbl = lbl_ref[pl.ds(bb * BBLK, BBLK)]
    cls = lax.broadcasted_iota(jnp.int32, (C, BBLK), 0)
    m = cls == lbl[None, :]
    xm = jnp.where(m, jnp.float32(-1e10), x)
    colmax = jnp.max(xm, axis=0)
    fy = jnp.max(jnp.where(m, x, -jnp.inf), axis=0)
    loss = jnp.maximum(2.0 - fy, 0.0) + jnp.maximum(1.0 + colmax, 0.0)
    ps = jnp.sum(loss)

    @pl.when((s == 0) & (bb == 0))
    def _():
        o_ref[...] = jnp.zeros((1, 1), jnp.float32)

    o_ref[...] += ps.reshape(1, 1)


_tc_loss = pl.pallas_call(
    _tc_body,
    grid=(TCS, NBB),
    in_specs=[
        pl.BlockSpec((B,), lambda s, bb: (0,)),
        pl.BlockSpec((C, BBLK), lambda s, bb: (SCS + s, bb)),
    ],
    out_specs=pl.BlockSpec((1, 1), lambda s, bb: (0, 0)),
    out_shape=jax.ShapeDtypeStruct((1, 1), jnp.float32),
)


def kernel(prediction, label):
    pred_t = prediction.reshape(S, B, C).transpose(0, 2, 1).reshape(RT, B)
    partials = _loss_partials(pred_t, label)
    tc_sum = _tc_loss(label, pred_t)
    return (jnp.sum(partials) + tc_sum[0, 0]) / jnp.float32(S * B)

# --- scband reference (transcript-rebuilt; emitter-appended) ---
"""Pipeline reference for scband-lossfunction-26302379721078 (READ-ONLY COPY).

The authoritative reference and input builder live on the scoring server;
editing this copy changes nothing except your own understanding.
"""

import jax, jax.numpy as jnp
import numpy as np

M_MARGIN = 1.0
T_MARGIN = 1.0


def setup_inputs(seed: int = 0) -> dict:
    key = jax.random.key(seed)
    k1, k2 = jax.random.split(key)
    prediction = jax.random.normal(k1, (2, 2, 2, 4096, 1000), dtype=jnp.float32)
    label = jax.random.randint(k2, (4096,), 0, 1000, dtype=jnp.int32)
    return {"prediction": prediction, "label": label}


def _standard(pred2d, label):
    # pred2d: [B, C], label: [B]
    B = pred2d.shape[0]
    label2d = label.reshape(-1, 1)
    # fy = prediction.gather(1, label)
    fy = jnp.take_along_axis(pred2d, label2d, axis=1)  # [B, 1]
    # fny = prediction.clone().scatter_(1, label, -10**10)
    fny = pred2d.at[jnp.arange(B), label].set(-1e10)
    fnym = jnp.max(fny, axis=1).reshape(-1, 1)
    l = jnp.maximum(M_MARGIN + T_MARGIN - fy, 0.0) + jnp.maximum(M_MARGIN + fnym, 0.0)
    return jnp.mean(l)


def reference(prediction, label):
    # MonteCarlo integration: average standard() loss over M*K*N samples
    M, K, N, B, C = prediction.shape
    flat = prediction.reshape(M * K * N, B, C)
    losses = jax.vmap(lambda p: _standard(p, label))(flat)
    return jnp.sum(losses) / (M * K * N)

if __name__ == "__main__":
    import jax
    _d = setup_inputs()
    print(jax.jit(kernel)(*tuple(_d.values())))

</pallas_src>

<mosaic_0001>
#map = affine_map<(d0, d1) -> (0, 0)>
#map1 = affine_map<(d0, d1) -> (0)>
module attributes {stable_mosaic.version = 14 : i64} {
  func.func @_loss_partials(%arg0: i32, %arg1: i32, %arg2: memref<8000x4096xf32, #tpu.memory_space<hbm>>, %arg3: memref<4096xi32, #tpu.memory_space<hbm>>, %arg4: memref<32x16xf32, #tpu.memory_space<hbm>>, %arg5: memref<200x128xf32, #tpu.memory_space<vmem>>, %arg6: memref<200x128xf32, #tpu.memory_space<vmem>>, %arg7: memref<200x128xf32, #tpu.memory_space<vmem>>, %arg8: memref<200x128xf32, #tpu.memory_space<vmem>>, %arg9: memref<128xi32, #tpu.memory_space<vmem>>, %arg10: memref<16xf32, #tpu.memory_space<vmem>>, %arg11: memref<!tpu.dma_semaphore, #tpu.memory_space<semaphore_mem>>, %arg12: memref<!tpu.dma_semaphore, #tpu.memory_space<semaphore_mem>>, %arg13: memref<!tpu.dma_semaphore, #tpu.memory_space<semaphore_mem>>, %arg14: memref<!tpu.dma_semaphore, #tpu.memory_space<semaphore_mem>>) attributes {dimension_semantics = [#tpu.dimension_semantics<core_parallel>, #tpu.dimension_semantics<subcore_parallel>], iteration_bounds = array<i64: 2, 16>, scalar_prefetch = 0 : i64, scratch_operands = 10 : i64, tpu.core_type = #tpu.core_type<sc_vector_subcore>, window_params = [{transform_indices = #map}, {transform_indices = #map1}, {transform_indices = #map}]} {
    %mul3A = arith.constant 2 : i32
    %mul3A_0 = arith.muli %arg1, %mul3A : i32
    %add3A = arith.addi %mul3A_0, %arg0 : i32
    %mul3A_1 = arith.constant 128 : i32
    %mul3A_2 = arith.muli %add3A, %mul3A_1 : i32
    "tpu.region"() ({
      %run_scoped3A = tpu.sem_alloc : memref<!tpu.dma_semaphore, #tpu.memory_space<semaphore_mem>>
      %dma_start3A_27 = tpu.memref_slice %arg3[%mul3A_2] : memref<4096xi32, #tpu.memory_space<hbm>> -> memref<128xi32, #tpu.memory_space<hbm>>
      %dma_start3A_28 = tpu.memref_slice %arg3[%mul3A_2] : memref<4096xi32, #tpu.memory_space<hbm>> -> memref<128xi32, #tpu.memory_space<hbm>>
      tpu.enqueue_dma source(%dma_start3A_28 : memref<128xi32, #tpu.memory_space<hbm>>) target(%arg9 : memref<128xi32, #tpu.memory_space<vmem>>) target_semaphore(%run_scoped3A : memref<!tpu.dma_semaphore, #tpu.memory_space<semaphore_mem>>)
      %dma_wait3A = tpu.memref_slice %arg3[%mul3A_2] : memref<4096xi32, #tpu.memory_space<hbm>> -> memref<128xi32, #tpu.memory_space<hbm>>
      %dma_wait3A_29 = tpu.memref_slice %arg3[%mul3A_2] : memref<4096xi32, #tpu.memory_space<hbm>> -> memref<128xi32, #tpu.memory_space<hbm>>
      tpu.wait_dma2 semaphore(%run_scoped3A : memref<!tpu.dma_semaphore, #tpu.memory_space<semaphore_mem>>) src(%dma_wait3A_29 : memref<128xi32, #tpu.memory_space<hbm>>) dst(%arg9 : memref<128xi32, #tpu.memory_space<vmem>>)
      tpu.yield
    }) : () -> ()
    %iota3A = tpu.iota {dimensions = array<i32: 0>} : vector<16xi32>
    %broadcast_in_dim3A = arith.constant 0xFF800000 : f32
    %broadcast_in_dim3A_3 = vector.broadcast %broadcast_in_dim3A : f32 to vector<16xf32>
    %broadcast_in_dim3A_4 = arith.constant 0.000000e+00 : f32
    %broadcast_in_dim3A_5 = vector.broadcast %broadcast_in_dim3A_4 : f32 to vector<16xf32>
    %dma_start3A = arith.constant 0 : i32
    %dma_start3A_6 = tpu.memref_slice %arg2[%dma_start3A, %mul3A_2] : memref<8000x4096xf32, #tpu.memory_space<hbm>> -> memref<200x128xf32, #tpu.memory_space<hbm>>
    %dma_start3A_7 = arith.constant 0 : i32
    %dma_start3A_8 = tpu.memref_slice %arg2[%dma_start3A_7, %mul3A_2] : memref<8000x4096xf32, #tpu.memory_space<hbm>> -> memref<200x128xf32, #tpu.memory_space<hbm>>
    tpu.enqueue_dma source(%dma_start3A_8 : memref<200x128xf32, #tpu.memory_space<hbm>>) target(%arg5 : memref<200x128xf32, #tpu.memory_space<vmem>>) target_semaphore(%arg11 : memref<!tpu.dma_semaphore, #tpu.memory_space<semaphore_mem>>)
    %dma_start3A_9 = arith.constant 200 : i32
    %dma_start3A_10 = tpu.memref_slice %arg2[%dma_start3A_9, %mul3A_2] : memref<8000x4096xf32, #tpu.memory_space<hbm>> -> memref<200x128xf32, #tpu.memory_space<hbm>>
    %dma_start3A_11 = arith.constant 200 : i32
    %dma_start3A_12 = tpu.memref_slice %arg2[%dma_start3A_11, %mul3A_2] : memref<8000x4096xf32, #tpu.memory_space<hbm>> -> memref<200x128xf32, #tpu.memory_space<hbm>>
    tpu.enqueue_dma source(%dma_start3A_12 : memref<200x128xf32, #tpu.memory_space<hbm>>) target(%arg6 : memref<200x128xf32, #tpu.memory_space<vmem>>) target_semaphore(%arg12 : memref<!tpu.dma_semaphore, #tpu.memory_space<semaphore_mem>>)
    %dma_start3A_13 = arith.constant 400 : i32
    %dma_start3A_14 = tpu.memref_slice %arg2[%dma_start3A_13, %mul3A_2] : memref<8000x4096xf32, #tpu.memory_space<hbm>> -> memref<200x128xf32, #tpu.memory_space<hbm>>
    %dma_start3A_15 = arith.constant 400 : i32
    %dma_start3A_16 = tpu.memref_slice %arg2[%dma_start3A_15, %mul3A_2] : memref<8000x4096xf32, #tpu.memory_space<hbm>> -> memref<200x128xf32, #tpu.memory_space<hbm>>
    tpu.enqueue_dma source(%dma_start3A_16 : memref<200x128xf32, #tpu.memory_space<hbm>>) target(%arg7 : memref<200x128xf32, #tpu.memory_space<vmem>>) target_semaphore(%arg13 : memref<!tpu.dma_semaphore, #tpu.memory_space<semaphore_mem>>)
    %dma_start3A_17 = arith.constant 600 : i32
    %dma_start3A_18 = tpu.memref_slice %arg2[%dma_start3A_17, %mul3A_2] : memref<8000x4096xf32, #tpu.memory_space<hbm>> -> memref<200x128xf32, #tpu.memory_space<hbm>>
    %dma_start3A_19 = arith.constant 600 : i32
    %dma_start3A_20 = tpu.memref_slice %arg2[%dma_start3A_19, %mul3A_2] : memref<8000x4096xf32, #tpu.memory_space<hbm>> -> memref<200x128xf32, #tpu.memory_space<hbm>>
    tpu.enqueue_dma source(%dma_start3A_20 : memref<200x128xf32, #tpu.memory_space<hbm>>) target(%arg8 : memref<200x128xf32, #tpu.memory_space<vmem>>) target_semaphore(%arg14 : memref<!tpu.dma_semaphore, #tpu.memory_space<semaphore_mem>>)
    %scan3A = arith.constant 0 : i32
    %scan3A_21 = arith.constant 5 : i32
    %scan3A_22 = arith.addi %scan3A, %scan3A_21 : i32
    %scan3A_23 = arith.constant 1 : i32
    %scan3A_24:17 = scf.for %scan3A_27 = %scan3A to %scan3A_22 step %scan3A_23 iter_args(%scan3A_28 = %broadcast_in_dim3A_5, %scan3A_29 = %broadcast_in_dim3A_3, %scan3A_30 = %broadcast_in_dim3A_3, %scan3A_31 = %broadcast_in_dim3A_3, %scan3A_32 = %broadcast_in_dim3A_3, %scan3A_33 = %broadcast_in_dim3A_3, %scan3A_34 = %broadcast_in_dim3A_3, %scan3A_35 = %broadcast_in_dim3A_3, %scan3A_36 = %broadcast_in_dim3A_3, %scan3A_37 = %broadcast_in_dim3A_5, %scan3A_38 = %broadcast_in_dim3A_5, %scan3A_39 = %broadcast_in_dim3A_5, %scan3A_40 = %broadcast_in_dim3A_5, %scan3A_41 = %broadcast_in_dim3A_5, %scan3A_42 = %broadcast_in_dim3A_5, %scan3A_43 = %broadcast_in_dim3A_5, %scan3A_44 = %broadcast_in_dim3A_5) -> (vector<16xf32>, vector<16xf32>, vector<16xf32>, vector<16xf32>, vector<16xf32>, vector<16xf32>, vector<16xf32>, vector<16xf32>, vector<16xf32>, vector<16xf32>, vector<16xf32>, vector<16xf32>, vector<16xf32>, vector<16xf32>, vector<16xf32>, vector<16xf32>, vector<16xf32>)  : i32 {
      %mul3A_45 = arith.constant 4 : i32
      %mul3A_46 = arith.muli %scan3A_27, %mul3A_45 : i32
      %add3A_47 = arith.constant 0 : i32
      %add3A_48 = arith.addi %mul3A_46, %add3A_47 : i32
      %mul3A_49 = arith.constant 200 : i32
      %mul3A_50 = arith.muli %add3A_48, %mul3A_49 : i32
      %dma_wait3A = tpu.memref_slice %arg2[%mul3A_50, %mul3A_2] : memref<8000x4096xf32, #tpu.memory_space<hbm>> -> memref<200x128xf32, #tpu.memory_space<hbm>>
      %dma_wait3A_51 = tpu.memref_slice %arg2[%mul3A_50, %mul3A_2] : memref<8000x4096xf32, #tpu.memory_space<hbm>> -> memref<200x128xf32, #tpu.memory_space<hbm>>
      tpu.wait_dma2 semaphore(%arg11 : memref<!tpu.dma_semaphore, #tpu.memory_space<semaphore_mem>>) src(%dma_wait3A_51 : memref<200x128xf32, #tpu.memory_space<hbm>>) dst(%arg5 : memref<200x128xf32, #tpu.memory_space<vmem>>)
      %rem3A = arith.constant 5 : i32
      %rem3A_52 = arith.remsi %add3A_48, %rem3A : i32
      %mul3A_53 = arith.constant 200 : i32
      %mul3A_54 = arith.muli %rem3A_52, %mul3A_53 : i32
      %get3A = arith.constant 0 : index
      %get3A_55 = tpu.vector_load %arg9[%get3A] {strides = array<i32>} : memref<128xi32, #tpu.memory_space<vmem>>, vector<16xi32>,
      %sub3A = vector.broadcast %mul3A_54 : i32 to vector<16xi32>
      %sub3A_56 = arith.subi %get3A_55, %sub3A : vector<16xi32>
      %ge3A = arith.constant 0 : i32
      %ge3A_57 = vector.broadcast %ge3A : i32 to vector<16xi32>
      %ge3A_58 = arith.cmpi sge, %sub3A_56, %ge3A_57 : vector<16xi32>
      %lt3A = arith.constant 200 : i32
      %lt3A_59 = vector.broadcast %lt3A : i32 to vector<16xi32>
      %lt3A_60 = arith.cmpi slt, %sub3A_56, %lt3A_59 : vector<16xi32>
      %and3A = arith.andi %ge3A_58, %lt3A_60 : vector<16xi1>
      %jit3A = arith.constant 0 : i32
      %jit3A_61 = arith.constant 199 : i32
      %max3A = vector.broadcast %jit3A : i32 to vector<16xi32>
      %max3A_62 = arith.maxsi %max3A, %sub3A_56 : vector<16xi32>
      %min3A = vector.broadcast %jit3A_61 : i32 to vector<16xi32>
      %min3A_63 = arith.minsi %min3A, %max3A_62 : vector<16xi32>
      %add3A_64 = arith.constant 0 : i32
      %add3A_65 = vector.broadcast %add3A_64 : i32 to vector<16xi32>
      %add3A_66 = arith.addi %iota3A, %add3A_65 : vector<16xi32>
      %gather3A = tpu.vector_load_idx %arg5[%min3A_63, %add3A_66] masked %and3A : memref<200x128xf32, #tpu.memory_space<vmem>>[vector<16xi32>, vector<16xi32>], vector<16xf32>, vector<16xi1>
      %select_n3A = arith.select %and3A, %gather3A, %scan3A_37 : vector<16xi1>, vector<16xf32>
      %broadcast_in_dim3A_67 = arith.constant -1.000000e+10 : f32
      %broadcast_in_dim3A_68 = vector.broadcast %broadcast_in_dim3A_67 : f32 to vector<16xf32>
      tpu.vector_store_idx %arg5[%min3A_63, %add3A_66], %broadcast_in_dim3A_68 masked %and3A : memref<200x128xf32, #tpu.memory_space<vmem>>[vector<16xi32>, vector<16xi32>], vector<16xf32>, vector<16xi1>
      %get3A_69 = arith.constant 16 : index
      %get3A_70 = tpu.vector_load %arg9[%get3A_69] {strides = array<i32>} : memref<128xi32, #tpu.memory_space<vmem>>, vector<16xi32>,
      %sub3A_71 = vector.broadcast %mul3A_54 : i32 to vector<16xi32>
      %sub3A_72 = arith.subi %get3A_70, %sub3A_71 : vector<16xi32>
      %ge3A_73 = arith.constant 0 : i32
      %ge3A_74 = vector.broadcast %ge3A_73 : i32 to vector<16xi32>
      %ge3A_75 = arith.cmpi sge, %sub3A_72, %ge3A_74 : vector<16xi32>
      %lt3A_76 = arith.constant 200 : i32
      %lt3A_77 = vector.broadcast %lt3A_76 : i32 to vector<16xi32>
      %lt3A_78 = arith.cmpi slt, %sub3A_72, %lt3A_77 : vector<16xi32>
      %and3A_79 = arith.andi %ge3A_75, %lt3A_78 : vector<16xi1>
      %jit3A_80 = arith.constant 0 : i32
      %jit3A_81 = arith.constant 199 : i32
      %max3A_82 = vector.broadcast %jit3A_80 : i32 to vector<16xi32>
      %max3A_83 = arith.maxsi %max3A_82, %sub3A_72 : vector<16xi32>
      %min3A_84 = vector.broadcast %jit3A_81 : i32 to vector<16xi32>
      %min3A_85 = arith.minsi %min3A_84, %max3A_83 : vector<16xi32>
      %add3A_86 = arith.constant 16 : i32
      %add3A_87 = vector.broadcast %add3A_86 : i32 to vector<16xi32>
      %add3A_88 = arith.addi %iota3A, %add3A_87 : vector<16xi32>
      %gather3A_89 = tpu.vector_load_idx %arg5[%min3A_85, %add3A_88] masked %and3A_79 : memref<200x128xf32, #tpu.memory_space<vmem>>[vector<16xi32>, vector<16xi32>], vector<16xf32>, vector<16xi1>
      %select_n3A_90 = arith.select %and3A_79, %gather3A_89, %scan3A_38 : vector<16xi1>, vector<16xf32>
      %broadcast_in_dim3A_91 = arith.constant -1.000000e+10 : f32
      %broadcast_in_dim3A_92 = vector.broadcast %broadcast_in_dim3A_91 : f32 to vector<16xf32>
      tpu.vector_store_idx %arg5[%min3A_85, %add3A_88], %broadcast_in_dim3A_92 masked %and3A_79 : memref<200x128xf32, #tpu.memory_space<vmem>>[vector<16xi32>, vector<16xi32>], vector<16xf32>, vector<16xi1>
      %get3A_93 = arith.constant 32 : index
      %get3A_94 = tpu.vector_load %arg9[%get3A_93] {strides = array<i32>} : memref<128xi32, #tpu.memory_space<vmem>>, vector<16xi32>,
      %sub3A_95 = vector.broadcast %mul3A_54 : i32 to vector<16xi32>
      %sub3A_96 = arith.subi %get3A_94, %sub3A_95 : vector<16xi32>
      %ge3A_97 = arith.constant 0 : i32
      %ge3A_98 = vector.broadcast %ge3A_97 : i32 to vector<16xi32>
      %ge3A_99 = arith.cmpi sge, %sub3A_96, %ge3A_98 : vector<16xi32>
      %lt3A_100 = arith.constant 200 : i32
      %lt3A_101 = vector.broadcast %lt3A_100 : i32 to vector<16xi32>
      %lt3A_102 = arith.cmpi slt, %sub3A_96, %lt3A_101 : vector<16xi32>
      %and3A_103 = arith.andi %ge3A_99, %lt3A_102 : vector<16xi1>
      %jit3A_104 = arith.constant 0 : i32
      %jit3A_105 = arith.constant 199 : i32
      %max3A_106 = vector.broadcast %jit3A_104 : i32 to vector<16xi32>
      %max3A_107 = arith.maxsi %max3A_106, %sub3A_96 : vector<16xi32>
      %min3A_108 = vector.broadcast %jit3A_105 : i32 to vector<16xi32>
      %min3A_109 = arith.minsi %min3A_108, %max3A_107 : vector<16xi32>
      %add3A_110 = arith.constant 32 : i32
      %add3A_111 = vector.broadcast %add3A_110 : i32 to vector<16xi32>
      %add3A_112 = arith.addi %iota3A, %add3A_111 : vector<16xi32>
      %gather3A_113 = tpu.vector_load_idx %arg5[%min3A_109, %add3A_112] masked %and3A_103 : memref<200x128xf32, #tpu.memory_space<vmem>>[vector<16xi32>, vector<16xi32>], vector<16xf32>, vector<16xi1>
      %select_n3A_114 = arith.select %and3A_103, %gather3A_113, %scan3A_39 : vector<16xi1>, vector<16xf32>
      %broadcast_in_dim3A_115 = arith.constant -1.000000e+10 : f32
      %broadcast_in_dim3A_116 = vector.broadcast %broadcast_in_dim3A_115 : f32 to vector<16xf32>
      tpu.vector_store_idx %arg5[%min3A_109, %add3A_112], %broadcast_in_dim3A_116 masked %and3A_103 : memref<200x128xf32, #tpu.memory_space<vmem>>[vector<16xi32>, vector<16xi32>], vector<16xf32>, vector<16xi1>
      %get3A_117 = arith.constant 48 : index
      %get3A_118 = tpu.vector_load %arg9[%get3A_117] {strides = array<i32>} : memref<128xi32, #tpu.memory_space<vmem>>, vector<16xi32>,
      %sub3A_119 = vector.broadcast %mul3A_54 : i32 to vector<16xi32>
      %sub3A_120 = arith.subi %get3A_118, %sub3A_119 : vector<16xi32>
      %ge3A_121 = arith.constant 0 : i32
      %ge3A_122 = vector.broadcast %ge3A_121 : i32 to vector<16xi32>
      %ge3A_123 = arith.cmpi sge, %sub3A_120, %ge3A_122 : vector<16xi32>
      %lt3A_124 = arith.constant 200 : i32
      %lt3A_125 = vector.broadcast %lt3A_124 : i32 to vector<16xi32>
      %lt3A_126 = arith.cmpi slt, %sub3A_120, %lt3A_125 : vector<16xi32>
      %and3A_127 = arith.andi %ge3A_123, %lt3A_126 : vector<16xi1>
      %jit3A_128 = arith.constant 0 : i32
      %jit3A_129 = arith.constant 199 : i32
      %max3A_130 = vector.broadcast %jit3A_128 : i32 to vector<16xi32>
      %max3A_131 = arith.maxsi %max3A_130, %sub3A_120 : vector<16xi32>
      %min3A_132 = vector.broadcast %jit3A_129 : i32 to vector<16xi32>
      %min3A_133 = arith.minsi %min3A_132, %max3A_131 : vector<16xi32>
      %add3A_134 = arith.constant 48 : i32
      %add3A_135 = vector.broadcast %add3A_134 : i32 to vector<16xi32>
      %add3A_136 = arith.addi %iota3A, %add3A_135 : vector<16xi32>
      %gather3A_137 = tpu.vector_load_idx %arg5[%min3A_133, %add3A_136] masked %and3A_127 : memref<200x128xf32, #tpu.memory_space<vmem>>[vector<16xi32>, vector<16xi32>], vector<16xf32>, vector<16xi1>
      %select_n3A_138 = arith.select %and3A_127, %gather3A_137, %scan3A_40 : vector<16xi1>, vector<16xf32>
      %broadcast_in_dim3A_139 = arith.constant -1.000000e+10 : f32
      %broadcast_in_dim3A_140 = vector.broadcast %broadcast_in_dim3A_139 : f32 to vector<16xf32>
      tpu.vector_store_idx %arg5[%min3A_133, %add3A_136], %broadcast_in_dim3A_140 masked %and3A_127 : memref<200x128xf32, #tpu.memory_space<vmem>>[vector<16xi32>, vector<16xi32>], vector<16xf32>, vector<16xi1>
      %get3A_141 = arith.constant 64 : index
      %get3A_142 = tpu.vector_load %arg9[%get3A_141] {strides = array<i32>} : memref<128xi32, #tpu.memory_space<vmem>>, vector<16xi32>,
      %sub3A_143 = vector.broadcast %mul3A_54 : i32 to vector<16xi32>
      %sub3A_144 = arith.subi %get3A_142, %sub3A_143 : vector<16xi32>
      %ge3A_145 = arith.constant 0 : i32
      %ge3A_146 = vector.broadcast %ge3A_145 : i32 to vector<16xi32>
      %ge3A_147 = arith.cmpi sge, %sub3A_144, %ge3A_146 : vector<16xi32>
      %lt3A_148 = arith.constant 200 : i32
      %lt3A_149 = vector.broadcast %lt3A_148 : i32 to vector<16xi32>
      %lt3A_150 = arith.cmpi slt, %sub3A_144, %lt3A_149 : vector<16xi32>
      %and3A_151 = arith.andi %ge3A_147, %lt3A_150 : vector<16xi1>
      %jit3A_152 = arith.constant 0 : i32
      %jit3A_153 = arith.constant 199 : i32
      %max3A_154 = vector.broadcast %jit3A_152 : i32 to vector<16xi32>
      %max3A_155 = arith.maxsi %max3A_154, %sub3A_144 : vector<16xi32>
      %min3A_156 = vector.broadcast %jit3A_153 : i32 to vector<16xi32>
      %min3A_157 = arith.minsi %min3A_156, %max3A_155 : vector<16xi32>
      %add3A_158 = arith.constant 64 : i32
      %add3A_159 = vector.broadcast %add3A_158 : i32 to vector<16xi32>
      %add3A_160 = arith.addi %iota3A, %add3A_159 : vector<16xi32>
      %gather3A_161 = tpu.vector_load_idx %arg5[%min3A_157, %add3A_160] masked %and3A_151 : memref<200x128xf32, #tpu.memory_space<vmem>>[vector<16xi32>, vector<16xi32>], vector<16xf32>, vector<16xi1>
      %select_n3A_162 = arith.select %and3A_151, %gather3A_161, %scan3A_41 : vector<16xi1>, vector<16xf32>
      %broadcast_in_dim3A_163 = arith.constant -1.000000e+10 : f32
      %broadcast_in_dim3A_164 = vector.broadcast %broadcast_in_dim3A_163 : f32 to vector<16xf32>
      tpu.vector_store_idx %arg5[%min3A_157, %add3A_160], %broadcast_in_dim3A_164 masked %and3A_151 : memref<200x128xf32, #tpu.memory_space<vmem>>[vector<16xi32>, vector<16xi32>], vector<16xf32>, vector<16xi1>
      %get3A_165 = arith.constant 80 : index
      %get3A_166 = tpu.vector_load %arg9[%get3A_165] {strides = array<i32>} : memref<128xi32, #tpu.memory_space<vmem>>, vector<16xi32>,
      %sub3A_167 = vector.broadcast %mul3A_54 : i32 to vector<16xi32>
      %sub3A_168 = arith.subi %get3A_166, %sub3A_167 : vector<16xi32>
      %ge3A_169 = arith.constant 0 : i32
      %ge3A_170 = vector.broadcast %ge3A_169 : i32 to vector<16xi32>
      %ge3A_171 = arith.cmpi sge, %sub3A_168, %ge3A_170 : vector<16xi32>
      %lt3A_172 = arith.constant 200 : i32
      %lt3A_173 = vector.broadcast %lt3A_172 : i32 to vector<16xi32>
      %lt3A_174 = arith.cmpi slt, %sub3A_168, %lt3A_173 : vector<16xi32>
      %and3A_175 = arith.andi %ge3A_171, %lt3A_174 : vector<16xi1>
      %jit3A_176 = arith.constant 0 : i32
      %jit3A_177 = arith.constant 199 : i32
      %max3A_178 = vector.broadcast %jit3A_176 : i32 to vector<16xi32>
      %max3A_179 = arith.maxsi %max3A_178, %sub3A_168 : vector<16xi32>
      %min3A_180 = vector.broadcast %jit3A_177 : i32 to vector<16xi32>
      %min3A_181 = arith.minsi %min3A_180, %max3A_179 : vector<16xi32>
      %add3A_182 = arith.constant 80 : i32
      %add3A_183 = vector.broadcast %add3A_182 : i32 to vector<16xi32>
      %add3A_184 = arith.addi %iota3A, %add3A_183 : vector<16xi32>
      %gather3A_185 = tpu.vector_load_idx %arg5[%min3A_181, %add3A_184] masked %and3A_175 : memref<200x128xf32, #tpu.memory_space<vmem>>[vector<16xi32>, vector<16xi32>], vector<16xf32>, vector<16xi1>
      %select_n3A_186 = arith.select %and3A_175, %gather3A_185, %scan3A_42 : vector<16xi1>, vector<16xf32>
      %broadcast_in_dim3A_187 = arith.constant -1.000000e+10 : f32
      %broadcast_in_dim3A_188 = vector.broadcast %broadcast_in_dim3A_187 : f32 to vector<16xf32>
      tpu.vector_store_idx %arg5[%min3A_181, %add3A_184], %broadcast_in_dim3A_188 masked %and3A_175 : memref<200x128xf32, #tpu.memory_space<vmem>>[vector<16xi32>, vector<16xi32>], vector<16xf32>, vector<16xi1>
      %get3A_189 = arith.constant 96 : index
      %get3A_190 = tpu.vector_load %arg9[%get3A_189] {strides = array<i32>} : memref<128xi32, #tpu.memory_space<vmem>>, vector<16xi32>,
      %sub3A_191 = vector.broadcast %mul3A_54 : i32 to vector<16xi32>
      %sub3A_192 = arith.subi %get3A_190, %sub3A_191 : vector<16xi32>
      %ge3A_193 = arith.constant 0 : i32
      %ge3A_194 = vector.broadcast %ge3A_193 : i32 to vector<16xi32>
      %ge3A_195 = arith.cmpi sge, %sub3A_192, %ge3A_194 : vector<16xi32>
      %lt3A_196 = arith.constant 200 : i32
      %lt3A_197 = vector.broadcast %lt3A_196 : i32 to vector<16xi32>
      %lt3A_198 = arith.cmpi slt, %sub3A_192, %lt3A_197 : vector<16xi32>
      %and3A_199 = arith.andi %ge3A_195, %lt3A_198 : vector<16xi1>
      %jit3A_200 = arith.constant 0 : i32
      %jit3A_201 = arith.constant 199 : i32
      %max3A_202 = vector.broadcast %jit3A_200 : i32 to vector<16xi32>
      %max3A_203 = arith.maxsi %max3A_202, %sub3A_192 : vector<16xi32>
      %min3A_204 = vector.broadcast %jit3A_201 : i32 to vector<16xi32>
      %min3A_205 = arith.minsi %min3A_204, %max3A_203 : vector<16xi32>
      %add3A_206 = arith.constant 96 : i32
      %add3A_207 = vector.broadcast %add3A_206 : i32 to vector<16xi32>
      %add3A_208 = arith.addi %iota3A, %add3A_207 : vector<16xi32>
      %gather3A_209 = tpu.vector_load_idx %arg5[%min3A_205, %add3A_208] masked %and3A_199 : memref<200x128xf32, #tpu.memory_space<vmem>>[vector<16xi32>, vector<16xi32>], vector<16xf32>, vector<16xi1>
      %select_n3A_210 = arith.select %and3A_199, %gather3A_209, %scan3A_43 : vector<16xi1>, vector<16xf32>
      %broadcast_in_dim3A_211 = arith.constant -1.000000e+10 : f32
      %broadcast_in_dim3A_212 = vector.broadcast %broadcast_in_dim3A_211 : f32 to vector<16xf32>
      tpu.vector_store_idx %arg5[%min3A_205, %add3A_208], %broadcast_in_dim3A_212 masked %and3A_199 : memref<200x128xf32, #tpu.memory_space<vmem>>[vector<16xi32>, vector<16xi32>], vector<16xf32>, vector<16xi1>
      %get3A_213 = arith.constant 112 : index
      %get3A_214 = tpu.vector_load %arg9[%get3A_213] {strides = array<i32>} : memref<128xi32, #tpu.memory_space<vmem>>, vector<16xi32>,
      %sub3A_215 = vector.broadcast %mul3A_54 : i32 to vector<16xi32>
      %sub3A_216 = arith.subi %get3A_214, %sub3A_215 : vector<16xi32>
      %ge3A_217 = arith.constant 0 : i32
      %ge3A_218 = vector.broadcast %ge3A_217 : i32 to vector<16xi32>
      %ge3A_219 = arith.cmpi sge, %sub3A_216, %ge3A_218 : vector<16xi32>
      %lt3A_220 = arith.constant 200 : i32
      %lt3A_221 = vector.broadcast %lt3A_220 : i32 to vector<16xi32>
      %lt3A_222 = arith.cmpi slt, %sub3A_216, %lt3A_221 : vector<16xi32>
      %and3A_223 = arith.andi %ge3A_219, %lt3A_222 : vector<16xi1>
      %jit3A_224 = arith.constant 0 : i32
      %jit3A_225 = arith.constant 199 : i32
      %max3A_226 = vector.broadcast %jit3A_224 : i32 to vector<16xi32>
      %max3A_227 = arith.maxsi %max3A_226, %sub3A_216 : vector<16xi32>
      %min3A_228 = vector.broadcast %jit3A_225 : i32 to vector<16xi32>
      %min3A_229 = arith.minsi %min3A_228, %max3A_227 : vector<16xi32>
      %add3A_230 = arith.constant 112 : i32
      %add3A_231 = vector.broadcast %add3A_230 : i32 to vector<16xi32>
      %add3A_232 = arith.addi %iota3A, %add3A_231 : vector<16xi32>
      %gather3A_233 = tpu.vector_load_idx %arg5[%min3A_229, %add3A_232] masked %and3A_223 : memref<200x128xf32, #tpu.memory_space<vmem>>[vector<16xi32>, vector<16xi32>], vector<16xf32>, vector<16xi1>
      %select_n3A_234 = arith.select %and3A_223, %gather3A_233, %scan3A_44 : vector<16xi1>, vector<16xf32>
      %broadcast_in_dim3A_235 = arith.constant -1.000000e+10 : f32
      %broadcast_in_dim3A_236 = vector.broadcast %broadcast_in_dim3A_235 : f32 to vector<16xf32>
      tpu.vector_store_idx %arg5[%min3A_229, %add3A_232], %broadcast_in_dim3A_236 masked %and3A_223 : memref<200x128xf32, #tpu.memory_space<vmem>>[vector<16xi32>, vector<16xi32>], vector<16xf32>, vector<16xi1>
      %scan3A_237 = arith.constant 0 : i32
      %scan3A_238 = arith.constant 25 : i32
      %scan3A_239 = arith.addi %scan3A_237, %scan3A_238 : i32
      %scan3A_240 = arith.constant 1 : i32
      %scan3A_241:8 = scf.for %scan3A_1438 = %scan3A_237 to %scan3A_239 step %scan3A_240 iter_args(%scan3A_1439 = %scan3A_29, %scan3A_1440 = %scan3A_30, %scan3A_1441 = %scan3A_31, %scan3A_1442 = %scan3A_32, %scan3A_1443 = %scan3A_33, %scan3A_1444 = %scan3A_34, %scan3A_1445 = %scan3A_35, %scan3A_1446 = %scan3A_36) -> (vector<16xf32>, vector<16xf32>, vector<16xf32>, vector<16xf32>, vector<16xf32>, vector<16xf32>, vector<16xf32>, vector<16xf32>)  : i32 {
        %mul3A_1447 = arith.constant 8 : i32
        %mul3A_1448 = arith.muli %scan3A_1438, %mul3A_1447 : i32
        %add3A_1449 = arith.constant 0 : i32
        %add3A_1450 = arith.addi %mul3A_1448, %add3A_1449 : i32
        %get3A_1451 = arith.index_cast %add3A_1450 : i32 to index
        %get3A_1452 = arith.constant 0 : index
        %get3A_1453 = tpu.vector_load %arg5[%get3A_1451, %get3A_1452] {strides = array<i32>} : memref<200x128xf32, #tpu.memory_space<vmem>>, vector<16xf32>,
        %max3A_1454 = arith.maximumf %scan3A_1439, %get3A_1453 : vector<16xf32>
        %get3A_1455 = arith.index_cast %add3A_1450 : i32 to index
        %get3A_1456 = arith.constant 16 : index
        %get3A_1457 = tpu.vector_load %arg5[%get3A_1455, %get3A_1456] {strides = array<i32>} : memref<200x128xf32, #tpu.memory_space<vmem>>, vector<16xf32>,
        %max3A_1458 = arith.maximumf %scan3A_1440, %get3A_1457 : vector<16xf32>
        %get3A_1459 = arith.index_cast %add3A_1450 : i32 to index
        %get3A_1460 = arith.constant 32 : index
        %get3A_1461 = tpu.vector_load %arg5[%get3A_1459, %get3A_1460] {strides = array<i32>} : memref<200x128xf32, #tpu.memory_space<vmem>>, vector<16xf32>,
        %max3A_1462 = arith.maximumf %scan3A_1441, %get3A_1461 : vector<16xf32>
        %get3A_1463 = arith.index_cast %add3A_1450 : i32 to index
        %get3A_1464 = arith.constant 48 : index
        %get3A_1465 = tpu.vector_load %arg5[%get3A_1463, %get3A_1464] {strides = array<i32>} : memref<200x128xf32, #tpu.memory_space<vmem>>, vector<16xf32>,
        %max3A_1466 = arith.maximumf %scan3A_1442, %get3A_1465 : vector<16xf32>
        %get3A_1467 = arith.index_cast %add3A_1450 : i32 to index
        %get3A_1468 = arith.constant 64 : index
        %get3A_1469 = tpu.vector_load %arg5[%get3A_1467, %get3A_1468] {strides = array<i32>} : memref<200x128xf32, #tpu.memory_space<vmem>>, vector<16xf32>,
        %max3A_1470 = arith.maximumf %scan3A_1443, %get3A_1469 : vector<16xf32>
        %get3A_1471 = arith.index_cast %add3A_1450 : i32 to index
        %get3A_1472 = arith.constant 80 : index
        %get3A_1473 = tpu.vector_load %arg5[%get3A_1471, %get3A_1472] {strides = array<i32>} : memref<200x128xf32, #tpu.memory_space<vmem>>, vector<16xf32>,
        %max3A_1474 = arith.maximumf %scan3A_1444, %get3A_1473 : vector<16xf32>
        %get3A_1475 = arith.index_cast %add3A_1450 : i32 to index
        %get3A_1476 = arith.constant 96 : index
        %get3A_1477 = tpu.vector_load %arg5[%get3A_1475, %get3A_1476] {strides = array<i32>} : memref<200x128xf32, #tpu.memory_space<vmem>>, vector<16xf32>,
        %max3A_1478 = arith.maximumf %scan3A_1445, %get3A_1477 : vector<16xf32>
        %get3A_1479 = arith.index_cast %add3A_1450 : i32 to index
        %get3A_1480 = arith.constant 112 : index
        %get3A_1481 = tpu.vector_load %arg5[%get3A_1479, %get3A_1480] {strides = array<i32>} : memref<200x128xf32, #tpu.memory_space<vmem>>, vector<16xf32>,
        %max3A_1482 = arith.maximumf %scan3A_1446, %get3A_1481 : vector<16xf32>
        %mul3A_1483 = arith.constant 8 : i32
        %mul3A_1484 = arith.muli %scan3A_1438, %mul3A_1483 : i32
        %add3A_1485 = arith.constant 1 : i32
        %add3A_1486 = arith.addi %mul3A_1484, %add3A_1485 : i32
        %get3A_1487 = arith.index_cast %add3A_1486 : i32 to index
        %get3A_1488 = arith.constant 0 : index
        %get3A_1489 = tpu.vector_load %arg5[%get3A_1487, %get3A_1488] {strides = array<i32>} : memref<200x128xf32, #tpu.memory_space<vmem>>, vector<16xf32>,
        %max3A_1490 = arith.maximumf %max3A_1454, %get3A_1489 : vector<16xf32>
        %get3A_1491 = arith.index_cast %add3A_1486 : i32 to index
        %get3A_1492 = arith.constant 16 : index
        %get3A_1493 = tpu.vector_load %arg5[%get3A_1491, %get3A_1492] {strides = array<i32>} : memref<200x128xf32, #tpu.memory_space<vmem>>, vector<16xf32>,
        %max3A_1494 = arith.maximumf %max3A_1458, %get3A_1493 : vector<16xf32>
        %get3A_1495 = arith.index_cast %add3A_1486 : i32 to index
        %get3A_1496 = arith.constant 32 : index
        %get3A_1497 = tpu.vector_load %arg5[%get3A_1495, %get3A_1496] {strides = array<i32>} : memref<200x128xf32, #tpu.memory_space<vmem>>, vector<16xf32>,
        %max3A_1498 = arith.maximumf %max3A_1462, %get3A_1497 : vector<16xf32>
        %get3A_1499 = arith.index_cast %add3A_1486 : i32 to index
        %get3A_1500 = arith.constant 48 : index
        %get3A_1501 = tpu.vector_load %arg5[%get3A_1499, %get3A_1500] {strides = array<i32>} : memref<200x128xf32, #tpu.memory_space<vmem>>, vector<16xf32>,
        %max3A_1502 = arith.maximumf %max3A_1466, %get3A_1501 : vector<16xf32>
        %get3A_1503 = arith.index_cast %add3A_1486 : i32 to index
        %get3A_1504 = arith.constant 64 : index
        %get3A_1505 = tpu.vector_load %arg5[%get3A_1503, %get3A_1504] {strides = array<i32>} : memref<200x128xf32, #tpu.memory_space<vmem>>, vector<16xf32>,
        %max3A_1506 = arith.maximumf %max3A_1470, %get3A_1505 : vector<16xf32>
        %get3A_1507 = arith.index_cast %add3A_1486 : i32 to index
        %get3A_1508 = arith.constant 80 : index
        %get3A_1509 = tpu.vector_load %arg5[%get3A_1507, %get3A_1508] {strides = array<i32>} : memref<200x128xf32, #tpu.memory_space<vmem>>, vector<16xf32>,
        %max3A_1510 = arith.maximumf %max3A_1474, %get3A_1509 : vector<16xf32>
        %get3A_1511 = arith.index_cast %add3A_1486 : i32 to index
        %get3A_1512 = arith.constant 96 : index
        %get3A_1513 = tpu.vector_load %arg5[%get3A_1511, %get3A_1512] {strides = array<i32>} : memref<200x128xf32, #tpu.memory_space<vmem>>, vector<16xf32>,
        %max3A_1514 = arith.maximumf %max3A_1478, %get3A_1513 : vector<16xf32>
        %get3A_1515 = arith.index_cast %add3A_1486 : i32 to index
        %get3A_1516 = arith.constant 112 : index
        %get3A_1517 = tpu.vector_load %arg5[%get3A_1515, %get3A_1516] {strides = array<i32>} : memref<200x128xf32, #tpu.memory_space<vmem>>, vector<16xf32>,
        %max3A_1518 = arith.maximumf %max3A_1482, %get3A_1517 : vector<16xf32>
        %mul3A_1519 = arith.constant 8 : i32
        %mul3A_1520 = arith.muli %scan3A_1438, %mul3A_1519 : i32
        %add3A_1521 = arith.constant 2 : i32
        %add3A_1522 = arith.addi %mul3A_1520, %add3A_1521 : i32
        %get3A_1523 = arith.index_cast %add3A_1522 : i32 to index
        %get3A_1524 = arith.constant 0 : index
        %get3A_1525 = tpu.vector_load %arg5[%get3A_1523, %get3A_1524] {strides = array<i32>} : memref<200x128xf32, #tpu.memory_space<vmem>>, vector<16xf32>,
        %max3A_1526 = arith.maximumf %max3A_1490, %get3A_1525 : vector<16xf32>
        %get3A_1527 = arith.index_cast %add3A_1522 : i32 to index
        %get3A_1528 = arith.constant 16 : index
        %get3A_1529 = tpu.vector_load %arg5[%get3A_1527, %get3A_1528] {strides = array<i32>} : memref<200x128xf32, #tpu.memory_space<vmem>>, vector<16xf32>,
        %max3A_1530 = arith.maximumf %max3A_1494, %get3A_1529 : vector<16xf32>
        %get3A_1531 = arith.index_cast %add3A_1522 : i32 to index
        %get3A_1532 = arith.constant 32 : index
        %get3A_1533 = tpu.vector_load %arg5[%get3A_1531, %get3A_1532] {strides = array<i32>} : memref<200x128xf32, #tpu.memory_space<vmem>>, vector<16xf32>,
        %max3A_1534 = arith.maximumf %max3A_1498, %get3A_1533 : vector<16xf32>
        %get3A_1535 = arith.index_cast %add3A_1522 : i32 to index
        %get3A_1536 = arith.constant 48 : index
        %get3A_1537 = tpu.vector_load %arg5[%get3A_1535, %get3A_1536] {strides = array<i32>} : memref<200x128xf32, #tpu.memory_space<vmem>>, vector<16xf32>,
        %max3A_1538 = arith.maximumf %max3A_1502, %get3A_1537 : vector<16xf32>
        %get3A_1539 = arith.index_cast %add3A_1522 : i32 to index
        %get3A_1540 = arith.constant 64 : index
        %get3A_1541 = tpu.vector_load %arg5[%get3A_1539, %get3A_1540] {strides = array<i32>} : memref<200x128xf32, #tpu.memory_space<vmem>>, vector<16xf32>,
        %max3A_1542 = arith.maximumf %max3A_1506, %get3A_1541 : vector<16xf32>
        %get3A_1543 = arith.index_cast %add3A_1522 : i32 to index
        %get3A_1544 = arith.constant 80 : index
        %get3A_1545 = tpu.vector_load %arg5[%get3A_1543, %get3A_1544] {strides = array<i32>} : memref<200x128xf32, #tpu.memory_space<vmem>>, vector<16xf32>,
        %max3A_1546 = arith.maximumf %max3A_1510, %get3A_1545 : vector<16xf32>
        %get3A_1547 = arith.index_cast %add3A_1522 : i32 to index
        %get3A_1548 = arith.constant 96 : index
        %get3A_1549 = tpu.vector_load %arg5[%get3A_1547, %get3A_1548] {strides = array<i32>} : memref<200x128xf32, #tpu.memory_space<vmem>>, vector<16xf32>,
        %max3A_1550 = arith.maximumf %max3A_1514, %get3A_1549 : vector<16xf32>
        %get3A_1551 = arith.index_cast %add3A_1522 : i32 to index
        %get3A_1552 = arith.constant 112 : index
        %get3A_1553 = tpu.vector_load %arg5[%get3A_1551, %get3A_1552] {strides = array<i32>} : memref<200x128xf32, #tpu.memory_space<vmem>>, vector<16xf32>,
        %max3A_1554 = arith.maximumf %max3A_1518, %get3A_1553 : vector<16xf32>
        %mul3A_1555 = arith.constant 8 : i32
        %mul3A_1556 = arith.muli %scan3A_1438, %mul3A_1555 : i32
        %add3A_1557 = arith.constant 3 : i32
        %add3A_1558 = arith.addi %mul3A_1556, %add3A_1557 : i32
        %get3A_1559 = arith.index_cast %add3A_1558 : i32 to index
        %get3A_1560 = arith.constant 0 : index
        %get3A_1561 = tpu.vector_load %arg5[%get3A_1559, %get3A_1560] {strides = array<i32>} : memref<200x128xf32, #tpu.memory_space<vmem>>, vector<16xf32>,
        %max3A_1562 = arith.maximumf %max3A_1526, %get3A_1561 : vector<16xf32>
        %get3A_1563 = arith.index_cast %add3A_1558 : i32 to index
        %get3A_1564 = arith.constant 16 : index
        %get3A_1565 = tpu.vector_load %arg5[%get3A_1563, %get3A_1564] {strides = array<i32>} : memref<200x128xf32, #tpu.memory_space<vmem>>, vector<16xf32>,
        %max3A_1566 = arith.maximumf %max3A_1530, %get3A_1565 : vector<16xf32>
        %get3A_1567 = arith.index_cast %add3A_1558 : i32 to index
        %get3A_1568 = arith.constant 32 : index
        %get3A_1569 = tpu.vector_load %arg5[%get3A_1567, %get3A_1568] {strides = array<i32>} : memref<200x128xf32, #tpu.memory_space<vmem>>, vector<16xf32>,
        %max3A_1570 = arith.maximumf %max3A_1534, %get3A_1569 : vector<16xf32>
        %get3A_1571 = arith.index_cast %add3A_1558 : i32 to index
        %get3A_1572 = arith.constant 48 : index
        %get3A_1573 = tpu.vector_load %arg5[%get3A_1571, %get3A_1572] {strides = array<i32>} : memref<200x128xf32, #tpu.memory_space<vmem>>, vector<16xf32>,
        %max3A_1574 = arith.maximumf %max3A_1538, %get3A_1573 : vector<16xf32>
        %get3A_1575 = arith.index_cast %add3A_1558 : i32 to index
        %get3A_1576 = arith.constant 64 : index
        %get3A_1577 = tpu.vector_load %arg5[%get3A_1575, %get3A_1576] {strides = array<i32>} : memref<200x128xf32, #tpu.memory_space<vmem>>, vector<16xf32>,
        %max3A_1578 = arith.maximumf %max3A_1542, %get3A_1577 : vector<16xf32>
        %get3A_1579 = arith.index_cast %add3A_1558 : i32 to index
        %get3A_1580 = arith.constant 80 : index
        %get3A_1581 = tpu.vector_load %arg5[%get3A_1579, %get3A_1580] {strides = array<i32>} : memref<200x128xf32, #tpu.memory_space<vmem>>, vector<16xf32>,
        %max3A_1582 = arith.maximumf %max3A_1546, %get3A_1581 : vector<16xf32>
        %get3A_1583 = arith.index_cast %add3A_1558 : i32 to index
        %get3A_1584 = arith.constant 96 : index
        %get3A_1585 = tpu.vector_load %arg5[%get3A_1583, %get3A_1584] {strides = array<i32>} : memref<200x128xf32, #tpu.memory_space<vmem>>, vector<16xf32>,
        %max3A_1586 = arith.maximumf %max3A_1550, %get3A_1585 : vector<16xf32>
        %get3A_1587 = arith.index_cast %add3A_1558 : i32 to index
        %get3A_1588 = arith.constant 112 : index
        %get3A_1589 = tpu.vector_load %arg5[%get3A_1587, %get3A_1588] {strides = array<i32>} : memref<200x128xf32, #tpu.memory_space<vmem>>, vector<16xf32>,
        %max3A_1590 = arith.maximumf %max3A_1554, %get3A_1589 : vector<16xf32>
        %mul3A_1591 = arith.constant 8 : i32
        %mul3A_1592 = arith.muli %scan3A_1438, %mul3A_1591 : i32
        %add3A_1593 = arith.constant 4 : i32
        %add3A_1594 = arith.addi %mul3A_1592, %add3A_1593 : i32
        %get3A_1595 = arith.index_cast %add3A_1594 : i32 to index
        %get3A_1596 = arith.constant 0 : index
        %get3A_1597 = tpu.vector_load %arg5[%get3A_1595, %get3A_1596] {strides = array<i32>} : memref<200x128xf32, #tpu.memory_space<vmem>>, vector<16xf32>,
        %max3A_1598 = arith.maximumf %max3A_1562, %get3A_1597 : vector<16xf32>
        %get3A_1599 = arith.index_cast %add3A_1594 : i32 to index
        %get3A_1600 = arith.constant 16 : index
        %get3A_1601 = tpu.vector_load %arg5[%get3A_1599, %get3A_1600] {strides = array<i32>} : memref<200x128xf32, #tpu.memory_space<vmem>>, vector<16xf32>,
        %max3A_1602 = arith.maximumf %max3A_1566, %get3A_1601 : vector<16xf32>
        %get3A_1603 = arith.index_cast %add3A_1594 : i32 to index
        %get3A_1604 = arith.constant 32 : index
        %get3A_1605 = tpu.vector_load %arg5[%get3A_1603, %get3A_1604] {strides = array<i32>} : memref<200x128xf32, #tpu.memory_space<vmem>>, vector<16xf32>,
        %max3A_1606 = arith.maximumf %max3A_1570, %get3A_1605 : vector<16xf32>
        %get3A_1607 = arith.index_cast %add3A_1594 : i32 to index
        %get3A_1608 = arith.constant 48 : index
        %get3A_1609 = tpu.vector_load %arg5[%get3A_1607, %get3A_1608] {strides = array<i32>} : memref<200x128xf32, #tpu.memory_space<vmem>>, vector<16xf32>,
        %max3A_1610 = arith.maximumf %max3A_1574, %get3A_1609 : vector<16xf32>
        %get3A_1611 = arith.index_cast %add3A_1594 : i32 to index
        %get3A_1612 = arith.constant 64 : index
        %get3A_1613 = tpu.vector_load %arg5[%get3A_1611, %get3A_1612] {strides = array<i32>} : memref<200x128xf32, #tpu.memory_space<vmem>>, vector<16xf32>,
        %max3A_1614 = arith.maximumf %max3A_1578, %get3A_1613 : vector<16xf32>
        %get3A_1615 = arith.index_cast %add3A_1594 : i32 to index
        %get3A_1616 = arith.constant 80 : index
        %get3A_1617 = tpu.vector_load %arg5[%get3A_1615, %get3A_1616] {strides = array<i32>} : memref<200x128xf32, #tpu.memory_space<vmem>>, vector<16xf32>,
        %max3A_1618 = arith.maximumf %max3A_1582, %get3A_1617 : vector<16xf32>
        %get3A_1619 = arith.index_cast %add3A_1594 : i32 to index
        %get3A_1620 = arith.constant 96 : index
        %get3A_1621 = tpu.vector_load %arg5[%get3A_1619, %get3A_1620] {strides = array<i32>} : memref<200x128xf32, #tpu.memory_space<vmem>>, vector<16xf32>,
        %max3A_1622 = arith.maximumf %max3A_1586, %get3A_1621 : vector<16xf32>
        %get3A_1623 = arith.index_cast %add3A_1594 : i32 to index
        %get3A_1624 = arith.constant 112 : index
        %get3A_1625 = tpu.vector_load %arg5[%get3A_1623, %get3A_1624] {strides = array<i32>} : memref<200x128xf32, #tpu.memory_space<vmem>>, vector<16xf32>,
        %max3A_1626 = arith.maximumf %max3A_1590, %get3A_1625 : vector<16xf32>
        %mul3A_1627 = arith.constant 8 : i32
        %mul3A_1628 = arith.muli %scan3A_1438, %mul3A_1627 : i32
        %add3A_1629 = arith.constant 5 : i32
        %add3A_1630 = arith.addi %mul3A_1628, %add3A_1629 : i32
        %get3A_1631 = arith.index_cast %add3A_1630 : i32 to index
        %get3A_1632 = arith.constant 0 : index
        %get3A_1633 = tpu.vector_load %arg5[%get3A_1631, %get3A_1632] {strides = array<i32>} : memref<200x128xf32, #tpu.memory_space<vmem>>, vector<16xf32>,
        %max3A_1634 = arith.maximumf %max3A_1598, %get3A_1633 : vector<16xf32>
        %get3A_1635 = arith.index_cast %add3A_1630 : i32 to index
        %get3A_1636 = arith.constant 16 : index
        %get3A_1637 = tpu.vector_load %arg5[%get3A_1635, %get3A_1636] {strides = array<i32>} : memref<200x128xf32, #tpu.memory_space<vmem>>, vector<16xf32>,
        %max3A_1638 = arith.maximumf %max3A_1602, %get3A_1637 : vector<16xf32>
        %get3A_1639 = arith.index_cast %add3A_1630 : i32 to index
        %get3A_1640 = arith.constant 32 : index
        %get3A_1641 = tpu.vector_load %arg5[%get3A_1639, %get3A_1640] {strides = array<i32>} : memref<200x128xf32, #tpu.memory_space<vmem>>, vector<16xf32>,
        %max3A_1642 = arith.maximumf %max3A_1606, %get3A_1641 : vector<16xf32>
        %get3A_1643 = arith.index_cast %add3A_1630 : i32 to index
        %get3A_1644 = arith.constant 48 : index
        %get3A_1645 = tpu.vector_load %arg5[%get3A_1643, %get3A_1644] {strides = array<i32>} : memref<200x128xf32, #tpu.memory_space<vmem>>, vector<16xf32>,
        %max3A_1646 = arith.maximumf %max3A_1610, %get3A_1645 : vector<16xf32>
        %get3A_1647 = arith.index_cast %add3A_1630 : i32 to index
        %get3A_1648 = arith.constant 64 : index
        %get3A_1649 = tpu.vector_load %arg5[%get3A_1647, %get3A_1648] {strides = array<i32>} : memref<200x128xf32, #tpu.memory_space<vmem>>, vector<16xf32>,
        %max3A_1650 = arith.maximumf %max3A_1614, %get3A_1649 : vector<16xf32>
        %get3A_1651 = arith.index_cast %add3A_1630 : i32 to index
        %get3A_1652 = arith.constant 80 : index
        %get3A_1653 = tpu.vector_load %arg5[%get3A_1651, %get3A_1652] {strides = array<i32>} : memref<200x128xf32, #tpu.memory_space<vmem>>, vector<16xf32>,
        %max3A_1654 = arith.maximumf %max3A_1618, %get3A_1653 : vector<16xf32>
        %get3A_1655 = arith.index_cast %add3A_1630 : i32 to index
        %get3A_1656 = arith.constant 96 : index
        %get3A_1657 = tpu.vector_load %arg5[%get3A_1655, %get3A_1656] {strides = array<i32>} : memref<200x128xf32, #tpu.memory_space<vmem>>, vector<16xf32>,
        %max3A_1658 = arith.maximumf %max3A_1622, %get3A_1657 : vector<16xf32>
        %get3A_1659 = arith.index_cast %add3A_1630 : i32 to index
        %get3A_1660 = arith.constant 112 : index
        %get3A_1661 = tpu.vector_load %arg5[%get3A_1659, %get3A_1660] {strides = array<i32>} : memref<200x128xf32, #tpu.memory_space<vmem>>, vector<16xf32>,
        %max3A_1662 = arith.maximumf %max3A_1626, %get3A_1661 : vector<16xf32>
        %mul3A_1663 = arith.constant 8 : i32
        %mul3A_1664 = arith.muli %scan3A_1438, %mul3A_1663 : i32
        %add3A_1665 = arith.constant 6 : i32
        %add3A_1666 = arith.addi %mul3A_1664, %add3A_1665 : i32
        %get3A_1667 = arith.index_cast %add3A_1666 : i32 to index
        %get3A_1668 = arith.constant 0 : index
        %get3A_1669 = tpu.vector_load %arg5[%get3A_1667, %get3A_1668] {strides = array<i32>} : memref<200x128xf32, #tpu.memory_space<vmem>>, vector<16xf32>,
        %max3A_1670 = arith.maximumf %max3A_1634, %get3A_1669 : vector<16xf32>
        %get3A_1671 = arith.index_cast %add3A_1666 : i32 to index
        %get3A_1672 = arith.constant 16 : index
        %get3A_1673 = tpu.vector_load %arg5[%get3A_1671, %get3A_1672] {strides = array<i32>} : memref<200x128xf32, #tpu.memory_space<vmem>>, vector<16xf32>,
        %max3A_1674 = arith.maximumf %max3A_1638, %get3A_1673 : vector<16xf32>
        %get3A_1675 = arith.index_cast %add3A_1666 : i32 to index
        %get3A_1676 = arith.constant 32 : index
        %get3A_1677 = tpu.vector_load %arg5[%get3A_1675, %get3A_1676] {strides = array<i32>} : memref<200x128xf32, #tpu.memory_space<vmem>>, vector<16xf32>,
        %max3A_1678 = arith.maximumf %max3A_1642, %get3A_1677 : vector<16xf32>
        %get3A_1679 = arith.index_cast %add3A_1666 : i32 to index
        %get3A_1680 = arith.constant 48 : index
        %get3A_1681 = tpu.vector_load %arg5[%get3A_1679, %get3A_1680] {strides = array<i32>} : memref<200x128xf32, #tpu.memory_space<vmem>>, vector<16xf32>,
        %max3A_1682 = arith.maximumf %max3A_1646, %get3A_1681 : vector<16xf32>
        %get3A_1683 = arith.index_cast %add3A_1666 : i32 to index
        %get3A_1684 = arith.constant 64 : index
        %get3A_1685 = tpu.vector_load %arg5[%get3A_1683, %get3A_1684] {strides = array<i32>} : memref<200x128xf32, #tpu.memory_space<vmem>>, vector<16xf32>,
        %max3A_1686 = arith.maximumf %max3A_1650, %get3A_1685 : vector<16xf32>
        %get3A_1687 = arith.index_cast %add3A_1666 : i32 to index
        %get3A_1688 = arith.constant 80 : index
        %get3A_1689 = tpu.vector_load %arg5[%get3A_1687, %get3A_1688] {strides = array<i32>} : memref<200x128xf32, #tpu.memory_space<vmem>>, vector<16xf32>,
        %max3A_1690 = arith.maximumf %max3A_1654, %get3A_1689 : vector<16xf32>
        %get3A_1691 = arith.index_cast %add3A_1666 : i32 to index
        %get3A_1692 = arith.constant 96 : index
        %get3A_1693 = tpu.vector_load %arg5[%get3A_1691, %get3A_1692] {strides = array<i32>} : memref<200x128xf32, #tpu.memory_space<vmem>>, vector<16xf32>,
        %max3A_1694 = arith.maximumf %max3A_1658, %get3A_1693 : vector<16xf32>
        %get3A_1695 = arith.index_cast %add3A_1666 : i32 to index
        %get3A_1696 = arith.constant 112 : index
        %get3A_1697 = tpu.vector_load %arg5[%get3A_1695, %get3A_1696] {strides = array<i32>} : memref<200x128xf32, #tpu.memory_space<vmem>>, vector<16xf32>,
        %max3A_1698 = arith.maximumf %max3A_1662, %get3A_1697 : vector<16xf32>
        %mul3A_1699 = arith.constant 8 : i32
        %mul3A_1700 = arith.muli %scan3A_1438, %mul3A_1699 : i32
        %add3A_1701 = arith.constant 7 : i32
        %add3A_1702 = arith.addi %mul3A_1700, %add3A_1701 : i32
        %get3A_1703 = arith.index_cast %add3A_1702 : i32 to index
        %get3A_1704 = arith.constant 0 : index
        %get3A_1705 = tpu.vector_load %arg5[%get3A_1703, %get3A_1704] {strides = array<i32>} : memref<200x128xf32, #tpu.memory_space<vmem>>, vector<16xf32>,
        %max3A_1706 = arith.maximumf %max3A_1670, %get3A_1705 : vector<16xf32>
        %get3A_1707 = arith.index_cast %add3A_1702 : i32 to index
        %get3A_1708 = arith.constant 16 : index
        %get3A_1709 = tpu.vector_load %arg5[%get3A_1707, %get3A_1708] {strides = array<i32>} : memref<200x128xf32, #tpu.memory_space<vmem>>, vector<16xf32>,
        %max3A_1710 = arith.maximumf %max3A_1674, %get3A_1709 : vector<16xf32>
        %get3A_1711 = arith.index_cast %add3A_1702 : i32 to index
        %get3A_1712 = arith.constant 32 : index
        %get3A_1713 = tpu.vector_load %arg5[%get3A_1711, %get3A_1712] {strides = array<i32>} : memref<200x128xf32, #tpu.memory_space<vmem>>, vector<16xf32>,
        %max3A_1714 = arith.maximumf %max3A_1678, %get3A_1713 : vector<16xf32>
        %get3A_1715 = arith.index_cast %add3A_1702 : i32 to index
        %get3A_1716 = arith.constant 48 : index
        %get3A_1717 = tpu.vector_load %arg5[%get3A_1715, %get3A_1716] {strides = array<i32>} : memref<200x128xf32, #tpu.memory_space<vmem>>, vector<16xf32>,
        %max3A_1718 = arith.maximumf %max3A_1682, %get3A_1717 : vector<16xf32>
        %get3A_1719 = arith.index_cast %add3A_1702 : i32 to index
        %get3A_1720 = arith.constant 64 : index
        %get3A_1721 = tpu.vector_load %arg5[%get3A_1719, %get3A_1720] {strides = array<i32>} : memref<200x128xf32, #tpu.memory_space<vmem>>, vector<16xf32>,
        %max3A_1722 = arith.maximumf %max3A_1686, %get3A_1721 : vector<16xf32>
        %get3A_1723 = arith.index_cast %add3A_1702 : i32 to index
        %get3A_1724 = arith.constant 80 : index
        %get3A_1725 = tpu.vector_load %arg5[%get3A_1723, %get3A_1724] {strides = array<i32>} : memref<200x128xf32, #tpu.memory_space<vmem>>, vector<16xf32>,
        %max3A_1726 = arith.maximumf %max3A_1690, %get3A_1725 : vector<16xf32>
        %get3A_1727 = arith.index_cast %add3A_1702 : i32 to index
        %get3A_1728 = arith.constant 96 : index
        %get3A_1729 = tpu.vector_load %arg5[%get3A_1727, %get3A_1728] {strides = array<i32>} : memref<200x128xf32, #tpu.memory_space<vmem>>, vector<16xf32>,
        %max3A_1730 = arith.maximumf %max3A_1694, %get3A_1729 : vector<16xf32>
        %get3A_1731 = arith.index_cast %add3A_1702 : i32 to index
        %get3A_1732 = arith.constant 112 : index
        %get3A_1733 = tpu.vector_load %arg5[%get3A_1731, %get3A_1732] {strides = array<i32>} : memref<200x128xf32, #tpu.memory_space<vmem>>, vector<16xf32>,
        %max3A_1734 = arith.maximumf %max3A_1698, %get3A_1733 : vector<16xf32>
        scf.yield %max3A_1706, %max3A_1710, %max3A_1714, %max3A_1718, %max3A_1722, %max3A_1726, %max3A_1730, %max3A_1734 : vector<16xf32>, vector<16xf32>, vector<16xf32>, vector<16xf32>, vector<16xf32>, vector<16xf32>, vector<16xf32>, vector<16xf32>
      }
      %scan3A_242 = arith.constant 25 : i32
      %rem3A_243 = arith.constant 5 : i32
      %rem3A_244 = arith.remsi %add3A_48, %rem3A_243 : i32
      %eq3A = arith.constant 4 : i32
      %eq3A_245 = arith.cmpi eq, %rem3A_244, %eq3A : i32
      %broadcast_in_dim3A_246 = vector.broadcast %eq3A_245 : i1 to vector<16xi1>
      %sub3A_247 = arith.constant 2.000000e+00 : f32
      %sub3A_248 = vector.broadcast %sub3A_247 : f32 to vector<16xf32>
      %sub3A_249 = arith.subf %sub3A_248, %select_n3A : vector<16xf32>
      %max3A_250 = arith.constant 0.000000e+00 : f32
      %max3A_251 = vector.broadcast %max3A_250 : f32 to vector<16xf32>
      %max3A_252 = arith.maximumf %sub3A_249, %max3A_251 : vector<16xf32>
      %add3A_253 = arith.addf %broadcast_in_dim3A_5, %max3A_252 : vector<16xf32>
      %add3A_254 = arith.constant 1.000000e+00 : f32
      %add3A_255 = vector.broadcast %add3A_254 : f32 to vector<16xf32>
      %add3A_256 = arith.addf %add3A_255, %scan3A_241#0 : vector<16xf32>
      %max3A_257 = arith.constant 0.000000e+00 : f32
      %max3A_258 = vector.broadcast %max3A_257 : f32 to vector<16xf32>
      %max3A_259 = arith.maximumf %add3A_256, %max3A_258 : vector<16xf32>
      %add3A_260 = arith.addf %add3A_253, %max3A_259 : vector<16xf32>
      %sub3A_261 = arith.constant 2.000000e+00 : f32
      %sub3A_262 = vector.broadcast %sub3A_261 : f32 to vector<16xf32>
      %sub3A_263 = arith.subf %sub3A_262, %select_n3A_90 : vector<16xf32>
      %max3A_264 = arith.constant 0.000000e+00 : f32
      %max3A_265 = vector.broadcast %max3A_264 : f32 to vector<16xf32>
      %max3A_266 = arith.maximumf %sub3A_263, %max3A_265 : vector<16xf32>
      %add3A_267 = arith.addf %add3A_260, %max3A_266 : vector<16xf32>
      %add3A_268 = arith.constant 1.000000e+00 : f32
      %add3A_269 = vector.broadcast %add3A_268 : f32 to vector<16xf32>
      %add3A_270 = arith.addf %add3A_269, %scan3A_241#1 : vector<16xf32>
      %max3A_271 = arith.constant 0.000000e+00 : f32
      %max3A_272 = vector.broadcast %max3A_271 : f32 to vector<16xf32>
      %max3A_273 = arith.maximumf %add3A_270, %max3A_272 : vector<16xf32>
      %add3A_274 = arith.addf %add3A_267, %max3A_273 : vector<16xf32>
      %sub3A_275 = arith.constant 2.000000e+00 : f32
      %sub3A_276 = vector.broadcast %sub3A_275 : f32 to vector<16xf32>
      %sub3A_277 = arith.subf %sub3A_276, %select_n3A_114 : vector<16xf32>
      %max3A_278 = arith.constant 0.000000e+00 : f32
      %max3A_279 = vector.broadcast %max3A_278 : f32 to vector<16xf32>
      %max3A_280 = arith.maximumf %sub3A_277, %max3A_279 : vector<16xf32>
      %add3A_281 = arith.addf %add3A_274, %max3A_280 : vector<16xf32>
      %add3A_282 = arith.constant 1.000000e+00 : f32
      %add3A_283 = vector.broadcast %add3A_282 : f32 to vector<16xf32>
      %add3A_284 = arith.addf %add3A_283, %scan3A_241#2 : vector<16xf32>
      %max3A_285 = arith.constant 0.000000e+00 : f32
      %max3A_286 = vector.broadcast %max3A_285 : f32 to vector<16xf32>
      %max3A_287 = arith.maximumf %add3A_284, %max3A_286 : vector<16xf32>
      %add3A_288 = arith.addf %add3A_281, %max3A_287 : vector<16xf32>
      %sub3A_289 = arith.constant 2.000000e+00 : f32
      %sub3A_290 = vector.broadcast %sub3A_289 : f32 to vector<16xf32>
      %sub3A_291 = arith.subf %sub3A_290, %select_n3A_138 : vector<16xf32>
      %max3A_292 = arith.constant 0.000000e+00 : f32
      %max3A_293 = vector.broadcast %max3A_292 : f32 to vector<16xf32>
      %max3A_294 = arith.maximumf %sub3A_291, %max3A_293 : vector<16xf32>
      %add3A_295 = arith.addf %add3A_288, %max3A_294 : vector<16xf32>
      %add3A_296 = arith.constant 1.000000e+00 : f32
      %add3A_297 = vector.broadcast %add3A_296 : f32 to vector<16xf32>
      %add3A_298 = arith.addf %add3A_297, %scan3A_241#3 : vector<16xf32>
      %max3A_299 = arith.constant 0.000000e+00 : f32
      %max3A_300 = vector.broadcast %max3A_299 : f32 to vector<16xf32>
      %max3A_301 = arith.maximumf %add3A_298, %max3A_300 : vector<16xf32>
      %add3A_302 = arith.addf %add3A_295, %max3A_301 : vector<16xf32>
      %sub3A_303 = arith.constant 2.000000e+00 : f32
      %sub3A_304 = vector.broadcast %sub3A_303 : f32 to vector<16xf32>
      %sub3A_305 = arith.subf %sub3A_304, %select_n3A_162 : vector<16xf32>
      %max3A_306 = arith.constant 0.000000e+00 : f32
      %max3A_307 = vector.broadcast %max3A_306 : f32 to vector<16xf32>
      %max3A_308 = arith.maximumf %sub3A_305, %max3A_307 : vector<16xf32>
      %add3A_309 = arith.addf %add3A_302, %max3A_308 : vector<16xf32>
      %add3A_310 = arith.constant 1.000000e+00 : f32
      %add3A_311 = vector.broadcast %add3A_310 : f32 to vector<16xf32>
      %add3A_312 = arith.addf %add3A_311, %scan3A_241#4 : vector<16xf32>
      %max3A_313 = arith.constant 0.000000e+00 : f32
      %max3A_314 = vector.broadcast %max3A_313 : f32 to vector<16xf32>
      %max3A_315 = arith.maximumf %add3A_312, %max3A_314 : vector<16xf32>
      %add3A_316 = arith.addf %add3A_309, %max3A_315 : vector<16xf32>
      %sub3A_317 = arith.constant 2.000000e+00 : f32
      %sub3A_318 = vector.broadcast %sub3A_317 : f32 to vector<16xf32>
      %sub3A_319 = arith.subf %sub3A_318, %select_n3A_186 : vector<16xf32>
      %max3A_320 = arith.constant 0.000000e+00 : f32
      %max3A_321 = vector.broadcast %max3A_320 : f32 to vector<16xf32>
      %max3A_322 = arith.maximumf %sub3A_319, %max3A_321 : vector<16xf32>
      %add3A_323 = arith.addf %add3A_316, %max3A_322 : vector<16xf32>
      %add3A_324 = arith.constant 1.000000e+00 : f32
      %add3A_325 = vector.broadcast %add3A_324 : f32 to vector<16xf32>
      %add3A_326 = arith.addf %add3A_325, %scan3A_241#5 : vector<16xf32>
      %max3A_327 = arith.constant 0.000000e+00 : f32
      %max3A_328 = vector.broadcast %max3A_327 : f32 to vector<16xf32>
      %max3A_329 = arith.maximumf %add3A_326, %max3A_328 : vector<16xf32>
      %add3A_330 = arith.addf %add3A_323, %max3A_329 : vector<16xf32>
      %sub3A_331 = arith.constant 2.000000e+00 : f32
      %sub3A_332 = vector.broadcast %sub3A_331 : f32 to vector<16xf32>
      %sub3A_333 = arith.subf %sub3A_332, %select_n3A_210 : vector<16xf32>
      %max3A_334 = arith.constant 0.000000e+00 : f32
      %max3A_335 = vector.broadcast %max3A_334 : f32 to vector<16xf32>
      %max3A_336 = arith.maximumf %sub3A_333, %max3A_335 : vector<16xf32>
      %add3A_337 = arith.addf %add3A_330, %max3A_336 : vector<16xf32>
      %add3A_338 = arith.constant 1.000000e+00 : f32
      %add3A_339 = vector.broadcast %add3A_338 : f32 to vector<16xf32>
      %add3A_340 = arith.addf %add3A_339, %scan3A_241#6 : vector<16xf32>
      %max3A_341 = arith.constant 0.000000e+00 : f32
      %max3A_342 = vector.broadcast %max3A_341 : f32 to vector<16xf32>
      %max3A_343 = arith.maximumf %add3A_340, %max3A_342 : vector<16xf32>
      %add3A_344 = arith.addf %add3A_337, %max3A_343 : vector<16xf32>
      %sub3A_345 = arith.constant 2.000000e+00 : f32
      %sub3A_346 = vector.broadcast %sub3A_345 : f32 to vector<16xf32>
      %sub3A_347 = arith.subf %sub3A_346, %select_n3A_234 : vector<16xf32>
      %max3A_348 = arith.constant 0.000000e+00 : f32
      %max3A_349 = vector.broadcast %max3A_348 : f32 to vector<16xf32>
      %max3A_350 = arith.maximumf %sub3A_347, %max3A_349 : vector<16xf32>
      %add3A_351 = arith.addf %add3A_344, %max3A_350 : vector<16xf32>
      %add3A_352 = arith.constant 1.000000e+00 : f32
      %add3A_353 = vector.broadcast %add3A_352 : f32 to vector<16xf32>
      %add3A_354 = arith.addf %add3A_353, %scan3A_241#7 : vector<16xf32>
      %max3A_355 = arith.constant 0.000000e+00 : f32
      %max3A_356 = vector.broadcast %max3A_355 : f32 to vector<16xf32>
      %max3A_357 = arith.maximumf %add3A_354, %max3A_356 : vector<16xf32>
      %add3A_358 = arith.addf %add3A_351, %max3A_357 : vector<16xf32>
      %add3A_359 = arith.addf %scan3A_28, %add3A_358 : vector<16xf32>
      %select_n3A_360 = arith.select %broadcast_in_dim3A_246, %add3A_359, %scan3A_28 : vector<16xi1>, vector<16xf32>
      %select_n3A_361 = arith.select %broadcast_in_dim3A_246, %broadcast_in_dim3A_3, %scan3A_241#0 : vector<16xi1>, vector<16xf32>
      %select_n3A_362 = arith.select %broadcast_in_dim3A_246, %broadcast_in_dim3A_3, %scan3A_241#1 : vector<16xi1>, vector<16xf32>
      %select_n3A_363 = arith.select %broadcast_in_dim3A_246, %broadcast_in_dim3A_3, %scan3A_241#2 : vector<16xi1>, vector<16xf32>
      %select_n3A_364 = arith.select %broadcast_in_dim3A_246, %broadcast_in_dim3A_3, %scan3A_241#3 : vector<16xi1>, vector<16xf32>
      %select_n3A_365 = arith.select %broadcast_in_dim3A_246, %broadcast_in_dim3A_3, %scan3A_241#4 : vector<16xi1>, vector<16xf32>
      %select_n3A_366 = arith.select %broadcast_in_dim3A_246, %broadcast_in_dim3A_3, %scan3A_241#5 : vector<16xi1>, vector<16xf32>
      %select_n3A_367 = arith.select %broadcast_in_dim3A_246, %broadcast_in_dim3A_3, %scan3A_241#6 : vector<16xi1>, vector<16xf32>
      %select_n3A_368 = arith.select %broadcast_in_dim3A_246, %broadcast_in_dim3A_3, %scan3A_241#7 : vector<16xi1>, vector<16xf32>
      %select_n3A_369 = arith.select %broadcast_in_dim3A_246, %broadcast_in_dim3A_5, %select_n3A : vector<16xi1>, vector<16xf32>
      %select_n3A_370 = arith.select %broadcast_in_dim3A_246, %broadcast_in_dim3A_5, %select_n3A_90 : vector<16xi1>, vector<16xf32>
      %select_n3A_371 = arith.select %broadcast_in_dim3A_246, %broadcast_in_dim3A_5, %select_n3A_114 : vector<16xi1>, vector<16xf32>
      %select_n3A_372 = arith.select %broadcast_in_dim3A_246, %broadcast_in_dim3A_5, %select_n3A_138 : vector<16xi1>, vector<16xf32>
      %select_n3A_373 = arith.select %broadcast_in_dim3A_246, %broadcast_in_dim3A_5, %select_n3A_162 : vector<16xi1>, vector<16xf32>
      %select_n3A_374 = arith.select %broadcast_in_dim3A_246, %broadcast_in_dim3A_5, %select_n3A_186 : vector<16xi1>, vector<16xf32>
      %select_n3A_375 = arith.select %broadcast_in_dim3A_246, %broadcast_in_dim3A_5, %select_n3A_210 : vector<16xi1>, vector<16xf32>
      %select_n3A_376 = arith.select %broadcast_in_dim3A_246, %broadcast_in_dim3A_5, %select_n3A_234 : vector<16xi1>, vector<16xf32>
      %add3A_377 = arith.constant 4 : i32
      %add3A_378 = arith.addi %add3A_48, %add3A_377 : i32
      %lt3A_379 = arith.constant 20 : i32
      %lt3A_380 = arith.cmpi slt, %add3A_378, %lt3A_379 : i32
      %convert_element_type3A = arith.extui %lt3A_380 : i1 to i32
      %cond3A = arith.constant 0 : i32
      %cond3A_381 = arith.cmpi ne, %convert_element_type3A, %cond3A : i32
      scf.if %cond3A_381 {
        %add3A_1438 = arith.constant 4 : i32
        %add3A_1439 = arith.addi %add3A_48, %add3A_1438 : i32
        %mul3A_1440 = arith.constant 200 : i32
        %mul3A_1441 = arith.muli %add3A_1439, %mul3A_1440 : i32
        %dma_start3A_1442 = tpu.memref_slice %arg2[%mul3A_1441, %mul3A_2] : memref<8000x4096xf32, #tpu.memory_space<hbm>> -> memref<200x128xf32, #tpu.memory_space<hbm>>
        %dma_start3A_1443 = tpu.memref_slice %arg2[%mul3A_1441, %mul3A_2] : memref<8000x4096xf32, #tpu.memory_space<hbm>> -> memref<200x128xf32, #tpu.memory_space<hbm>>
        tpu.enqueue_dma source(%dma_start3A_1443 : memref<200x128xf32, #tpu.memory_space<hbm>>) target(%arg5 : memref<200x128xf32, #tpu.memory_space<vmem>>) target_semaphore(%arg11 : memref<!tpu.dma_semaphore, #tpu.memory_space<semaphore_mem>>)
      } else {
      }
      %mul3A_382 = arith.constant 4 : i32
      %mul3A_383 = arith.muli %scan3A_27, %mul3A_382 : i32
      %add3A_384 = arith.constant 1 : i32
      %add3A_385 = arith.addi %mul3A_383, %add3A_384 : i32
      %mul3A_386 = arith.constant 200 : i32
      %mul3A_387 = arith.muli %add3A_385, %mul3A_386 : i32
      %dma_wait3A_388 = tpu.memref_slice %arg2[%mul3A_387, %mul3A_2] : memref<8000x4096xf32, #tpu.memory_space<hbm>> -> memref<200x128xf32, #tpu.memory_space<hbm>>
      %dma_wait3A_389 = tpu.memref_slice %arg2[%mul3A_387, %mul3A_2] : memref<8000x4096xf32, #tpu.memory_space<hbm>> -> memref<200x128xf32, #tpu.memory_space<hbm>>
      tpu.wait_dma2 semaphore(%arg12 : memref<!tpu.dma_semaphore, #tpu.memory_space<semaphore_mem>>) src(%dma_wait3A_389 : memref<200x128xf32, #tpu.memory_space<hbm>>) dst(%arg6 : memref<200x128xf32, #tpu.memory_space<vmem>>)
      %rem3A_390 = arith.constant 5 : i32
      %rem3A_391 = arith.remsi %add3A_385, %rem3A_390 : i32
      %mul3A_392 = arith.constant 200 : i32
      %mul3A_393 = arith.muli %rem3A_391, %mul3A_392 : i32
      %get3A_394 = arith.constant 0 : index
      %get3A_395 = tpu.vector_load %arg9[%get3A_394] {strides = array<i32>} : memref<128xi32, #tpu.memory_space<vmem>>, vector<16xi32>,
      %sub3A_396 = vector.broadcast %mul3A_393 : i32 to vector<16xi32>
      %sub3A_397 = arith.subi %get3A_395, %sub3A_396 : vector<16xi32>
      %ge3A_398 = arith.constant 0 : i32
      %ge3A_399 = vector.broadcast %ge3A_398 : i32 to vector<16xi32>
      %ge3A_400 = arith.cmpi sge, %sub3A_397, %ge3A_399 : vector<16xi32>
      %lt3A_401 = arith.constant 200 : i32
      %lt3A_402 = vector.broadcast %lt3A_401 : i32 to vector<16xi32>
      %lt3A_403 = arith.cmpi slt, %sub3A_397, %lt3A_402 : vector<16xi32>
      %and3A_404 = arith.andi %ge3A_400, %lt3A_403 : vector<16xi1>
      %jit3A_405 = arith.constant 0 : i32
      %jit3A_406 = arith.constant 199 : i32
      %max3A_407 = vector.broadcast %jit3A_405 : i32 to vector<16xi32>
      %max3A_408 = arith.maxsi %max3A_407, %sub3A_397 : vector<16xi32>
      %min3A_409 = vector.broadcast %jit3A_406 : i32 to vector<16xi32>
      %min3A_410 = arith.minsi %min3A_409, %max3A_408 : vector<16xi32>
      %add3A_411 = arith.constant 0 : i32
      %add3A_412 = vector.broadcast %add3A_411 : i32 to vector<16xi32>
      %add3A_413 = arith.addi %iota3A, %add3A_412 : vector<16xi32>
      %gather3A_414 = tpu.vector_load_idx %arg6[%min3A_410, %add3A_413] masked %and3A_404 : memref<200x128xf32, #tpu.memory_space<vmem>>[vector<16xi32>, vector<16xi32>], vector<16xf32>, vector<16xi1>
      %select_n3A_415 = arith.select %and3A_404, %gather3A_414, %select_n3A_369 : vector<16xi1>, vector<16xf32>
      %broadcast_in_dim3A_416 = arith.constant -1.000000e+10 : f32
      %broadcast_in_dim3A_417 = vector.broadcast %broadcast_in_dim3A_416 : f32 to vector<16xf32>
      tpu.vector_store_idx %arg6[%min3A_410, %add3A_413], %broadcast_in_dim3A_417 masked %and3A_404 : memref<200x128xf32, #tpu.memory_space<vmem>>[vector<16xi32>, vector<16xi32>], vector<16xf32>, vector<16xi1>
      %get3A_418 = arith.constant 16 : index
      %get3A_419 = tpu.vector_load %arg9[%get3A_418] {strides = array<i32>} : memref<128xi32, #tpu.memory_space<vmem>>, vector<16xi32>,
      %sub3A_420 = vector.broadcast %mul3A_393 : i32 to vector<16xi32>
      %sub3A_421 = arith.subi %get3A_419, %sub3A_420 : vector<16xi32>
      %ge3A_422 = arith.constant 0 : i32
      %ge3A_423 = vector.broadcast %ge3A_422 : i32 to vector<16xi32>
      %ge3A_424 = arith.cmpi sge, %sub3A_421, %ge3A_423 : vector<16xi32>
      %lt3A_425 = arith.constant 200 : i32
      %lt3A_426 = vector.broadcast %lt3A_425 : i32 to vector<16xi32>
      %lt3A_427 = arith.cmpi slt, %sub3A_421, %lt3A_426 : vector<16xi32>
      %and3A_428 = arith.andi %ge3A_424, %lt3A_427 : vector<16xi1>
      %jit3A_429 = arith.constant 0 : i32
      %jit3A_430 = arith.constant 199 : i32
      %max3A_431 = vector.broadcast %jit3A_429 : i32 to vector<16xi32>
      %max3A_432 = arith.maxsi %max3A_431, %sub3A_421 : vector<16xi32>
      %min3A_433 = vector.broadcast %jit3A_430 : i32 to vector<16xi32>
      %min3A_434 = arith.minsi %min3A_433, %max3A_432 : vector<16xi32>
      %add3A_435 = arith.constant 16 : i32
      %add3A_436 = vector.broadcast %add3A_435 : i32 to vector<16xi32>
      %add3A_437 = arith.addi %iota3A, %add3A_436 : vector<16xi32>
      %gather3A_438 = tpu.vector_load_idx %arg6[%min3A_434, %add3A_437] masked %and3A_428 : memref<200x128xf32, #tpu.memory_space<vmem>>[vector<16xi32>, vector<16xi32>], vector<16xf32>, vector<16xi1>
      %select_n3A_439 = arith.select %and3A_428, %gather3A_438, %select_n3A_370 : vector<16xi1>, vector<16xf32>
      %broadcast_in_dim3A_440 = arith.constant -1.000000e+10 : f32
      %broadcast_in_dim3A_441 = vector.broadcast %broadcast_in_dim3A_440 : f32 to vector<16xf32>
      tpu.vector_store_idx %arg6[%min3A_434, %add3A_437], %broadcast_in_dim3A_441 masked %and3A_428 : memref<200x128xf32, #tpu.memory_space<vmem>>[vector<16xi32>, vector<16xi32>], vector<16xf32>, vector<16xi1>
      %get3A_442 = arith.constant 32 : index
      %get3A_443 = tpu.vector_load %arg9[%get3A_442] {strides = array<i32>} : memref<128xi32, #tpu.memory_space<vmem>>, vector<16xi32>,
      %sub3A_444 = vector.broadcast %mul3A_393 : i32 to vector<16xi32>
      %sub3A_445 = arith.subi %get3A_443, %sub3A_444 : vector<16xi32>
      %ge3A_446 = arith.constant 0 : i32
      %ge3A_447 = vector.broadcast %ge3A_446 : i32 to vector<16xi32>
      %ge3A_448 = arith.cmpi sge, %sub3A_445, %ge3A_447 : vector<16xi32>
      %lt3A_449 = arith.constant 200 : i32
      %lt3A_450 = vector.broadcast %lt3A_449 : i32 to vector<16xi32>
      %lt3A_451 = arith.cmpi slt, %sub3A_445, %lt3A_450 : vector<16xi32>
      %and3A_452 = arith.andi %ge3A_448, %lt3A_451 : vector<16xi1>
      %jit3A_453 = arith.constant 0 : i32
      %jit3A_454 = arith.constant 199 : i32
      %max3A_455 = vector.broadcast %jit3A_453 : i32 to vector<16xi32>
      %max3A_456 = arith.maxsi %max3A_455, %sub3A_445 : vector<16xi32>
      %min3A_457 = vector.broadcast %jit3A_454 : i32 to vector<16xi32>
      %min3A_458 = arith.minsi %min3A_457, %max3A_456 : vector<16xi32>
      %add3A_459 = arith.constant 32 : i32
      %add3A_460 = vector.broadcast %add3A_459 : i32 to vector<16xi32>
      %add3A_461 = arith.addi %iota3A, %add3A_460 : vector<16xi32>
      %gather3A_462 = tpu.vector_load_idx %arg6[%min3A_458, %add3A_461] masked %and3A_452 : memref<200x128xf32, #tpu.memory_space<vmem>>[vector<16xi32>, vector<16xi32>], vector<16xf32>, vector<16xi1>
      %select_n3A_463 = arith.select %and3A_452, %gather3A_462, %select_n3A_371 : vector<16xi1>, vector<16xf32>
      %broadcast_in_dim3A_464 = arith.constant -1.000000e+10 : f32
      %broadcast_in_dim3A_465 = vector.broadcast %broadcast_in_dim3A_464 : f32 to vector<16xf32>
      tpu.vector_store_idx %arg6[%min3A_458, %add3A_461], %broadcast_in_dim3A_465 masked %and3A_452 : memref<200x128xf32, #tpu.memory_space<vmem>>[vector<16xi32>, vector<16xi32>], vector<16xf32>, vector<16xi1>
      %get3A_466 = arith.constant 48 : index
      %get3A_467 = tpu.vector_load %arg9[%get3A_466] {strides = array<i32>} : memref<128xi32, #tpu.memory_space<vmem>>, vector<16xi32>,
      %sub3A_468 = vector.broadcast %mul3A_393 : i32 to vector<16xi32>
      %sub3A_469 = arith.subi %get3A_467, %sub3A_468 : vector<16xi32>
      %ge3A_470 = arith.constant 0 : i32
      %ge3A_471 = vector.broadcast %ge3A_470 : i32 to vector<16xi32>
      %ge3A_472 = arith.cmpi sge, %sub3A_469, %ge3A_471 : vector<16xi32>
      %lt3A_473 = arith.constant 200 : i32
      %lt3A_474 = vector.broadcast %lt3A_473 : i32 to vector<16xi32>
      %lt3A_475 = arith.cmpi slt, %sub3A_469, %lt3A_474 : vector<16xi32>
      %and3A_476 = arith.andi %ge3A_472, %lt3A_475 : vector<16xi1>
      %jit3A_477 = arith.constant 0 : i32
      %jit3A_478 = arith.constant 199 : i32
      %max3A_479 = vector.broadcast %jit3A_477 : i32 to vector<16xi32>
      %max3A_480 = arith.maxsi %max3A_479, %sub3A_469 : vector<16xi32>
      %min3A_481 = vector.broadcast %jit3A_478 : i32 to vector<16xi32>
      %min3A_482 = arith.minsi %min3A_481, %max3A_480 : vector<16xi32>
      %add3A_483 = arith.constant 48 : i32
      %add3A_484 = vector.broadcast %add3A_483 : i32 to vector<16xi32>
      %add3A_485 = arith.addi %iota3A, %add3A_484 : vector<16xi32>
      %gather3A_486 = tpu.vector_load_idx %arg6[%min3A_482, %add3A_485] masked %and3A_476 : memref<200x128xf32, #tpu.memory_space<vmem>>[vector<16xi32>, vector<16xi32>], vector<16xf32>, vector<16xi1>
      %select_n3A_487 = arith.select %and3A_476, %gather3A_486, %select_n3A_372 : vector<16xi1>, vector<16xf32>
      %broadcast_in_dim3A_488 = arith.constant -1.000000e+10 : f32
      %broadcast_in_dim3A_489 = vector.broadcast %broadcast_in_dim3A_488 : f32 to vector<16xf32>
      tpu.vector_store_idx %arg6[%min3A_482, %add3A_485], %broadcast_in_dim3A_489 masked %and3A_476 : memref<200x128xf32, #tpu.memory_space<vmem>>[vector<16xi32>, vector<16xi32>], vector<16xf32>, vector<16xi1>
      %get3A_490 = arith.constant 64 : index
      %get3A_491 = tpu.vector_load %arg9[%get3A_490] {strides = array<i32>} : memref<128xi32, #tpu.memory_space<vmem>>, vector<16xi32>,
      %sub3A_492 = vector.broadcast %mul3A_393 : i32 to vector<16xi32>
      %sub3A_493 = arith.subi %get3A_491, %sub3A_492 : vector<16xi32>
      %ge3A_494 = arith.constant 0 : i32
      %ge3A_495 = vector.broadcast %ge3A_494 : i32 to vector<16xi32>
      %ge3A_496 = arith.cmpi sge, %sub3A_493, %ge3A_495 : vector<16xi32>
      %lt3A_497 = arith.constant 200 : i32
      %lt3A_498 = vector.broadcast %lt3A_497 : i32 to vector<16xi32>
      %lt3A_499 = arith.cmpi slt, %sub3A_493, %lt3A_498 : vector<16xi32>
      %and3A_500 = arith.andi %ge3A_496, %lt3A_499 : vector<16xi1>
      %jit3A_501 = arith.constant 0 : i32
      %jit3A_502 = arith.constant 199 : i32
      %max3A_503 = vector.broadcast %jit3A_501 : i32 to vector<16xi32>
      %max3A_504 = arith.maxsi %max3A_503, %sub3A_493 : vector<16xi32>
      %min3A_505 = vector.broadcast %jit3A_502 : i32 to vector<16xi32>
      %min3A_506 = arith.minsi %min3A_505, %max3A_504 : vector<16xi32>
      %add3A_507 = arith.constant 64 : i32
      %add3A_508 = vector.broadcast %add3A_507 : i32 to vector<16xi32>
      %add3A_509 = arith.addi %iota3A, %add3A_508 : vector<16xi32>
      %gather3A_510 = tpu.vector_load_idx %arg6[%min3A_506, %add3A_509] masked %and3A_500 : memref<200x128xf32, #tpu.memory_space<vmem>>[vector<16xi32>, vector<16xi32>], vector<16xf32>, vector<16xi1>
      %select_n3A_511 = arith.select %and3A_500, %gather3A_510, %select_n3A_373 : vector<16xi1>, vector<16xf32>
      %broadcast_in_dim3A_512 = arith.constant -1.000000e+10 : f32
      %broadcast_in_dim3A_513 = vector.broadcast %broadcast_in_dim3A_512 : f32 to vector<16xf32>
      tpu.vector_store_idx %arg6[%min3A_506, %add3A_509], %broadcast_in_dim3A_513 masked %and3A_500 : memref<200x128xf32, #tpu.memory_space<vmem>>[vector<16xi32>, vector<16xi32>], vector<16xf32>, vector<16xi1>
      %get3A_514 = arith.constant 80 : index
      %get3A_515 = tpu.vector_load %arg9[%get3A_514] {strides = array<i32>} : memref<128xi32, #tpu.memory_space<vmem>>, vector<16xi32>,
      %sub3A_516 = vector.broadcast %mul3A_393 : i32 to vector<16xi32>
      %sub3A_517 = arith.subi %get3A_515, %sub3A_516 : vector<16xi32>
      %ge3A_518 = arith.constant 0 : i32
      %ge3A_519 = vector.broadcast %ge3A_518 : i32 to vector<16xi32>
      %ge3A_520 = arith.cmpi sge, %sub3A_517, %ge3A_519 : vector<16xi32>
      %lt3A_521 = arith.constant 200 : i32
      %lt3A_522 = vector.broadcast %lt3A_521 : i32 to vector<16xi32>
      %lt3A_523 = arith.cmpi slt, %sub3A_517, %lt3A_522 : vector<16xi32>
      %and3A_524 = arith.andi %ge3A_520, %lt3A_523 : vector<16xi1>
      %jit3A_525 = arith.constant 0 : i32
      %jit3A_526 = arith.constant 199 : i32
      %max3A_527 = vector.broadcast %jit3A_525 : i32 to vector<16xi32>
      %max3A_528 = arith.maxsi %max3A_527, %sub3A_517 : vector<16xi32>
      %min3A_529 = vector.broadcast %jit3A_526 : i32 to vector<16xi32>
      %min3A_530 = arith.minsi %min3A_529, %max3A_528 : vector<16xi32>
      %add3A_531 = arith.constant 80 : i32
      %add3A_532 = vector.broadcast %add3A_531 : i32 to vector<16xi32>
      %add3A_533 = arith.addi %iota3A, %add3A_532 : vector<16xi32>
      %gather3A_534 = tpu.vector_load_idx %arg6[%min3A_530, %add3A_533] masked %and3A_524 : memref<200x128xf32, #tpu.memory_space<vmem>>[vector<16xi32>, vector<16xi32>], vector<16xf32>, vector<16xi1>
      %select_n3A_535 = arith.select %and3A_524, %gather3A_534, %select_n3A_374 : vector<16xi1>, vector<16xf32>
      %broadcast_in_dim3A_536 = arith.constant -1.000000e+10 : f32
      %broadcast_in_dim3A_537 = vector.broadcast %broadcast_in_dim3A_536 : f32 to vector<16xf32>
      tpu.vector_store_idx %arg6[%min3A_530, %add3A_533], %broadcast_in_dim3A_537 masked %and3A_524 : memref<200x128xf32, #tpu.memory_space<vmem>>[vector<16xi32>, vector<16xi32>], vector<16xf32>, vector<16xi1>
      %get3A_538 = arith.constant 96 : index
      %get3A_539 = tpu.vector_load %arg9[%get3A_538] {strides = array<i32>} : memref<128xi32, #tpu.memory_space<vmem>>, vector<16xi32>,
      %sub3A_540 = vector.broadcast %mul3A_393 : i32 to vector<16xi32>
      %sub3A_541 = arith.subi %get3A_539, %sub3A_540 : vector<16xi32>
      %ge3A_542 = arith.constant 0 : i32
      %ge3A_543 = vector.broadcast %ge3A_542 : i32 to vector<16xi32>
      %ge3A_544 = arith.cmpi sge, %sub3A_541, %ge3A_543 : vector<16xi32>
      %lt3A_545 = arith.constant 200 : i32
      %lt3A_546 = vector.broadcast %lt3A_545 : i32 to vector<16xi32>
      %lt3A_547 = arith.cmpi slt, %sub3A_541, %lt3A_546 : vector<16xi32>
      %and3A_548 = arith.andi %ge3A_544, %lt3A_547 : vector<16xi1>
      %jit3A_549 = arith.constant 0 : i32
      %jit3A_550 = arith.constant 199 : i32
      %max3A_551 = vector.broadcast %jit3A_549 : i32 to vector<16xi32>
      %max3A_552 = arith.maxsi %max3A_551, %sub3A_541 : vector<16xi32>
      %min3A_553 = vector.broadcast %jit3A_550 : i32 to vector<16xi32>
      %min3A_554 = arith.minsi %min3A_553, %max3A_552 : vector<16xi32>
      %add3A_555 = arith.constant 96 : i32
      %add3A_556 = vector.broadcast %add3A_555 : i32 to vector<16xi32>
      %add3A_557 = arith.addi %iota3A, %add3A_556 : vector<16xi32>
      %gather3A_558 = tpu.vector_load_idx %arg6[%min3A_554, %add3A_557] masked %and3A_548 : memref<200x128xf32, #tpu.memory_space<vmem>>[vector<16xi32>, vector<16xi32>], vector<16xf32>, vector<16xi1>
      %select_n3A_559 = arith.select %and3A_548, %gather3A_558, %select_n3A_375 : vector<16xi1>, vector<16xf32>
      %broadcast_in_dim3A_560 = arith.constant -1.000000e+10 : f32
      %broadcast_in_dim3A_561 = vector.broadcast %broadcast_in_dim3A_560 : f32 to vector<16xf32>
      tpu.vector_store_idx %arg6[%min3A_554, %add3A_557], %broadcast_in_dim3A_561 masked %and3A_548 : memref<200x128xf32, #tpu.memory_space<vmem>>[vector<16xi32>, vector<16xi32>], vector<16xf32>, vector<16xi1>
      %get3A_562 = arith.constant 112 : index
      %get3A_563 = tpu.vector_load %arg9[%get3A_562] {strides = array<i32>} : memref<128xi32, #tpu.memory_space<vmem>>, vector<16xi32>,
      %sub3A_564 = vector.broadcast %mul3A_393 : i32 to vector<16xi32>
      %sub3A_565 = arith.subi %get3A_563, %sub3A_564 : vector<16xi32>
      %ge3A_566 = arith.constant 0 : i32
      %ge3A_567 = vector.broadcast %ge3A_566 : i32 to vector<16xi32>
      %ge3A_568 = arith.cmpi sge, %sub3A_565, %ge3A_567 : vector<16xi32>
      %lt3A_569 = arith.constant 200 : i32
      %lt3A_570 = vector.broadcast %lt3A_569 : i32 to vector<16xi32>
      %lt3A_571 = arith.cmpi slt, %sub3A_565, %lt3A_570 : vector<16xi32>
      %and3A_572 = arith.andi %ge3A_568, %lt3A_571 : vector<16xi1>
      %jit3A_573 = arith.constant 0 : i32
      %jit3A_574 = arith.constant 199 : i32
      %max3A_575 = vector.broadcast %jit3A_573 : i32 to vector<16xi32>
      %max3A_576 = arith.maxsi %max3A_575, %sub3A_565 : vector<16xi32>
      %min3A_577 = vector.broadcast %jit3A_574 : i32 to vector<16xi32>
      %min3A_578 = arith.minsi %min3A_577, %max3A_576 : vector<16xi32>
      %add3A_579 = arith.constant 112 : i32
      %add3A_580 = vector.broadcast %add3A_579 : i32 to vector<16xi32>
      %add3A_581 = arith.addi %iota3A, %add3A_580 : vector<16xi32>
      %gather3A_582 = tpu.vector_load_idx %arg6[%min3A_578, %add3A_581] masked %and3A_572 : memref<200x128xf32, #tpu.memory_space<vmem>>[vector<16xi32>, vector<16xi32>], vector<16xf32>, vector<16xi1>
      %select_n3A_583 = arith.select %and3A_572, %gather3A_582, %select_n3A_376 : vector<16xi1>, vector<16xf32>
      %broadcast_in_dim3A_584 = arith.constant -1.000000e+10 : f32
      %broadcast_in_dim3A_585 = vector.broadcast %broadcast_in_dim3A_584 : f32 to vector<16xf32>
      tpu.vector_store_idx %arg6[%min3A_578, %add3A_581], %broadcast_in_dim3A_585 masked %and3A_572 : memref<200x128xf32, #tpu.memory_space<vmem>>[vector<16xi32>, vector<16xi32>], vector<16xf32>, vector<16xi1>
      %scan3A_586 = arith.constant 0 : i32
      %scan3A_587 = arith.constant 25 : i32
      %scan3A_588 = arith.addi %scan3A_586, %scan3A_587 : i32
      %scan3A_589 = arith.constant 1 : i32
      %scan3A_590:8 = scf.for %scan3A_1438 = %scan3A_586 to %scan3A_588 step %scan3A_589 iter_args(%scan3A_1439 = %select_n3A_361, %scan3A_1440 = %select_n3A_362, %scan3A_1441 = %select_n3A_363, %scan3A_1442 = %select_n3A_364, %scan3A_1443 = %select_n3A_365, %scan3A_1444 = %select_n3A_366, %scan3A_1445 = %select_n3A_367, %scan3A_1446 = %select_n3A_368) -> (vector<16xf32>, vector<16xf32>, vector<16xf32>, vector<16xf32>, vector<16xf32>, vector<16xf32>, vector<16xf32>, vector<16xf32>)  : i32 {
        %mul3A_1447 = arith.constant 8 : i32
        %mul3A_1448 = arith.muli %scan3A_1438, %mul3A_1447 : i32
        %add3A_1449 = arith.constant 0 : i32
        %add3A_1450 = arith.addi %mul3A_1448, %add3A_1449 : i32
        %get3A_1451 = arith.index_cast %add3A_1450 : i32 to index
        %get3A_1452 = arith.constant 0 : index
        %get3A_1453 = tpu.vector_load %arg6[%get3A_1451, %get3A_1452] {strides = array<i32>} : memref<200x128xf32, #tpu.memory_space<vmem>>, vector<16xf32>,
        %max3A_1454 = arith.maximumf %scan3A_1439, %get3A_1453 : vector<16xf32>
        %get3A_1455 = arith.index_cast %add3A_1450 : i32 to index
        %get3A_1456 = arith.constant 16 : index
        %get3A_1457 = tpu.vector_load %arg6[%get3A_1455, %get3A_1456] {strides = array<i32>} : memref<200x128xf32, #tpu.memory_space<vmem>>, vector<16xf32>,
        %max3A_1458 = arith.maximumf %scan3A_1440, %get3A_1457 : vector<16xf32>
        %get3A_1459 = arith.index_cast %add3A_1450 : i32 to index
        %get3A_1460 = arith.constant 32 : index
        %get3A_1461 = tpu.vector_load %arg6[%get3A_1459, %get3A_1460] {strides = array<i32>} : memref<200x128xf32, #tpu.memory_space<vmem>>, vector<16xf32>,
        %max3A_1462 = arith.maximumf %scan3A_1441, %get3A_1461 : vector<16xf32>
        %get3A_1463 = arith.index_cast %add3A_1450 : i32 to index
        %get3A_1464 = arith.constant 48 : index
        %get3A_1465 = tpu.vector_load %arg6[%get3A_1463, %get3A_1464] {strides = array<i32>} : memref<200x128xf32, #tpu.memory_space<vmem>>, vector<16xf32>,
        %max3A_1466 = arith.maximumf %scan3A_1442, %get3A_1465 : vector<16xf32>
        %get3A_1467 = arith.index_cast %add3A_1450 : i32 to index
        %get3A_1468 = arith.constant 64 : index
        %get3A_1469 = tpu.vector_load %arg6[%get3A_1467, %get3A_1468] {strides = array<i32>} : memref<200x128xf32, #tpu.memory_space<vmem>>, vector<16xf32>,
        %max3A_1470 = arith.maximumf %scan3A_1443, %get3A_1469 : vector<16xf32>
        %get3A_1471 = arith.index_cast %add3A_1450 : i32 to index
        %get3A_1472 = arith.constant 80 : index
        %get3A_1473 = tpu.vector_load %arg6[%get3A_1471, %get3A_1472] {strides = array<i32>} : memref<200x128xf32, #tpu.memory_space<vmem>>, vector<16xf32>,
        %max3A_1474 = arith.maximumf %scan3A_1444, %get3A_1473 : vector<16xf32>
        %get3A_1475 = arith.index_cast %add3A_1450 : i32 to index
        %get3A_1476 = arith.constant 96 : index
        %get3A_1477 = tpu.vector_load %arg6[%get3A_1475, %get3A_1476] {strides = array<i32>} : memref<200x128xf32, #tpu.memory_space<vmem>>, vector<16xf32>,
        %max3A_1478 = arith.maximumf %scan3A_1445, %get3A_1477 : vector<16xf32>
        %get3A_1479 = arith.index_cast %add3A_1450 : i32 to index
        %get3A_1480 = arith.constant 112 : index
        %get3A_1481 = tpu.vector_load %arg6[%get3A_1479, %get3A_1480] {strides = array<i32>} : memref<200x128xf32, #tpu.memory_space<vmem>>, vector<16xf32>,
        %max3A_1482 = arith.maximumf %scan3A_1446, %get3A_1481 : vector<16xf32>
        %mul3A_1483 = arith.constant 8 : i32
        %mul3A_1484 = arith.muli %scan3A_1438, %mul3A_1483 : i32
        %add3A_1485 = arith.constant 1 : i32
        %add3A_1486 = arith.addi %mul3A_1484, %add3A_1485 : i32
        %get3A_1487 = arith.index_cast %add3A_1486 : i32 to index
        %get3A_1488 = arith.constant 0 : index
        %get3A_1489 = tpu.vector_load %arg6[%get3A_1487, %get3A_1488] {strides = array<i32>} : memref<200x128xf32, #tpu.memory_space<vmem>>, vector<16xf32>,
        %max3A_1490 = arith.maximumf %max3A_1454, %get3A_1489 : vector<16xf32>
        %get3A_1491 = arith.index_cast %add3A_1486 : i32 to index
        %get3A_1492 = arith.constant 16 : index
        %get3A_1493 = tpu.vector_load %arg6[%get3A_1491, %get3A_1492] {strides = array<i32>} : memref<200x128xf32, #tpu.memory_space<vmem>>, vector<16xf32>,
        %max3A_1494 = arith.maximumf %max3A_1458, %get3A_1493 : vector<16xf32>
        %get3A_1495 = arith.index_cast %add3A_1486 : i32 to index
        %get3A_1496 = arith.constant 32 : index
        %get3A_1497 = tpu.vector_load %arg6[%get3A_1495, %get3A_1496] {strides = array<i32>} : memref<200x128xf32, #tpu.memory_space<vmem>>, vector<16xf32>,
        %max3A_1498 = arith.maximumf %max3A_1462, %get3A_1497 : vector<16xf32>
        %get3A_1499 = arith.index_cast %add3A_1486 : i32 to index
        %get3A_1500 = arith.constant 48 : index
        %get3A_1501 = tpu.vector_load %arg6[%get3A_1499, %get3A_1500] {strides = array<i32>} : memref<200x128xf32, #tpu.memory_space<vmem>>, vector<16xf32>,
        %max3A_1502 = arith.maximumf %max3A_1466, %get3A_1501 : vector<16xf32>
        %get3A_1503 = arith.index_cast %add3A_1486 : i32 to index
        %get3A_1504 = arith.constant 64 : index
        %get3A_1505 = tpu.vector_load %arg6[%get3A_1503, %get3A_1504] {strides = array<i32>} : memref<200x128xf32, #tpu.memory_space<vmem>>, vector<16xf32>,
        %max3A_1506 = arith.maximumf %max3A_1470, %get3A_1505 : vector<16xf32>
        %get3A_1507 = arith.index_cast %add3A_1486 : i32 to index
        %get3A_1508 = arith.constant 80 : index
        %get3A_1509 = tpu.vector_load %arg6[%get3A_1507, %get3A_1508] {strides = array<i32>} : memref<200x128xf32, #tpu.memory_space<vmem>>, vector<16xf32>,
        %max3A_1510 = arith.maximumf %max3A_1474, %get3A_1509 : vector<16xf32>
        %get3A_1511 = arith.index_cast %add3A_1486 : i32 to index
        %get3A_1512 = arith.constant 96 : index
        %get3A_1513 = tpu.vector_load %arg6[%get3A_1511, %get3A_1512] {strides = array<i32>} : memref<200x128xf32, #tpu.memory_space<vmem>>, vector<16xf32>,
        %max3A_1514 = arith.maximumf %max3A_1478, %get3A_1513 : vector<16xf32>
        %get3A_1515 = arith.index_cast %add3A_1486 : i32 to index
        %get3A_1516 = arith.constant 112 : index
        %get3A_1517 = tpu.vector_load %arg6[%get3A_1515, %get3A_1516] {strides = array<i32>} : memref<200x128xf32, #tpu.memory_space<vmem>>, vector<16xf32>,
        %max3A_1518 = arith.maximumf %max3A_1482, %get3A_1517 : vector<16xf32>
        %mul3A_1519 = arith.constant 8 : i32
        %mul3A_1520 = arith.muli %scan3A_1438, %mul3A_1519 : i32
        %add3A_1521 = arith.constant 2 : i32
        %add3A_1522 = arith.addi %mul3A_1520, %add3A_1521 : i32
        %get3A_1523 = arith.index_cast %add3A_1522 : i32 to index
        %get3A_1524 = arith.constant 0 : index
        %get3A_1525 = tpu.vector_load %arg6[%get3A_1523, %get3A_1524] {strides = array<i32>} : memref<200x128xf32, #tpu.memory_space<vmem>>, vector<16xf32>,
        %max3A_1526 = arith.maximumf %max3A_1490, %get3A_1525 : vector<16xf32>
        %get3A_1527 = arith.index_cast %add3A_1522 : i32 to index
        %get3A_1528 = arith.constant 16 : index
        %get3A_1529 = tpu.vector_load %arg6[%get3A_1527, %get3A_1528] {strides = array<i32>} : memref<200x128xf32, #tpu.memory_space<vmem>>, vector<16xf32>,
        %max3A_1530 = arith.maximumf %max3A_1494, %get3A_1529 : vector<16xf32>
        %get3A_1531 = arith.index_cast %add3A_1522 : i32 to index
        %get3A_1532 = arith.constant 32 : index
        %get3A_1533 = tpu.vector_load %arg6[%get3A_1531, %get3A_1532] {strides = array<i32>} : memref<200x128xf32, #tpu.memory_space<vmem>>, vector<16xf32>,
        %max3A_1534 = arith.maximumf %max3A_1498, %get3A_1533 : vector<16xf32>
        %get3A_1535 = arith.index_cast %add3A_1522 : i32 to index
        %get3A_1536 = arith.constant 48 : index
        %get3A_1537 = tpu.vector_load %arg6[%get3A_1535, %get3A_1536] {strides = array<i32>} : memref<200x128xf32, #tpu.memory_space<vmem>>, vector<16xf32>,
        %max3A_1538 = arith.maximumf %max3A_1502, %get3A_1537 : vector<16xf32>
        %get3A_1539 = arith.index_cast %add3A_1522 : i32 to index
        %get3A_1540 = arith.constant 64 : index
        %get3A_1541 = tpu.vector_load %arg6[%get3A_1539, %get3A_1540] {strides = array<i32>} : memref<200x128xf32, #tpu.memory_space<vmem>>, vector<16xf32>,
        %max3A_1542 = arith.maximumf %max3A_1506, %get3A_1541 : vector<16xf32>
        %get3A_1543 = arith.index_cast %add3A_1522 : i32 to index
        %get3A_1544 = arith.constant 80 : index
        %get3A_1545 = tpu.vector_load %arg6[%get3A_1543, %get3A_1544] {strides = array<i32>} : memref<200x128xf32, #tpu.memory_space<vmem>>, vector<16xf32>,
        %max3A_1546 = arith.maximumf %max3A_1510, %get3A_1545 : vector<16xf32>
        %get3A_1547 = arith.index_cast %add3A_1522 : i32 to index
        %get3A_1548 = arith.constant 96 : index
        %get3A_1549 = tpu.vector_load %arg6[%get3A_1547, %get3A_1548] {strides = array<i32>} : memref<200x128xf32, #tpu.memory_space<vmem>>, vector<16xf32>,
        %max3A_1550 = arith.maximumf %max3A_1514, %get3A_1549 : vector<16xf32>
        %get3A_1551 = arith.index_cast %add3A_1522 : i32 to index
        %get3A_1552 = arith.constant 112 : index
        %get3A_1553 = tpu.vector_load %arg6[%get3A_1551, %get3A_1552] {strides = array<i32>} : memref<200x128xf32, #tpu.memory_space<vmem>>, vector<16xf32>,
        %max3A_1554 = arith.maximumf %max3A_1518, %get3A_1553 : vector<16xf32>
        %mul3A_1555 = arith.constant 8 : i32
        %mul3A_1556 = arith.muli %scan3A_1438, %mul3A_1555 : i32
        %add3A_1557 = arith.constant 3 : i32
        %add3A_1558 = arith.addi %mul3A_1556, %add3A_1557 : i32
        %get3A_1559 = arith.index_cast %add3A_1558 : i32 to index
        %get3A_1560 = arith.constant 0 : index
        %get3A_1561 = tpu.vector_load %arg6[%get3A_1559, %get3A_1560] {strides = array<i32>} : memref<200x128xf32, #tpu.memory_space<vmem>>, vector<16xf32>,
        %max3A_1562 = arith.maximumf %max3A_1526, %get3A_1561 : vector<16xf32>
        %get3A_1563 = arith.index_cast %add3A_1558 : i32 to index
        %get3A_1564 = arith.constant 16 : index
        %get3A_1565 = tpu.vector_load %arg6[%get3A_1563, %get3A_1564] {strides = array<i32>} : memref<200x128xf32, #tpu.memory_space<vmem>>, vector<16xf32>,
        %max3A_1566 = arith.maximumf %max3A_1530, %get3A_1565 : vector<16xf32>
        %get3A_1567 = arith.index_cast %add3A_1558 : i32 to index
        %get3A_1568 = arith.constant 32 : index
        %get3A_1569 = tpu.vector_load %arg6[%get3A_1567, %get3A_1568] {strides = array<i32>} : memref<200x128xf32, #tpu.memory_space<vmem>>, vector<16xf32>,
        %max3A_1570 = arith.maximumf %max3A_1534, %get3A_1569 : vector<16xf32>
        %get3A_1571 = arith.index_cast %add3A_1558 : i32 to index
        %get3A_1572 = arith.constant 48 : index
        %get3A_1573 = tpu.vector_load %arg6[%get3A_1571, %get3A_1572] {strides = array<i32>} : memref<200x128xf32, #tpu.memory_space<vmem>>, vector<16xf32>,
        %max3A_1574 = arith.maximumf %max3A_1538, %get3A_1573 : vector<16xf32>
        %get3A_1575 = arith.index_cast %add3A_1558 : i32 to index
        %get3A_1576 = arith.constant 64 : index
        %get3A_1577 = tpu.vector_load %arg6[%get3A_1575, %get3A_1576] {strides = array<i32>} : memref<200x128xf32, #tpu.memory_space<vmem>>, vector<16xf32>,
        %max3A_1578 = arith.maximumf %max3A_1542, %get3A_1577 : vector<16xf32>
        %get3A_1579 = arith.index_cast %add3A_1558 : i32 to index
        %get3A_1580 = arith.constant 80 : index
        %get3A_1581 = tpu.vector_load %arg6[%get3A_1579, %get3A_1580] {strides = array<i32>} : memref<200x128xf32, #tpu.memory_space<vmem>>, vector<16xf32>,
        %max3A_1582 = arith.maximumf %max3A_1546, %get3A_1581 : vector<16xf32>
        %get3A_1583 = arith.index_cast %add3A_1558 : i32 to index
        %get3A_1584 = arith.constant 96 : index
        %get3A_1585 = tpu.vector_load %arg6[%get3A_1583, %get3A_1584] {strides = array<i32>} : memref<200x128xf32, #tpu.memory_space<vmem>>, vector<16xf32>,
        %max3A_1586 = arith.maximumf %max3A_1550, %get3A_1585 : vector<16xf32>
        %get3A_1587 = arith.index_cast %add3A_1558 : i32 to index
        %get3A_1588 = arith.constant 112 : index
        %get3A_1589 = tpu.vector_load %arg6[%get3A_1587, %get3A_1588] {strides = array<i32>} : memref<200x128xf32, #tpu.memory_space<vmem>>, vector<16xf32>,
        %max3A_1590 = arith.maximumf %max3A_1554, %get3A_1589 : vector<16xf32>
        %mul3A_1591 = arith.constant 8 : i32
        %mul3A_1592 = arith.muli %scan3A_1438, %mul3A_1591 : i32
        %add3A_1593 = arith.constant 4 : i32
        %add3A_1594 = arith.addi %mul3A_1592, %add3A_1593 : i32
        %get3A_1595 = arith.index_cast %add3A_1594 : i32 to index
        %get3A_1596 = arith.constant 0 : index
        %get3A_1597 = tpu.vector_load %arg6[%get3A_1595, %get3A_1596] {strides = array<i32>} : memref<200x128xf32, #tpu.memory_space<vmem>>, vector<16xf32>,
        %max3A_1598 = arith.maximumf %max3A_1562, %get3A_1597 : vector<16xf32>
        %get3A_1599 = arith.index_cast %add3A_1594 : i32 to index
        %get3A_1600 = arith.constant 16 : index
        %get3A_1601 = tpu.vector_load %arg6[%get3A_1599, %get3A_1600] {strides = array<i32>} : memref<200x128xf32, #tpu.memory_space<vmem>>, vector<16xf32>,
        %max3A_1602 = arith.maximumf %max3A_1566, %get3A_1601 : vector<16xf32>
        %get3A_1603 = arith.index_cast %add3A_1594 : i32 to index
        %get3A_1604 = arith.constant 32 : index
        %get3A_1605 = tpu.vector_load %arg6[%get3A_1603, %get3A_1604] {strides = array<i32>} : memref<200x128xf32, #tpu.memory_space<vmem>>, vector<16xf32>,
        %max3A_1606 = arith.maximumf %max3A_1570, %get3A_1605 : vector<16xf32>
        %get3A_1607 = arith.index_cast %add3A_1594 : i32 to index
        %get3A_1608 = arith.constant 48 : index
        %get3A_1609 = tpu.vector_load %arg6[%get3A_1607, %get3A_1608] {strides = array<i32>} : memref<200x128xf32, #tpu.memory_space<vmem>>, vector<16xf32>,
        %max3A_1610 = arith.maximumf %max3A_1574, %get3A_1609 : vector<16xf32>
        %get3A_1611 = arith.index_cast %add3A_1594 : i32 to index
        %get3A_1612 = arith.constant 64 : index
        %get3A_1613 = tpu.vector_load %arg6[%get3A_1611, %get3A_1612] {strides = array<i32>} : memref<200x128xf32, #tpu.memory_space<vmem>>, vector<16xf32>,
        %max3A_1614 = arith.maximumf %max3A_1578, %get3A_1613 : vector<16xf32>
        %get3A_1615 = arith.index_cast %add3A_1594 : i32 to index
        %get3A_1616 = arith.constant 80 : index
        %get3A_1617 = tpu.vector_load %arg6[%get3A_1615, %get3A_1616] {strides = array<i32>} : memref<200x128xf32, #tpu.memory_space<vmem>>, vector<16xf32>,
        %max3A_1618 = arith.maximumf %max3A_1582, %get3A_1617 : vector<16xf32>
        %get3A_1619 = arith.index_cast %add3A_1594 : i32 to index
        %get3A_1620 = arith.constant 96 : index
        %get3A_1621 = tpu.vector_load %arg6[%get3A_1619, %get3A_1620] {strides = array<i32>} : memref<200x128xf32, #tpu.memory_space<vmem>>, vector<16xf32>,
        %max3A_1622 = arith.maximumf %max3A_1586, %get3A_1621 : vector<16xf32>
        %get3A_1623 = arith.index_cast %add3A_1594 : i32 to index
        %get3A_1624 = arith.constant 112 : index
        %get3A_1625 = tpu.vector_load %arg6[%get3A_1623, %get3A_1624] {strides = array<i32>} : memref<200x128xf32, #tpu.memory_space<vmem>>, vector<16xf32>,
        %max3A_1626 = arith.maximumf %max3A_1590, %get3A_1625 : vector<16xf32>
        %mul3A_1627 = arith.constant 8 : i32
        %mul3A_1628 = arith.muli %scan3A_1438, %mul3A_1627 : i32
        %add3A_1629 = arith.constant 5 : i32
        %add3A_1630 = arith.addi %mul3A_1628, %add3A_1629 : i32
        %get3A_1631 = arith.index_cast %add3A_1630 : i32 to index
        %get3A_1632 = arith.constant 0 : index
        %get3A_1633 = tpu.vector_load %arg6[%get3A_1631, %get3A_1632] {strides = array<i32>} : memref<200x128xf32, #tpu.memory_space<vmem>>, vector<16xf32>,
        %max3A_1634 = arith.maximumf %max3A_1598, %get3A_1633 : vector<16xf32>
        %get3A_1635 = arith.index_cast %add3A_1630 : i32 to index
        %get3A_1636 = arith.constant 16 : index
        %get3A_1637 = tpu.vector_load %arg6[%get3A_1635, %get3A_1636] {strides = array<i32>} : memref<200x128xf32, #tpu.memory_space<vmem>>, vector<16xf32>,
        %max3A_1638 = arith.maximumf %max3A_1602, %get3A_1637 : vector<16xf32>
        %get3A_1639 = arith.index_cast %add3A_1630 : i32 to index
        %get3A_1640 = arith.constant 32 : index
        %get3A_1641 = tpu.vector_load %arg6[%get3A_1639, %get3A_1640] {strides = array<i32>} : memref<200x128xf32, #tpu.memory_space<vmem>>, vector<16xf32>,
        %max3A_1642 = arith.maximumf %max3A_1606, %get3A_1641 : vector<16xf32>
        %get3A_1643 = arith.index_cast %add3A_1630 : i32 to index
        %get3A_1644 = arith.constant 48 : index
        %get3A_1645 = tpu.vector_load %arg6[%get3A_1643, %get3A_1644] {strides = array<i32>} : memref<200x128xf32, #tpu.memory_space<vmem>>, vector<16xf32>,
        %max3A_1646 = arith.maximumf %max3A_1610, %get3A_1645 : vector<16xf32>
        %get3A_1647 = arith.index_cast %add3A_1630 : i32 to index
        %get3A_1648 = arith.constant 64 : index
        %get3A_1649 = tpu.vector_load %arg6[%get3A_1647, %get3A_1648] {strides = array<i32>} : memref<200x128xf32, #tpu.memory_space<vmem>>, vector<16xf32>,
        %max3A_1650 = arith.maximumf %max3A_1614, %get3A_1649 : vector<16xf32>
        %get3A_1651 = arith.index_cast %add3A_1630 : i32 to index
        %get3A_1652 = arith.constant 80 : index
        %get3A_1653 = tpu.vector_load %arg6[%get3A_1651, %get3A_1652] {strides = array<i32>} : memref<200x128xf32, #tpu.memory_space<vmem>>, vector<16xf32>,
        %max3A_1654 = arith.maximumf %max3A_1618, %get3A_1653 : vector<16xf32>
        %get3A_1655 = arith.index_cast %add3A_1630 : i32 to index
        %get3A_1656 = arith.constant 96 : index
        %get3A_1657 = tpu.vector_load %arg6[%get3A_1655, %get3A_1656] {strides = array<i32>} : memref<200x128xf32, #tpu.memory_space<vmem>>, vector<16xf32>,
        %max3A_1658 = arith.maximumf %max3A_1622, %get3A_1657 : vector<16xf32>
        %get3A_1659 = arith.index_cast %add3A_1630 : i32 to index
        %get3A_1660 = arith.constant 112 : index
        %get3A_1661 = tpu.vector_load %arg6[%get3A_1659, %get3A_1660] {strides = array<i32>} : memref<200x128xf32, #tpu.memory_space<vmem>>, vector<16xf32>,
        %max3A_1662 = arith.maximumf %max3A_1626, %get3A_1661 : vector<16xf32>
        %mul3A_1663 = arith.constant 8 : i32
        %mul3A_1664 = arith.muli %scan3A_1438, %mul3A_1663 : i32
        %add3A_1665 = arith.constant 6 : i32
        %add3A_1666 = arith.addi %mul3A_1664, %add3A_1665 : i32
        %get3A_1667 = arith.index_cast %add3A_1666 : i32 to index
        %get3A_1668 = arith.constant 0 : index
        %get3A_1669 = tpu.vector_load %arg6[%get3A_1667, %get3A_1668] {strides = array<i32>} : memref<200x128xf32, #tpu.memory_space<vmem>>, vector<16xf32>,
        %max3A_1670 = arith.maximumf %max3A_1634, %get3A_1669 : vector<16xf32>
        %get3A_1671 = arith.index_cast %add3A_1666 : i32 to index
        %get3A_1672 = arith.constant 16 : index
        %get3A_1673 = tpu.vector_load %arg6[%get3A_1671, %get3A_1672] {strides = array<i32>} : memref<200x128xf32, #tpu.memory_space<vmem>>, vector<16xf32>,
        %max3A_1674 = arith.maximumf %max3A_1638, %get3A_1673 : vector<16xf32>
        %get3A_1675 = arith.index_cast %add3A_1666 : i32 to index
        %get3A_1676 = arith.constant 32 : index
        %get3A_1677 = tpu.vector_load %arg6[%get3A_1675, %get3A_1676] {strides = array<i32>} : memref<200x128xf32, #tpu.memory_space<vmem>>, vector<16xf32>,
        %max3A_1678 = arith.maximumf %max3A_1642, %get3A_1677 : vector<16xf32>
        %get3A_1679 = arith.index_cast %add3A_1666 : i32 to index
        %get3A_1680 = arith.constant 48 : index
        %get3A_1681 = tpu.vector_load %arg6[%get3A_1679, %get3A_1680] {strides = array<i32>} : memref<200x128xf32, #tpu.memory_space<vmem>>, vector<16xf32>,
        %max3A_1682 = arith.maximumf %max3A_1646, %get3A_1681 : vector<16xf32>
        %get3A_1683 = arith.index_cast %add3A_1666 : i32 to index
        %get3A_1684 = arith.constant 64 : index
        %get3A_1685 = tpu.vector_load %arg6[%get3A_1683, %get3A_1684] {strides = array<i32>} : memref<200x128xf32, #tpu.memory_space<vmem>>, vector<16xf32>,
        %max3A_1686 = arith.maximumf %max3A_1650, %get3A_1685 : vector<16xf32>
        %get3A_1687 = arith.index_cast %add3A_1666 : i32 to index
        %get3A_1688 = arith.constant 80 : index
        %get3A_1689 = tpu.vector_load %arg6[%get3A_1687, %get3A_1688] {strides = array<i32>} : memref<200x128xf32, #tpu.memory_space<vmem>>, vector<16xf32>,
        %max3A_1690 = arith.maximumf %max3A_1654, %get3A_1689 : vector<16xf32>
        %get3A_1691 = arith.index_cast %add3A_1666 : i32 to index
        %get3A_1692 = arith.constant 96 : index
        %get3A_1693 = tpu.vector_load %arg6[%get3A_1691, %get3A_1692] {strides = array<i32>} : memref<200x128xf32, #tpu.memory_space<vmem>>, vector<16xf32>,
        %max3A_1694 = arith.maximumf %max3A_1658, %get3A_1693 : vector<16xf32>
        %get3A_1695 = arith.index_cast %add3A_1666 : i32 to index
        %get3A_1696 = arith.constant 112 : index
        %get3A_1697 = tpu.vector_load %arg6[%get3A_1695, %get3A_1696] {strides = array<i32>} : memref<200x128xf32, #tpu.memory_space<vmem>>, vector<16xf32>,
        %max3A_1698 = arith.maximumf %max3A_1662, %get3A_1697 : vector<16xf32>
        %mul3A_1699 = arith.constant 8 : i32
        %mul3A_1700 = arith.muli %scan3A_1438, %mul3A_1699 : i32
        %add3A_1701 = arith.constant 7 : i32
        %add3A_1702 = arith.addi %mul3A_1700, %add3A_1701 : i32
        %get3A_1703 = arith.index_cast %add3A_1702 : i32 to index
        %get3A_1704 = arith.constant 0 : index
        %get3A_1705 = tpu.vector_load %arg6[%get3A_1703, %get3A_1704] {strides = array<i32>} : memref<200x128xf32, #tpu.memory_space<vmem>>, vector<16xf32>,
        %max3A_1706 = arith.maximumf %max3A_1670, %get3A_1705 : vector<16xf32>
        %get3A_1707 = arith.index_cast %add3A_1702 : i32 to index
        %get3A_1708 = arith.constant 16 : index
        %get3A_1709 = tpu.vector_load %arg6[%get3A_1707, %get3A_1708] {strides = array<i32>} : memref<200x128xf32, #tpu.memory_space<vmem>>, vector<16xf32>,
        %max3A_1710 = arith.maximumf %max3A_1674, %get3A_1709 : vector<16xf32>
        %get3A_1711 = arith.index_cast %add3A_1702 : i32 to index
        %get3A_1712 = arith.constant 32 : index
        %get3A_1713 = tpu.vector_load %arg6[%get3A_1711, %get3A_1712] {strides = array<i32>} : memref<200x128xf32, #tpu.memory_space<vmem>>, vector<16xf32>,
        %max3A_1714 = arith.maximumf %max3A_1678, %get3A_1713 : vector<16xf32>
        %get3A_1715 = arith.index_cast %add3A_1702 : i32 to index
        %get3A_1716 = arith.constant 48 : index
        %get3A_1717 = tpu.vector_load %arg6[%get3A_1715, %get3A_1716] {strides = array<i32>} : memref<200x128xf32, #tpu.memory_space<vmem>>, vector<16xf32>,
        %max3A_1718 = arith.maximumf %max3A_1682, %get3A_1717 : vector<16xf32>
        %get3A_1719 = arith.index_cast %add3A_1702 : i32 to index
        %get3A_1720 = arith.constant 64 : index
        %get3A_1721 = tpu.vector_load %arg6[%get3A_1719, %get3A_1720] {strides = array<i32>} : memref<200x128xf32, #tpu.memory_space<vmem>>, vector<16xf32>,
        %max3A_1722 = arith.maximumf %max3A_1686, %get3A_1721 : vector<16xf32>
        %get3A_1723 = arith.index_cast %add3A_1702 : i32 to index
        %get3A_1724 = arith.constant 80 : index
        %get3A_1725 = tpu.vector_load %arg6[%get3A_1723, %get3A_1724] {strides = array<i32>} : memref<200x128xf32, #tpu.memory_space<vmem>>, vector<16xf32>,
        %max3A_1726 = arith.maximumf %max3A_1690, %get3A_1725 : vector<16xf32>
        %get3A_1727 = arith.index_cast %add3A_1702 : i32 to index
        %get3A_1728 = arith.constant 96 : index
        %get3A_1729 = tpu.vector_load %arg6[%get3A_1727, %get3A_1728] {strides = array<i32>} : memref<200x128xf32, #tpu.memory_space<vmem>>, vector<16xf32>,
        %max3A_1730 = arith.maximumf %max3A_1694, %get3A_1729 : vector<16xf32>
        %get3A_1731 = arith.index_cast %add3A_1702 : i32 to index
        %get3A_1732 = arith.constant 112 : index
        %get3A_1733 = tpu.vector_load %arg6[%get3A_1731, %get3A_1732] {strides = array<i32>} : memref<200x128xf32, #tpu.memory_space<vmem>>, vector<16xf32>,
        %max3A_1734 = arith.maximumf %max3A_1698, %get3A_1733 : vector<16xf32>
        scf.yield %max3A_1706, %max3A_1710, %max3A_1714, %max3A_1718, %max3A_1722, %max3A_1726, %max3A_1730, %max3A_1734 : vector<16xf32>, vector<16xf32>, vector<16xf32>, vector<16xf32>, vector<16xf32>, vector<16xf32>, vector<16xf32>, vector<16xf32>
      }
      %scan3A_591 = arith.constant 25 : i32
      %rem3A_592 = arith.constant 5 : i32
      %rem3A_593 = arith.remsi %add3A_385, %rem3A_592 : i32
      %eq3A_594 = arith.constant 4 : i32
      %eq3A_595 = arith.cmpi eq, %rem3A_593, %eq3A_594 : i32
      %broadcast_in_dim3A_596 = vector.broadcast %eq3A_595 : i1 to vector<16xi1>
      %sub3A_597 = arith.constant 2.000000e+00 : f32
      %sub3A_598 = vector.broadcast %sub3A_597 : f32 to vector<16xf32>
      %sub3A_599 = arith.subf %sub3A_598, %select_n3A_415 : vector<16xf32>
      %max3A_600 = arith.constant 0.000000e+00 : f32
      %max3A_601 = vector.broadcast %max3A_600 : f32 to vector<16xf32>
      %max3A_602 = arith.maximumf %sub3A_599, %max3A_601 : vector<16xf32>
      %add3A_603 = arith.addf %broadcast_in_dim3A_5, %max3A_602 : vector<16xf32>
      %add3A_604 = arith.constant 1.000000e+00 : f32
      %add3A_605 = vector.broadcast %add3A_604 : f32 to vector<16xf32>
      %add3A_606 = arith.addf %add3A_605, %scan3A_590#0 : vector<16xf32>
      %max3A_607 = arith.constant 0.000000e+00 : f32
      %max3A_608 = vector.broadcast %max3A_607 : f32 to vector<16xf32>
      %max3A_609 = arith.maximumf %add3A_606, %max3A_608 : vector<16xf32>
      %add3A_610 = arith.addf %add3A_603, %max3A_609 : vector<16xf32>
      %sub3A_611 = arith.constant 2.000000e+00 : f32
      %sub3A_612 = vector.broadcast %sub3A_611 : f32 to vector<16xf32>
      %sub3A_613 = arith.subf %sub3A_612, %select_n3A_439 : vector<16xf32>
      %max3A_614 = arith.constant 0.000000e+00 : f32
      %max3A_615 = vector.broadcast %max3A_614 : f32 to vector<16xf32>
      %max3A_616 = arith.maximumf %sub3A_613, %max3A_615 : vector<16xf32>
      %add3A_617 = arith.addf %add3A_610, %max3A_616 : vector<16xf32>
      %add3A_618 = arith.constant 1.000000e+00 : f32
      %add3A_619 = vector.broadcast %add3A_618 : f32 to vector<16xf32>
      %add3A_620 = arith.addf %add3A_619, %scan3A_590#1 : vector<16xf32>
      %max3A_621 = arith.constant 0.000000e+00 : f32
      %max3A_622 = vector.broadcast %max3A_621 : f32 to vector<16xf32>
      %max3A_623 = arith.maximumf %add3A_620, %max3A_622 : vector<16xf32>
      %add3A_624 = arith.addf %add3A_617, %max3A_623 : vector<16xf32>
      %sub3A_625 = arith.constant 2.000000e+00 : f32
      %sub3A_626 = vector.broadcast %sub3A_625 : f32 to vector<16xf32>
      %sub3A_627 = arith.subf %sub3A_626, %select_n3A_463 : vector<16xf32>
      %max3A_628 = arith.constant 0.000000e+00 : f32
      %max3A_629 = vector.broadcast %max3A_628 : f32 to vector<16xf32>
      %max3A_630 = arith.maximumf %sub3A_627, %max3A_629 : vector<16xf32>
      %add3A_631 = arith.addf %add3A_624, %max3A_630 : vector<16xf32>
      %add3A_632 = arith.constant 1.000000e+00 : f32
      %add3A_633 = vector.broadcast %add3A_632 : f32 to vector<16xf32>
      %add3A_634 = arith.addf %add3A_633, %scan3A_590#2 : vector<16xf32>
      %max3A_635 = arith.constant 0.000000e+00 : f32
      %max3A_636 = vector.broadcast %max3A_635 : f32 to vector<16xf32>
      %max3A_637 = arith.maximumf %add3A_634, %max3A_636 : vector<16xf32>
      %add3A_638 = arith.addf %add3A_631, %max3A_637 : vector<16xf32>
      %sub3A_639 = arith.constant 2.000000e+00 : f32
      %sub3A_640 = vector.broadcast %sub3A_639 : f32 to vector<16xf32>
      %sub3A_641 = arith.subf %sub3A_640, %select_n3A_487 : vector<16xf32>
      %max3A_642 = arith.constant 0.000000e+00 : f32
      %max3A_643 = vector.broadcast %max3A_642 : f32 to vector<16xf32>
      %max3A_644 = arith.maximumf %sub3A_641, %max3A_643 : vector<16xf32>
      %add3A_645 = arith.addf %add3A_638, %max3A_644 : vector<16xf32>
      %add3A_646 = arith.constant 1.000000e+00 : f32
      %add3A_647 = vector.broadcast %add3A_646 : f32 to vector<16xf32>
      %add3A_648 = arith.addf %add3A_647, %scan3A_590#3 : vector<16xf32>
      %max3A_649 = arith.constant 0.000000e+00 : f32
      %max3A_650 = vector.broadcast %max3A_649 : f32 to vector<16xf32>
      %max3A_651 = arith.maximumf %add3A_648, %max3A_650 : vector<16xf32>
      %add3A_652 = arith.addf %add3A_645, %max3A_651 : vector<16xf32>
      %sub3A_653 = arith.constant 2.000000e+00 : f32
      %sub3A_654 = vector.broadcast %sub3A_653 : f32 to vector<16xf32>
      %sub3A_655 = arith.subf %sub3A_654, %select_n3A_511 : vector<16xf32>
      %max3A_656 = arith.constant 0.000000e+00 : f32
      %max3A_657 = vector.broadcast %max3A_656 : f32 to vector<16xf32>
      %max3A_658 = arith.maximumf %sub3A_655, %max3A_657 : vector<16xf32>
      %add3A_659 = arith.addf %add3A_652, %max3A_658 : vector<16xf32>
      %add3A_660 = arith.constant 1.000000e+00 : f32
      %add3A_661 = vector.broadcast %add3A_660 : f32 to vector<16xf32>
      %add3A_662 = arith.addf %add3A_661, %scan3A_590#4 : vector<16xf32>
      %max3A_663 = arith.constant 0.000000e+00 : f32
      %max3A_664 = vector.broadcast %max3A_663 : f32 to vector<16xf32>
      %max3A_665 = arith.maximumf %add3A_662, %max3A_664 : vector<16xf32>
      %add3A_666 = arith.addf %add3A_659, %max3A_665 : vector<16xf32>
      %sub3A_667 = arith.constant 2.000000e+00 : f32
      %sub3A_668 = vector.broadcast %sub3A_667 : f32 to vector<16xf32>
      %sub3A_669 = arith.subf %sub3A_668, %select_n3A_535 : vector<16xf32>
      %max3A_670 = arith.constant 0.000000e+00 : f32
      %max3A_671 = vector.broadcast %max3A_670 : f32 to vector<16xf32>
      %max3A_672 = arith.maximumf %sub3A_669, %max3A_671 : vector<16xf32>
      %add3A_673 = arith.addf %add3A_666, %max3A_672 : vector<16xf32>
      %add3A_674 = arith.constant 1.000000e+00 : f32
      %add3A_675 = vector.broadcast %add3A_674 : f32 to vector<16xf32>
      %add3A_676 = arith.addf %add3A_675, %scan3A_590#5 : vector<16xf32>
      %max3A_677 = arith.constant 0.000000e+00 : f32
      %max3A_678 = vector.broadcast %max3A_677 : f32 to vector<16xf32>
      %max3A_679 = arith.maximumf %add3A_676, %max3A_678 : vector<16xf32>
      %add3A_680 = arith.addf %add3A_673, %max3A_679 : vector<16xf32>
      %sub3A_681 = arith.constant 2.000000e+00 : f32
      %sub3A_682 = vector.broadcast %sub3A_681 : f32 to vector<16xf32>
      %sub3A_683 = arith.subf %sub3A_682, %select_n3A_559 : vector<16xf32>
      %max3A_684 = arith.constant 0.000000e+00 : f32
      %max3A_685 = vector.broadcast %max3A_684 : f32 to vector<16xf32>
      %max3A_686 = arith.maximumf %sub3A_683, %max3A_685 : vector<16xf32>
      %add3A_687 = arith.addf %add3A_680, %max3A_686 : vector<16xf32>
      %add3A_688 = arith.constant 1.000000e+00 : f32
      %add3A_689 = vector.broadcast %add3A_688 : f32 to vector<16xf32>
      %add3A_690 = arith.addf %add3A_689, %scan3A_590#6 : vector<16xf32>
      %max3A_691 = arith.constant 0.000000e+00 : f32
      %max3A_692 = vector.broadcast %max3A_691 : f32 to vector<16xf32>
      %max3A_693 = arith.maximumf %add3A_690, %max3A_692 : vector<16xf32>
      %add3A_694 = arith.addf %add3A_687, %max3A_693 : vector<16xf32>
      %sub3A_695 = arith.constant 2.000000e+00 : f32
      %sub3A_696 = vector.broadcast %sub3A_695 : f32 to vector<16xf32>
      %sub3A_697 = arith.subf %sub3A_696, %select_n3A_583 : vector<16xf32>
      %max3A_698 = arith.constant 0.000000e+00 : f32
      %max3A_699 = vector.broadcast %max3A_698 : f32 to vector<16xf32>
      %max3A_700 = arith.maximumf %sub3A_697, %max3A_699 : vector<16xf32>
      %add3A_701 = arith.addf %add3A_694, %max3A_700 : vector<16xf32>
      %add3A_702 = arith.constant 1.000000e+00 : f32
      %add3A_703 = vector.broadcast %add3A_702 : f32 to vector<16xf32>
      %add3A_704 = arith.addf %add3A_703, %scan3A_590#7 : vector<16xf32>
      %max3A_705 = arith.constant 0.000000e+00 : f32
      %max3A_706 = vector.broadcast %max3A_705 : f32 to vector<16xf32>
      %max3A_707 = arith.maximumf %add3A_704, %max3A_706 : vector<16xf32>
      %add3A_708 = arith.addf %add3A_701, %max3A_707 : vector<16xf32>
      %add3A_709 = arith.addf %select_n3A_360, %add3A_708 : vector<16xf32>
      %select_n3A_710 = arith.select %broadcast_in_dim3A_596, %add3A_709, %select_n3A_360 : vector<16xi1>, vector<16xf32>
      %select_n3A_711 = arith.select %broadcast_in_dim3A_596, %broadcast_in_dim3A_3, %scan3A_590#0 : vector<16xi1>, vector<16xf32>
      %select_n3A_712 = arith.select %broadcast_in_dim3A_596, %broadcast_in_dim3A_3, %scan3A_590#1 : vector<16xi1>, vector<16xf32>
      %select_n3A_713 = arith.select %broadcast_in_dim3A_596, %broadcast_in_dim3A_3, %scan3A_590#2 : vector<16xi1>, vector<16xf32>
      %select_n3A_714 = arith.select %broadcast_in_dim3A_596, %broadcast_in_dim3A_3, %scan3A_590#3 : vector<16xi1>, vector<16xf32>
      %select_n3A_715 = arith.select %broadcast_in_dim3A_596, %broadcast_in_dim3A_3, %scan3A_590#4 : vector<16xi1>, vector<16xf32>
      %select_n3A_716 = arith.select %broadcast_in_dim3A_596, %broadcast_in_dim3A_3, %scan3A_590#5 : vector<16xi1>, vector<16xf32>
      %select_n3A_717 = arith.select %broadcast_in_dim3A_596, %broadcast_in_dim3A_3, %scan3A_590#6 : vector<16xi1>, vector<16xf32>
      %select_n3A_718 = arith.select %broadcast_in_dim3A_596, %broadcast_in_dim3A_3, %scan3A_590#7 : vector<16xi1>, vector<16xf32>
      %select_n3A_719 = arith.select %broadcast_in_dim3A_596, %broadcast_in_dim3A_5, %select_n3A_415 : vector<16xi1>, vector<16xf32>
      %select_n3A_720 = arith.select %broadcast_in_dim3A_596, %broadcast_in_dim3A_5, %select_n3A_439 : vector<16xi1>, vector<16xf32>
      %select_n3A_721 = arith.select %broadcast_in_dim3A_596, %broadcast_in_dim3A_5, %select_n3A_463 : vector<16xi1>, vector<16xf32>
      %select_n3A_722 = arith.select %broadcast_in_dim3A_596, %broadcast_in_dim3A_5, %select_n3A_487 : vector<16xi1>, vector<16xf32>
      %select_n3A_723 = arith.select %broadcast_in_dim3A_596, %broadcast_in_dim3A_5, %select_n3A_511 : vector<16xi1>, vector<16xf32>
      %select_n3A_724 = arith.select %broadcast_in_dim3A_596, %broadcast_in_dim3A_5, %select_n3A_535 : vector<16xi1>, vector<16xf32>
      %select_n3A_725 = arith.select %broadcast_in_dim3A_596, %broadcast_in_dim3A_5, %select_n3A_559 : vector<16xi1>, vector<16xf32>
      %select_n3A_726 = arith.select %broadcast_in_dim3A_596, %broadcast_in_dim3A_5, %select_n3A_583 : vector<16xi1>, vector<16xf32>
      %add3A_727 = arith.constant 4 : i32
      %add3A_728 = arith.addi %add3A_385, %add3A_727 : i32
      %lt3A_729 = arith.constant 20 : i32
      %lt3A_730 = arith.cmpi slt, %add3A_728, %lt3A_729 : i32
      %convert_element_type3A_731 = arith.extui %lt3A_730 : i1 to i32
      %cond3A_732 = arith.constant 0 : i32
      %cond3A_733 = arith.cmpi ne, %convert_element_type3A_731, %cond3A_732 : i32
      scf.if %cond3A_733 {
        %add3A_1438 = arith.constant 4 : i32
        %add3A_1439 = arith.addi %add3A_385, %add3A_1438 : i32
        %mul3A_1440 = arith.constant 200 : i32
        %mul3A_1441 = arith.muli %add3A_1439, %mul3A_1440 : i32
        %dma_start3A_1442 = tpu.memref_slice %arg2[%mul3A_1441, %mul3A_2] : memref<8000x4096xf32, #tpu.memory_space<hbm>> -> memref<200x128xf32, #tpu.memory_space<hbm>>
        %dma_start3A_1443 = tpu.memref_slice %arg2[%mul3A_1441, %mul3A_2] : memref<8000x4096xf32, #tpu.memory_space<hbm>> -> memref<200x128xf32, #tpu.memory_space<hbm>>
        tpu.enqueue_dma source(%dma_start3A_1443 : memref<200x128xf32, #tpu.memory_space<hbm>>) target(%arg6 : memref<200x128xf32, #tpu.memory_space<vmem>>) target_semaphore(%arg12 : memref<!tpu.dma_semaphore, #tpu.memory_space<semaphore_mem>>)
      } else {
      }
      %mul3A_734 = arith.constant 4 : i32
      %mul3A_735 = arith.muli %scan3A_27, %mul3A_734 : i32
      %add3A_736 = arith.constant 2 : i32
      %add3A_737 = arith.addi %mul3A_735, %add3A_736 : i32
      %mul3A_738 = arith.constant 200 : i32
      %mul3A_739 = arith.muli %add3A_737, %mul3A_738 : i32
      %dma_wait3A_740 = tpu.memref_slice %arg2[%mul3A_739, %mul3A_2] : memref<8000x4096xf32, #tpu.memory_space<hbm>> -> memref<200x128xf32, #tpu.memory_space<hbm>>
      %dma_wait3A_741 = tpu.memref_slice %arg2[%mul3A_739, %mul3A_2] : memref<8000x4096xf32, #tpu.memory_space<hbm>> -> memref<200x128xf32, #tpu.memory_space<hbm>>
      tpu.wait_dma2 semaphore(%arg13 : memref<!tpu.dma_semaphore, #tpu.memory_space<semaphore_mem>>) src(%dma_wait3A_741 : memref<200x128xf32, #tpu.memory_space<hbm>>) dst(%arg7 : memref<200x128xf32, #tpu.memory_space<vmem>>)
      %rem3A_742 = arith.constant 5 : i32
      %rem3A_743 = arith.remsi %add3A_737, %rem3A_742 : i32
      %mul3A_744 = arith.constant 200 : i32
      %mul3A_745 = arith.muli %rem3A_743, %mul3A_744 : i32
      %get3A_746 = arith.constant 0 : index
      %get3A_747 = tpu.vector_load %arg9[%get3A_746] {strides = array<i32>} : memref<128xi32, #tpu.memory_space<vmem>>, vector<16xi32>,
      %sub3A_748 = vector.broadcast %mul3A_745 : i32 to vector<16xi32>
      %sub3A_749 = arith.subi %get3A_747, %sub3A_748 : vector<16xi32>
      %ge3A_750 = arith.constant 0 : i32
      %ge3A_751 = vector.broadcast %ge3A_750 : i32 to vector<16xi32>
      %ge3A_752 = arith.cmpi sge, %sub3A_749, %ge3A_751 : vector<16xi32>
      %lt3A_753 = arith.constant 200 : i32
      %lt3A_754 = vector.broadcast %lt3A_753 : i32 to vector<16xi32>
      %lt3A_755 = arith.cmpi slt, %sub3A_749, %lt3A_754 : vector<16xi32>
      %and3A_756 = arith.andi %ge3A_752, %lt3A_755 : vector<16xi1>
      %jit3A_757 = arith.constant 0 : i32
      %jit3A_758 = arith.constant 199 : i32
      %max3A_759 = vector.broadcast %jit3A_757 : i32 to vector<16xi32>
      %max3A_760 = arith.maxsi %max3A_759, %sub3A_749 : vector<16xi32>
      %min3A_761 = vector.broadcast %jit3A_758 : i32 to vector<16xi32>
      %min3A_762 = arith.minsi %min3A_761, %max3A_760 : vector<16xi32>
      %add3A_763 = arith.constant 0 : i32
      %add3A_764 = vector.broadcast %add3A_763 : i32 to vector<16xi32>
      %add3A_765 = arith.addi %iota3A, %add3A_764 : vector<16xi32>
      %gather3A_766 = tpu.vector_load_idx %arg7[%min3A_762, %add3A_765] masked %and3A_756 : memref<200x128xf32, #tpu.memory_space<vmem>>[vector<16xi32>, vector<16xi32>], vector<16xf32>, vector<16xi1>
      %select_n3A_767 = arith.select %and3A_756, %gather3A_766, %select_n3A_719 : vector<16xi1>, vector<16xf32>
      %broadcast_in_dim3A_768 = arith.constant -1.000000e+10 : f32
      %broadcast_in_dim3A_769 = vector.broadcast %broadcast_in_dim3A_768 : f32 to vector<16xf32>
      tpu.vector_store_idx %arg7[%min3A_762, %add3A_765], %broadcast_in_dim3A_769 masked %and3A_756 : memref<200x128xf32, #tpu.memory_space<vmem>>[vector<16xi32>, vector<16xi32>], vector<16xf32>, vector<16xi1>
      %get3A_770 = arith.constant 16 : index
      %get3A_771 = tpu.vector_load %arg9[%get3A_770] {strides = array<i32>} : memref<128xi32, #tpu.memory_space<vmem>>, vector<16xi32>,
      %sub3A_772 = vector.broadcast %mul3A_745 : i32 to vector<16xi32>
      %sub3A_773 = arith.subi %get3A_771, %sub3A_772 : vector<16xi32>
      %ge3A_774 = arith.constant 0 : i32
      %ge3A_775 = vector.broadcast %ge3A_774 : i32 to vector<16xi32>
      %ge3A_776 = arith.cmpi sge, %sub3A_773, %ge3A_775 : vector<16xi32>
      %lt3A_777 = arith.constant 200 : i32
      %lt3A_778 = vector.broadcast %lt3A_777 : i32 to vector<16xi32>
      %lt3A_779 = arith.cmpi slt, %sub3A_773, %lt3A_778 : vector<16xi32>
      %and3A_780 = arith.andi %ge3A_776, %lt3A_779 : vector<16xi1>
      %jit3A_781 = arith.constant 0 : i32
      %jit3A_782 = arith.constant 199 : i32
      %max3A_783 = vector.broadcast %jit3A_781 : i32 to vector<16xi32>
      %max3A_784 = arith.maxsi %max3A_783, %sub3A_773 : vector<16xi32>
      %min3A_785 = vector.broadcast %jit3A_782 : i32 to vector<16xi32>
      %min3A_786 = arith.minsi %min3A_785, %max3A_784 : vector<16xi32>
      %add3A_787 = arith.constant 16 : i32
      %add3A_788 = vector.broadcast %add3A_787 : i32 to vector<16xi32>
      %add3A_789 = arith.addi %iota3A, %add3A_788 : vector<16xi32>
      %gather3A_790 = tpu.vector_load_idx %arg7[%min3A_786, %add3A_789] masked %and3A_780 : memref<200x128xf32, #tpu.memory_space<vmem>>[vector<16xi32>, vector<16xi32>], vector<16xf32>, vector<16xi1>
      %select_n3A_791 = arith.select %and3A_780, %gather3A_790, %select_n3A_720 : vector<16xi1>, vector<16xf32>
      %broadcast_in_dim3A_792 = arith.constant -1.000000e+10 : f32
      %broadcast_in_dim3A_793 = vector.broadcast %broadcast_in_dim3A_792 : f32 to vector<16xf32>
      tpu.vector_store_idx %arg7[%min3A_786, %add3A_789], %broadcast_in_dim3A_793 masked %and3A_780 : memref<200x128xf32, #tpu.memory_space<vmem>>[vector<16xi32>, vector<16xi32>], vector<16xf32>, vector<16xi1>
      %get3A_794 = arith.constant 32 : index
      %get3A_795 = tpu.vector_load %arg9[%get3A_794] {strides = array<i32>} : memref<128xi32, #tpu.memory_space<vmem>>, vector<16xi32>,
      %sub3A_796 = vector.broadcast %mul3A_745 : i32 to vector<16xi32>
      %sub3A_797 = arith.subi %get3A_795, %sub3A_796 : vector<16xi32>
      %ge3A_798 = arith.constant 0 : i32
      %ge3A_799 = vector.broadcast %ge3A_798 : i32 to vector<16xi32>
      %ge3A_800 = arith.cmpi sge, %sub3A_797, %ge3A_799 : vector<16xi32>
      %lt3A_801 = arith.constant 200 : i32
      %lt3A_802 = vector.broadcast %lt3A_801 : i32 to vector<16xi32>
      %lt3A_803 = arith.cmpi slt, %sub3A_797, %lt3A_802 : vector<16xi32>
      %and3A_804 = arith.andi %ge3A_800, %lt3A_803 : vector<16xi1>
      %jit3A_805 = arith.constant 0 : i32
      %jit3A_806 = arith.constant 199 : i32
      %max3A_807 = vector.broadcast %jit3A_805 : i32 to vector<16xi32>
      %max3A_808 = arith.maxsi %max3A_807, %sub3A_797 : vector<16xi32>
      %min3A_809 = vector.broadcast %jit3A_806 : i32 to vector<16xi32>
      %min3A_810 = arith.minsi %min3A_809, %max3A_808 : vector<16xi32>
      %add3A_811 = arith.constant 32 : i32
      %add3A_812 = vector.broadcast %add3A_811 : i32 to vector<16xi32>
      %add3A_813 = arith.addi %iota3A, %add3A_812 : vector<16xi32>
      %gather3A_814 = tpu.vector_load_idx %arg7[%min3A_810, %add3A_813] masked %and3A_804 : memref<200x128xf32, #tpu.memory_space<vmem>>[vector<16xi32>, vector<16xi32>], vector<16xf32>, vector<16xi1>
      %select_n3A_815 = arith.select %and3A_804, %gather3A_814, %select_n3A_721 : vector<16xi1>, vector<16xf32>
      %broadcast_in_dim3A_816 = arith.constant -1.000000e+10 : f32
      %broadcast_in_dim3A_817 = vector.broadcast %broadcast_in_dim3A_816 : f32 to vector<16xf32>
      tpu.vector_store_idx %arg7[%min3A_810, %add3A_813], %broadcast_in_dim3A_817 masked %and3A_804 : memref<200x128xf32, #tpu.memory_space<vmem>>[vector<16xi32>, vector<16xi32>], vector<16xf32>, vector<16xi1>
      %get3A_818 = arith.constant 48 : index
      %get3A_819 = tpu.vector_load %arg9[%get3A_818] {strides = array<i32>} : memref<128xi32, #tpu.memory_space<vmem>>, vector<16xi32>,
      %sub3A_820 = vector.broadcast %mul3A_745 : i32 to vector<16xi32>
      %sub3A_821 = arith.subi %get3A_819, %sub3A_820 : vector<16xi32>
      %ge3A_822 = arith.constant 0 : i32
      %ge3A_823 = vector.broadcast %ge3A_822 : i32 to vector<16xi32>
      %ge3A_824 = arith.cmpi sge, %sub3A_821, %ge3A_823 : vector<16xi32>
      %lt3A_825 = arith.constant 200 : i32
      %lt3A_826 = vector.broadcast %lt3A_825 : i32 to vector<16xi32>
      %lt3A_827 = arith.cmpi slt, %sub3A_821, %lt3A_826 : vector<16xi32>
      %and3A_828 = arith.andi %ge3A_824, %lt3A_827 : vector<16xi1>
      %jit3A_829 = arith.constant 0 : i32
      %jit3A_830 = arith.constant 199 : i32
      %max3A_831 = vector.broadcast %jit3A_829 : i32 to vector<16xi32>
      %max3A_832 = arith.maxsi %max3A_831, %sub3A_821 : vector<16xi32>
      %min3A_833 = vector.broadcast %jit3A_830 : i32 to vector<16xi32>
      %min3A_834 = arith.minsi %min3A_833, %max3A_832 : vector<16xi32>
      %add3A_835 = arith.constant 48 : i32
      %add3A_836 = vector.broadcast %add3A_835 : i32 to vector<16xi32>
      %add3A_837 = arith.addi %iota3A, %add3A_836 : vector<16xi32>
      %gather3A_838 = tpu.vector_load_idx %arg7[%min3A_834, %add3A_837] masked %and3A_828 : memref<200x128xf32, #tpu.memory_space<vmem>>[vector<16xi32>, vector<16xi32>], vector<16xf32>, vector<16xi1>
      %select_n3A_839 = arith.select %and3A_828, %gather3A_838, %select_n3A_722 : vector<16xi1>, vector<16xf32>
      %broadcast_in_dim3A_840 = arith.constant -1.000000e+10 : f32
      %broadcast_in_dim3A_841 = vector.broadcast %broadcast_in_dim3A_840 : f32 to vector<16xf32>
      tpu.vector_store_idx %arg7[%min3A_834, %add3A_837], %broadcast_in_dim3A_841 masked %and3A_828 : memref<200x128xf32, #tpu.memory_space<vmem>>[vector<16xi32>, vector<16xi32>], vector<16xf32>, vector<16xi1>
      %get3A_842 = arith.constant 64 : index
      %get3A_843 = tpu.vector_load %arg9[%get3A_842] {strides = array<i32>} : memref<128xi32, #tpu.memory_space<vmem>>, vector<16xi32>,
      %sub3A_844 = vector.broadcast %mul3A_745 : i32 to vector<16xi32>
      %sub3A_845 = arith.subi %get3A_843, %sub3A_844 : vector<16xi32>
      %ge3A_846 = arith.constant 0 : i32
      %ge3A_847 = vector.broadcast %ge3A_846 : i32 to vector<16xi32>
      %ge3A_848 = arith.cmpi sge, %sub3A_845, %ge3A_847 : vector<16xi32>
      %lt3A_849 = arith.constant 200 : i32
      %lt3A_850 = vector.broadcast %lt3A_849 : i32 to vector<16xi32>
      %lt3A_851 = arith.cmpi slt, %sub3A_845, %lt3A_850 : vector<16xi32>
      %and3A_852 = arith.andi %ge3A_848, %lt3A_851 : vector<16xi1>
      %jit3A_853 = arith.constant 0 : i32
      %jit3A_854 = arith.constant 199 : i32
      %max3A_855 = vector.broadcast %jit3A_853 : i32 to vector<16xi32>
      %max3A_856 = arith.maxsi %max3A_855, %sub3A_845 : vector<16xi32>
      %min3A_857 = vector.broadcast %jit3A_854 : i32 to vector<16xi32>
      %min3A_858 = arith.minsi %min3A_857, %max3A_856 : vector<16xi32>
      %add3A_859 = arith.constant 64 : i32
      %add3A_860 = vector.broadcast %add3A_859 : i32 to vector<16xi32>
      %add3A_861 = arith.addi %iota3A, %add3A_860 : vector<16xi32>
      %gather3A_862 = tpu.vector_load_idx %arg7[%min3A_858, %add3A_861] masked %and3A_852 : memref<200x128xf32, #tpu.memory_space<vmem>>[vector<16xi32>, vector<16xi32>], vector<16xf32>, vector<16xi1>
      %select_n3A_863 = arith.select %and3A_852, %gather3A_862, %select_n3A_723 : vector<16xi1>, vector<16xf32>
      %broadcast_in_dim3A_864 = arith.constant -1.000000e+10 : f32
      %broadcast_in_dim3A_865 = vector.broadcast %broadcast_in_dim3A_864 : f32 to vector<16xf32>
      tpu.vector_store_idx %arg7[%min3A_858, %add3A_861], %broadcast_in_dim3A_865 masked %and3A_852 : memref<200x128xf32, #tpu.memory_space<vmem>>[vector<16xi32>, vector<16xi32>], vector<16xf32>, vector<16xi1>
      %get3A_866 = arith.constant 80 : index
      %get3A_867 = tpu.vector_load %arg9[%get3A_866] {strides = array<i32>} : memref<128xi32, #tpu.memory_space<vmem>>, vector<16xi32>,
      %sub3A_868 = vector.broadcast %mul3A_745 : i32 to vector<16xi32>
      %sub3A_869 = arith.subi %get3A_867, %sub3A_868 : vector<16xi32>
      %ge3A_870 = arith.constant 0 : i32
      %ge3A_871 = vector.broadcast %ge3A_870 : i32 to vector<16xi32>
      %ge3A_872 = arith.cmpi sge, %sub3A_869, %ge3A_871 : vector<16xi32>
      %lt3A_873 = arith.constant 200 : i32
      %lt3A_874 = vector.broadcast %lt3A_873 : i32 to vector<16xi32>
      %lt3A_875 = arith.cmpi slt, %sub3A_869, %lt3A_874 : vector<16xi32>
      %and3A_876 = arith.andi %ge3A_872, %lt3A_875 : vector<16xi1>
      %jit3A_877 = arith.constant 0 : i32
      %jit3A_878 = arith.constant 199 : i32
      %max3A_879 = vector.broadcast %jit3A_877 : i32 to vector<16xi32>
      %max3A_880 = arith.maxsi %max3A_879, %sub3A_869 : vector<16xi32>
      %min3A_881 = vector.broadcast %jit3A_878 : i32 to vector<16xi32>
      %min3A_882 = arith.minsi %min3A_881, %max3A_880 : vector<16xi32>
      %add3A_883 = arith.constant 80 : i32
      %add3A_884 = vector.broadcast %add3A_883 : i32 to vector<16xi32>
      %add3A_885 = arith.addi %iota3A, %add3A_884 : vector<16xi32>
      %gather3A_886 = tpu.vector_load_idx %arg7[%min3A_882, %add3A_885] masked %and3A_876 : memref<200x128xf32, #tpu.memory_space<vmem>>[vector<16xi32>, vector<16xi32>], vector<16xf32>, vector<16xi1>
      %select_n3A_887 = arith.select %and3A_876, %gather3A_886, %select_n3A_724 : vector<16xi1>, vector<16xf32>
      %broadcast_in_dim3A_888 = arith.constant -1.000000e+10 : f32
      %broadcast_in_dim3A_889 = vector.broadcast %broadcast_in_dim3A_888 : f32 to vector<16xf32>
      tpu.vector_store_idx %arg7[%min3A_882, %add3A_885], %broadcast_in_dim3A_889 masked %and3A_876 : memref<200x128xf32, #tpu.memory_space<vmem>>[vector<16xi32>, vector<16xi32>], vector<16xf32>, vector<16xi1>
      %get3A_890 = arith.constant 96 : index
      %get3A_891 = tpu.vector_load %arg9[%get3A_890] {strides = array<i32>} : memref<128xi32, #tpu.memory_space<vmem>>, vector<16xi32>,
      %sub3A_892 = vector.broadcast %mul3A_745 : i32 to vector<16xi32>
      %sub3A_893 = arith.subi %get3A_891, %sub3A_892 : vector<16xi32>
      %ge3A_894 = arith.constant 0 : i32
      %ge3A_895 = vector.broadcast %ge3A_894 : i32 to vector<16xi32>
      %ge3A_896 = arith.cmpi sge, %sub3A_893, %ge3A_895 : vector<16xi32>
      %lt3A_897 = arith.constant 200 : i32
      %lt3A_898 = vector.broadcast %lt3A_897 : i32 to vector<16xi32>
      %lt3A_899 = arith.cmpi slt, %sub3A_893, %lt3A_898 : vector<16xi32>
      %and3A_900 = arith.andi %ge3A_896, %lt3A_899 : vector<16xi1>
      %jit3A_901 = arith.constant 0 : i32
      %jit3A_902 = arith.constant 199 : i32
      %max3A_903 = vector.broadcast %jit3A_901 : i32 to vector<16xi32>
      %max3A_904 = arith.maxsi %max3A_903, %sub3A_893 : vector<16xi32>
      %min3A_905 = vector.broadcast %jit3A_902 : i32 to vector<16xi32>
      %min3A_906 = arith.minsi %min3A_905, %max3A_904 : vector<16xi32>
      %add3A_907 = arith.constant 96 : i32
      %add3A_908 = vector.broadcast %add3A_907 : i32 to vector<16xi32>
      %add3A_909 = arith.addi %iota3A, %add3A_908 : vector<16xi32>
      %gather3A_910 = tpu.vector_load_idx %arg7[%min3A_906, %add3A_909] masked %and3A_900 : memref<200x128xf32, #tpu.memory_space<vmem>>[vector<16xi32>, vector<16xi32>], vector<16xf32>, vector<16xi1>
      %select_n3A_911 = arith.select %and3A_900, %gather3A_910, %select_n3A_725 : vector<16xi1>, vector<16xf32>
      %broadcast_in_dim3A_912 = arith.constant -1.000000e+10 : f32
      %broadcast_in_dim3A_913 = vector.broadcast %broadcast_in_dim3A_912 : f32 to vector<16xf32>
      tpu.vector_store_idx %arg7[%min3A_906, %add3A_909], %broadcast_in_dim3A_913 masked %and3A_900 : memref<200x128xf32, #tpu.memory_space<vmem>>[vector<16xi32>, vector<16xi32>], vector<16xf32>, vector<16xi1>
      %get3A_914 = arith.constant 112 : index
      %get3A_915 = tpu.vector_load %arg9[%get3A_914] {strides = array<i32>} : memref<128xi32, #tpu.memory_space<vmem>>, vector<16xi32>,
      %sub3A_916 = vector.broadcast %mul3A_745 : i32 to vector<16xi32>
      %sub3A_917 = arith.subi %get3A_915, %sub3A_916 : vector<16xi32>
      %ge3A_918 = arith.constant 0 : i32
      %ge3A_919 = vector.broadcast %ge3A_918 : i32 to vector<16xi32>
      %ge3A_920 = arith.cmpi sge, %sub3A_917, %ge3A_919 : vector<16xi32>
      %lt3A_921 = arith.constant 200 : i32
      %lt3A_922 = vector.broadcast %lt3A_921 : i32 to vector<16xi32>
      %lt3A_923 = arith.cmpi slt, %sub3A_917, %lt3A_922 : vector<16xi32>
      %and3A_924 = arith.andi %ge3A_920, %lt3A_923 : vector<16xi1>
      %jit3A_925 = arith.constant 0 : i32
      %jit3A_926 = arith.constant 199 : i32
      %max3A_927 = vector.broadcast %jit3A_925 : i32 to vector<16xi32>
      %max3A_928 = arith.maxsi %max3A_927, %sub3A_917 : vector<16xi32>
      %min3A_929 = vector.broadcast %jit3A_926 : i32 to vector<16xi32>
      %min3A_930 = arith.minsi %min3A_929, %max3A_928 : vector<16xi32>
      %add3A_931 = arith.constant 112 : i32
      %add3A_932 = vector.broadcast %add3A_931 : i32 to vector<16xi32>
      %add3A_933 = arith.addi %iota3A, %add3A_932 : vector<16xi32>
      %gather3A_934 = tpu.vector_load_idx %arg7[%min3A_930, %add3A_933] masked %and3A_924 : memref<200x128xf32, #tpu.memory_space<vmem>>[vector<16xi32>, vector<16xi32>], vector<16xf32>, vector<16xi1>
      %select_n3A_935 = arith.select %and3A_924, %gather3A_934, %select_n3A_726 : vector<16xi1>, vector<16xf32>
      %broadcast_in_dim3A_936 = arith.constant -1.000000e+10 : f32
      %broadcast_in_dim3A_937 = vector.broadcast %broadcast_in_dim3A_936 : f32 to vector<16xf32>
      tpu.vector_store_idx %arg7[%min3A_930, %add3A_933], %broadcast_in_dim3A_937 masked %and3A_924 : memref<200x128xf32, #tpu.memory_space<vmem>>[vector<16xi32>, vector<16xi32>], vector<16xf32>, vector<16xi1>
      %scan3A_938 = arith.constant 0 : i32
      %scan3A_939 = arith.constant 25 : i32
      %scan3A_940 = arith.addi %scan3A_938, %scan3A_939 : i32
      %scan3A_941 = arith.constant 1 : i32
      %scan3A_942:8 = scf.for %scan3A_1438 = %scan3A_938 to %scan3A_940 step %scan3A_941 iter_args(%scan3A_1439 = %select_n3A_711, %scan3A_1440 = %select_n3A_712, %scan3A_1441 = %select_n3A_713, %scan3A_1442 = %select_n3A_714, %scan3A_1443 = %select_n3A_715, %scan3A_1444 = %select_n3A_716, %scan3A_1445 = %select_n3A_717, %scan3A_1446 = %select_n3A_718) -> (vector<16xf32>, vector<16xf32>, vector<16xf32>, vector<16xf32>, vector<16xf32>, vector<16xf32>, vector<16xf32>, vector<16xf32>)  : i32 {
        %mul3A_1447 = arith.constant 8 : i32
        %mul3A_1448 = arith.muli %scan3A_1438, %mul3A_1447 : i32
        %add3A_1449 = arith.constant 0 : i32
        %add3A_1450 = arith.addi %mul3A_1448, %add3A_1449 : i32
        %get3A_1451 = arith.index_cast %add3A_1450 : i32 to index
        %get3A_1452 = arith.constant 0 : index
        %get3A_1453 = tpu.vector_load %arg7[%get3A_1451, %get3A_1452] {strides = array<i32>} : memref<200x128xf32, #tpu.memory_space<vmem>>, vector<16xf32>,
        %max3A_1454 = arith.maximumf %scan3A_1439, %get3A_1453 : vector<16xf32>
        %get3A_1455 = arith.index_cast %add3A_1450 : i32 to index
        %get3A_1456 = arith.constant 16 : index
        %get3A_1457 = tpu.vector_load %arg7[%get3A_1455, %get3A_1456] {strides = array<i32>} : memref<200x128xf32, #tpu.memory_space<vmem>>, vector<16xf32>,
        %max3A_1458 = arith.maximumf %scan3A_1440, %get3A_1457 : vector<16xf32>
        %get3A_1459 = arith.index_cast %add3A_1450 : i32 to index
        %get3A_1460 = arith.constant 32 : index
        %get3A_1461 = tpu.vector_load %arg7[%get3A_1459, %get3A_1460] {strides = array<i32>} : memref<200x128xf32, #tpu.memory_space<vmem>>, vector<16xf32>,
        %max3A_1462 = arith.maximumf %scan3A_1441, %get3A_1461 : vector<16xf32>
        %get3A_1463 = arith.index_cast %add3A_1450 : i32 to index
        %get3A_1464 = arith.constant 48 : index
        %get3A_1465 = tpu.vector_load %arg7[%get3A_1463, %get3A_1464] {strides = array<i32>} : memref<200x128xf32, #tpu.memory_space<vmem>>, vector<16xf32>,
        %max3A_1466 = arith.maximumf %scan3A_1442, %get3A_1465 : vector<16xf32>
        %get3A_1467 = arith.index_cast %add3A_1450 : i32 to index
        %get3A_1468 = arith.constant 64 : index
        %get3A_1469 = tpu.vector_load %arg7[%get3A_1467, %get3A_1468] {strides = array<i32>} : memref<200x128xf32, #tpu.memory_space<vmem>>, vector<16xf32>,
        %max3A_1470 = arith.maximumf %scan3A_1443, %get3A_1469 : vector<16xf32>
        %get3A_1471 = arith.index_cast %add3A_1450 : i32 to index
        %get3A_1472 = arith.constant 80 : index
        %get3A_1473 = tpu.vector_load %arg7[%get3A_1471, %get3A_1472] {strides = array<i32>} : memref<200x128xf32, #tpu.memory_space<vmem>>, vector<16xf32>,
        %max3A_1474 = arith.maximumf %scan3A_1444, %get3A_1473 : vector<16xf32>
        %get3A_1475 = arith.index_cast %add3A_1450 : i32 to index
        %get3A_1476 = arith.constant 96 : index
        %get3A_1477 = tpu.vector_load %arg7[%get3A_1475, %get3A_1476] {strides = array<i32>} : memref<200x128xf32, #tpu.memory_space<vmem>>, vector<16xf32>,
        %max3A_1478 = arith.maximumf %scan3A_1445, %get3A_1477 : vector<16xf32>
        %get3A_1479 = arith.index_cast %add3A_1450 : i32 to index
        %get3A_1480 = arith.constant 112 : index
        %get3A_1481 = tpu.vector_load %arg7[%get3A_1479, %get3A_1480] {strides = array<i32>} : memref<200x128xf32, #tpu.memory_space<vmem>>, vector<16xf32>,
        %max3A_1482 = arith.maximumf %scan3A_1446, %get3A_1481 : vector<16xf32>
        %mul3A_1483 = arith.constant 8 : i32
        %mul3A_1484 = arith.muli %scan3A_1438, %mul3A_1483 : i32
        %add3A_1485 = arith.constant 1 : i32
        %add3A_1486 = arith.addi %mul3A_1484, %add3A_1485 : i32
        %get3A_1487 = arith.index_cast %add3A_1486 : i32 to index
        %get3A_1488 = arith.constant 0 : index
        %get3A_1489 = tpu.vector_load %arg7[%get3A_1487, %get3A_1488] {strides = array<i32>} : memref<200x128xf32, #tpu.memory_space<vmem>>, vector<16xf32>,
        %max3A_1490 = arith.maximumf %max3A_1454, %get3A_1489 : vector<16xf32>
        %get3A_1491 = arith.index_cast %add3A_1486 : i32 to index
        %get3A_1492 = arith.constant 16 : index
        %get3A_1493 = tpu.vector_load %arg7[%get3A_1491, %get3A_1492] {strides = array<i32>} : memref<200x128xf32, #tpu.memory_space<vmem>>, vector<16xf32>,
        %max3A_1494 = arith.maximumf %max3A_1458, %get3A_1493 : vector<16xf32>
        %get3A_1495 = arith.index_cast %add3A_1486 : i32 to index
        %get3A_1496 = arith.constant 32 : index
        %get3A_1497 = tpu.vector_load %arg7[%get3A_1495, %get3A_1496] {strides = array<i32>} : memref<200x128xf32, #tpu.memory_space<vmem>>, vector<16xf32>,
        %max3A_1498 = arith.maximumf %max3A_1462, %get3A_1497 : vector<16xf32>
        %get3A_1499 = arith.index_cast %add3A_1486 : i32 to index
        %get3A_1500 = arith.constant 48 : index
        %get3A_1501 = tpu.vector_load %arg7[%get3A_1499, %get3A_1500] {strides = array<i32>} : memref<200x128xf32, #tpu.memory_space<vmem>>, vector<16xf32>,
        %max3A_1502 = arith.maximumf %max3A_1466, %get3A_1501 : vector<16xf32>
        %get3A_1503 = arith.index_cast %add3A_1486 : i32 to index
        %get3A_1504 = arith.constant 64 : index
        %get3A_1505 = tpu.vector_load %arg7[%get3A_1503, %get3A_1504] {strides = array<i32>} : memref<200x128xf32, #tpu.memory_space<vmem>>, vector<16xf32>,
        %max3A_1506 = arith.maximumf %max3A_1470, %get3A_1505 : vector<16xf32>
        %get3A_1507 = arith.index_cast %add3A_1486 : i32 to index
        %get3A_1508 = arith.constant 80 : index
        %get3A_1509 = tpu.vector_load %arg7[%get3A_1507, %get3A_1508] {strides = array<i32>} : memref<200x128xf32, #tpu.memory_space<vmem>>, vector<16xf32>,
        %max3A_1510 = arith.maximumf %max3A_1474, %get3A_1509 : vector<16xf32>
        %get3A_1511 = arith.index_cast %add3A_1486 : i32 to index
        %get3A_1512 = arith.constant 96 : index
        %get3A_1513 = tpu.vector_load %arg7[%get3A_1511, %get3A_1512] {strides = array<i32>} : memref<200x128xf32, #tpu.memory_space<vmem>>, vector<16xf32>,
        %max3A_1514 = arith.maximumf %max3A_1478, %get3A_1513 : vector<16xf32>
        %get3A_1515 = arith.index_cast %add3A_1486 : i32 to index
        %get3A_1516 = arith.constant 112 : index
        %get3A_1517 = tpu.vector_load %arg7[%get3A_1515, %get3A_1516] {strides = array<i32>} : memref<200x128xf32, #tpu.memory_space<vmem>>, vector<16xf32>,
        %max3A_1518 = arith.maximumf %max3A_1482, %get3A_1517 : vector<16xf32>
        %mul3A_1519 = arith.constant 8 : i32
        %mul3A_1520 = arith.muli %scan3A_1438, %mul3A_1519 : i32
        %add3A_1521 = arith.constant 2 : i32
        %add3A_1522 = arith.addi %mul3A_1520, %add3A_1521 : i32
        %get3A_1523 = arith.index_cast %add3A_1522 : i32 to index
        %get3A_1524 = arith.constant 0 : index
        %get3A_1525 = tpu.vector_load %arg7[%get3A_1523, %get3A_1524] {strides = array<i32>} : memref<200x128xf32, #tpu.memory_space<vmem>>, vector<16xf32>,
        %max3A_1526 = arith.maximumf %max3A_1490, %get3A_1525 : vector<16xf32>
        %get3A_1527 = arith.index_cast %add3A_1522 : i32 to index
        %get3A_1528 = arith.constant 16 : index
        %get3A_1529 = tpu.vector_load %arg7[%get3A_1527, %get3A_1528] {strides = array<i32>} : memref<200x128xf32, #tpu.memory_space<vmem>>, vector<16xf32>,
        %max3A_1530 = arith.maximumf %max3A_1494, %get3A_1529 : vector<16xf32>
        %get3A_1531 = arith.index_cast %add3A_1522 : i32 to index
        %get3A_1532 = arith.constant 32 : index
        %get3A_1533 = tpu.vector_load %arg7[%get3A_1531, %get3A_1532] {strides = array<i32>} : memref<200x128xf32, #tpu.memory_space<vmem>>, vector<16xf32>,
        %max3A_1534 = arith.maximumf %max3A_1498, %get3A_1533 : vector<16xf32>
        %get3A_1535 = arith.index_cast %add3A_1522 : i32 to index
        %get3A_1536 = arith.constant 48 : index
        %get3A_1537 = tpu.vector_load %arg7[%get3A_1535, %get3A_1536] {strides = array<i32>} : memref<200x128xf32, #tpu.memory_space<vmem>>, vector<16xf32>,
        %max3A_1538 = arith.maximumf %max3A_1502, %get3A_1537 : vector<16xf32>
        %get3A_1539 = arith.index_cast %add3A_1522 : i32 to index
        %get3A_1540 = arith.constant 64 : index
        %get3A_1541 = tpu.vector_load %arg7[%get3A_1539, %get3A_1540] {strides = array<i32>} : memref<200x128xf32, #tpu.memory_space<vmem>>, vector<16xf32>,
        %max3A_1542 = arith.maximumf %max3A_1506, %get3A_1541 : vector<16xf32>
        %get3A_1543 = arith.index_cast %add3A_1522 : i32 to index
        %get3A_1544 = arith.constant 80 : index
        %get3A_1545 = tpu.vector_load %arg7[%get3A_1543, %get3A_1544] {strides = array<i32>} : memref<200x128xf32, #tpu.memory_space<vmem>>, vector<16xf32>,
        %max3A_1546 = arith.maximumf %max3A_1510, %get3A_1545 : vector<16xf32>
        %get3A_1547 = arith.index_cast %add3A_1522 : i32 to index
        %get3A_1548 = arith.constant 96 : index
        %get3A_1549 = tpu.vector_load %arg7[%get3A_1547, %get3A_1548] {strides = array<i32>} : memref<200x128xf32, #tpu.memory_space<vmem>>, vector<16xf32>,
        %max3A_1550 = arith.maximumf %max3A_1514, %get3A_1549 : vector<16xf32>
        %get3A_1551 = arith.index_cast %add3A_1522 : i32 to index
        %get3A_1552 = arith.constant 112 : index
        %get3A_1553 = tpu.vector_load %arg7[%get3A_1551, %get3A_1552] {strides = array<i32>} : memref<200x128xf32, #tpu.memory_space<vmem>>, vector<16xf32>,
        %max3A_1554 = arith.maximumf %max3A_1518, %get3A_1553 : vector<16xf32>
        %mul3A_1555 = arith.constant 8 : i32
        %mul3A_1556 = arith.muli %scan3A_1438, %mul3A_1555 : i32
        %add3A_1557 = arith.constant 3 : i32
        %add3A_1558 = arith.addi %mul3A_1556, %add3A_1557 : i32
        %get3A_1559 = arith.index_cast %add3A_1558 : i32 to index
        %get3A_1560 = arith.constant 0 : index
        %get3A_1561 = tpu.vector_load %arg7[%get3A_1559, %get3A_1560] {strides = array<i32>} : memref<200x128xf32, #tpu.memory_space<vmem>>, vector<16xf32>,
        %max3A_1562 = arith.maximumf %max3A_1526, %get3A_1561 : vector<16xf32>
        %get3A_1563 = arith.index_cast %add3A_1558 : i32 to index
        %get3A_1564 = arith.constant 16 : index
        %get3A_1565 = tpu.vector_load %arg7[%get3A_1563, %get3A_1564] {strides = array<i32>} : memref<200x128xf32, #tpu.memory_space<vmem>>, vector<16xf32>,
        %max3A_1566 = arith.maximumf %max3A_1530, %get3A_1565 : vector<16xf32>
        %get3A_1567 = arith.index_cast %add3A_1558 : i32 to index
        %get3A_1568 = arith.constant 32 : index
        %get3A_1569 = tpu.vector_load %arg7[%get3A_1567, %get3A_1568] {strides = array<i32>} : memref<200x128xf32, #tpu.memory_space<vmem>>, vector<16xf32>,
        %max3A_1570 = arith.maximumf %max3A_1534, %get3A_1569 : vector<16xf32>
        %get3A_1571 = arith.index_cast %add3A_1558 : i32 to index
        %get3A_1572 = arith.constant 48 : index
        %get3A_1573 = tpu.vector_load %arg7[%get3A_1571, %get3A_1572] {strides = array<i32>} : memref<200x128xf32, #tpu.memory_space<vmem>>, vector<16xf32>,
        %max3A_1574 = arith.maximumf %max3A_1538, %get3A_1573 : vector<16xf32>
        %get3A_1575 = arith.index_cast %add3A_1558 : i32 to index
        %get3A_1576 = arith.constant 64 : index
        %get3A_1577 = tpu.vector_load %arg7[%get3A_1575, %get3A_1576] {strides = array<i32>} : memref<200x128xf32, #tpu.memory_space<vmem>>, vector<16xf32>,
        %max3A_1578 = arith.maximumf %max3A_1542, %get3A_1577 : vector<16xf32>
        %get3A_1579 = arith.index_cast %add3A_1558 : i32 to index
        %get3A_1580 = arith.constant 80 : index
        %get3A_1581 = tpu.vector_load %arg7[%get3A_1579, %get3A_1580] {strides = array<i32>} : memref<200x128xf32, #tpu.memory_space<vmem>>, vector<16xf32>,
        %max3A_1582 = arith.maximumf %max3A_1546, %get3A_1581 : vector<16xf32>
        %get3A_1583 = arith.index_cast %add3A_1558 : i32 to index
        %get3A_1584 = arith.constant 96 : index
        %get3A_1585 = tpu.vector_load %arg7[%get3A_1583, %get3A_1584] {strides = array<i32>} : memref<200x128xf32, #tpu.memory_space<vmem>>, vector<16xf32>,
        %max3A_1586 = arith.maximumf %max3A_1550, %get3A_1585 : vector<16xf32>
        %get3A_1587 = arith.index_cast %add3A_1558 : i32 to index
        %get3A_1588 = arith.constant 112 : index
        %get3A_1589 = tpu.vector_load %arg7[%get3A_1587, %get3A_1588] {strides = array<i32>} : memref<200x128xf32, #tpu.memory_space<vmem>>, vector<16xf32>,
        %max3A_1590 = arith.maximumf %max3A_1554, %get3A_1589 : vector<16xf32>
        %mul3A_1591 = arith.constant 8 : i32
        %mul3A_1592 = arith.muli %scan3A_1438, %mul3A_1591 : i32
        %add3A_1593 = arith.constant 4 : i32
        %add3A_1594 = arith.addi %mul3A_1592, %add3A_1593 : i32
        %get3A_1595 = arith.index_cast %add3A_1594 : i32 to index
        %get3A_1596 = arith.constant 0 : index
        %get3A_1597 = tpu.vector_load %arg7[%get3A_1595, %get3A_1596] {strides = array<i32>} : memref<200x128xf32, #tpu.memory_space<vmem>>, vector<16xf32>,
        %max3A_1598 = arith.maximumf %max3A_1562, %get3A_1597 : vector<16xf32>
        %get3A_1599 = arith.index_cast %add3A_1594 : i32 to index
        %get3A_1600 = arith.constant 16 : index
        %get3A_1601 = tpu.vector_load %arg7[%get3A_1599, %get3A_1600] {strides = array<i32>} : memref<200x128xf32, #tpu.memory_space<vmem>>, vector<16xf32>,
        %max3A_1602 = arith.maximumf %max3A_1566, %get3A_1601 : vector<16xf32>
        %get3A_1603 = arith.index_cast %add3A_1594 : i32 to index
        %get3A_1604 = arith.constant 32 : index
        %get3A_1605 = tpu.vector_load %arg7[%get3A_1603, %get3A_1604] {strides = array<i32>} : memref<200x128xf32, #tpu.memory_space<vmem>>, vector<16xf32>,
        %max3A_1606 = arith.maximumf %max3A_1570, %get3A_1605 : vector<16xf32>
        %get3A_1607 = arith.index_cast %add3A_1594 : i32 to index
        %get3A_1608 = arith.constant 48 : index
        %get3A_1609 = tpu.vector_load %arg7[%get3A_1607, %get3A_1608] {strides = array<i32>} : memref<200x128xf32, #tpu.memory_space<vmem>>, vector<16xf32>,
        %max3A_1610 = arith.maximumf %max3A_1574, %get3A_1609 : vector<16xf32>
        %get3A_1611 = arith.index_cast %add3A_1594 : i32 to index
        %get3A_1612 = arith.constant 64 : index
        %get3A_1613 = tpu.vector_load %arg7[%get3A_1611, %get3A_1612] {strides = array<i32>} : memref<200x128xf32, #tpu.memory_space<vmem>>, vector<16xf32>,
        %max3A_1614 = arith.maximumf %max3A_1578, %get3A_1613 : vector<16xf32>
        %get3A_1615 = arith.index_cast %add3A_1594 : i32 to index
        %get3A_1616 = arith.constant 80 : index
        %get3A_1617 = tpu.vector_load %arg7[%get3A_1615, %get3A_1616] {strides = array<i32>} : memref<200x128xf32, #tpu.memory_space<vmem>>, vector<16xf32>,
        %max3A_1618 = arith.maximumf %max3A_1582, %get3A_1617 : vector<16xf32>
        %get3A_1619 = arith.index_cast %add3A_1594 : i32 to index
        %get3A_1620 = arith.constant 96 : index
        %get3A_1621 = tpu.vector_load %arg7[%get3A_1619, %get3A_1620] {strides = array<i32>} : memref<200x128xf32, #tpu.memory_space<vmem>>, vector<16xf32>,
        %max3A_1622 = arith.maximumf %max3A_1586, %get3A_1621 : vector<16xf32>
        %get3A_1623 = arith.index_cast %add3A_1594 : i32 to index
        %get3A_1624 = arith.constant 112 : index
        %get3A_1625 = tpu.vector_load %arg7[%get3A_1623, %get3A_1624] {strides = array<i32>} : memref<200x128xf32, #tpu.memory_space<vmem>>, vector<16xf32>,
        %max3A_1626 = arith.maximumf %max3A_1590, %get3A_1625 : vector<16xf32>
        %mul3A_1627 = arith.constant 8 : i32
        %mul3A_1628 = arith.muli %scan3A_1438, %mul3A_1627 : i32
        %add3A_1629 = arith.constant 5 : i32
        %add3A_1630 = arith.addi %mul3A_1628, %add3A_1629 : i32
        %get3A_1631 = arith.index_cast %add3A_1630 : i32 to index
        %get3A_1632 = arith.constant 0 : index
        %get3A_1633 = tpu.vector_load %arg7[%get3A_1631, %get3A_1632] {strides = array<i32>} : memref<200x128xf32, #tpu.memory_space<vmem>>, vector<16xf32>,
        %max3A_1634 = arith.maximumf %max3A_1598, %get3A_1633 : vector<16xf32>
        %get3A_1635 = arith.index_cast %add3A_1630 : i32 to index
        %get3A_1636 = arith.constant 16 : index
        %get3A_1637 = tpu.vector_load %arg7[%get3A_1635, %get3A_1636] {strides = array<i32>} : memref<200x128xf32, #tpu.memory_space<vmem>>, vector<16xf32>,
        %max3A_1638 = arith.maximumf %max3A_1602, %get3A_1637 : vector<16xf32>
        %get3A_1639 = arith.index_cast %add3A_1630 : i32 to index
        %get3A_1640 = arith.constant 32 : index
        %get3A_1641 = tpu.vector_load %arg7[%get3A_1639, %get3A_1640] {strides = array<i32>} : memref<200x128xf32, #tpu.memory_space<vmem>>, vector<16xf32>,
        %max3A_1642 = arith.maximumf %max3A_1606, %get3A_1641 : vector<16xf32>
        %get3A_1643 = arith.index_cast %add3A_1630 : i32 to index
        %get3A_1644 = arith.constant 48 : index
        %get3A_1645 = tpu.vector_load %arg7[%get3A_1643, %get3A_1644] {strides = array<i32>} : memref<200x128xf32, #tpu.memory_space<vmem>>, vector<16xf32>,
        %max3A_1646 = arith.maximumf %max3A_1610, %get3A_1645 : vector<16xf32>
        %get3A_1647 = arith.index_cast %add3A_1630 : i32 to index
        %get3A_1648 = arith.constant 64 : index
        %get3A_1649 = tpu.vector_load %arg7[%get3A_1647, %get3A_1648] {strides = array<i32>} : memref<200x128xf32, #tpu.memory_space<vmem>>, vector<16xf32>,
        %max3A_1650 = arith.maximumf %max3A_1614, %get3A_1649 : vector<16xf32>
        %get3A_1651 = arith.index_cast %add3A_1630 : i32 to index
        %get3A_1652 = arith.constant 80 : index
        %get3A_1653 = tpu.vector_load %arg7[%get3A_1651, %get3A_1652] {strides = array<i32>} : memref<200x128xf32, #tpu.memory_space<vmem>>, vector<16xf32>,
        %max3A_1654 = arith.maximumf %max3A_1618, %get3A_1653 : vector<16xf32>
        %get3A_1655 = arith.index_cast %add3A_1630 : i32 to index
        %get3A_1656 = arith.constant 96 : index
        %get3A_1657 = tpu.vector_load %arg7[%get3A_1655, %get3A_1656] {strides = array<i32>} : memref<200x128xf32, #tpu.memory_space<vmem>>, vector<16xf32>,
        %max3A_1658 = arith.maximumf %max3A_1622, %get3A_1657 : vector<16xf32>
        %get3A_1659 = arith.index_cast %add3A_1630 : i32 to index
        %get3A_1660 = arith.constant 112 : index
        %get3A_1661 = tpu.vector_load %arg7[%get3A_1659, %get3A_1660] {strides = array<i32>} : memref<200x128xf32, #tpu.memory_space<vmem>>, vector<16xf32>,
        %max3A_1662 = arith.maximumf %max3A_1626, %get3A_1661 : vector<16xf32>
        %mul3A_1663 = arith.constant 8 : i32
        %mul3A_1664 = arith.muli %scan3A_1438, %mul3A_1663 : i32
        %add3A_1665 = arith.constant 6 : i32
        %add3A_1666 = arith.addi %mul3A_1664, %add3A_1665 : i32
        %get3A_1667 = arith.index_cast %add3A_1666 : i32 to index
        %get3A_1668 = arith.constant 0 : index
        %get3A_1669 = tpu.vector_load %arg7[%get3A_1667, %get3A_1668] {strides = array<i32>} : memref<200x128xf32, #tpu.memory_space<vmem>>, vector<16xf32>,
        %max3A_1670 = arith.maximumf %max3A_1634, %get3A_1669 : vector<16xf32>
        %get3A_1671 = arith.index_cast %add3A_1666 : i32 to index
        %get3A_1672 = arith.constant 16 : index
        %get3A_1673 = tpu.vector_load %arg7[%get3A_1671, %get3A_1672] {strides = array<i32>} : memref<200x128xf32, #tpu.memory_space<vmem>>, vector<16xf32>,
        %max3A_1674 = arith.maximumf %max3A_1638, %get3A_1673 : vector<16xf32>
        %get3A_1675 = arith.index_cast %add3A_1666 : i32 to index
        %get3A_1676 = arith.constant 32 : index
        %get3A_1677 = tpu.vector_load %arg7[%get3A_1675, %get3A_1676] {strides = array<i32>} : memref<200x128xf32, #tpu.memory_space<vmem>>, vector<16xf32>,
        %max3A_1678 = arith.maximumf %max3A_1642, %get3A_1677 : vector<16xf32>
        %get3A_1679 = arith.index_cast %add3A_1666 : i32 to index
        %get3A_1680 = arith.constant 48 : index
        %get3A_1681 = tpu.vector_load %arg7[%get3A_1679, %get3A_1680] {strides = array<i32>} : memref<200x128xf32, #tpu.memory_space<vmem>>, vector<16xf32>,
        %max3A_1682 = arith.maximumf %max3A_1646, %get3A_1681 : vector<16xf32>
        %get3A_1683 = arith.index_cast %add3A_1666 : i32 to index
        %get3A_1684 = arith.constant 64 : index
        %get3A_1685 = tpu.vector_load %arg7[%get3A_1683, %get3A_1684] {strides = array<i32>} : memref<200x128xf32, #tpu.memory_space<vmem>>, vector<16xf32>,
        %max3A_1686 = arith.maximumf %max3A_1650, %get3A_1685 : vector<16xf32>
        %get3A_1687 = arith.index_cast %add3A_1666 : i32 to index
        %get3A_1688 = arith.constant 80 : index
        %get3A_1689 = tpu.vector_load %arg7[%get3A_1687, %get3A_1688] {strides = array<i32>} : memref<200x128xf32, #tpu.memory_space<vmem>>, vector<16xf32>,
        %max3A_1690 = arith.maximumf %max3A_1654, %get3A_1689 : vector<16xf32>
        %get3A_1691 = arith.index_cast %add3A_1666 : i32 to index
        %get3A_1692 = arith.constant 96 : index
        %get3A_1693 = tpu.vector_load %arg7[%get3A_1691, %get3A_1692] {strides = array<i32>} : memref<200x128xf32, #tpu.memory_space<vmem>>, vector<16xf32>,
        %max3A_1694 = arith.maximumf %max3A_1658, %get3A_1693 : vector<16xf32>
        %get3A_1695 = arith.index_cast %add3A_1666 : i32 to index
        %get3A_1696 = arith.constant 112 : index
        %get3A_1697 = tpu.vector_load %arg7[%get3A_1695, %get3A_1696] {strides = array<i32>} : memref<200x128xf32, #tpu.memory_space<vmem>>, vector<16xf32>,
        %max3A_1698 = arith.maximumf %max3A_1662, %get3A_1697 : vector<16xf32>
        %mul3A_1699 = arith.constant 8 : i32
        %mul3A_1700 = arith.muli %scan3A_1438, %mul3A_1699 : i32
        %add3A_1701 = arith.constant 7 : i32
        %add3A_1702 = arith.addi %mul3A_1700, %add3A_1701 : i32
        %get3A_1703 = arith.index_cast %add3A_1702 : i32 to index
        %get3A_1704 = arith.constant 0 : index
        %get3A_1705 = tpu.vector_load %arg7[%get3A_1703, %get3A_1704] {strides = array<i32>} : memref<200x128xf32, #tpu.memory_space<vmem>>, vector<16xf32>,
        %max3A_1706 = arith.maximumf %max3A_1670, %get3A_1705 : vector<16xf32>
        %get3A_1707 = arith.index_cast %add3A_1702 : i32 to index
        %get3A_1708 = arith.constant 16 : index
        %get3A_1709 = tpu.vector_load %arg7[%get3A_1707, %get3A_1708] {strides = array<i32>} : memref<200x128xf32, #tpu.memory_space<vmem>>, vector<16xf32>,
        %max3A_1710 = arith.maximumf %max3A_1674, %get3A_1709 : vector<16xf32>
        %get3A_1711 = arith.index_cast %add3A_1702 : i32 to index
        %get3A_1712 = arith.constant 32 : index
        %get3A_1713 = tpu.vector_load %arg7[%get3A_1711, %get3A_1712] {strides = array<i32>} : memref<200x128xf32, #tpu.memory_space<vmem>>, vector<16xf32>,
        %max3A_1714 = arith.maximumf %max3A_1678, %get3A_1713 : vector<16xf32>
        %get3A_1715 = arith.index_cast %add3A_1702 : i32 to index
        %get3A_1716 = arith.constant 48 : index
        %get3A_1717 = tpu.vector_load %arg7[%get3A_1715, %get3A_1716] {strides = array<i32>} : memref<200x128xf32, #tpu.memory_space<vmem>>, vector<16xf32>,
        %max3A_1718 = arith.maximumf %max3A_1682, %get3A_1717 : vector<16xf32>
        %get3A_1719 = arith.index_cast %add3A_1702 : i32 to index
        %get3A_1720 = arith.constant 64 : index
        %get3A_1721 = tpu.vector_load %arg7[%get3A_1719, %get3A_1720] {strides = array<i32>} : memref<200x128xf32, #tpu.memory_space<vmem>>, vector<16xf32>,
        %max3A_1722 = arith.maximumf %max3A_1686, %get3A_1721 : vector<16xf32>
        %get3A_1723 = arith.index_cast %add3A_1702 : i32 to index
        %get3A_1724 = arith.constant 80 : index
        %get3A_1725 = tpu.vector_load %arg7[%get3A_1723, %get3A_1724] {strides = array<i32>} : memref<200x128xf32, #tpu.memory_space<vmem>>, vector<16xf32>,
        %max3A_1726 = arith.maximumf %max3A_1690, %get3A_1725 : vector<16xf32>
        %get3A_1727 = arith.index_cast %add3A_1702 : i32 to index
        %get3A_1728 = arith.constant 96 : index
        %get3A_1729 = tpu.vector_load %arg7[%get3A_1727, %get3A_1728] {strides = array<i32>} : memref<200x128xf32, #tpu.memory_space<vmem>>, vector<16xf32>,
        %max3A_1730 = arith.maximumf %max3A_1694, %get3A_1729 : vector<16xf32>
        %get3A_1731 = arith.index_cast %add3A_1702 : i32 to index
        %get3A_1732 = arith.constant 112 : index
        %get3A_1733 = tpu.vector_load %arg7[%get3A_1731, %get3A_1732] {strides = array<i32>} : memref<200x128xf32, #tpu.memory_space<vmem>>, vector<16xf32>,
        %max3A_1734 = arith.maximumf %max3A_1698, %get3A_1733 : vector<16xf32>
        scf.yield %max3A_1706, %max3A_1710, %max3A_1714, %max3A_1718, %max3A_1722, %max3A_1726, %max3A_1730, %max3A_1734 : vector<16xf32>, vector<16xf32>, vector<16xf32>, vector<16xf32>, vector<16xf32>, vector<16xf32>, vector<16xf32>, vector<16xf32>
      }
      %scan3A_943 = arith.constant 25 : i32
      %rem3A_944 = arith.constant 5 : i32
      %rem3A_945 = arith.remsi %add3A_737, %rem3A_944 : i32
      %eq3A_946 = arith.constant 4 : i32
      %eq3A_947 = arith.cmpi eq, %rem3A_945, %eq3A_946 : i32
      %broadcast_in_dim3A_948 = vector.broadcast %eq3A_947 : i1 to vector<16xi1>
      %sub3A_949 = arith.constant 2.000000e+00 : f32
      %sub3A_950 = vector.broadcast %sub3A_949 : f32 to vector<16xf32>
      %sub3A_951 = arith.subf %sub3A_950, %select_n3A_767 : vector<16xf32>
      %max3A_952 = arith.constant 0.000000e+00 : f32
      %max3A_953 = vector.broadcast %max3A_952 : f32 to vector<16xf32>
      %max3A_954 = arith.maximumf %sub3A_951, %max3A_953 : vector<16xf32>
      %add3A_955 = arith.addf %broadcast_in_dim3A_5, %max3A_954 : vector<16xf32>
      %add3A_956 = arith.constant 1.000000e+00 : f32
      %add3A_957 = vector.broadcast %add3A_956 : f32 to vector<16xf32>
      %add3A_958 = arith.addf %add3A_957, %scan3A_942#0 : vector<16xf32>
      %max3A_959 = arith.constant 0.000000e+00 : f32
      %max3A_960 = vector.broadcast %max3A_959 : f32 to vector<16xf32>
      %max3A_961 = arith.maximumf %add3A_958, %max3A_960 : vector<16xf32>
      %add3A_962 = arith.addf %add3A_955, %max3A_961 : vector<16xf32>
      %sub3A_963 = arith.constant 2.000000e+00 : f32
      %sub3A_964 = vector.broadcast %sub3A_963 : f32 to vector<16xf32>
      %sub3A_965 = arith.subf %sub3A_964, %select_n3A_791 : vector<16xf32>
      %max3A_966 = arith.constant 0.000000e+00 : f32
      %max3A_967 = vector.broadcast %max3A_966 : f32 to vector<16xf32>
      %max3A_968 = arith.maximumf %sub3A_965, %max3A_967 : vector<16xf32>
      %add3A_969 = arith.addf %add3A_962, %max3A_968 : vector<16xf32>
      %add3A_970 = arith.constant 1.000000e+00 : f32
      %add3A_971 = vector.broadcast %add3A_970 : f32 to vector<16xf32>
      %add3A_972 = arith.addf %add3A_971, %scan3A_942#1 : vector<16xf32>
      %max3A_973 = arith.constant 0.000000e+00 : f32
      %max3A_974 = vector.broadcast %max3A_973 : f32 to vector<16xf32>
      %max3A_975 = arith.maximumf %add3A_972, %max3A_974 : vector<16xf32>
      %add3A_976 = arith.addf %add3A_969, %max3A_975 : vector<16xf32>
      %sub3A_977 = arith.constant 2.000000e+00 : f32
      %sub3A_978 = vector.broadcast %sub3A_977 : f32 to vector<16xf32>
      %sub3A_979 = arith.subf %sub3A_978, %select_n3A_815 : vector<16xf32>
      %max3A_980 = arith.constant 0.000000e+00 : f32
      %max3A_981 = vector.broadcast %max3A_980 : f32 to vector<16xf32>
      %max3A_982 = arith.maximumf %sub3A_979, %max3A_981 : vector<16xf32>
      %add3A_983 = arith.addf %add3A_976, %max3A_982 : vector<16xf32>
      %add3A_984 = arith.constant 1.000000e+00 : f32
      %add3A_985 = vector.broadcast %add3A_984 : f32 to vector<16xf32>
      %add3A_986 = arith.addf %add3A_985, %scan3A_942#2 : vector<16xf32>
      %max3A_987 = arith.constant 0.000000e+00 : f32
      %max3A_988 = vector.broadcast %max3A_987 : f32 to vector<16xf32>
      %max3A_989 = arith.maximumf %add3A_986, %max3A_988 : vector<16xf32>
      %add3A_990 = arith.addf %add3A_983, %max3A_989 : vector<16xf32>
      %sub3A_991 = arith.constant 2.000000e+00 : f32
      %sub3A_992 = vector.broadcast %sub3A_991 : f32 to vector<16xf32>
      %sub3A_993 = arith.subf %sub3A_992, %select_n3A_839 : vector<16xf32>
      %max3A_994 = arith.constant 0.000000e+00 : f32
      %max3A_995 = vector.broadcast %max3A_994 : f32 to vector<16xf32>
      %max3A_996 = arith.maximumf %sub3A_993, %max3A_995 : vector<16xf32>
      %add3A_997 = arith.addf %add3A_990, %max3A_996 : vector<16xf32>
      %add3A_998 = arith.constant 1.000000e+00 : f32
      %add3A_999 = vector.broadcast %add3A_998 : f32 to vector<16xf32>
      %add3A_1000 = arith.addf %add3A_999, %scan3A_942#3 : vector<16xf32>
      %max3A_1001 = arith.constant 0.000000e+00 : f32
      %max3A_1002 = vector.broadcast %max3A_1001 : f32 to vector<16xf32>
      %max3A_1003 = arith.maximumf %add3A_1000, %max3A_1002 : vector<16xf32>
      %add3A_1004 = arith.addf %add3A_997, %max3A_1003 : vector<16xf32>
      %sub3A_1005 = arith.constant 2.000000e+00 : f32
      %sub3A_1006 = vector.broadcast %sub3A_1005 : f32 to vector<16xf32>
      %sub3A_1007 = arith.subf %sub3A_1006, %select_n3A_863 : vector<16xf32>
      %max3A_1008 = arith.constant 0.000000e+00 : f32
      %max3A_1009 = vector.broadcast %max3A_1008 : f32 to vector<16xf32>
      %max3A_1010 = arith.maximumf %sub3A_1007, %max3A_1009 : vector<16xf32>
      %add3A_1011 = arith.addf %add3A_1004, %max3A_1010 : vector<16xf32>
      %add3A_1012 = arith.constant 1.000000e+00 : f32
      %add3A_1013 = vector.broadcast %add3A_1012 : f32 to vector<16xf32>
      %add3A_1014 = arith.addf %add3A_1013, %scan3A_942#4 : vector<16xf32>
      %max3A_1015 = arith.constant 0.000000e+00 : f32
      %max3A_1016 = vector.broadcast %max3A_1015 : f32 to vector<16xf32>
      %max3A_1017 = arith.maximumf %add3A_1014, %max3A_1016 : vector<16xf32>
      %add3A_1018 = arith.addf %add3A_1011, %max3A_1017 : vector<16xf32>
      %sub3A_1019 = arith.constant 2.000000e+00 : f32
      %sub3A_1020 = vector.broadcast %sub3A_1019 : f32 to vector<16xf32>
      %sub3A_1021 = arith.subf %sub3A_1020, %select_n3A_887 : vector<16xf32>
      %max3A_1022 = arith.constant 0.000000e+00 : f32
      %max3A_1023 = vector.broadcast %max3A_1022 : f32 to vector<16xf32>
      %max3A_1024 = arith.maximumf %sub3A_1021, %max3A_1023 : vector<16xf32>
      %add3A_1025 = arith.addf %add3A_1018, %max3A_1024 : vector<16xf32>
      %add3A_1026 = arith.constant 1.000000e+00 : f32
      %add3A_1027 = vector.broadcast %add3A_1026 : f32 to vector<16xf32>
      %add3A_1028 = arith.addf %add3A_1027, %scan3A_942#5 : vector<16xf32>
      %max3A_1029 = arith.constant 0.000000e+00 : f32
      %max3A_1030 = vector.broadcast %max3A_1029 : f32 to vector<16xf32>
      %max3A_1031 = arith.maximumf %add3A_1028, %max3A_1030 : vector<16xf32>
      %add3A_1032 = arith.addf %add3A_1025, %max3A_1031 : vector<16xf32>
      %sub3A_1033 = arith.constant 2.000000e+00 : f32
      %sub3A_1034 = vector.broadcast %sub3A_1033 : f32 to vector<16xf32>
      %sub3A_1035 = arith.subf %sub3A_1034, %select_n3A_911 : vector<16xf32>
      %max3A_1036 = arith.constant 0.000000e+00 : f32
      %max3A_1037 = vector.broadcast %max3A_1036 : f32 to vector<16xf32>
      %max3A_1038 = arith.maximumf %sub3A_1035, %max3A_1037 : vector<16xf32>
      %add3A_1039 = arith.addf %add3A_1032, %max3A_1038 : vector<16xf32>
      %add3A_1040 = arith.constant 1.000000e+00 : f32
      %add3A_1041 = vector.broadcast %add3A_1040 : f32 to vector<16xf32>
      %add3A_1042 = arith.addf %add3A_1041, %scan3A_942#6 : vector<16xf32>
      %max3A_1043 = arith.constant 0.000000e+00 : f32
      %max3A_1044 = vector.broadcast %max3A_1043 : f32 to vector<16xf32>
      %max3A_1045 = arith.maximumf %add3A_1042, %max3A_1044 : vector<16xf32>
      %add3A_1046 = arith.addf %add3A_1039, %max3A_1045 : vector<16xf32>
      %sub3A_1047 = arith.constant 2.000000e+00 : f32
      %sub3A_1048 = vector.broadcast %sub3A_1047 : f32 to vector<16xf32>
      %sub3A_1049 = arith.subf %sub3A_1048, %select_n3A_935 : vector<16xf32>
      %max3A_1050 = arith.constant 0.000000e+00 : f32
      %max3A_1051 = vector.broadcast %max3A_1050 : f32 to vector<16xf32>
      %max3A_1052 = arith.maximumf %sub3A_1049, %max3A_1051 : vector<16xf32>
      %add3A_1053 = arith.addf %add3A_1046, %max3A_1052 : vector<16xf32>
      %add3A_1054 = arith.constant 1.000000e+00 : f32
      %add3A_1055 = vector.broadcast %add3A_1054 : f32 to vector<16xf32>
      %add3A_1056 = arith.addf %add3A_1055, %scan3A_942#7 : vector<16xf32>
      %max3A_1057 = arith.constant 0.000000e+00 : f32
      %max3A_1058 = vector.broadcast %max3A_1057 : f32 to vector<16xf32>
      %max3A_1059 = arith.maximumf %add3A_1056, %max3A_1058 : vector<16xf32>
      %add3A_1060 = arith.addf %add3A_1053, %max3A_1059 : vector<16xf32>
      %add3A_1061 = arith.addf %select_n3A_710, %add3A_1060 : vector<16xf32>
      %select_n3A_1062 = arith.select %broadcast_in_dim3A_948, %add3A_1061, %select_n3A_710 : vector<16xi1>, vector<16xf32>
      %select_n3A_1063 = arith.select %broadcast_in_dim3A_948, %broadcast_in_dim3A_3, %scan3A_942#0 : vector<16xi1>, vector<16xf32>
      %select_n3A_1064 = arith.select %broadcast_in_dim3A_948, %broadcast_in_dim3A_3, %scan3A_942#1 : vector<16xi1>, vector<16xf32>
      %select_n3A_1065 = arith.select %broadcast_in_dim3A_948, %broadcast_in_dim3A_3, %scan3A_942#2 : vector<16xi1>, vector<16xf32>
      %select_n3A_1066 = arith.select %broadcast_in_dim3A_948, %broadcast_in_dim3A_3, %scan3A_942#3 : vector<16xi1>, vector<16xf32>
      %select_n3A_1067 = arith.select %broadcast_in_dim3A_948, %broadcast_in_dim3A_3, %scan3A_942#4 : vector<16xi1>, vector<16xf32>
      %select_n3A_1068 = arith.select %broadcast_in_dim3A_948, %broadcast_in_dim3A_3, %scan3A_942#5 : vector<16xi1>, vector<16xf32>
      %select_n3A_1069 = arith.select %broadcast_in_dim3A_948, %broadcast_in_dim3A_3, %scan3A_942#6 : vector<16xi1>, vector<16xf32>
      %select_n3A_1070 = arith.select %broadcast_in_dim3A_948, %broadcast_in_dim3A_3, %scan3A_942#7 : vector<16xi1>, vector<16xf32>
      %select_n3A_1071 = arith.select %broadcast_in_dim3A_948, %broadcast_in_dim3A_5, %select_n3A_767 : vector<16xi1>, vector<16xf32>
      %select_n3A_1072 = arith.select %broadcast_in_dim3A_948, %broadcast_in_dim3A_5, %select_n3A_791 : vector<16xi1>, vector<16xf32>
      %select_n3A_1073 = arith.select %broadcast_in_dim3A_948, %broadcast_in_dim3A_5, %select_n3A_815 : vector<16xi1>, vector<16xf32>
      %select_n3A_1074 = arith.select %broadcast_in_dim3A_948, %broadcast_in_dim3A_5, %select_n3A_839 : vector<16xi1>, vector<16xf32>
      %select_n3A_1075 = arith.select %broadcast_in_dim3A_948, %broadcast_in_dim3A_5, %select_n3A_863 : vector<16xi1>, vector<16xf32>
      %select_n3A_1076 = arith.select %broadcast_in_dim3A_948, %broadcast_in_dim3A_5, %select_n3A_887 : vector<16xi1>, vector<16xf32>
      %select_n3A_1077 = arith.select %broadcast_in_dim3A_948, %broadcast_in_dim3A_5, %select_n3A_911 : vector<16xi1>, vector<16xf32>
      %select_n3A_1078 = arith.select %broadcast_in_dim3A_948, %broadcast_in_dim3A_5, %select_n3A_935 : vector<16xi1>, vector<16xf32>
      %add3A_1079 = arith.constant 4 : i32
      %add3A_1080 = arith.addi %add3A_737, %add3A_1079 : i32
      %lt3A_1081 = arith.constant 20 : i32
      %lt3A_1082 = arith.cmpi slt, %add3A_1080, %lt3A_1081 : i32
      %convert_element_type3A_1083 = arith.extui %lt3A_1082 : i1 to i32
      %cond3A_1084 = arith.constant 0 : i32
      %cond3A_1085 = arith.cmpi ne, %convert_element_type3A_1083, %cond3A_1084 : i32
      scf.if %cond3A_1085 {
        %add3A_1438 = arith.constant 4 : i32
        %add3A_1439 = arith.addi %add3A_737, %add3A_1438 : i32
        %mul3A_1440 = arith.constant 200 : i32
        %mul3A_1441 = arith.muli %add3A_1439, %mul3A_1440 : i32
        %dma_start3A_1442 = tpu.memref_slice %arg2[%mul3A_1441, %mul3A_2] : memref<8000x4096xf32, #tpu.memory_space<hbm>> -> memref<200x128xf32, #tpu.memory_space<hbm>>
        %dma_start3A_1443 = tpu.memref_slice %arg2[%mul3A_1441, %mul3A_2] : memref<8000x4096xf32, #tpu.memory_space<hbm>> -> memref<200x128xf32, #tpu.memory_space<hbm>>
        tpu.enqueue_dma source(%dma_start3A_1443 : memref<200x128xf32, #tpu.memory_space<hbm>>) target(%arg7 : memref<200x128xf32, #tpu.memory_space<vmem>>) target_semaphore(%arg13 : memref<!tpu.dma_semaphore, #tpu.memory_space<semaphore_mem>>)
      } else {
      }
      %mul3A_1086 = arith.constant 4 : i32
      %mul3A_1087 = arith.muli %scan3A_27, %mul3A_1086 : i32
      %add3A_1088 = arith.constant 3 : i32
      %add3A_1089 = arith.addi %mul3A_1087, %add3A_1088 : i32
      %mul3A_1090 = arith.constant 200 : i32
      %mul3A_1091 = arith.muli %add3A_1089, %mul3A_1090 : i32
      %dma_wait3A_1092 = tpu.memref_slice %arg2[%mul3A_1091, %mul3A_2] : memref<8000x4096xf32, #tpu.memory_space<hbm>> -> memref<200x128xf32, #tpu.memory_space<hbm>>
      %dma_wait3A_1093 = tpu.memref_slice %arg2[%mul3A_1091, %mul3A_2] : memref<8000x4096xf32, #tpu.memory_space<hbm>> -> memref<200x128xf32, #tpu.memory_space<hbm>>
      tpu.wait_dma2 semaphore(%arg14 : memref<!tpu.dma_semaphore, #tpu.memory_space<semaphore_mem>>) src(%dma_wait3A_1093 : memref<200x128xf32, #tpu.memory_space<hbm>>) dst(%arg8 : memref<200x128xf32, #tpu.memory_space<vmem>>)
      %rem3A_1094 = arith.constant 5 : i32
      %rem3A_1095 = arith.remsi %add3A_1089, %rem3A_1094 : i32
      %mul3A_1096 = arith.constant 200 : i32
      %mul3A_1097 = arith.muli %rem3A_1095, %mul3A_1096 : i32
      %get3A_1098 = arith.constant 0 : index
      %get3A_1099 = tpu.vector_load %arg9[%get3A_1098] {strides = array<i32>} : memref<128xi32, #tpu.memory_space<vmem>>, vector<16xi32>,
      %sub3A_1100 = vector.broadcast %mul3A_1097 : i32 to vector<16xi32>
      %sub3A_1101 = arith.subi %get3A_1099, %sub3A_1100 : vector<16xi32>
      %ge3A_1102 = arith.constant 0 : i32
      %ge3A_1103 = vector.broadcast %ge3A_1102 : i32 to vector<16xi32>
      %ge3A_1104 = arith.cmpi sge, %sub3A_1101, %ge3A_1103 : vector<16xi32>
      %lt3A_1105 = arith.constant 200 : i32
      %lt3A_1106 = vector.broadcast %lt3A_1105 : i32 to vector<16xi32>
      %lt3A_1107 = arith.cmpi slt, %sub3A_1101, %lt3A_1106 : vector<16xi32>
      %and3A_1108 = arith.andi %ge3A_1104, %lt3A_1107 : vector<16xi1>
      %jit3A_1109 = arith.constant 0 : i32
      %jit3A_1110 = arith.constant 199 : i32
      %max3A_1111 = vector.broadcast %jit3A_1109 : i32 to vector<16xi32>
      %max3A_1112 = arith.maxsi %max3A_1111, %sub3A_1101 : vector<16xi32>
      %min3A_1113 = vector.broadcast %jit3A_1110 : i32 to vector<16xi32>
      %min3A_1114 = arith.minsi %min3A_1113, %max3A_1112 : vector<16xi32>
      %add3A_1115 = arith.constant 0 : i32
      %add3A_1116 = vector.broadcast %add3A_1115 : i32 to vector<16xi32>
      %add3A_1117 = arith.addi %iota3A, %add3A_1116 : vector<16xi32>
      %gather3A_1118 = tpu.vector_load_idx %arg8[%min3A_1114, %add3A_1117] masked %and3A_1108 : memref<200x128xf32, #tpu.memory_space<vmem>>[vector<16xi32>, vector<16xi32>], vector<16xf32>, vector<16xi1>
      %select_n3A_1119 = arith.select %and3A_1108, %gather3A_1118, %select_n3A_1071 : vector<16xi1>, vector<16xf32>
      %broadcast_in_dim3A_1120 = arith.constant -1.000000e+10 : f32
      %broadcast_in_dim3A_1121 = vector.broadcast %broadcast_in_dim3A_1120 : f32 to vector<16xf32>
      tpu.vector_store_idx %arg8[%min3A_1114, %add3A_1117], %broadcast_in_dim3A_1121 masked %and3A_1108 : memref<200x128xf32, #tpu.memory_space<vmem>>[vector<16xi32>, vector<16xi32>], vector<16xf32>, vector<16xi1>
      %get3A_1122 = arith.constant 16 : index
      %get3A_1123 = tpu.vector_load %arg9[%get3A_1122] {strides = array<i32>} : memref<128xi32, #tpu.memory_space<vmem>>, vector<16xi32>,
      %sub3A_1124 = vector.broadcast %mul3A_1097 : i32 to vector<16xi32>
      %sub3A_1125 = arith.subi %get3A_1123, %sub3A_1124 : vector<16xi32>
      %ge3A_1126 = arith.constant 0 : i32
      %ge3A_1127 = vector.broadcast %ge3A_1126 : i32 to vector<16xi32>
      %ge3A_1128 = arith.cmpi sge, %sub3A_1125, %ge3A_1127 : vector<16xi32>
      %lt3A_1129 = arith.constant 200 : i32
      %lt3A_1130 = vector.broadcast %lt3A_1129 : i32 to vector<16xi32>
      %lt3A_1131 = arith.cmpi slt, %sub3A_1125, %lt3A_1130 : vector<16xi32>
      %and3A_1132 = arith.andi %ge3A_1128, %lt3A_1131 : vector<16xi1>
      %jit3A_1133 = arith.constant 0 : i32
      %jit3A_1134 = arith.constant 199 : i32
      %max3A_1135 = vector.broadcast %jit3A_1133 : i32 to vector<16xi32>
      %max3A_1136 = arith.maxsi %max3A_1135, %sub3A_1125 : vector<16xi32>
      %min3A_1137 = vector.broadcast %jit3A_1134 : i32 to vector<16xi32>
      %min3A_1138 = arith.minsi %min3A_1137, %max3A_1136 : vector<16xi32>
      %add3A_1139 = arith.constant 16 : i32
      %add3A_1140 = vector.broadcast %add3A_1139 : i32 to vector<16xi32>
      %add3A_1141 = arith.addi %iota3A, %add3A_1140 : vector<16xi32>
      %gather3A_1142 = tpu.vector_load_idx %arg8[%min3A_1138, %add3A_1141] masked %and3A_1132 : memref<200x128xf32, #tpu.memory_space<vmem>>[vector<16xi32>, vector<16xi32>], vector<16xf32>, vector<16xi1>
      %select_n3A_1143 = arith.select %and3A_1132, %gather3A_1142, %select_n3A_1072 : vector<16xi1>, vector<16xf32>
      %broadcast_in_dim3A_1144 = arith.constant -1.000000e+10 : f32
      %broadcast_in_dim3A_1145 = vector.broadcast %broadcast_in_dim3A_1144 : f32 to vector<16xf32>
      tpu.vector_store_idx %arg8[%min3A_1138, %add3A_1141], %broadcast_in_dim3A_1145 masked %and3A_1132 : memref<200x128xf32, #tpu.memory_space<vmem>>[vector<16xi32>, vector<16xi32>], vector<16xf32>, vector<16xi1>
      %get3A_1146 = arith.constant 32 : index
      %get3A_1147 = tpu.vector_load %arg9[%get3A_1146] {strides = array<i32>} : memref<128xi32, #tpu.memory_space<vmem>>, vector<16xi32>,
      %sub3A_1148 = vector.broadcast %mul3A_1097 : i32 to vector<16xi32>
      %sub3A_1149 = arith.subi %get3A_1147, %sub3A_1148 : vector<16xi32>
      %ge3A_1150 = arith.constant 0 : i32
      %ge3A_1151 = vector.broadcast %ge3A_1150 : i32 to vector<16xi32>
      %ge3A_1152 = arith.cmpi sge, %sub3A_1149, %ge3A_1151 : vector<16xi32>
      %lt3A_1153 = arith.constant 200 : i32
      %lt3A_1154 = vector.broadcast %lt3A_1153 : i32 to vector<16xi32>
      %lt3A_1155 = arith.cmpi slt, %sub3A_1149, %lt3A_1154 : vector<16xi32>
      %and3A_1156 = arith.andi %ge3A_1152, %lt3A_1155 : vector<16xi1>
      %jit3A_1157 = arith.constant 0 : i32
      %jit3A_1158 = arith.constant 199 : i32
      %max3A_1159 = vector.broadcast %jit3A_1157 : i32 to vector<16xi32>
      %max3A_1160 = arith.maxsi %max3A_1159, %sub3A_1149 : vector<16xi32>
      %min3A_1161 = vector.broadcast %jit3A_1158 : i32 to vector<16xi32>
      %min3A_1162 = arith.minsi %min3A_1161, %max3A_1160 : vector<16xi32>
      %add3A_1163 = arith.constant 32 : i32
      %add3A_1164 = vector.broadcast %add3A_1163 : i32 to vector<16xi32>
      %add3A_1165 = arith.addi %iota3A, %add3A_1164 : vector<16xi32>
      %gather3A_1166 = tpu.vector_load_idx %arg8[%min3A_1162, %add3A_1165] masked %and3A_1156 : memref<200x128xf32, #tpu.memory_space<vmem>>[vector<16xi32>, vector<16xi32>], vector<16xf32>, vector<16xi1>
      %select_n3A_1167 = arith.select %and3A_1156, %gather3A_1166, %select_n3A_1073 : vector<16xi1>, vector<16xf32>
      %broadcast_in_dim3A_1168 = arith.constant -1.000000e+10 : f32
      %broadcast_in_dim3A_1169 = vector.broadcast %broadcast_in_dim3A_1168 : f32 to vector<16xf32>
      tpu.vector_store_idx %arg8[%min3A_1162, %add3A_1165], %broadcast_in_dim3A_1169 masked %and3A_1156 : memref<200x128xf32, #tpu.memory_space<vmem>>[vector<16xi32>, vector<16xi32>], vector<16xf32>, vector<16xi1>
      %get3A_1170 = arith.constant 48 : index
      %get3A_1171 = tpu.vector_load %arg9[%get3A_1170] {strides = array<i32>} : memref<128xi32, #tpu.memory_space<vmem>>, vector<16xi32>,
      %sub3A_1172 = vector.broadcast %mul3A_1097 : i32 to vector<16xi32>
      %sub3A_1173 = arith.subi %get3A_1171, %sub3A_1172 : vector<16xi32>
      %ge3A_1174 = arith.constant 0 : i32
      %ge3A_1175 = vector.broadcast %ge3A_1174 : i32 to vector<16xi32>
      %ge3A_1176 = arith.cmpi sge, %sub3A_1173, %ge3A_1175 : vector<16xi32>
      %lt3A_1177 = arith.constant 200 : i32
      %lt3A_1178 = vector.broadcast %lt3A_1177 : i32 to vector<16xi32>
      %lt3A_1179 = arith.cmpi slt, %sub3A_1173, %lt3A_1178 : vector<16xi32>
      %and3A_1180 = arith.andi %ge3A_1176, %lt3A_1179 : vector<16xi1>
      %jit3A_1181 = arith.constant 0 : i32
      %jit3A_1182 = arith.constant 199 : i32
      %max3A_1183 = vector.broadcast %jit3A_1181 : i32 to vector<16xi32>
      %max3A_1184 = arith.maxsi %max3A_1183, %sub3A_1173 : vector<16xi32>
      %min3A_1185 = vector.broadcast %jit3A_1182 : i32 to vector<16xi32>
      %min3A_1186 = arith.minsi %min3A_1185, %max3A_1184 : vector<16xi32>
      %add3A_1187 = arith.constant 48 : i32
      %add3A_1188 = vector.broadcast %add3A_1187 : i32 to vector<16xi32>
      %add3A_1189 = arith.addi %iota3A, %add3A_1188 : vector<16xi32>
      %gather3A_1190 = tpu.vector_load_idx %arg8[%min3A_1186, %add3A_1189] masked %and3A_1180 : memref<200x128xf32, #tpu.memory_space<vmem>>[vector<16xi32>, vector<16xi32>], vector<16xf32>, vector<16xi1>
      %select_n3A_1191 = arith.select %and3A_1180, %gather3A_1190, %select_n3A_1074 : vector<16xi1>, vector<16xf32>
      %broadcast_in_dim3A_1192 = arith.constant -1.000000e+10 : f32
      %broadcast_in_dim3A_1193 = vector.broadcast %broadcast_in_dim3A_1192 : f32 to vector<16xf32>
      tpu.vector_store_idx %arg8[%min3A_1186, %add3A_1189], %broadcast_in_dim3A_1193 masked %and3A_1180 : memref<200x128xf32, #tpu.memory_space<vmem>>[vector<16xi32>, vector<16xi32>], vector<16xf32>, vector<16xi1>
      %get3A_1194 = arith.constant 64 : index
      %get3A_1195 = tpu.vector_load %arg9[%get3A_1194] {strides = array<i32>} : memref<128xi32, #tpu.memory_space<vmem>>, vector<16xi32>,
      %sub3A_1196 = vector.broadcast %mul3A_1097 : i32 to vector<16xi32>
      %sub3A_1197 = arith.subi %get3A_1195, %sub3A_1196 : vector<16xi32>
      %ge3A_1198 = arith.constant 0 : i32
      %ge3A_1199 = vector.broadcast %ge3A_1198 : i32 to vector<16xi32>
      %ge3A_1200 = arith.cmpi sge, %sub3A_1197, %ge3A_1199 : vector<16xi32>
      %lt3A_1201 = arith.constant 200 : i32
      %lt3A_1202 = vector.broadcast %lt3A_1201 : i32 to vector<16xi32>
      %lt3A_1203 = arith.cmpi slt, %sub3A_1197, %lt3A_1202 : vector<16xi32>
      %and3A_1204 = arith.andi %ge3A_1200, %lt3A_1203 : vector<16xi1>
      %jit3A_1205 = arith.constant 0 : i32
      %jit3A_1206 = arith.constant 199 : i32
      %max3A_1207 = vector.broadcast %jit3A_1205 : i32 to vector<16xi32>
      %max3A_1208 = arith.maxsi %max3A_1207, %sub3A_1197 : vector<16xi32>
      %min3A_1209 = vector.broadcast %jit3A_1206 : i32 to vector<16xi32>
      %min3A_1210 = arith.minsi %min3A_1209, %max3A_1208 : vector<16xi32>
      %add3A_1211 = arith.constant 64 : i32
      %add3A_1212 = vector.broadcast %add3A_1211 : i32 to vector<16xi32>
      %add3A_1213 = arith.addi %iota3A, %add3A_1212 : vector<16xi32>
      %gather3A_1214 = tpu.vector_load_idx %arg8[%min3A_1210, %add3A_1213] masked %and3A_1204 : memref<200x128xf32, #tpu.memory_space<vmem>>[vector<16xi32>, vector<16xi32>], vector<16xf32>, vector<16xi1>
      %select_n3A_1215 = arith.select %and3A_1204, %gather3A_1214, %select_n3A_1075 : vector<16xi1>, vector<16xf32>
      %broadcast_in_dim3A_1216 = arith.constant -1.000000e+10 : f32
      %broadcast_in_dim3A_1217 = vector.broadcast %broadcast_in_dim3A_1216 : f32 to vector<16xf32>
      tpu.vector_store_idx %arg8[%min3A_1210, %add3A_1213], %broadcast_in_dim3A_1217 masked %and3A_1204 : memref<200x128xf32, #tpu.memory_space<vmem>>[vector<16xi32>, vector<16xi32>], vector<16xf32>, vector<16xi1>
      %get3A_1218 = arith.constant 80 : index
      %get3A_1219 = tpu.vector_load %arg9[%get3A_1218] {strides = array<i32>} : memref<128xi32, #tpu.memory_space<vmem>>, vector<16xi32>,
      %sub3A_1220 = vector.broadcast %mul3A_1097 : i32 to vector<16xi32>
      %sub3A_1221 = arith.subi %get3A_1219, %sub3A_1220 : vector<16xi32>
      %ge3A_1222 = arith.constant 0 : i32
      %ge3A_1223 = vector.broadcast %ge3A_1222 : i32 to vector<16xi32>
      %ge3A_1224 = arith.cmpi sge, %sub3A_1221, %ge3A_1223 : vector<16xi32>
      %lt3A_1225 = arith.constant 200 : i32
      %lt3A_1226 = vector.broadcast %lt3A_1225 : i32 to vector<16xi32>
      %lt3A_1227 = arith.cmpi slt, %sub3A_1221, %lt3A_1226 : vector<16xi32>
      %and3A_1228 = arith.andi %ge3A_1224, %lt3A_1227 : vector<16xi1>
      %jit3A_1229 = arith.constant 0 : i32
      %jit3A_1230 = arith.constant 199 : i32
      %max3A_1231 = vector.broadcast %jit3A_1229 : i32 to vector<16xi32>
      %max3A_1232 = arith.maxsi %max3A_1231, %sub3A_1221 : vector<16xi32>
      %min3A_1233 = vector.broadcast %jit3A_1230 : i32 to vector<16xi32>
      %min3A_1234 = arith.minsi %min3A_1233, %max3A_1232 : vector<16xi32>
      %add3A_1235 = arith.constant 80 : i32
      %add3A_1236 = vector.broadcast %add3A_1235 : i32 to vector<16xi32>
      %add3A_1237 = arith.addi %iota3A, %add3A_1236 : vector<16xi32>
      %gather3A_1238 = tpu.vector_load_idx %arg8[%min3A_1234, %add3A_1237] masked %and3A_1228 : memref<200x128xf32, #tpu.memory_space<vmem>>[vector<16xi32>, vector<16xi32>], vector<16xf32>, vector<16xi1>
      %select_n3A_1239 = arith.select %and3A_1228, %gather3A_1238, %select_n3A_1076 : vector<16xi1>, vector<16xf32>
      %broadcast_in_dim3A_1240 = arith.constant -1.000000e+10 : f32
      %broadcast_in_dim3A_1241 = vector.broadcast %broadcast_in_dim3A_1240 : f32 to vector<16xf32>
      tpu.vector_store_idx %arg8[%min3A_1234, %add3A_1237], %broadcast_in_dim3A_1241 masked %and3A_1228 : memref<200x128xf32, #tpu.memory_space<vmem>>[vector<16xi32>, vector<16xi32>], vector<16xf32>, vector<16xi1>
      %get3A_1242 = arith.constant 96 : index
      %get3A_1243 = tpu.vector_load %arg9[%get3A_1242] {strides = array<i32>} : memref<128xi32, #tpu.memory_space<vmem>>, vector<16xi32>,
      %sub3A_1244 = vector.broadcast %mul3A_1097 : i32 to vector<16xi32>
      %sub3A_1245 = arith.subi %get3A_1243, %sub3A_1244 : vector<16xi32>
      %ge3A_1246 = arith.constant 0 : i32
      %ge3A_1247 = vector.broadcast %ge3A_1246 : i32 to vector<16xi32>
      %ge3A_1248 = arith.cmpi sge, %sub3A_1245, %ge3A_1247 : vector<16xi32>
      %lt3A_1249 = arith.constant 200 : i32
      %lt3A_1250 = vector.broadcast %lt3A_1249 : i32 to vector<16xi32>
      %lt3A_1251 = arith.cmpi slt, %sub3A_1245, %lt3A_1250 : vector<16xi32>
      %and3A_1252 = arith.andi %ge3A_1248, %lt3A_1251 : vector<16xi1>
      %jit3A_1253 = arith.constant 0 : i32
      %jit3A_1254 = arith.constant 199 : i32
      %max3A_1255 = vector.broadcast %jit3A_1253 : i32 to vector<16xi32>
      %max3A_1256 = arith.maxsi %max3A_1255, %sub3A_1245 : vector<16xi32>
      %min3A_1257 = vector.broadcast %jit3A_1254 : i32 to vector<16xi32>
      %min3A_1258 = arith.minsi %min3A_1257, %max3A_1256 : vector<16xi32>
      %add3A_1259 = arith.constant 96 : i32
      %add3A_1260 = vector.broadcast %add3A_1259 : i32 to vector<16xi32>
      %add3A_1261 = arith.addi %iota3A, %add3A_1260 : vector<16xi32>
      %gather3A_1262 = tpu.vector_load_idx %arg8[%min3A_1258, %add3A_1261] masked %and3A_1252 : memref<200x128xf32, #tpu.memory_space<vmem>>[vector<16xi32>, vector<16xi32>], vector<16xf32>, vector<16xi1>
      %select_n3A_1263 = arith.select %and3A_1252, %gather3A_1262, %select_n3A_1077 : vector<16xi1>, vector<16xf32>
      %broadcast_in_dim3A_1264 = arith.constant -1.000000e+10 : f32
      %broadcast_in_dim3A_1265 = vector.broadcast %broadcast_in_dim3A_1264 : f32 to vector<16xf32>
      tpu.vector_store_idx %arg8[%min3A_1258, %add3A_1261], %broadcast_in_dim3A_1265 masked %and3A_1252 : memref<200x128xf32, #tpu.memory_space<vmem>>[vector<16xi32>, vector<16xi32>], vector<16xf32>, vector<16xi1>
      %get3A_1266 = arith.constant 112 : index
      %get3A_1267 = tpu.vector_load %arg9[%get3A_1266] {strides = array<i32>} : memref<128xi32, #tpu.memory_space<vmem>>, vector<16xi32>,
      %sub3A_1268 = vector.broadcast %mul3A_1097 : i32 to vector<16xi32>
      %sub3A_1269 = arith.subi %get3A_1267, %sub3A_1268 : vector<16xi32>
      %ge3A_1270 = arith.constant 0 : i32
      %ge3A_1271 = vector.broadcast %ge3A_1270 : i32 to vector<16xi32>
      %ge3A_1272 = arith.cmpi sge, %sub3A_1269, %ge3A_1271 : vector<16xi32>
      %lt3A_1273 = arith.constant 200 : i32
      %lt3A_1274 = vector.broadcast %lt3A_1273 : i32 to vector<16xi32>
      %lt3A_1275 = arith.cmpi slt, %sub3A_1269, %lt3A_1274 : vector<16xi32>
      %and3A_1276 = arith.andi %ge3A_1272, %lt3A_1275 : vector<16xi1>
      %jit3A_1277 = arith.constant 0 : i32
      %jit3A_1278 = arith.constant 199 : i32
      %max3A_1279 = vector.broadcast %jit3A_1277 : i32 to vector<16xi32>
      %max3A_1280 = arith.maxsi %max3A_1279, %sub3A_1269 : vector<16xi32>
      %min3A_1281 = vector.broadcast %jit3A_1278 : i32 to vector<16xi32>
      %min3A_1282 = arith.minsi %min3A_1281, %max3A_1280 : vector<16xi32>
      %add3A_1283 = arith.constant 112 : i32
      %add3A_1284 = vector.broadcast %add3A_1283 : i32 to vector<16xi32>
      %add3A_1285 = arith.addi %iota3A, %add3A_1284 : vector<16xi32>
      %gather3A_1286 = tpu.vector_load_idx %arg8[%min3A_1282, %add3A_1285] masked %and3A_1276 : memref<200x128xf32, #tpu.memory_space<vmem>>[vector<16xi32>, vector<16xi32>], vector<16xf32>, vector<16xi1>
      %select_n3A_1287 = arith.select %and3A_1276, %gather3A_1286, %select_n3A_1078 : vector<16xi1>, vector<16xf32>
      %broadcast_in_dim3A_1288 = arith.constant -1.000000e+10 : f32
      %broadcast_in_dim3A_1289 = vector.broadcast %broadcast_in_dim3A_1288 : f32 to vector<16xf32>
      tpu.vector_store_idx %arg8[%min3A_1282, %add3A_1285], %broadcast_in_dim3A_1289 masked %and3A_1276 : memref<200x128xf32, #tpu.memory_space<vmem>>[vector<16xi32>, vector<16xi32>], vector<16xf32>, vector<16xi1>
      %scan3A_1290 = arith.constant 0 : i32
      %scan3A_1291 = arith.constant 25 : i32
      %scan3A_1292 = arith.addi %scan3A_1290, %scan3A_1291 : i32
      %scan3A_1293 = arith.constant 1 : i32
      %scan3A_1294:8 = scf.for %scan3A_1438 = %scan3A_1290 to %scan3A_1292 step %scan3A_1293 iter_args(%scan3A_1439 = %select_n3A_1063, %scan3A_1440 = %select_n3A_1064, %scan3A_1441 = %select_n3A_1065, %scan3A_1442 = %select_n3A_1066, %scan3A_1443 = %select_n3A_1067, %scan3A_1444 = %select_n3A_1068, %scan3A_1445 = %select_n3A_1069, %scan3A_1446 = %select_n3A_1070) -> (vector<16xf32>, vector<16xf32>, vector<16xf32>, vector<16xf32>, vector<16xf32>, vector<16xf32>, vector<16xf32>, vector<16xf32>)  : i32 {
        %mul3A_1447 = arith.constant 8 : i32
        %mul3A_1448 = arith.muli %scan3A_1438, %mul3A_1447 : i32
        %add3A_1449 = arith.constant 0 : i32
        %add3A_1450 = arith.addi %mul3A_1448, %add3A_1449 : i32
        %get3A_1451 = arith.index_cast %add3A_1450 : i32 to index
        %get3A_1452 = arith.constant 0 : index
        %get3A_1453 = tpu.vector_load %arg8[%get3A_1451, %get3A_1452] {strides = array<i32>} : memref<200x128xf32, #tpu.memory_space<vmem>>, vector<16xf32>,
        %max3A_1454 = arith.maximumf %scan3A_1439, %get3A_1453 : vector<16xf32>
        %get3A_1455 = arith.index_cast %add3A_1450 : i32 to index
        %get3A_1456 = arith.constant 16 : index
        %get3A_1457 = tpu.vector_load %arg8[%get3A_1455, %get3A_1456] {strides = array<i32>} : memref<200x128xf32, #tpu.memory_space<vmem>>, vector<16xf32>,
        %max3A_1458 = arith.maximumf %scan3A_1440, %get3A_1457 : vector<16xf32>
        %get3A_1459 = arith.index_cast %add3A_1450 : i32 to index
        %get3A_1460 = arith.constant 32 : index
        %get3A_1461 = tpu.vector_load %arg8[%get3A_1459, %get3A_1460] {strides = array<i32>} : memref<200x128xf32, #tpu.memory_space<vmem>>, vector<16xf32>,
        %max3A_1462 = arith.maximumf %scan3A_1441, %get3A_1461 : vector<16xf32>
        %get3A_1463 = arith.index_cast %add3A_1450 : i32 to index
        %get3A_1464 = arith.constant 48 : index
        %get3A_1465 = tpu.vector_load %arg8[%get3A_1463, %get3A_1464] {strides = array<i32>} : memref<200x128xf32, #tpu.memory_space<vmem>>, vector<16xf32>,
        %max3A_1466 = arith.maximumf %scan3A_1442, %get3A_1465 : vector<16xf32>
        %get3A_1467 = arith.index_cast %add3A_1450 : i32 to index
        %get3A_1468 = arith.constant 64 : index
        %get3A_1469 = tpu.vector_load %arg8[%get3A_1467, %get3A_1468] {strides = array<i32>} : memref<200x128xf32, #tpu.memory_space<vmem>>, vector<16xf32>,
        %max3A_1470 = arith.maximumf %scan3A_1443, %get3A_1469 : vector<16xf32>
        %get3A_1471 = arith.index_cast %add3A_1450 : i32 to index
        %get3A_1472 = arith.constant 80 : index
        %get3A_1473 = tpu.vector_load %arg8[%get3A_1471, %get3A_1472] {strides = array<i32>} : memref<200x128xf32, #tpu.memory_space<vmem>>, vector<16xf32>,
        %max3A_1474 = arith.maximumf %scan3A_1444, %get3A_1473 : vector<16xf32>
        %get3A_1475 = arith.index_cast %add3A_1450 : i32 to index
        %get3A_1476 = arith.constant 96 : index
        %get3A_1477 = tpu.vector_load %arg8[%get3A_1475, %get3A_1476] {strides = array<i32>} : memref<200x128xf32, #tpu.memory_space<vmem>>, vector<16xf32>,
        %max3A_1478 = arith.maximumf %scan3A_1445, %get3A_1477 : vector<16xf32>
        %get3A_1479 = arith.index_cast %add3A_1450 : i32 to index
        %get3A_1480 = arith.constant 112 : index
        %get3A_1481 = tpu.vector_load %arg8[%get3A_1479, %get3A_1480] {strides = array<i32>} : memref<200x128xf32, #tpu.memory_space<vmem>>, vector<16xf32>,
        %max3A_1482 = arith.maximumf %scan3A_1446, %get3A_1481 : vector<16xf32>
        %mul3A_1483 = arith.constant 8 : i32
        %mul3A_1484 = arith.muli %scan3A_1438, %mul3A_1483 : i32
        %add3A_1485 = arith.constant 1 : i32
        %add3A_1486 = arith.addi %mul3A_1484, %add3A_1485 : i32
        %get3A_1487 = arith.index_cast %add3A_1486 : i32 to index
        %get3A_1488 = arith.constant 0 : index
        %get3A_1489 = tpu.vector_load %arg8[%get3A_1487, %get3A_1488] {strides = array<i32>} : memref<200x128xf32, #tpu.memory_space<vmem>>, vector<16xf32>,
        %max3A_1490 = arith.maximumf %max3A_1454, %get3A_1489 : vector<16xf32>
        %get3A_1491 = arith.index_cast %add3A_1486 : i32 to index
        %get3A_1492 = arith.constant 16 : index
        %get3A_1493 = tpu.vector_load %arg8[%get3A_1491, %get3A_1492] {strides = array<i32>} : memref<200x128xf32, #tpu.memory_space<vmem>>, vector<16xf32>,
        %max3A_1494 = arith.maximumf %max3A_1458, %get3A_1493 : vector<16xf32>
        %get3A_1495 = arith.index_cast %add3A_1486 : i32 to index
        %get3A_1496 = arith.constant 32 : index
        %get3A_1497 = tpu.vector_load %arg8[%get3A_1495, %get3A_1496] {strides = array<i32>} : memref<200x128xf32, #tpu.memory_space<vmem>>, vector<16xf32>,
        %max3A_1498 = arith.maximumf %max3A_1462, %get3A_1497 : vector<16xf32>
        %get3A_1499 = arith.index_cast %add3A_1486 : i32 to index
        %get3A_1500 = arith.constant 48 : index
        %get3A_1501 = tpu.vector_load %arg8[%get3A_1499, %get3A_1500] {strides = array<i32>} : memref<200x128xf32, #tpu.memory_space<vmem>>, vector<16xf32>,
        %max3A_1502 = arith.maximumf %max3A_1466, %get3A_1501 : vector<16xf32>
        %get3A_1503 = arith.index_cast %add3A_1486 : i32 to index
        %get3A_1504 = arith.constant 64 : index
        %get3A_1505 = tpu.vector_load %arg8[%get3A_1503, %get3A_1504] {strides = array<i32>} : memref<200x128xf32, #tpu.memory_space<vmem>>, vector<16xf32>,
        %max3A_1506 = arith.maximumf %max3A_1470, %get3A_1505 : vector<16xf32>
        %get3A_1507 = arith.index_cast %add3A_1486 : i32 to index
        %get3A_1508 = arith.constant 80 : index
        %get3A_1509 = tpu.vector_load %arg8[%get3A_1507, %get3A_1508] {strides = array<i32>} : memref<200x128xf32, #tpu.memory_space<vmem>>, vector<16xf32>,
        %max3A_1510 = arith.maximumf %max3A_1474, %get3A_1509 : vector<16xf32>
        %get3A_1511 = arith.index_cast %add3A_1486 : i32 to index
        %get3A_1512 = arith.constant 96 : index
        %get3A_1513 = tpu.vector_load %arg8[%get3A_1511, %get3A_1512] {strides = array<i32>} : memref<200x128xf32, #tpu.memory_space<vmem>>, vector<16xf32>,
        %max3A_1514 = arith.maximumf %max3A_1478, %get3A_1513 : vector<16xf32>
        %get3A_1515 = arith.index_cast %add3A_1486 : i32 to index
        %get3A_1516 = arith.constant 112 : index
        %get3A_1517 = tpu.vector_load %arg8[%get3A_1515, %get3A_1516] {strides = array<i32>} : memref<200x128xf32, #tpu.memory_space<vmem>>, vector<16xf32>,
        %max3A_1518 = arith.maximumf %max3A_1482, %get3A_1517 : vector<16xf32>
        %mul3A_1519 = arith.constant 8 : i32
        %mul3A_1520 = arith.muli %scan3A_1438, %mul3A_1519 : i32
        %add3A_1521 = arith.constant 2 : i32
        %add3A_1522 = arith.addi %mul3A_1520, %add3A_1521 : i32
        %get3A_1523 = arith.index_cast %add3A_1522 : i32 to index
        %get3A_1524 = arith.constant 0 : index
        %get3A_1525 = tpu.vector_load %arg8[%get3A_1523, %get3A_1524] {strides = array<i32>} : memref<200x128xf32, #tpu.memory_space<vmem>>, vector<16xf32>,
        %max3A_1526 = arith.maximumf %max3A_1490, %get3A_1525 : vector<16xf32>
        %get3A_1527 = arith.index_cast %add3A_1522 : i32 to index
        %get3A_1528 = arith.constant 16 : index
        %get3A_1529 = tpu.vector_load %arg8[%get3A_1527, %get3A_1528] {strides = array<i32>} : memref<200x128xf32, #tpu.memory_space<vmem>>, vector<16xf32>,
        %max3A_1530 = arith.maximumf %max3A_1494, %get3A_1529 : vector<16xf32>
        %get3A_1531 = arith.index_cast %add3A_1522 : i32 to index
        %get3A_1532 = arith.constant 32 : index
        %get3A_1533 = tpu.vector_load %arg8[%get3A_1531, %get3A_1532] {strides = array<i32>} : memref<200x128xf32, #tpu.memory_space<vmem>>, vector<16xf32>,
        %max3A_1534 = arith.maximumf %max3A_1498, %get3A_1533 : vector<16xf32>
        %get3A_1535 = arith.index_cast %add3A_1522 : i32 to index
        %get3A_1536 = arith.constant 48 : index
        %get3A_1537 = tpu.vector_load %arg8[%get3A_1535, %get3A_1536] {strides = array<i32>} : memref<200x128xf32, #tpu.memory_space<vmem>>, vector<16xf32>,
        %max3A_1538 = arith.maximumf %max3A_1502, %get3A_1537 : vector<16xf32>
        %get3A_1539 = arith.index_cast %add3A_1522 : i32 to index
        %get3A_1540 = arith.constant 64 : index
        %get3A_1541 = tpu.vector_load %arg8[%get3A_1539, %get3A_1540] {strides = array<i32>} : memref<200x128xf32, #tpu.memory_space<vmem>>, vector<16xf32>,
        %max3A_1542 = arith.maximumf %max3A_1506, %get3A_1541 : vector<16xf32>
        %get3A_1543 = arith.index_cast %add3A_1522 : i32 to index
        %get3A_1544 = arith.constant 80 : index
        %get3A_1545 = tpu.vector_load %arg8[%get3A_1543, %get3A_1544] {strides = array<i32>} : memref<200x128xf32, #tpu.memory_space<vmem>>, vector<16xf32>,
        %max3A_1546 = arith.maximumf %max3A_1510, %get3A_1545 : vector<16xf32>
        %get3A_1547 = arith.index_cast %add3A_1522 : i32 to index
        %get3A_1548 = arith.constant 96 : index
        %get3A_1549 = tpu.vector_load %arg8[%get3A_1547, %get3A_1548] {strides = array<i32>} : memref<200x128xf32, #tpu.memory_space<vmem>>, vector<16xf32>,
        %max3A_1550 = arith.maximumf %max3A_1514, %get3A_1549 : vector<16xf32>
        %get3A_1551 = arith.index_cast %add3A_1522 : i32 to index
        %get3A_1552 = arith.constant 112 : index
        %get3A_1553 = tpu.vector_load %arg8[%get3A_1551, %get3A_1552] {strides = array<i32>} : memref<200x128xf32, #tpu.memory_space<vmem>>, vector<16xf32>,
        %max3A_1554 = arith.maximumf %max3A_1518, %get3A_1553 : vector<16xf32>
        %mul3A_1555 = arith.constant 8 : i32
        %mul3A_1556 = arith.muli %scan3A_1438, %mul3A_1555 : i32
        %add3A_1557 = arith.constant 3 : i32
        %add3A_1558 = arith.addi %mul3A_1556, %add3A_1557 : i32
        %get3A_1559 = arith.index_cast %add3A_1558 : i32 to index
        %get3A_1560 = arith.constant 0 : index
        %get3A_1561 = tpu.vector_load %arg8[%get3A_1559, %get3A_1560] {strides = array<i32>} : memref<200x128xf32, #tpu.memory_space<vmem>>, vector<16xf32>,
        %max3A_1562 = arith.maximumf %max3A_1526, %get3A_1561 : vector<16xf32>
        %get3A_1563 = arith.index_cast %add3A_1558 : i32 to index
        %get3A_1564 = arith.constant 16 : index
        %get3A_1565 = tpu.vector_load %arg8[%get3A_1563, %get3A_1564] {strides = array<i32>} : memref<200x128xf32, #tpu.memory_space<vmem>>, vector<16xf32>,
        %max3A_1566 = arith.maximumf %max3A_1530, %get3A_1565 : vector<16xf32>
        %get3A_1567 = arith.index_cast %add3A_1558 : i32 to index
        %get3A_1568 = arith.constant 32 : index
        %get3A_1569 = tpu.vector_load %arg8[%get3A_1567, %get3A_1568] {strides = array<i32>} : memref<200x128xf32, #tpu.memory_space<vmem>>, vector<16xf32>,
        %max3A_1570 = arith.maximumf %max3A_1534, %get3A_1569 : vector<16xf32>
        %get3A_1571 = arith.index_cast %add3A_1558 : i32 to index
        %get3A_1572 = arith.constant 48 : index
        %get3A_1573 = tpu.vector_load %arg8[%get3A_1571, %get3A_1572] {strides = array<i32>} : memref<200x128xf32, #tpu.memory_space<vmem>>, vector<16xf32>,
        %max3A_1574 = arith.maximumf %max3A_1538, %get3A_1573 : vector<16xf32>
        %get3A_1575 = arith.index_cast %add3A_1558 : i32 to index
        %get3A_1576 = arith.constant 64 : index
        %get3A_1577 = tpu.vector_load %arg8[%get3A_1575, %get3A_1576] {strides = array<i32>} : memref<200x128xf32, #tpu.memory_space<vmem>>, vector<16xf32>,
        %max3A_1578 = arith.maximumf %max3A_1542, %get3A_1577 : vector<16xf32>
        %get3A_1579 = arith.index_cast %add3A_1558 : i32 to index
        %get3A_1580 = arith.constant 80 : index
        %get3A_1581 = tpu.vector_load %arg8[%get3A_1579, %get3A_1580] {strides = array<i32>} : memref<200x128xf32, #tpu.memory_space<vmem>>, vector<16xf32>,
        %max3A_1582 = arith.maximumf %max3A_1546, %get3A_1581 : vector<16xf32>
        %get3A_1583 = arith.index_cast %add3A_1558 : i32 to index
        %get3A_1584 = arith.constant 96 : index
        %get3A_1585 = tpu.vector_load %arg8[%get3A_1583, %get3A_1584] {strides = array<i32>} : memref<200x128xf32, #tpu.memory_space<vmem>>, vector<16xf32>,
        %max3A_1586 = arith.maximumf %max3A_1550, %get3A_1585 : vector<16xf32>
        %get3A_1587 = arith.index_cast %add3A_1558 : i32 to index
        %get3A_1588 = arith.constant 112 : index
        %get3A_1589 = tpu.vector_load %arg8[%get3A_1587, %get3A_1588] {strides = array<i32>} : memref<200x128xf32, #tpu.memory_space<vmem>>, vector<16xf32>,
        %max3A_1590 = arith.maximumf %max3A_1554, %get3A_1589 : vector<16xf32>
        %mul3A_1591 = arith.constant 8 : i32
        %mul3A_1592 = arith.muli %scan3A_1438, %mul3A_1591 : i32
        %add3A_1593 = arith.constant 4 : i32
        %add3A_1594 = arith.addi %mul3A_1592, %add3A_1593 : i32
        %get3A_1595 = arith.index_cast %add3A_1594 : i32 to index
        %get3A_1596 = arith.constant 0 : index
        %get3A_1597 = tpu.vector_load %arg8[%get3A_1595, %get3A_1596] {strides = array<i32>} : memref<200x128xf32, #tpu.memory_space<vmem>>, vector<16xf32>,
        %max3A_1598 = arith.maximumf %max3A_1562, %get3A_1597 : vector<16xf32>
        %get3A_1599 = arith.index_cast %add3A_1594 : i32 to index
        %get3A_1600 = arith.constant 16 : index
        %get3A_1601 = tpu.vector_load %arg8[%get3A_1599, %get3A_1600] {strides = array<i32>} : memref<200x128xf32, #tpu.memory_space<vmem>>, vector<16xf32>,
        %max3A_1602 = arith.maximumf %max3A_1566, %get3A_1601 : vector<16xf32>
        %get3A_1603 = arith.index_cast %add3A_1594 : i32 to index
        %get3A_1604 = arith.constant 32 : index
        %get3A_1605 = tpu.vector_load %arg8[%get3A_1603, %get3A_1604] {strides = array<i32>} : memref<200x128xf32, #tpu.memory_space<vmem>>, vector<16xf32>,
        %max3A_1606 = arith.maximumf %max3A_1570, %get3A_1605 : vector<16xf32>
        %get3A_1607 = arith.index_cast %add3A_1594 : i32 to index
        %get3A_1608 = arith.constant 48 : index
        %get3A_1609 = tpu.vector_load %arg8[%get3A_1607, %get3A_1608] {strides = array<i32>} : memref<200x128xf32, #tpu.memory_space<vmem>>, vector<16xf32>,
        %max3A_1610 = arith.maximumf %max3A_1574, %get3A_1609 : vector<16xf32>
        %get3A_1611 = arith.index_cast %add3A_1594 : i32 to index
        %get3A_1612 = arith.constant 64 : index
        %get3A_1613 = tpu.vector_load %arg8[%get3A_1611, %get3A_1612] {strides = array<i32>} : memref<200x128xf32, #tpu.memory_space<vmem>>, vector<16xf32>,
        %max3A_1614 = arith.maximumf %max3A_1578, %get3A_1613 : vector<16xf32>
        %get3A_1615 = arith.index_cast %add3A_1594 : i32 to index
        %get3A_1616 = arith.constant 80 : index
        %get3A_1617 = tpu.vector_load %arg8[%get3A_1615, %get3A_1616] {strides = array<i32>} : memref<200x128xf32, #tpu.memory_space<vmem>>, vector<16xf32>,
        %max3A_1618 = arith.maximumf %max3A_1582, %get3A_1617 : vector<16xf32>
        %get3A_1619 = arith.index_cast %add3A_1594 : i32 to index
        %get3A_1620 = arith.constant 96 : index
        %get3A_1621 = tpu.vector_load %arg8[%get3A_1619, %get3A_1620] {strides = array<i32>} : memref<200x128xf32, #tpu.memory_space<vmem>>, vector<16xf32>,
        %max3A_1622 = arith.maximumf %max3A_1586, %get3A_1621 : vector<16xf32>
        %get3A_1623 = arith.index_cast %add3A_1594 : i32 to index
        %get3A_1624 = arith.constant 112 : index
        %get3A_1625 = tpu.vector_load %arg8[%get3A_1623, %get3A_1624] {strides = array<i32>} : memref<200x128xf32, #tpu.memory_space<vmem>>, vector<16xf32>,
        %max3A_1626 = arith.maximumf %max3A_1590, %get3A_1625 : vector<16xf32>
        %mul3A_1627 = arith.constant 8 : i32
        %mul3A_1628 = arith.muli %scan3A_1438, %mul3A_1627 : i32
        %add3A_1629 = arith.constant 5 : i32
        %add3A_1630 = arith.addi %mul3A_1628, %add3A_1629 : i32
        %get3A_1631 = arith.index_cast %add3A_1630 : i32 to index
        %get3A_1632 = arith.constant 0 : index
        %get3A_1633 = tpu.vector_load %arg8[%get3A_1631, %get3A_1632] {strides = array<i32>} : memref<200x128xf32, #tpu.memory_space<vmem>>, vector<16xf32>,
        %max3A_1634 = arith.maximumf %max3A_1598, %get3A_1633 : vector<16xf32>
        %get3A_1635 = arith.index_cast %add3A_1630 : i32 to index
        %get3A_1636 = arith.constant 16 : index
        %get3A_1637 = tpu.vector_load %arg8[%get3A_1635, %get3A_1636] {strides = array<i32>} : memref<200x128xf32, #tpu.memory_space<vmem>>, vector<16xf32>,
        %max3A_1638 = arith.maximumf %max3A_1602, %get3A_1637 : vector<16xf32>
        %get3A_1639 = arith.index_cast %add3A_1630 : i32 to index
        %get3A_1640 = arith.constant 32 : index
        %get3A_1641 = tpu.vector_load %arg8[%get3A_1639, %get3A_1640] {strides = array<i32>} : memref<200x128xf32, #tpu.memory_space<vmem>>, vector<16xf32>,
        %max3A_1642 = arith.maximumf %max3A_1606, %get3A_1641 : vector<16xf32>
        %get3A_1643 = arith.index_cast %add3A_1630 : i32 to index
        %get3A_1644 = arith.constant 48 : index
        %get3A_1645 = tpu.vector_load %arg8[%get3A_1643, %get3A_1644] {strides = array<i32>} : memref<200x128xf32, #tpu.memory_space<vmem>>, vector<16xf32>,
        %max3A_1646 = arith.maximumf %max3A_1610, %get3A_1645 : vector<16xf32>
        %get3A_1647 = arith.index_cast %add3A_1630 : i32 to index
        %get3A_1648 = arith.constant 64 : index
        %get3A_1649 = tpu.vector_load %arg8[%get3A_1647, %get3A_1648] {strides = array<i32>} : memref<200x128xf32, #tpu.memory_space<vmem>>, vector<16xf32>,
        %max3A_1650 = arith.maximumf %max3A_1614, %get3A_1649 : vector<16xf32>
        %get3A_1651 = arith.index_cast %add3A_1630 : i32 to index
        %get3A_1652 = arith.constant 80 : index
        %get3A_1653 = tpu.vector_load %arg8[%get3A_1651, %get3A_1652] {strides = array<i32>} : memref<200x128xf32, #tpu.memory_space<vmem>>, vector<16xf32>,
        %max3A_1654 = arith.maximumf %max3A_1618, %get3A_1653 : vector<16xf32>
        %get3A_1655 = arith.index_cast %add3A_1630 : i32 to index
        %get3A_1656 = arith.constant 96 : index
        %get3A_1657 = tpu.vector_load %arg8[%get3A_1655, %get3A_1656] {strides = array<i32>} : memref<200x128xf32, #tpu.memory_space<vmem>>, vector<16xf32>,
        %max3A_1658 = arith.maximumf %max3A_1622, %get3A_1657 : vector<16xf32>
        %get3A_1659 = arith.index_cast %add3A_1630 : i32 to index
        %get3A_1660 = arith.constant 112 : index
        %get3A_1661 = tpu.vector_load %arg8[%get3A_1659, %get3A_1660] {strides = array<i32>} : memref<200x128xf32, #tpu.memory_space<vmem>>, vector<16xf32>,
        %max3A_1662 = arith.maximumf %max3A_1626, %get3A_1661 : vector<16xf32>
        %mul3A_1663 = arith.constant 8 : i32
        %mul3A_1664 = arith.muli %scan3A_1438, %mul3A_1663 : i32
        %add3A_1665 = arith.constant 6 : i32
        %add3A_1666 = arith.addi %mul3A_1664, %add3A_1665 : i32
        %get3A_1667 = arith.index_cast %add3A_1666 : i32 to index
        %get3A_1668 = arith.constant 0 : index
        %get3A_1669 = tpu.vector_load %arg8[%get3A_1667, %get3A_1668] {strides = array<i32>} : memref<200x128xf32, #tpu.memory_space<vmem>>, vector<16xf32>,
        %max3A_1670 = arith.maximumf %max3A_1634, %get3A_1669 : vector<16xf32>
        %get3A_1671 = arith.index_cast %add3A_1666 : i32 to index
        %get3A_1672 = arith.constant 16 : index
        %get3A_1673 = tpu.vector_load %arg8[%get3A_1671, %get3A_1672] {strides = array<i32>} : memref<200x128xf32, #tpu.memory_space<vmem>>, vector<16xf32>,
        %max3A_1674 = arith.maximumf %max3A_1638, %get3A_1673 : vector<16xf32>
        %get3A_1675 = arith.index_cast %add3A_1666 : i32 to index
        %get3A_1676 = arith.constant 32 : index
        %get3A_1677 = tpu.vector_load %arg8[%get3A_1675, %get3A_1676] {strides = array<i32>} : memref<200x128xf32, #tpu.memory_space<vmem>>, vector<16xf32>,
        %max3A_1678 = arith.maximumf %max3A_1642, %get3A_1677 : vector<16xf32>
        %get3A_1679 = arith.index_cast %add3A_1666 : i32 to index
        %get3A_1680 = arith.constant 48 : index
        %get3A_1681 = tpu.vector_load %arg8[%get3A_1679, %get3A_1680] {strides = array<i32>} : memref<200x128xf32, #tpu.memory_space<vmem>>, vector<16xf32>,
        %max3A_1682 = arith.maximumf %max3A_1646, %get3A_1681 : vector<16xf32>
        %get3A_1683 = arith.index_cast %add3A_1666 : i32 to index
        %get3A_1684 = arith.constant 64 : index
        %get3A_1685 = tpu.vector_load %arg8[%get3A_1683, %get3A_1684] {strides = array<i32>} : memref<200x128xf32, #tpu.memory_space<vmem>>, vector<16xf32>,
        %max3A_1686 = arith.maximumf %max3A_1650, %get3A_1685 : vector<16xf32>
        %get3A_1687 = arith.index_cast %add3A_1666 : i32 to index
        %get3A_1688 = arith.constant 80 : index
        %get3A_1689 = tpu.vector_load %arg8[%get3A_1687, %get3A_1688] {strides = array<i32>} : memref<200x128xf32, #tpu.memory_space<vmem>>, vector<16xf32>,
        %max3A_1690 = arith.maximumf %max3A_1654, %get3A_1689 : vector<16xf32>
        %get3A_1691 = arith.index_cast %add3A_1666 : i32 to index
        %get3A_1692 = arith.constant 96 : index
        %get3A_1693 = tpu.vector_load %arg8[%get3A_1691, %get3A_1692] {strides = array<i32>} : memref<200x128xf32, #tpu.memory_space<vmem>>, vector<16xf32>,
        %max3A_1694 = arith.maximumf %max3A_1658, %get3A_1693 : vector<16xf32>
        %get3A_1695 = arith.index_cast %add3A_1666 : i32 to index
        %get3A_1696 = arith.constant 112 : index
        %get3A_1697 = tpu.vector_load %arg8[%get3A_1695, %get3A_1696] {strides = array<i32>} : memref<200x128xf32, #tpu.memory_space<vmem>>, vector<16xf32>,
        %max3A_1698 = arith.maximumf %max3A_1662, %get3A_1697 : vector<16xf32>
        %mul3A_1699 = arith.constant 8 : i32
        %mul3A_1700 = arith.muli %scan3A_1438, %mul3A_1699 : i32
        %add3A_1701 = arith.constant 7 : i32
        %add3A_1702 = arith.addi %mul3A_1700, %add3A_1701 : i32
        %get3A_1703 = arith.index_cast %add3A_1702 : i32 to index
        %get3A_1704 = arith.constant 0 : index
        %get3A_1705 = tpu.vector_load %arg8[%get3A_1703, %get3A_1704] {strides = array<i32>} : memref<200x128xf32, #tpu.memory_space<vmem>>, vector<16xf32>,
        %max3A_1706 = arith.maximumf %max3A_1670, %get3A_1705 : vector<16xf32>
        %get3A_1707 = arith.index_cast %add3A_1702 : i32 to index
        %get3A_1708 = arith.constant 16 : index
        %get3A_1709 = tpu.vector_load %arg8[%get3A_1707, %get3A_1708] {strides = array<i32>} : memref<200x128xf32, #tpu.memory_space<vmem>>, vector<16xf32>,
        %max3A_1710 = arith.maximumf %max3A_1674, %get3A_1709 : vector<16xf32>
        %get3A_1711 = arith.index_cast %add3A_1702 : i32 to index
        %get3A_1712 = arith.constant 32 : index
        %get3A_1713 = tpu.vector_load %arg8[%get3A_1711, %get3A_1712] {strides = array<i32>} : memref<200x128xf32, #tpu.memory_space<vmem>>, vector<16xf32>,
        %max3A_1714 = arith.maximumf %max3A_1678, %get3A_1713 : vector<16xf32>
        %get3A_1715 = arith.index_cast %add3A_1702 : i32 to index
        %get3A_1716 = arith.constant 48 : index
        %get3A_1717 = tpu.vector_load %arg8[%get3A_1715, %get3A_1716] {strides = array<i32>} : memref<200x128xf32, #tpu.memory_space<vmem>>, vector<16xf32>,
        %max3A_1718 = arith.maximumf %max3A_1682, %get3A_1717 : vector<16xf32>
        %get3A_1719 = arith.index_cast %add3A_1702 : i32 to index
        %get3A_1720 = arith.constant 64 : index
        %get3A_1721 = tpu.vector_load %arg8[%get3A_1719, %get3A_1720] {strides = array<i32>} : memref<200x128xf32, #tpu.memory_space<vmem>>, vector<16xf32>,
        %max3A_1722 = arith.maximumf %max3A_1686, %get3A_1721 : vector<16xf32>
        %get3A_1723 = arith.index_cast %add3A_1702 : i32 to index
        %get3A_1724 = arith.constant 80 : index
        %get3A_1725 = tpu.vector_load %arg8[%get3A_1723, %get3A_1724] {strides = array<i32>} : memref<200x128xf32, #tpu.memory_space<vmem>>, vector<16xf32>,
        %max3A_1726 = arith.maximumf %max3A_1690, %get3A_1725 : vector<16xf32>
        %get3A_1727 = arith.index_cast %add3A_1702 : i32 to index
        %get3A_1728 = arith.constant 96 : index
        %get3A_1729 = tpu.vector_load %arg8[%get3A_1727, %get3A_1728] {strides = array<i32>} : memref<200x128xf32, #tpu.memory_space<vmem>>, vector<16xf32>,
        %max3A_1730 = arith.maximumf %max3A_1694, %get3A_1729 : vector<16xf32>
        %get3A_1731 = arith.index_cast %add3A_1702 : i32 to index
        %get3A_1732 = arith.constant 112 : index
        %get3A_1733 = tpu.vector_load %arg8[%get3A_1731, %get3A_1732] {strides = array<i32>} : memref<200x128xf32, #tpu.memory_space<vmem>>, vector<16xf32>,
        %max3A_1734 = arith.maximumf %max3A_1698, %get3A_1733 : vector<16xf32>
        scf.yield %max3A_1706, %max3A_1710, %max3A_1714, %max3A_1718, %max3A_1722, %max3A_1726, %max3A_1730, %max3A_1734 : vector<16xf32>, vector<16xf32>, vector<16xf32>, vector<16xf32>, vector<16xf32>, vector<16xf32>, vector<16xf32>, vector<16xf32>
      }
      %scan3A_1295 = arith.constant 25 : i32
      %rem3A_1296 = arith.constant 5 : i32
      %rem3A_1297 = arith.remsi %add3A_1089, %rem3A_1296 : i32
      %eq3A_1298 = arith.constant 4 : i32
      %eq3A_1299 = arith.cmpi eq, %rem3A_1297, %eq3A_1298 : i32
      %broadcast_in_dim3A_1300 = vector.broadcast %eq3A_1299 : i1 to vector<16xi1>
      %sub3A_1301 = arith.constant 2.000000e+00 : f32
      %sub3A_1302 = vector.broadcast %sub3A_1301 : f32 to vector<16xf32>
      %sub3A_1303 = arith.subf %sub3A_1302, %select_n3A_1119 : vector<16xf32>
      %max3A_1304 = arith.constant 0.000000e+00 : f32
      %max3A_1305 = vector.broadcast %max3A_1304 : f32 to vector<16xf32>
      %max3A_1306 = arith.maximumf %sub3A_1303, %max3A_1305 : vector<16xf32>
      %add3A_1307 = arith.addf %broadcast_in_dim3A_5, %max3A_1306 : vector<16xf32>
      %add3A_1308 = arith.constant 1.000000e+00 : f32
      %add3A_1309 = vector.broadcast %add3A_1308 : f32 to vector<16xf32>
      %add3A_1310 = arith.addf %add3A_1309, %scan3A_1294#0 : vector<16xf32>
      %max3A_1311 = arith.constant 0.000000e+00 : f32
      %max3A_1312 = vector.broadcast %max3A_1311 : f32 to vector<16xf32>
      %max3A_1313 = arith.maximumf %add3A_1310, %max3A_1312 : vector<16xf32>
      %add3A_1314 = arith.addf %add3A_1307, %max3A_1313 : vector<16xf32>
      %sub3A_1315 = arith.constant 2.000000e+00 : f32
      %sub3A_1316 = vector.broadcast %sub3A_1315 : f32 to vector<16xf32>
      %sub3A_1317 = arith.subf %sub3A_1316, %select_n3A_1143 : vector<16xf32>
      %max3A_1318 = arith.constant 0.000000e+00 : f32
      %max3A_1319 = vector.broadcast %max3A_1318 : f32 to vector<16xf32>
      %max3A_1320 = arith.maximumf %sub3A_1317, %max3A_1319 : vector<16xf32>
      %add3A_1321 = arith.addf %add3A_1314, %max3A_1320 : vector<16xf32>
      %add3A_1322 = arith.constant 1.000000e+00 : f32
      %add3A_1323 = vector.broadcast %add3A_1322 : f32 to vector<16xf32>
      %add3A_1324 = arith.addf %add3A_1323, %scan3A_1294#1 : vector<16xf32>
      %max3A_1325 = arith.constant 0.000000e+00 : f32
      %max3A_1326 = vector.broadcast %max3A_1325 : f32 to vector<16xf32>
      %max3A_1327 = arith.maximumf %add3A_1324, %max3A_1326 : vector<16xf32>
      %add3A_1328 = arith.addf %add3A_1321, %max3A_1327 : vector<16xf32>
      %sub3A_1329 = arith.constant 2.000000e+00 : f32
      %sub3A_1330 = vector.broadcast %sub3A_1329 : f32 to vector<16xf32>
      %sub3A_1331 = arith.subf %sub3A_1330, %select_n3A_1167 : vector<16xf32>
      %max3A_1332 = arith.constant 0.000000e+00 : f32
      %max3A_1333 = vector.broadcast %max3A_1332 : f32 to vector<16xf32>
      %max3A_1334 = arith.maximumf %sub3A_1331, %max3A_1333 : vector<16xf32>
      %add3A_1335 = arith.addf %add3A_1328, %max3A_1334 : vector<16xf32>
      %add3A_1336 = arith.constant 1.000000e+00 : f32
      %add3A_1337 = vector.broadcast %add3A_1336 : f32 to vector<16xf32>
      %add3A_1338 = arith.addf %add3A_1337, %scan3A_1294#2 : vector<16xf32>
      %max3A_1339 = arith.constant 0.000000e+00 : f32
      %max3A_1340 = vector.broadcast %max3A_1339 : f32 to vector<16xf32>
      %max3A_1341 = arith.maximumf %add3A_1338, %max3A_1340 : vector<16xf32>
      %add3A_1342 = arith.addf %add3A_1335, %max3A_1341 : vector<16xf32>
      %sub3A_1343 = arith.constant 2.000000e+00 : f32
      %sub3A_1344 = vector.broadcast %sub3A_1343 : f32 to vector<16xf32>
      %sub3A_1345 = arith.subf %sub3A_1344, %select_n3A_1191 : vector<16xf32>
      %max3A_1346 = arith.constant 0.000000e+00 : f32
      %max3A_1347 = vector.broadcast %max3A_1346 : f32 to vector<16xf32>
      %max3A_1348 = arith.maximumf %sub3A_1345, %max3A_1347 : vector<16xf32>
      %add3A_1349 = arith.addf %add3A_1342, %max3A_1348 : vector<16xf32>
      %add3A_1350 = arith.constant 1.000000e+00 : f32
      %add3A_1351 = vector.broadcast %add3A_1350 : f32 to vector<16xf32>
      %add3A_1352 = arith.addf %add3A_1351, %scan3A_1294#3 : vector<16xf32>
      %max3A_1353 = arith.constant 0.000000e+00 : f32
      %max3A_1354 = vector.broadcast %max3A_1353 : f32 to vector<16xf32>
      %max3A_1355 = arith.maximumf %add3A_1352, %max3A_1354 : vector<16xf32>
      %add3A_1356 = arith.addf %add3A_1349, %max3A_1355 : vector<16xf32>
      %sub3A_1357 = arith.constant 2.000000e+00 : f32
      %sub3A_1358 = vector.broadcast %sub3A_1357 : f32 to vector<16xf32>
      %sub3A_1359 = arith.subf %sub3A_1358, %select_n3A_1215 : vector<16xf32>
      %max3A_1360 = arith.constant 0.000000e+00 : f32
      %max3A_1361 = vector.broadcast %max3A_1360 : f32 to vector<16xf32>
      %max3A_1362 = arith.maximumf %sub3A_1359, %max3A_1361 : vector<16xf32>
      %add3A_1363 = arith.addf %add3A_1356, %max3A_1362 : vector<16xf32>
      %add3A_1364 = arith.constant 1.000000e+00 : f32
      %add3A_1365 = vector.broadcast %add3A_1364 : f32 to vector<16xf32>
      %add3A_1366 = arith.addf %add3A_1365, %scan3A_1294#4 : vector<16xf32>
      %max3A_1367 = arith.constant 0.000000e+00 : f32
      %max3A_1368 = vector.broadcast %max3A_1367 : f32 to vector<16xf32>
      %max3A_1369 = arith.maximumf %add3A_1366, %max3A_1368 : vector<16xf32>
      %add3A_1370 = arith.addf %add3A_1363, %max3A_1369 : vector<16xf32>
      %sub3A_1371 = arith.constant 2.000000e+00 : f32
      %sub3A_1372 = vector.broadcast %sub3A_1371 : f32 to vector<16xf32>
      %sub3A_1373 = arith.subf %sub3A_1372, %select_n3A_1239 : vector<16xf32>
      %max3A_1374 = arith.constant 0.000000e+00 : f32
      %max3A_1375 = vector.broadcast %max3A_1374 : f32 to vector<16xf32>
      %max3A_1376 = arith.maximumf %sub3A_1373, %max3A_1375 : vector<16xf32>
      %add3A_1377 = arith.addf %add3A_1370, %max3A_1376 : vector<16xf32>
      %add3A_1378 = arith.constant 1.000000e+00 : f32
      %add3A_1379 = vector.broadcast %add3A_1378 : f32 to vector<16xf32>
      %add3A_1380 = arith.addf %add3A_1379, %scan3A_1294#5 : vector<16xf32>
      %max3A_1381 = arith.constant 0.000000e+00 : f32
      %max3A_1382 = vector.broadcast %max3A_1381 : f32 to vector<16xf32>
      %max3A_1383 = arith.maximumf %add3A_1380, %max3A_1382 : vector<16xf32>
      %add3A_1384 = arith.addf %add3A_1377, %max3A_1383 : vector<16xf32>
      %sub3A_1385 = arith.constant 2.000000e+00 : f32
      %sub3A_1386 = vector.broadcast %sub3A_1385 : f32 to vector<16xf32>
      %sub3A_1387 = arith.subf %sub3A_1386, %select_n3A_1263 : vector<16xf32>
      %max3A_1388 = arith.constant 0.000000e+00 : f32
      %max3A_1389 = vector.broadcast %max3A_1388 : f32 to vector<16xf32>
      %max3A_1390 = arith.maximumf %sub3A_1387, %max3A_1389 : vector<16xf32>
      %add3A_1391 = arith.addf %add3A_1384, %max3A_1390 : vector<16xf32>
      %add3A_1392 = arith.constant 1.000000e+00 : f32
      %add3A_1393 = vector.broadcast %add3A_1392 : f32 to vector<16xf32>
      %add3A_1394 = arith.addf %add3A_1393, %scan3A_1294#6 : vector<16xf32>
      %max3A_1395 = arith.constant 0.000000e+00 : f32
      %max3A_1396 = vector.broadcast %max3A_1395 : f32 to vector<16xf32>
      %max3A_1397 = arith.maximumf %add3A_1394, %max3A_1396 : vector<16xf32>
      %add3A_1398 = arith.addf %add3A_1391, %max3A_1397 : vector<16xf32>
      %sub3A_1399 = arith.constant 2.000000e+00 : f32
      %sub3A_1400 = vector.broadcast %sub3A_1399 : f32 to vector<16xf32>
      %sub3A_1401 = arith.subf %sub3A_1400, %select_n3A_1287 : vector<16xf32>
      %max3A_1402 = arith.constant 0.000000e+00 : f32
      %max3A_1403 = vector.broadcast %max3A_1402 : f32 to vector<16xf32>
      %max3A_1404 = arith.maximumf %sub3A_1401, %max3A_1403 : vector<16xf32>
      %add3A_1405 = arith.addf %add3A_1398, %max3A_1404 : vector<16xf32>
      %add3A_1406 = arith.constant 1.000000e+00 : f32
      %add3A_1407 = vector.broadcast %add3A_1406 : f32 to vector<16xf32>
      %add3A_1408 = arith.addf %add3A_1407, %scan3A_1294#7 : vector<16xf32>
      %max3A_1409 = arith.constant 0.000000e+00 : f32
      %max3A_1410 = vector.broadcast %max3A_1409 : f32 to vector<16xf32>
      %max3A_1411 = arith.maximumf %add3A_1408, %max3A_1410 : vector<16xf32>
      %add3A_1412 = arith.addf %add3A_1405, %max3A_1411 : vector<16xf32>
      %add3A_1413 = arith.addf %select_n3A_1062, %add3A_1412 : vector<16xf32>
      %select_n3A_1414 = arith.select %broadcast_in_dim3A_1300, %add3A_1413, %select_n3A_1062 : vector<16xi1>, vector<16xf32>
      %select_n3A_1415 = arith.select %broadcast_in_dim3A_1300, %broadcast_in_dim3A_3, %scan3A_1294#0 : vector<16xi1>, vector<16xf32>
      %select_n3A_1416 = arith.select %broadcast_in_dim3A_1300, %broadcast_in_dim3A_3, %scan3A_1294#1 : vector<16xi1>, vector<16xf32>
      %select_n3A_1417 = arith.select %broadcast_in_dim3A_1300, %broadcast_in_dim3A_3, %scan3A_1294#2 : vector<16xi1>, vector<16xf32>
      %select_n3A_1418 = arith.select %broadcast_in_dim3A_1300, %broadcast_in_dim3A_3, %scan3A_1294#3 : vector<16xi1>, vector<16xf32>
      %select_n3A_1419 = arith.select %broadcast_in_dim3A_1300, %broadcast_in_dim3A_3, %scan3A_1294#4 : vector<16xi1>, vector<16xf32>
      %select_n3A_1420 = arith.select %broadcast_in_dim3A_1300, %broadcast_in_dim3A_3, %scan3A_1294#5 : vector<16xi1>, vector<16xf32>
      %select_n3A_1421 = arith.select %broadcast_in_dim3A_1300, %broadcast_in_dim3A_3, %scan3A_1294#6 : vector<16xi1>, vector<16xf32>
      %select_n3A_1422 = arith.select %broadcast_in_dim3A_1300, %broadcast_in_dim3A_3, %scan3A_1294#7 : vector<16xi1>, vector<16xf32>
      %select_n3A_1423 = arith.select %broadcast_in_dim3A_1300, %broadcast_in_dim3A_5, %select_n3A_1119 : vector<16xi1>, vector<16xf32>
      %select_n3A_1424 = arith.select %broadcast_in_dim3A_1300, %broadcast_in_dim3A_5, %select_n3A_1143 : vector<16xi1>, vector<16xf32>
      %select_n3A_1425 = arith.select %broadcast_in_dim3A_1300, %broadcast_in_dim3A_5, %select_n3A_1167 : vector<16xi1>, vector<16xf32>
      %select_n3A_1426 = arith.select %broadcast_in_dim3A_1300, %broadcast_in_dim3A_5, %select_n3A_1191 : vector<16xi1>, vector<16xf32>
      %select_n3A_1427 = arith.select %broadcast_in_dim3A_1300, %broadcast_in_dim3A_5, %select_n3A_1215 : vector<16xi1>, vector<16xf32>
      %select_n3A_1428 = arith.select %broadcast_in_dim3A_1300, %broadcast_in_dim3A_5, %select_n3A_1239 : vector<16xi1>, vector<16xf32>
      %select_n3A_1429 = arith.select %broadcast_in_dim3A_1300, %broadcast_in_dim3A_5, %select_n3A_1263 : vector<16xi1>, vector<16xf32>
      %select_n3A_1430 = arith.select %broadcast_in_dim3A_1300, %broadcast_in_dim3A_5, %select_n3A_1287 : vector<16xi1>, vector<16xf32>
      %add3A_1431 = arith.constant 4 : i32
      %add3A_1432 = arith.addi %add3A_1089, %add3A_1431 : i32
      %lt3A_1433 = arith.constant 20 : i32
      %lt3A_1434 = arith.cmpi slt, %add3A_1432, %lt3A_1433 : i32
      %convert_element_type3A_1435 = arith.extui %lt3A_1434 : i1 to i32
      %cond3A_1436 = arith.constant 0 : i32
      %cond3A_1437 = arith.cmpi ne, %convert_element_type3A_1435, %cond3A_1436 : i32
      scf.if %cond3A_1437 {
        %add3A_1438 = arith.constant 4 : i32
        %add3A_1439 = arith.addi %add3A_1089, %add3A_1438 : i32
        %mul3A_1440 = arith.constant 200 : i32
        %mul3A_1441 = arith.muli %add3A_1439, %mul3A_1440 : i32
        %dma_start3A_1442 = tpu.memref_slice %arg2[%mul3A_1441, %mul3A_2] : memref<8000x4096xf32, #tpu.memory_space<hbm>> -> memref<200x128xf32, #tpu.memory_space<hbm>>
        %dma_start3A_1443 = tpu.memref_slice %arg2[%mul3A_1441, %mul3A_2] : memref<8000x4096xf32, #tpu.memory_space<hbm>> -> memref<200x128xf32, #tpu.memory_space<hbm>>
        tpu.enqueue_dma source(%dma_start3A_1443 : memref<200x128xf32, #tpu.memory_space<hbm>>) target(%arg8 : memref<200x128xf32, #tpu.memory_space<vmem>>) target_semaphore(%arg14 : memref<!tpu.dma_semaphore, #tpu.memory_space<semaphore_mem>>)
      } else {
      }
      scf.yield %select_n3A_1414, %select_n3A_1415, %select_n3A_1416, %select_n3A_1417, %select_n3A_1418, %select_n3A_1419, %select_n3A_1420, %select_n3A_1421, %select_n3A_1422, %select_n3A_1423, %select_n3A_1424, %select_n3A_1425, %select_n3A_1426, %select_n3A_1427, %select_n3A_1428, %select_n3A_1429, %select_n3A_1430 : vector<16xf32>, vector<16xf32>, vector<16xf32>, vector<16xf32>, vector<16xf32>, vector<16xf32>, vector<16xf32>, vector<16xf32>, vector<16xf32>, vector<16xf32>, vector<16xf32>, vector<16xf32>, vector<16xf32>, vector<16xf32>, vector<16xf32>, vector<16xf32>, vector<16xf32>
    }
    %scan3A_25 = arith.constant 5 : i32
    %swap3A = arith.constant 0 : index
    %swap3A_26 = tpu.vector_load %arg10[%swap3A] {strides = array<i32>} : memref<16xf32, #tpu.memory_space<vmem>>, vector<16xf32>,
    tpu.vector_store %arg10[%swap3A], %scan3A_24#0 {strides = array<i32>} : memref<16xf32, #tpu.memory_space<vmem>>, vector<16xf32>,
    "tpu.region"() ({
      %run_scoped3A = tpu.sem_alloc : memref<!tpu.dma_semaphore, #tpu.memory_space<semaphore_mem>>
      %dma_start3A_27 = arith.constant 0 : i32
      %dma_start3A_28 = tpu.memref_slice %arg4[%add3A, %dma_start3A_27] : memref<32x16xf32, #tpu.memory_space<hbm>> -> memref<1x16xf32, #tpu.memory_space<hbm>>
      %dma_start3A_29 = tpu.memref_squeeze %dma_start3A_28 : memref<1x16xf32, #tpu.memory_space<hbm>> -> memref<16xf32, #tpu.memory_space<hbm>>
      %dma_start3A_30 = arith.constant 0 : i32
      %dma_start3A_31 = tpu.memref_slice %arg4[%add3A, %dma_start3A_30] : memref<32x16xf32, #tpu.memory_space<hbm>> -> memref<1x16xf32, #tpu.memory_space<hbm>>
      %dma_start3A_32 = tpu.memref_squeeze %dma_start3A_31 : memref<1x16xf32, #tpu.memory_space<hbm>> -> memref<16xf32, #tpu.memory_space<hbm>>
      tpu.enqueue_dma source(%arg10 : memref<16xf32, #tpu.memory_space<vmem>>) target(%dma_start3A_32 : memref<16xf32, #tpu.memory_space<hbm>>) target_semaphore(%run_scoped3A : memref<!tpu.dma_semaphore, #tpu.memory_space<semaphore_mem>>)
      %dma_wait3A = arith.constant 0 : i32
      %dma_wait3A_33 = tpu.memref_slice %arg4[%add3A, %dma_wait3A] : memref<32x16xf32, #tpu.memory_space<hbm>> -> memref<1x16xf32, #tpu.memory_space<hbm>>
      %dma_wait3A_34 = tpu.memref_squeeze %dma_wait3A_33 : memref<1x16xf32, #tpu.memory_space<hbm>> -> memref<16xf32, #tpu.memory_space<hbm>>
      %dma_wait3A_35 = arith.constant 0 : i32
      %dma_wait3A_36 = tpu.memref_slice %arg4[%add3A, %dma_wait3A_35] : memref<32x16xf32, #tpu.memory_space<hbm>> -> memref<1x16xf32, #tpu.memory_space<hbm>>
      %dma_wait3A_37 = tpu.memref_squeeze %dma_wait3A_36 : memref<1x16xf32, #tpu.memory_space<hbm>> -> memref<16xf32, #tpu.memory_space<hbm>>
      tpu.wait_dma2 semaphore(%run_scoped3A : memref<!tpu.dma_semaphore, #tpu.memory_space<semaphore_mem>>) src(%arg10 : memref<16xf32, #tpu.memory_space<vmem>>) dst(%dma_wait3A_37 : memref<16xf32, #tpu.memory_space<hbm>>)
      tpu.yield
    }) : () -> ()
    return
  }
}

module attributes {stable_mosaic.version = 14 : i64} {
  func.func @_tc_body(%arg0: i32, %arg1: i32, %arg2: memref<4096xi32, #tpu.memory_space<vmem>>, %arg3: memref<1000x512xf32, #tpu.memory_space<vmem>>, %arg4: memref<1x1xf32, #tpu.memory_space<vmem>>) attributes {dimension_semantics = [#tpu.dimension_semantics<arbitrary>, #tpu.dimension_semantics<arbitrary>], iteration_bounds = array<i64: 4, 8>, scalar_prefetch = 0 : i64, scratch_operands = 0 : i64, tpu.core_type = #tpu.core_type<tc>, window_params = [{pipeline_mode = #tpu.pipeline_mode<synchronous>, transform_indices = @transform_0, window_bounds = array<i64: 4096>}, {transform_indices = @transform_1, window_bounds = array<i64: 1000, 512>}, {pipeline_mode = #tpu.pipeline_mode<synchronous>, transform_indices = @transform_2, window_bounds = array<i64: 1, 1>}]} {
    %get3A = arith.constant 0 : index
    %get3A_0 = arith.constant 0 : index
    %get3A_1 = vector.load %arg3[%get3A, %get3A_0] : memref<1000x512xf32, #tpu.memory_space<vmem>>, vector<1000x512xf32>
    %mul3A = arith.constant 512 : i32
    %mul3A_2 = arith.muli %arg1, %mul3A : i32
    %get3A_3 = arith.index_cast %mul3A_2 : i32 to index
    %get3A_4 = vector.load %arg2[%get3A_3] : memref<4096xi32, #tpu.memory_space<vmem>>, vector<512xi32>
    %iota3A = tpu.iota {dimensions = array<i32: 0>} : vector<1000x512xi32>
    %broadcast_in_dim3A = vector.shape_cast %get3A_4 : vector<512xi32> to vector<1x512xi32>
    %eq3A = vector.broadcast %broadcast_in_dim3A : vector<1x512xi32> to vector<1000x512xi32>
    %eq3A_5 = arith.cmpi eq, %iota3A, %eq3A : vector<1000x512xi32>
    %jit3A = arith.constant -1.000000e+10 : f32
    %broadcast_in_dim3A_6 = vector.broadcast %jit3A : f32 to vector<1000x512xf32>
    %select_n3A = arith.select %eq3A_5, %broadcast_in_dim3A_6, %get3A_1 : vector<1000x512xi1>, vector<1000x512xf32>
    %reduce_max3A = arith.constant dense<0xFF800000> : vector<512xf32>
    %reduce_max3A_7 = vector.multi_reduction <maximumf>, %select_n3A, %reduce_max3A [0] : vector<1000x512xf32> to vector<512xf32>
    %jit3A_8 = arith.constant 0xFF800000 : f32
    %broadcast_in_dim3A_9 = vector.broadcast %jit3A_8 : f32 to vector<1000x512xf32>
    %select_n3A_10 = arith.select %eq3A_5, %get3A_1, %broadcast_in_dim3A_9 : vector<1000x512xi1>, vector<1000x512xf32>
    %reduce_max3A_11 = arith.constant dense<0xFF800000> : vector<512xf32>
    %reduce_max3A_12 = vector.multi_reduction <maximumf>, %select_n3A_10, %reduce_max3A_11 [0] : vector<1000x512xf32> to vector<512xf32>
    %sub3A = arith.constant 2.000000e+00 : f32
    %sub3A_13 = vector.broadcast %sub3A : f32 to vector<512xf32>
    %sub3A_14 = arith.subf %sub3A_13, %reduce_max3A_12 : vector<512xf32>
    %max3A = arith.constant 0.000000e+00 : f32
    %max3A_15 = vector.broadcast %max3A : f32 to vector<512xf32>
    %max3A_16 = arith.maximumf %sub3A_14, %max3A_15 : vector<512xf32>
    %add3A = arith.constant 1.000000e+00 : f32
    %add3A_17 = vector.broadcast %add3A : f32 to vector<512xf32>
    %add3A_18 = arith.addf %add3A_17, %reduce_max3A_7 : vector<512xf32>
    %max3A_19 = arith.constant 0.000000e+00 : f32
    %max3A_20 = vector.broadcast %max3A_19 : f32 to vector<512xf32>
    %max3A_21 = arith.maximumf %add3A_18, %max3A_20 : vector<512xf32>
    %add3A_22 = arith.addf %max3A_16, %max3A_21 : vector<512xf32>
    %reduce_sum3A = vector.shape_cast %add3A_22 : vector<512xf32> to vector<1x512xf32>
    %reduce_sum3A_23 = arith.constant dense<0.000000e+00> : vector<1xf32>
    %reduce_sum3A_24 = vector.multi_reduction <add>, %reduce_sum3A, %reduce_sum3A_23 [1] : vector<1x512xf32> to vector<1xf32>
    %reduce_sum3A_25 = vector.shape_cast %reduce_sum3A_24 : vector<1xf32> to vector<1x1xf32>
    %reduce_sum3A_26 = vector.extract %reduce_sum3A_25[0, 0] : f32 from vector<1x1xf32>
    %eq3A_27 = arith.constant 0 : i32
    %eq3A_28 = arith.cmpi eq, %arg0, %eq3A_27 : i32
    %eq3A_29 = arith.constant 0 : i32
    %eq3A_30 = arith.cmpi eq, %arg1, %eq3A_29 : i32
    %and3A = arith.andi %eq3A_28, %eq3A_30 : i1
    %convert_element_type3A = arith.extui %and3A : i1 to i32
    %cond3A = arith.constant 0 : i32
    %cond3A_31 = arith.cmpi ne, %convert_element_type3A, %cond3A : i32
    scf.if %cond3A_31 {
      %broadcast_in_dim3A_38 = arith.constant 0.000000e+00 : f32
      %broadcast_in_dim3A_39 = vector.broadcast %broadcast_in_dim3A_38 : f32 to vector<1x1xf32>
      %swap3A_40 = arith.constant 0 : index
      %swap3A_41 = arith.constant 0 : index
      %swap3A_42 = vector.load %arg4[%swap3A_40, %swap3A_41] : memref<1x1xf32, #tpu.memory_space<vmem>>, vector<1x1xf32>
      tpu.vector_store %arg4[%swap3A_40, %swap3A_41], %broadcast_in_dim3A_39 {strides = array<i32>} : memref<1x1xf32, #tpu.memory_space<vmem>>, vector<1x1xf32>,
    } else {
    }
    %get3A_32 = arith.constant 0 : index
    %get3A_33 = arith.constant 0 : index
    %get3A_34 = vector.load %arg4[%get3A_32, %get3A_33] : memref<1x1xf32, #tpu.memory_space<vmem>>, vector<1x1xf32>
    %reshape3A = vector.broadcast %reduce_sum3A_26 : f32 to vector<1x1xf32>
    %add3A_35 = arith.addf %get3A_34, %reshape3A : vector<1x1xf32>
    %swap3A = arith.constant 0 : index
    %swap3A_36 = arith.constant 0 : index
    %swap3A_37 = vector.load %arg4[%swap3A, %swap3A_36] : memref<1x1xf32, #tpu.memory_space<vmem>>, vector<1x1xf32>
    tpu.vector_store %arg4[%swap3A, %swap3A_36], %add3A_35 {strides = array<i32>} : memref<1x1xf32, #tpu.memory_space<vmem>>, vector<1x1xf32>,
    return
  }
  func.func @transform_0(%arg0: i32, %arg1: i32) -> i32 {
    %c0_i32 = arith.constant 0 : i32
    %c0_i32_0 = arith.constant 0 : i32
    return %c0_i32 : i32
  }
  func.func @transform_1(%arg0: i32, %arg1: i32) -> (i32, i32) {
    %add3A = arith.constant 4 : i32
    %add3A_0 = arith.addi %add3A, %arg0 : i32
    %c0_i32 = arith.constant 0 : i32
    return %add3A_0, %arg1 : i32, i32
  }
  func.func @transform_2(%arg0: i32, %arg1: i32) -> (i32, i32) {
    %c0_i32 = arith.constant 0 : i32
    %c0_i32_0 = arith.constant 0 : i32
    %c0_i32_1 = arith.constant 0 : i32
    return %c0_i32, %c0_i32_0 : i32, i32
  }
}

</mosaic_0001>

<sc_bundles>
// kernel: kernel.4.cloned.1.call-start
scs
__scs_entry_jumppad:
0x0: {  	(pc) =	sbr.rel $0x88, $3  }
0x1: {  	(tag) =	ssettag $0x0;
	lr =	simm.s32 $0x1  }
0x2: {  	[smem:$0x3F9F] =	sst lr;
	_ =	strace $0xD0000000  }
0x3: {  	_ = 	snop  }
0x4: {  	_ = 	snop  }
0x5: {  	_ = 	snop  }
0x6: {  	_ = 	snop  }
0x7: {  	_ = 	snop  }
__scs_overlays_trampoline_lowered:
0x8: {  	[smem:$0x3FAE] =	sst s0  }
0x9: {  	[smem:$0x3FAF] =	sst s1  }
0xa: {  	[smem:$0x3FB0] =	sst s2  }
0xb: {  	[smem:$0x3FB1] =	sst s3  }
0xc: {  	[smem:$0x3FB2] =	sst s4  }
0xd: {  	[smem:$0x3FB3] =	sst s5  }
0xe: {  	[smem:$0x3FB4] =	sst s6  }
0xf: {  	[smem:$0x3FB5] =	sst s7  }
0x10: {  	[smem:$0x3FB6] =	sst s8  }
0x11: {  	[smem:$0x3FB7] =	sst s9;
	s0 =	simm.s32 @!p0 $0x0  }
0x12: {  	s1 =	sld [smem:$0x3F9D];
	s0 =	simm.s32 @p0 $0x1  }
0x13: {  	[smem:$0x3FB8] =	sst s0;
	s0 =	simm.s32 @!p1 $0x0  }
0x14: {  	s2 =	sld [smem:$0x3F9C];
	s0 =	simm.s32 @p1 $0x1  }
0x15: {  	[smem:$0x3FB9] =	sst s0;
	s0 =	simm.s32 @!p2 $0x0  }
0x16: {  	s3 =	sld [smem:$0x3FDB];
	s0 =	simm.s32 @p2 $0x1  }
0x17: {  	s4 =	simm.s32 $0x1BF5;
	[smem:$0x3FBB] =	sst s0  }
0x18: {  	s0 =	sld [smem:$0x3F9E];
	_ =	swait.ge [sflag:s4], $0x0  }
0x19: {  	s7 =	sld [smem:$0x3F9F]  }
0x1a: {  	s8 =	sadd.s32 $0xFFFFE003, lr  }
0x1b: {  	s9 =	sadd.s32 $0xFFFFFEF7, lr;
	s5 =	simm.s32 $0xFFFFFFFF;
	p2 =	slt.u32 s8, $0xFFFFF086  }
0x1c: {  	p1 =	slt.u32 s9, $0xF7A;
	s5 =	simm.s32 @!p2 $0x0  }
0x1d: {  	s5 =	simm.s32 @p1 $0x1;
	p0 =	seq.s32 s7, s2  }
0x1e: {  	s7 =	smul.u32 @!p0 $0xF7A, s2;
	p2 =	seq.s32 @!p0 s5, $0x0  }
0x1f: {  	s9 =	smul.u32 $0xF7A, s1;
	s8 =	simm.s32 @!p0 $0x1BF5;
	p2 =	por !p2, p0  }
0x20: {  	[sflag:s8] =	ssyncset.s32 @!p0 $0xFFFFF086;
	s6 =	sadd.s32 @!p0 s3, s7;
	s7 =	simm.s32 @!p0 $0x108  }
0x21: {  	s3 =	sadd.s32 s3, s9;
	s6 =	sadd.s32 @!p0 $0x88, s6;
	s7 =	simm.s32 @p2 $0x1082  }
0x22: {  	[simem:s7], [sflag:s8] =	dma.local @!p0 [hbm:s6], $0xF7A  }
0x23: {  	s9 =	sor.u32 $0xD0000000, s2;
	s6 =	simm.s32 $0x108;
	_ =	swait.ge @!p0 [sflag:s8], $0x0  }
0x24: {  	s3 =	sadd.s32 $0x88, s3;
	s6 =	simm.s32 @!p1 $0x1082;
	[sflag:s4] =	ssyncset.s32 $0xFFFFF086  }
0x25: {  	[simem:s6], [sflag:s4] =	dma.local [hbm:s3], $0xF7A  }
0x26: {  	[smem:$0x3F9F] =	sst s1;
	(tag) =	ssettag s2;
	_ =	strace s9  }
0x27: {  	s1 =	sld [smem:$0x3FAF]  }
0x28: {  	s2 =	sld [smem:$0x3FB0]  }
0x29: {  	s4 =	sld [smem:$0x3FB2]  }
0x2a: {  	p0 =	seq.s32 s5, $0x0;
	s5 =	sld [smem:$0x3FB3]  }
0x2b: {  	s6 =	sld [smem:$0x3FB4]  }
0x2c: {  	s7 =	sld [smem:$0x3FB5]  }
0x2d: {  	s3 =	simm.s32 $0x108;
	s8 =	sld [smem:$0x3FB6]  }
0x2e: {  	s3 =	simm.s32 @!p0 $0x1082;
	s9 =	sld [smem:$0x3FB7]  }
0x2f: {  	lr =	sadd.s32 s0, s3;
	s0 =	sld [smem:$0x3FAE]  }
0x30: {  	s3 =	sld [smem:$0x3FB1]  }
0x31: {  	[smem:$0x3FBA] =	sst s10  }
0x32: {  	s10 =	sld [smem:$0x3FB8];
	_ =	sdelay $0x3  }
0x33: {  	p0 =	seq.s32 s10, $0x1;
	s10 =	sld [smem:$0x3FBA];
	_ =	sdelay $0x3  }
0x34: {  	[smem:$0x3FBA] =	sst s10  }
0x35: {  	s10 =	sld [smem:$0x3FB9];
	_ =	sdelay $0x3  }
0x36: {  	p1 =	seq.s32 s10, $0x1;
	s10 =	sld [smem:$0x3FBA];
	_ =	sdelay $0x3  }
0x37: {  	[smem:$0x3FBA] =	sst s10  }
0x38: {  	s10 =	sld [smem:$0x3FBB]  }
0x39: {  	_ = 	snop;
	(pc) =	sbr.ind lr, $3  }
0x3a: {  	_ = 	snop  }
0x3b: {  	_ = 	snop  }
0x3c: {  	p2 =	seq.s32 s10, $0x1;
	s10 =	sld [smem:$0x3FBA]  }
0x3d: {  	_ =	shalt  }
0x3e: {  	_ =	shalt  }
0x3f: {  	_ =	shalt  }
0x40: {  	_ =	shalt  }
0x41: {  	_ =	shalt  }
0x42: {  	_ =	shalt  }
0x43: {  	_ =	shalt  }
0x44: {  	_ =	shalt  }
0x45: {  	_ =	shalt  }
0x46: {  	_ =	shalt  }
0x47: {  	_ =	shalt  }
0x48: {  	_ =	shalt  }
0x49: {  	_ =	shalt  }
0x4a: {  	_ =	shalt  }
0x4b: {  	_ =	shalt  }
0x4c: {  	_ =	shalt  }
0x4d: {  	_ =	shalt  }
0x4e: {  	_ =	shalt  }
0x4f: {  	_ =	shalt  }
0x50: {  	_ =	shalt  }
0x51: {  	_ =	shalt  }
0x52: {  	_ =	shalt  }
0x53: {  	_ =	shalt  }
0x54: {  	_ =	shalt  }
0x55: {  	_ =	shalt  }
0x56: {  	_ =	shalt  }
0x57: {  	_ =	shalt  }
0x58: {  	_ =	shalt  }
0x59: {  	_ =	shalt  }
0x5a: {  	_ =	shalt  }
0x5b: {  	_ =	shalt  }
0x5c: {  	_ =	shalt  }
0x5d: {  	_ =	shalt  }
0x5e: {  	_ =	shalt  }
0x5f: {  	_ =	shalt  }
0x60: {  	_ =	shalt  }
0x61: {  	_ =	shalt  }
0x62: {  	_ =	shalt  }
0x63: {  	_ =	shalt  }
0x64: {  	_ =	shalt  }
0x65: {  	_ =	shalt  }
0x66: {  	_ =	shalt  }
0x67: {  	_ =	shalt  }
0x68: {  	_ =	shalt  }
0x69: {  	_ =	shalt  }
0x6a: {  	_ =	shalt  }
0x6b: {  	_ =	shalt  }
0x6c: {  	_ =	shalt  }
0x6d: {  	_ =	shalt  }
0x6e: {  	_ =	shalt  }
0x6f: {  	_ =	shalt  }
0x70: {  	_ =	shalt  }
0x71: {  	_ =	shalt  }
0x72: {  	_ =	shalt  }
0x73: {  	_ =	shalt  }
0x74: {  	_ =	shalt  }
0x75: {  	_ =	shalt  }
0x76: {  	_ =	shalt  }
0x77: {  	_ =	shalt  }
0x78: {  	_ =	shalt  }
0x79: {  	_ =	shalt  }
0x7a: {  	_ =	shalt  }
0x7b: {  	_ =	shalt  }
0x7c: {  	_ =	shalt  }
0x7d: {  	_ =	shalt  }
0x7e: {  	_ =	shalt  }
0x7f: {  	_ =	shalt  }
0x80: {  	_ =	shalt  }
0x81: {  	_ =	shalt  }
0x82: {  	_ =	shalt  }
0x83: {  	_ =	shalt  }
0x84: {  	_ =	shalt  }
0x85: {  	_ =	shalt  }
0x86: {  	_ =	shalt  }
0x87: {  	_ =	shalt  }
.Lfunc_end0:
.L_simem_size_0:
called_computation_lowered:
.L_overlay_start_0:
0x88: {  	s2 =	sld [smem:$0x3FD9]  }
0x89: {  	s3 =	sld [smem:$0x3FFE];
	_ =	sdelay $0x1  }
0x8a: {  	s1 =	srdreg.scid  }
0x8b: {  	s0 =	sand.u32 $0x1, s1  }
0x8c: {  	s17 =	sshll.u32 s0, $0xA;
	s2 =	sadd.s32 s3, s2  }
0x8d: {  	s2 =	sadd.s32 s2, s17  }
0x8e: {  	[smem:$0x3FC6] =	sst s2  }
0x8f: {  	_ = 	snop  }
0x90: {  	s2 =	sld [smem:$0x3FC9]  }
0x91: {  	s18 =	sld [smem:$0x3FC8];
	(tm) =	ssettm $0x1  }
0x92: {  	s4 =	sld [smem:$0x3FFB];
	_ =	sdelay $0x3  }
0x93: {  	_ =	strace s4  }
0x94: {  	s4 =	sld [smem:$0x3FFC];
	_ =	sdelay $0x3  }
0x95: {  	_ =	strace s4  }
0x96: {  	s4 =	sld [smem:$0x3FFD];
	_ =	sdelay $0x3  }
0x97: {  	_ =	strace s4  }
0x98: {  	_ =	strace $0x8FFFFFFF  }
0x99: {  	s19 =	sld [smem:$0x3FDB];
	_ =	sdelay $0x1  }
0x9a: {  	s5 =	simm.s32 $_scs_section_size  }
0x9b: {  	s6 =	simm.s32 $_size__tile_overlayer_lowered;
	s7 =	simm.s32 $_tile_overlayer_lowered  }
0x9c: {  	s22 =	simm.s32 $0x1BFF;
	s21 =	sshll.u32 s7, $0x1;
	s4 =	sadd.s32 s5, s19  }
0x9d: {  	s8 =	simm.s32 $0x0;
	s20 =	sshll.u32 s6, $0x1;
	s6 =	sadd.s32 s21, s4  }
0x9e: {  	[timem:s8], [sflag:s22] =	dma.local [hbm:s6], s20  }
0x9f: {  	_ =	swait.ge [sflag:s22], s20  }
0xa0: {  	s5 =	ssub.s32 $0x0, s20;
	[sflag:s22] =	ssyncset.done $0x0  }
0xa1: {  	[sflag:s22] =	ssyncadd.s32 s5;
	_ =	sdelay $0x1  }
0xa2: {  	s23 =	simm.s32 $0x1B8B  }
0xa3: {  	_ =	swait.ge [sflag:s23], $0x1  }
0xa4: {  	[sflag:s23] =	ssyncset.done $0x0  }
0xa5: {  	s25 =	simm.s32 $0x1B8E;
	s24 =	sld [smem:$0x3FFE];
	[sflag:s23] =	ssyncadd.s32 $0xFFFFFFFF  }
0xa6: {  	s26 =	simm.s32 $execute0_lowered;
	[smem:$0x3FD2] =	sst s25  }
0xa7: {  	s6 =	sshll.u32 s26, $0x1;
	_ =	strace $0x80000046;
	[dreg:$0x1] =	wrdreg $0xFFFFFFFF  }
0xa8: {  	s28 =	simm.s32 $_size_execute0_lowered;
	s4 =	sadd.s32 s4, s6;
	[dreg:$0x0] =	wrdreg $0x0  }
0xa9: {  	s6 =	sshll.u32 s28, $0x1;
	[dreg:$0x2] =	wrdreg s4  }
0xaa: {  	[dreg:$0x3] =	wrdreg s6  }
0xab: {  	[dreg:$0x4] =	wrdreg $0xC0  }
0xac: {  	_ =	task [dreg:s8], $0x5FFFF  }
0xad: {  	[dreg:$0x1] =	wrdreg $0xFFFFFFFF  }
0xae: {  	[dreg:$0x0] =	wrdreg $0x60  }
0xaf: {  	[dreg:$0x2] =	wrdreg s2  }
0xb0: {  	[dreg:$0x3] =	wrdreg s18  }
0xb1: {  	[dreg:$0x4] =	wrdreg s24  }
0xb2: {  	[dreg:$0x5] =	wrdreg $0x9  }
0xb3: {  	_ =	task.clear_ibuf [dreg:s8], $0x6FFFF;
	_ =	strace $0x90000046  }
0xb4: {  	s29 =	simm.s32 $0x9;
	_ =	strace $0x80000048  }
0xb5: {  	_ =	swait.ge [sflag:s29], $0x1  }
0xb6: {  	[sflag:s29] =	ssyncadd.s32 $0xFFFFFFFF  }
0xb7: {  	_ =	strace $0x90000048  }
0xb8: {  	_ =	sfence  }
0xb9: {  	s30 =	sld [smem:$0x0];
	_ =	sdelay $0x2  }
0xba: {  	s31 =	sshll.u32 s1, $0xD;
	s1 =	sshrl.u32 s1, $0x2  }
0xbb: {  	s3 =	sand.u32 $0x4000, s31;
	s1 =	sadd.s32 s1, s30  }
0xbc: {  	s0 =	sor.u32 s3, s0;
	s1 =	sshll.u32 s1, $0x11  }
0xbd: {  	s0 =	sor.u32 s1, s0  }
0xbe: {  	s0 =	sadd.s32 $0x8F2B, s0  }
0xbf: {  	[sflag:s0] =	ssyncadd.remote.s32 $0x1  }
0xc0: {  	_ =	sfence.sel $0xFFFF  }
0xc1: {  	[dreg:$0x0] =	wrdreg $0xFFFFFFFF;
	(pc) =	sbr.abs _section_cstart, $3  }
0xc2: {  	[dreg:$0x1] =	wrdreg $0xFFFFFFFF  }
0xc3: {  	_ =	task.clear_ibuf [dreg:s8], $0x2FFFF;
	_ =	strace $0x9FFFFFFF  }
0xc4: {  	(tm) =	ssettm $0x7FFFFFFF  }
0xc5: {  	_ =	shalt  }
tec
execute0_lowered:
.L_overlay_start_1:
0x0: {  	(tag) =	ssettag $0x1  }
0x1: {  	s1 =	rddreg [dreg:$0x0]  }
0x2: {  	s0 =	rddreg [dreg:$0x1]  }
0x3: {  	s2 =	rddreg [dreg:$0x2]  }
0x4: {  	s3 =	simm.s32 $0x0;
	s4 =	srdreg.scid;
	s5 =	stileid.u32  }
0x5: {  	s16 =	simm.s32 $0x400;
	s17 =	simm.s32 $0x8000;
	s18 =	simm.s32 $0x6400  }
0x6: {  	s19 =	simm.s32 $0x5;
	s20 =	simm.s32 $0xC800;
	s21 =	simm.s32 $0x12C00  }
0x7: {  	s22 =	simm.s32 $0x1;
	s23 =	simm.s32 $0x2;
	s24 =	simm.s32 $0x3  }
0x8: {  	v0 =	vlaneseq.u32;
	s25 =	simm.s32 $0x4;
	s4 =	sand.u32 $0x1, s4;
	s5 =	sshll.u32 s5, $0x1  }
0x9: {  	s28 =	simm.s32 $0x0;
	[smem:$0x7FF] =	sst s3;
	v1 =	vor.u32 $0x10, v0;
	s6 =	sor.u32 s4, s5  }
0xa: {  	v59 =	vor.u32 $0x20, v0;
	_ =	strace $0x80000047;
	s4 =	ssub.s32 $0x2, s4;
	[tilespmem:$0x1FF90] =	vst v1;
	s5 =	sshll.u32 s6, $0x4  }
0xb: {  	v60 =	vor.u32 $0x30, v0;
	[tilespmem:$0x1FFA0] =	vst v59;
	s7 =	sshrl.u32 s4, $0x1;
	s8 =	sshll.u32 s6, $0x7;
	s31 =	sshll.u32 s6, $0xA  }
.Ltmp0:
0xc: {  	v61 =	vor.u32 $0x40, v0;
	[tilespmem:$0x1FFB0] =	vst v60;
	s2 =	sadd.s32 s5, s2;
	s14 =	ssub.s32 s4, s7;
	(pc) =	sbr.rel .LBB2_1-.Ltmp0, $4  }
0xd: {  	v62 =	vor.u32 $0x50, v0;
	[tilespmem:$0x1FFC0] =	vst v61;
	s4 =	sadd.s32 s1, s8;
	s0 =	sadd.s32 s0, s5;
	s9 =	sor.u32 $0x320000, s31  }
0xe: {  	v63 =	vor.u32 $0x60, v0;
	[tilespmem:$0x1FFD0] =	vst v62;
	s10 =	sor.u32 $0x3E8000, s31;
	s11 =	sor.u32 $0x4B0000, s31;
	s12 =	sor.u32 $0x578000, s31  }
0xf: {  	v0 =	vor.u32 $0x70, v0;
	[tilespmem:$0x1FFE0] =	vst v63;
	[dreg:$0x4] =	wrdreg s0;
	s6 =	sadd.s32 $0x19000, s4;
	s7 =	sadd.s32 $0x32000, s4  }
0x10: {  	[tilespmem:$0x1FFF0] =	vst v0;
	s8 =	sadd.s32 $0x4B000, s4;
	s13 =	sadd.s32 $0x200, s2;
	s14 =	smax.u32 s14, $0x1  }
.LBB2_12:
0x11: {  	s28 =	sadd.s32 $0x1, s28  }
0x12: {  	p0 =	sne.s32 s28, s14  }
.Ltmp1:
0x13: {  	[tilespmem:$0x19080] =	vst v9;
	s0 =	simm.s32 $0x19080;
	(pc) =	sbr.rel @!p0 .LBB2_13-.Ltmp1, $4  }
0x14: {  	[hbm4b:s13+s3] =	stream.linear.scatter [tilespmem:s0], [sflag:$0x5], $0x80, $0x38;
	[tilespmem:$0x19100] =	vst v63  }
0x15: {  	_ =	swait.ge [sflag:s19], $0x80  }
0x16: {  	[sflag:s19] =	ssyncset.done $0x0  }
0x17: {  	[sflag:s19] =	ssyncadd.s32 $0xFFFFFF80  }
.LBB2_1:
0x18: {  	s0 =	rddreg [dreg:$0x4];
	s2 =	simm.s32 $0x19000  }
0x19: {  	[tilespmem:s2], [sflag:$0x5] =	stream.linear.gather [hbm4b:s0+s3], $0x80, $0x38;
	[tilespmem:$0x19100] =	vst v63  }
0x1a: {  	v0 =	vimm.f32 $0.0e+00;
	_ =	swait.ge [sflag:s19], $0x80  }
0x1b: {  	[sflag:s19] =	ssyncset.done $0x0;
	[tilespmem:$0x1FF10] =	vst v0;
	v0 =	vimm.f32 $0.0e+00  }
0x1c: {  	[sflag:s19] =	ssyncadd.s32 $0xFFFFFF80;
	[tilespmem:$0x1FF20] =	vst v0  }
0x1d: {  	v0 =	vimm.f32 $0.0e+00;
	[tilespmem:s3], [sflag:$0x1] =	stream.strided.gather [hbm4b:s4+s16], $0x6400, s17, s16, $0x38;
	[tilespmem:$0x19100] =	vst v63  }
0x1e: {  	[tilespmem:$0x1FF30] =	vst v0;
	v0 =	vimm.f32 $0.0e+00  }
0x1f: {  	[tilespmem:$0x1FF40] =	vst v0  }
0x20: {  	v0 =	vimm.f32 $0.0e+00;
	[tilespmem:s18], [sflag:$0x2] =	stream.strided.gather [hbm4b:s6+s16], $0x6400, s17, s16, $0x38;
	[tilespmem:$0x19100] =	vst v63  }
0x21: {  	[tilespmem:$0x1FF50] =	vst v0;
	v0 =	vimm.f32 $0.0e+00  }
0x22: {  	[tilespmem:$0x1FF60] =	vst v0  }
0x23: {  	v14 =	vimm.f32 $-Inf;
	v0 =	vimm.f32 $0.0e+00;
	[tilespmem:s20], [sflag:$0x3] =	stream.strided.gather [hbm4b:s7+s16], $0x6400, s17, s16, $0x38;
	[tilespmem:$0x19100] =	vst v63  }
0x24: {  	v30 =	vimm.f32 $0.0e+00;
	v23 =	vimm.f32 $-Inf;
	[tilespmem:$0x1FF70] =	vst v0;
	v0 =	vimm.f32 $0.0e+00  }
0x25: {  	v28 =	vimm.f32 $-Inf;
	v12 =	vimm.f32 $-Inf;
	v13 =	vimm.f32 $-Inf;
	s29 =	simm.s32 $0x0;
	[tilespmem:$0x1FF80] =	vst v0  }
0x26: {  	v15 =	vimm.f32 $-Inf;
	v1 =	vimm.f32 $-Inf;
	v4 =	vimm.f32 $-Inf;
	[tilespmem:s21], [sflag:$0x4] =	stream.strided.gather [hbm4b:s8+s16], $0x6400, s17, s16, $0x38;
	[tilespmem:$0x19100] =	vst v63  }
.LBB2_2:
0x27: {  	s0 =	smul.u32 $0x334, s29;
	_ =	sdelay $0x1  }
0x28: {  	s0 =	sshrl.u32 s0, $0xA  }
0x29: {  	_ =	swait.ge [sflag:s22], $0x6400;
	s0 =	sand.u32 $0x3F, s0  }
0x2a: {  	[sflag:s22] =	ssyncset.done $0x0;
	s0 =	smul.u32 $0x5, s0  }
0x2b: {  	s30 =	sshll.u32 s29, $0x2;
	[sflag:s22] =	ssyncadd.s32 $0xFFFF9C00  }
0x2c: {  	v0 =	vld [tilespmem:$0x19000];
	s0 =	ssub.s32 s30, s0  }
0x2d: {  	s2 =	sand.u32 $0xFF, s0  }
0x2e: {  	s0 =	smul.u32 $0xC8, s2;
	_ =	sdelay $0x1  }
0x2f: {  	v2 =	vmov s0  }
0x30: {  	v0 =	vsub.s32 v0, v2  }
0x31: {  	vm0 =	vgt.s32 v0, $0x0  }
0x32: {  	v3 =	vnsel vm0, $0x0, v0  }
0x33: {  	v3 =	vmin.u32 v3, $0xC7  }
0x34: {  	vm3 =	vlt.u32 v0, $0xC8;
	v0 =	vshll.u32 v3, $0x7;
	v3 =	vlaneseq.u32  }
0x35: {  	v0 =	vor.u32 v3, v0;
	_ =	sdelay $0x3  }
0x36: {  	s31 =	simm.s32 $0x0;
	v5 =	vimm.f32 $-1.000000000e+10  }
0x37: {  	v40 =	vld.idx.msk [tilespmem:v0+s31+$0x0], vm3;
	[tilespmem:v0+s31+$0x0] =	vst.idx.msk vm3, v5  }
0x38: {  	v0 =	vld [tilespmem:$0x19010];
	_ =	sdelay $0x4  }
0x39: {  	v0 =	vsub.s32 v0, v2  }
0x3a: {  	vm0 =	vgt.s32 v0, $0x0  }
0x3b: {  	v3 =	vnsel vm0, $0x0, v0  }
0x3c: {  	v3 =	vmin.u32 v3, $0xC7  }
0x3d: {  	vm5 =	vlt.u32 v0, $0xC8;
	v0 =	vshll.u32 v3, $0x7;
	v3 =	vld [tilespmem:$0x1FF90];
	_ =	sdelay $0x4  }
0x3e: {  	v0 =	vor.u32 v3, v0;
	_ =	sdelay $0x4  }
0x3f: {  	v38 =	vld.idx.msk [tilespmem:v0+s31+$0x0], vm5;
	[tilespmem:v0+s31+$0x0] =	vst.idx.msk vm5, v5  }
0x40: {  	v0 =	vld [tilespmem:$0x19020];
	_ =	sdelay $0x4  }
0x41: {  	v0 =	vsub.s32 v0, v2  }
0x42: {  	vm0 =	vgt.s32 v0, $0x0  }
0x43: {  	v3 =	vnsel vm0, $0x0, v0  }
0x44: {  	v3 =	vmin.u32 v3, $0xC7  }
0x45: {  	vm7 =	vlt.u32 v0, $0xC8;
	v0 =	vshll.u32 v3, $0x7;
	v3 =	vld [tilespmem:$0x1FFA0];
	_ =	sdelay $0x4  }
0x46: {  	v0 =	vor.u32 v3, v0;
	_ =	sdelay $0x4  }
0x47: {  	v32 =	vld.idx.msk [tilespmem:v0+s31+$0x0], vm7;
	[tilespmem:v0+s31+$0x0] =	vst.idx.msk vm7, v5  }
0x48: {  	v0 =	vld [tilespmem:$0x19030];
	_ =	sdelay $0x4  }
0x49: {  	v0 =	vsub.s32 v0, v2  }
0x4a: {  	vm0 =	vgt.s32 v0, $0x0  }
0x4b: {  	v3 =	vnsel vm0, $0x0, v0  }
0x4c: {  	v3 =	vmin.u32 v3, $0xC7  }
0x4d: {  	vm9 =	vlt.u32 v0, $0xC8;
	v0 =	vshll.u32 v3, $0x7;
	v3 =	vld [tilespmem:$0x1FFB0];
	_ =	sdelay $0x4  }
0x4e: {  	v0 =	vor.u32 v3, v0;
	_ =	sdelay $0x4  }
0x4f: {  	v42 =	vld.idx.msk [tilespmem:v0+s31+$0x0], vm9;
	[tilespmem:v0+s31+$0x0] =	vst.idx.msk vm9, v5  }
0x50: {  	v0 =	vld [tilespmem:$0x19040];
	_ =	sdelay $0x4  }
0x51: {  	v0 =	vsub.s32 v0, v2  }
0x52: {  	vm0 =	vgt.s32 v0, $0x0  }
0x53: {  	v3 =	vnsel vm0, $0x0, v0  }
0x54: {  	v3 =	vmin.u32 v3, $0xC7  }
0x55: {  	vm11 =	vlt.u32 v0, $0xC8;
	v0 =	vshll.u32 v3, $0x7;
	v3 =	vld [tilespmem:$0x1FFC0];
	_ =	sdelay $0x4  }
0x56: {  	v0 =	vor.u32 v3, v0;
	_ =	sdelay $0x4  }
0x57: {  	v44 =	vld.idx.msk [tilespmem:v0+s31+$0x0], vm11;
	[tilespmem:v0+s31+$0x0] =	vst.idx.msk vm11, v5  }
0x58: {  	v0 =	vld [tilespmem:$0x19050];
	_ =	sdelay $0x4  }
0x59: {  	v0 =	vsub.s32 v0, v2  }
0x5a: {  	vm0 =	vgt.s32 v0, $0x0  }
0x5b: {  	v3 =	vnsel vm0, $0x0, v0  }
0x5c: {  	v3 =	vmin.u32 v3, $0xC7  }
0x5d: {  	vm13 =	vlt.u32 v0, $0xC8;
	v0 =	vshll.u32 v3, $0x7;
	v3 =	vld [tilespmem:$0x1FFD0];
	_ =	sdelay $0x4  }
0x5e: {  	v0 =	vor.u32 v3, v0;
	_ =	sdelay $0x4  }
0x5f: {  	v45 =	vld.idx.msk [tilespmem:v0+s31+$0x0], vm13;
	[tilespmem:v0+s31+$0x0] =	vst.idx.msk vm13, v5  }
0x60: {  	v0 =	vld [tilespmem:$0x19060];
	_ =	sdelay $0x4  }
0x61: {  	v0 =	vsub.s32 v0, v2  }
0x62: {  	vm0 =	vgt.s32 v0, $0x0  }
0x63: {  	v3 =	vnsel vm0, $0x0, v0  }
0x64: {  	v3 =	vmin.u32 v3, $0xC7  }
0x65: {  	vm15 =	vlt.u32 v0, $0xC8;
	v0 =	vshll.u32 v3, $0x7;
	v3 =	vld [tilespmem:$0x1FFE0];
	_ =	sdelay $0x4  }
0x66: {  	v0 =	vor.u32 v3, v0;
	_ =	sdelay $0x4  }
0x67: {  	v39 =	vld.idx.msk [tilespmem:v0+s31+$0x0], vm15;
	[tilespmem:v0+s31+$0x0] =	vst.idx.msk vm15, v5  }
0x68: {  	v0 =	vld [tilespmem:$0x19070];
	_ =	sdelay $0x4  }
0x69: {  	v0 =	vsub.s32 v0, v2  }
0x6a: {  	vm0 =	vgt.s32 v0, $0x0  }
0x6b: {  	v2 =	vnsel vm0, $0x0, v0  }
0x6c: {  	v2 =	vmin.u32 v2, $0xC7  }
0x6d: {  	vm1 =	vlt.u32 v0, $0xC8;
	v0 =	vshll.u32 v2, $0x7;
	v2 =	vld [tilespmem:$0x1FFF0];
	_ =	sdelay $0x4  }
0x6e: {  	v0 =	vor.u32 v2, v0;
	_ =	sdelay $0x4  }
0x6f: {  	s0 =	simm.s32 $0x0;
	v2 =	vld.idx.msk [tilespmem:v0+s31+$0x0], vm1;
	[tilespmem:v0+s31+$0x0] =	vst.idx.msk vm1, v5  }
0x70: {  	v9 =	vld [tilespmem:s0+$0x380]  }
0x71: {  	v10 =	vld [tilespmem:s0+$0x390]  }
0x72: {  	v55 =	vld [tilespmem:s0+$0x3A0]  }
0x73: {  	v54 =	vld [tilespmem:s0+$0x3B0]  }
0x74: {  	v56 =	vld [tilespmem:s0+$0x3C0]  }
0x75: {  	v36 =	vld [tilespmem:s0+$0x3D0]  }
0x76: {  	v34 =	vld [tilespmem:s0+$0x3E0]  }
0x77: {  	v5 =	vld [tilespmem:s0+$0x300]  }
0x78: {  	v11 =	vld [tilespmem:s0+$0x310]  }
0x79: {  	v53 =	vld [tilespmem:s0+$0x320]  }
0x7a: {  	v61 =	vld [tilespmem:s0+$0x330]  }
0x7b: {  	v59 =	vld [tilespmem:s0+$0x340]  }
0x7c: {  	v43 =	vld [tilespmem:s0+$0x350]  }
0x7d: {  	v41 =	vld [tilespmem:s0+$0x360]  }
0x7e: {  	v16 =	vld [tilespmem:s0+$0x280]  }
0x7f: {  	v17 =	vld [tilespmem:s0+$0x290]  }
0x80: {  	v50 =	vld [tilespmem:s0+$0x2A0]  }
0x81: {  	v51 =	vld [tilespmem:s0+$0x2B0]  }
0x82: {  	v63 =	vld [tilespmem:s0+$0x2C0]  }
0x83: {  	v52 =	vld [tilespmem:s0+$0x2D0]  }
0x84: {  	v47 =	vld [tilespmem:s0+$0x2E0]  }
0x85: {  	v18 =	vld [tilespmem:s0+$0x200]  }
0x86: {  	v19 =	vld [tilespmem:s0+$0x210]  }
0x87: {  	v3 =	vld [tilespmem:s0+$0x220]  }
0x88: {  	v0 =	vld [tilespmem:s0+$0x230]  }
0x89: {  	v58 =	vld [tilespmem:s0+$0x250]  }
0x8a: {  	v57 =	vld [tilespmem:s0+$0x260]  }
0x8b: {  	v20 =	vld [tilespmem:s0+$0x180]  }
0x8c: {  	v21 =	vld [tilespmem:s0+$0x190]  }
0x8d: {  	v8 =	vld [tilespmem:s0+$0x1A0]  }
0x8e: {  	v6 =	vld [tilespmem:s0+$0x1B0]  }
0x8f: {  	v7 =	vld [tilespmem:s0+$0x1C0]  }
0x90: {  	v62 =	vld [tilespmem:s0+$0x1D0]  }
0x91: {  	v60 =	vld [tilespmem:s0+$0x1E0]  }
0x92: {  	v22 =	vld [tilespmem:s0+$0x100]  }
0x93: {  	v24 =	vld [tilespmem:s0+$0x110]  }
0x94: {  	v26 =	vld [tilespmem:s0+$0x120]  }
0x95: {  	v27 =	vld [tilespmem:s0+$0x80]  }
0x96: {  	v29 =	vld [tilespmem:s0+$0x0]  }
0x97: {  	v31 =	vld [tilespmem:s0+$0x10]  }
0x98: {  	v33 =	vld [tilespmem:s0+$0x90]  }
0x99: {  	v35 =	vld [tilespmem:s0+$0x130]  }
0x9a: {  	v37 =	vld [tilespmem:s0+$0x140]  }
0x9b: {  	v25 =	vld [tilespmem:s0+$0xA0]  }
0x9c: {  	v46 =	vld [tilespmem:s0+$0xC0]  }
0x9d: {  	[tilespmem:$0x1FF00] =	vst v2;
	v2 =	vld [tilespmem:s0+$0x240];
	v4 =	vmax.f32 v4, v29;
	v1 =	vmax.f32 v1, v31  }
0x9e: {  	v4 =	vmax.f32 v4, v27;
	v1 =	vmax.f32 v1, v33;
	v27 =	vld [tilespmem:s0+$0x20]  }
0x9f: {  	v4 =	vmax.f32 v4, v22;
	v1 =	vmax.f32 v1, v24;
	v22 =	vld [tilespmem:s0+$0x30]  }
0xa0: {  	v4 =	vmax.f32 v4, v20;
	v1 =	vmax.f32 v1, v21;
	v20 =	vld [tilespmem:s0+$0x40]  }
0xa1: {  	v29 =	vld [tilespmem:s0+$0xB0];
	v4 =	vmax.f32 v4, v18;
	v1 =	vmax.f32 v1, v19  }
0xa2: {  	v16 =	vmax.f32 v4, v16;
	v1 =	vmax.f32 v1, v17;
	v4 =	vld [tilespmem:s0+$0x150]  }
0xa3: {  	v16 =	vmax.f32 v16, v5;
	v1 =	vmax.f32 v1, v11;
	v5 =	vld [tilespmem:s0+$0x160]  }
0xa4: {  	v11 =	vld [tilespmem:s0+$0xE0];
	v49 =	vmax.f32 v16, v9;
	v48 =	vmax.f32 v1, v10  }
0xa5: {  	v10 =	vld [tilespmem:s0+$0xD0];
	v1 =	vmax.f32 v15, v27;
	v9 =	vmax.f32 v13, v22;
	v12 =	vmax.f32 v12, v20  }
0xa6: {  	v22 =	vld [tilespmem:s0+$0x50];
	v1 =	vmax.f32 v1, v25;
	v9 =	vmax.f32 v9, v29;
	v12 =	vmax.f32 v12, v46  }
0xa7: {  	s15 =	simm.s32 $0x1000;
	v27 =	vld [tilespmem:s0+$0x60];
	v26 =	vmax.f32 v1, v26;
	v21 =	vmax.f32 v9, v35;
	v37 =	vmax.f32 v12, v37  }
.LBB2_3:
0xa8: {  	p0 =	sne.s32 s15, $0x18000;
	v13 =	vld [tilespmem:s0+$0x70];
	v1 =	vmax.f32 v26, v8;
	v6 =	vmax.f32 v21, v6;
	v7 =	vmax.f32 v37, v7  }
0xa9: {  	v8 =	vld [tilespmem:s0+$0xF0];
	v1 =	vmax.f32 v1, v3;
	v0 =	vmax.f32 v6, v0;
	v2 =	vmax.f32 v7, v2  }
0xaa: {  	v3 =	vld [tilespmem:s0+$0x170];
	v1 =	vmax.f32 v1, v50;
	v0 =	vmax.f32 v0, v51;
	v2 =	vmax.f32 v2, v63  }
0xab: {  	v6 =	vld [tilespmem:s0+$0x1F0];
	v1 =	vmax.f32 v1, v53;
	v0 =	vmax.f32 v0, v61;
	v2 =	vmax.f32 v2, v59  }
0xac: {  	v7 =	vld [tilespmem:s0+$0x270];
	v1 =	vmax.f32 v1, v55;
	v9 =	vmax.f32 v0, v54;
	v12 =	vmax.f32 v2, v56  }
0xad: {  	v0 =	vmax.f32 v28, v22;
	v2 =	vmax.f32 v23, v27;
	v13 =	vmax.f32 v14, v13;
	v14 =	vld [tilespmem:s0+$0x2F0]  }
0xae: {  	v0 =	vmax.f32 v0, v10;
	v2 =	vmax.f32 v2, v11;
	v8 =	vmax.f32 v13, v8;
	v10 =	vld [tilespmem:s0+$0x370]  }
0xaf: {  	v0 =	vmax.f32 v0, v4;
	v2 =	vmax.f32 v2, v5;
	v3 =	vmax.f32 v8, v3;
	v4 =	vld [tilespmem:s0+$0x3F0];
	s0 =	sshra.s32 s15, $0x2  }
0xb0: {  	v0 =	vmax.f32 v0, v62;
	v2 =	vmax.f32 v2, v60;
	v11 =	vld [tilespmem:s0+$0x380];
	v3 =	vmax.f32 v3, v6  }
0xb1: {  	v0 =	vmax.f32 v0, v58;
	v2 =	vmax.f32 v2, v57;
	v13 =	vld [tilespmem:s0+$0x390];
	v3 =	vmax.f32 v3, v7  }
0xb2: {  	v0 =	vmax.f32 v0, v52;
	v2 =	vmax.f32 v2, v47;
	v55 =	vld [tilespmem:s0+$0x3A0];
	v3 =	vmax.f32 v3, v14  }
0xb3: {  	v0 =	vmax.f32 v0, v43;
	v2 =	vmax.f32 v2, v41;
	v54 =	vld [tilespmem:s0+$0x3B0];
	v3 =	vmax.f32 v3, v10  }
0xb4: {  	v28 =	vmax.f32 v0, v36;
	v23 =	vmax.f32 v2, v34;
	v56 =	vld [tilespmem:s0+$0x3C0];
	v14 =	vmax.f32 v3, v4  }
0xb5: {  	v36 =	vld [tilespmem:s0+$0x3D0]  }
0xb6: {  	v34 =	vld [tilespmem:s0+$0x3E0]  }
0xb7: {  	v10 =	vld [tilespmem:s0+$0x300]  }
0xb8: {  	v15 =	vld [tilespmem:s0+$0x310]  }
0xb9: {  	v53 =	vld [tilespmem:s0+$0x320]  }
0xba: {  	v61 =	vld [tilespmem:s0+$0x330]  }
0xbb: {  	v59 =	vld [tilespmem:s0+$0x340]  }
0xbc: {  	v43 =	vld [tilespmem:s0+$0x350]  }
0xbd: {  	v41 =	vld [tilespmem:s0+$0x360]  }
0xbe: {  	v5 =	vld [tilespmem:s0+$0x280]  }
0xbf: {  	v16 =	vld [tilespmem:s0+$0x290]  }
0xc0: {  	v50 =	vld [tilespmem:s0+$0x2A0]  }
0xc1: {  	v51 =	vld [tilespmem:s0+$0x2B0]  }
0xc2: {  	v63 =	vld [tilespmem:s0+$0x2C0]  }
0xc3: {  	v52 =	vld [tilespmem:s0+$0x2D0]  }
0xc4: {  	v47 =	vld [tilespmem:s0+$0x2E0]  }
0xc5: {  	v4 =	vld [tilespmem:s0+$0x200]  }
0xc6: {  	v17 =	vld [tilespmem:s0+$0x210]  }
0xc7: {  	v3 =	vld [tilespmem:s0+$0x220]  }
0xc8: {  	v0 =	vld [tilespmem:s0+$0x230]  }
0xc9: {  	v2 =	vld [tilespmem:s0+$0x240]  }
0xca: {  	v58 =	vld [tilespmem:s0+$0x250]  }
0xcb: {  	v57 =	vld [tilespmem:s0+$0x260]  }
0xcc: {  	v18 =	vld [tilespmem:s0+$0x180]  }
0xcd: {  	v19 =	vld [tilespmem:s0+$0x190]  }
0xce: {  	v8 =	vld [tilespmem:s0+$0x1A0]  }
0xcf: {  	v6 =	vld [tilespmem:s0+$0x1B0]  }
0xd0: {  	v7 =	vld [tilespmem:s0+$0x1C0]  }
0xd1: {  	v62 =	vld [tilespmem:s0+$0x1D0]  }
0xd2: {  	v60 =	vld [tilespmem:s0+$0x1E0]  }
0xd3: {  	v20 =	vld [tilespmem:s0+$0x100]  }
0xd4: {  	v21 =	vld [tilespmem:s0+$0x110]  }
0xd5: {  	v24 =	vld [tilespmem:s0+$0x120]  }
0xd6: {  	v22 =	vld [tilespmem:s0+$0x80]  }
0xd7: {  	v25 =	vld [tilespmem:s0+$0x0]  }
0xd8: {  	v26 =	vld [tilespmem:s0+$0x10]  }
0xd9: {  	v27 =	vld [tilespmem:s0+$0x90]  }
0xda: {  	v29 =	vld [tilespmem:s0+$0x130]  }
0xdb: {  	v31 =	vld [tilespmem:s0+$0x140]  }
0xdc: {  	v33 =	vld [tilespmem:s0+$0xA0]  }
0xdd: {  	v25 =	vmax.f32 v49, v25;
	v26 =	vmax.f32 v48, v26;
	v35 =	vld [tilespmem:s0+$0xB0]  }
0xde: {  	v22 =	vmax.f32 v25, v22;
	v37 =	vld [tilespmem:s0+$0x20];
	v25 =	vmax.f32 v26, v27  }
0xdf: {  	v20 =	vmax.f32 v22, v20;
	v26 =	vld [tilespmem:s0+$0x30];
	v21 =	vmax.f32 v25, v21  }
0xe0: {  	v18 =	vmax.f32 v20, v18;
	v22 =	vld [tilespmem:s0+$0x40];
	v19 =	vmax.f32 v21, v19  }
0xe1: {  	v18 =	vmax.f32 v18, v4;
	v20 =	vld [tilespmem:s0+$0xC0];
	v17 =	vmax.f32 v19, v17  }
0xe2: {  	v18 =	vmax.f32 v18, v5;
	v4 =	vld [tilespmem:s0+$0x150];
	v16 =	vmax.f32 v17, v16  }
.Ltmp2:
0xe3: {  	v17 =	vmax.f32 v18, v10;
	v5 =	vld [tilespmem:s0+$0x160];
	v15 =	vmax.f32 v16, v15;
	(pc) =	sbr.rel @p0 .LBB2_3-.Ltmp2, $4  }
0xe4: {  	v49 =	vmax.f32 v17, v11;
	v10 =	vld [tilespmem:s0+$0xD0];
	v48 =	vmax.f32 v15, v13  }
0xe5: {  	v1 =	vmax.f32 v1, v37;
	v9 =	vmax.f32 v9, v26;
	v12 =	vmax.f32 v12, v22;
	v11 =	vld [tilespmem:s0+$0xE0]  }
0xe6: {  	v1 =	vmax.f32 v1, v33;
	v9 =	vmax.f32 v9, v35;
	v22 =	vld [tilespmem:s0+$0x50];
	v12 =	vmax.f32 v12, v20  }
0xe7: {  	s15 =	sadd.s32 $0x1000, s15;
	v26 =	vmax.f32 v1, v24;
	v21 =	vmax.f32 v9, v29;
	v27 =	vld [tilespmem:s0+$0x60];
	v37 =	vmax.f32 v12, v31  }
0xe8: {  	v1 =	vld [tilespmem:s0+$0x170];
	_ =	sdelay $0x4  }
0xe9: {  	[tilespmem:$0x1FE80] =	vst v1;
	v1 =	vld [tilespmem:s0+$0x1F0];
	_ =	sdelay $0x4  }
0xea: {  	[tilespmem:$0x1FE90] =	vst v1;
	v1 =	vld [tilespmem:s0+$0x270];
	_ =	sdelay $0x4  }
0xeb: {  	[tilespmem:$0x1FEA0] =	vst v1;
	v1 =	vld [tilespmem:s0+$0x2F0];
	_ =	sdelay $0x4  }
0xec: {  	[tilespmem:$0x1FEB0] =	vst v1;
	v1 =	vld [tilespmem:s0+$0x370];
	_ =	sdelay $0x1  }
0xed: {  	p0 =	seq.s32 s29, $0x4  }
0xee: {  	s31 =	smul.u32 @!p0 $0x320000, s29;
	_ =	sdelay $0x1  }
0xef: {  	s15 =	sadd.s32 @!p0 s9, s31;
	[tilespmem:$0x1FEC0] =	vst v1;
	v1 =	vld [tilespmem:s0+$0x3F0]  }
0xf0: {  	v29 =	vld [tilespmem:s0+$0x70];
	s26 =	simm.s32 @!p0 $0x8000;
	s15 =	sshrl.u32 @!p0 s15, $0x3  }
0xf1: {  	v46 =	vld [tilespmem:s0+$0xF0];
	s5 =	simm.s32 @!p0 $0x0;
	s15 =	sadd.s32 @!p0 s1, s15;
	s0 =	simm.s32 @!p0 $0x400  }
0xf2: {  	[tilespmem:s5], [sflag:$0x1] =	stream.strided.gather @!p0 [hbm4b:s15+s0], $0x6400, s26, s0, $0x38;
	[tilespmem:$0x19100] =	vst v63  }
0xf3: {  	s15 =	sor.u32 $0x1, s30  }
0xf4: {  	s26 =	smulhi.u32 $0x66666667, s15;
	[tilespmem:$0x1FED0] =	vst v1  }
0xf5: {  	_ =	swait.ge [sflag:s23], $0x6400  }
0xf6: {  	s5 =	sshrl.u32 s26, $0x1;
	[sflag:s23] =	ssyncset.done $0x0  }
0xf7: {  	s5 =	smul.u32 $0x5, s5;
	[sflag:s23] =	ssyncadd.s32 $0xFFFF9C00  }
0xf8: {  	v1 =	vld [tilespmem:$0x19000]  }
0xf9: {  	s0 =	ssub.s32 s15, s5  }
0xfa: {  	s5 =	smul.u32 $0xC8, s0;
	_ =	sdelay $0x1  }
0xfb: {  	v9 =	vmov s5  }
0xfc: {  	v1 =	vsub.s32 v1, v9  }
0xfd: {  	vm0 =	vgt.s32 v1, $0x0  }
0xfe: {  	v12 =	vnsel vm0, $0x0, v1  }
0xff: {  	v12 =	vmin.u32 v12, $0xC7  }
0x100: {  	vm2 =	vlt.u32 v1, $0xC8;
	v1 =	vshll.u32 v12, $0x7;
	v12 =	vlaneseq.u32  }
0x101: {  	v1 =	vor.u32 v12, v1;
	_ =	sdelay $0x3  }
0x102: {  	v13 =	vimm.f32 $-1.000000000e+10  }
0x103: {  	v12 =	vld.idx.msk [tilespmem:v1+s18+$0x0], vm2;
	[tilespmem:v1+s18+$0x0] =	vst.idx.msk vm2, v13  }
0x104: {  	v1 =	vld [tilespmem:$0x19010];
	_ =	sdelay $0x4  }
0x105: {  	v1 =	vsub.s32 v1, v9  }
0x106: {  	vm0 =	vgt.s32 v1, $0x0  }
0x107: {  	[tilespmem:$0x1FE00] =	vst v12;
	v12 =	vnsel vm0, $0x0, v1  }
0x108: {  	v12 =	vmin.u32 v12, $0xC7  }
0x109: {  	vm4 =	vlt.u32 v1, $0xC8;
	v1 =	vshll.u32 v12, $0x7;
	v12 =	vld [tilespmem:$0x1FF90];
	_ =	sdelay $0x4  }
0x10a: {  	v1 =	vor.u32 v12, v1;
	_ =	sdelay $0x4  }
0x10b: {  	v12 =	vld.idx.msk [tilespmem:v1+s18+$0x0], vm4;
	[tilespmem:v1+s18+$0x0] =	vst.idx.msk vm4, v13  }
0x10c: {  	v1 =	vld [tilespmem:$0x19020];
	_ =	sdelay $0x4  }
0x10d: {  	v1 =	vsub.s32 v1, v9  }
0x10e: {  	vm0 =	vgt.s32 v1, $0x0  }
0x10f: {  	[tilespmem:$0x1FE10] =	vst v12;
	v12 =	vnsel vm0, $0x0, v1  }
0x110: {  	v12 =	vmin.u32 v12, $0xC7  }
0x111: {  	vm6 =	vlt.u32 v1, $0xC8;
	v1 =	vshll.u32 v12, $0x7;
	v12 =	vld [tilespmem:$0x1FFA0];
	_ =	sdelay $0x4  }
0x112: {  	v1 =	vor.u32 v12, v1;
	_ =	sdelay $0x4  }
0x113: {  	v12 =	vld.idx.msk [tilespmem:v1+s18+$0x0], vm6;
	[tilespmem:v1+s18+$0x0] =	vst.idx.msk vm6, v13  }
0x114: {  	v1 =	vld [tilespmem:$0x19030];
	_ =	sdelay $0x4  }
0x115: {  	v1 =	vsub.s32 v1, v9  }
0x116: {  	vm0 =	vgt.s32 v1, $0x0  }
0x117: {  	[tilespmem:$0x1FE20] =	vst v12;
	v12 =	vnsel vm0, $0x0, v1  }
0x118: {  	v12 =	vmin.u32 v12, $0xC7  }
0x119: {  	vm8 =	vlt.u32 v1, $0xC8;
	v1 =	vshll.u32 v12, $0x7;
	v12 =	vld [tilespmem:$0x1FFB0];
	_ =	sdelay $0x4  }
0x11a: {  	v1 =	vor.u32 v12, v1;
	_ =	sdelay $0x4  }
0x11b: {  	v12 =	vld.idx.msk [tilespmem:v1+s18+$0x0], vm8;
	[tilespmem:v1+s18+$0x0] =	vst.idx.msk vm8, v13  }
0x11c: {  	v1 =	vld [tilespmem:$0x19040];
	_ =	sdelay $0x4  }
0x11d: {  	v1 =	vsub.s32 v1, v9  }
0x11e: {  	vm0 =	vgt.s32 v1, $0x0  }
0x11f: {  	[tilespmem:$0x1FE30] =	vst v12;
	v12 =	vnsel vm0, $0x0, v1  }
0x120: {  	v12 =	vmin.u32 v12, $0xC7  }
0x121: {  	vm10 =	vlt.u32 v1, $0xC8;
	v1 =	vshll.u32 v12, $0x7;
	v12 =	vld [tilespmem:$0x1FFC0];
	_ =	sdelay $0x4  }
0x122: {  	v1 =	vor.u32 v12, v1;
	_ =	sdelay $0x4  }
0x123: {  	v12 =	vld.idx.msk [tilespmem:v1+s18+$0x0], vm10;
	[tilespmem:v1+s18+$0x0] =	vst.idx.msk vm10, v13  }
0x124: {  	v1 =	vld [tilespmem:$0x19050];
	_ =	sdelay $0x4  }
0x125: {  	v1 =	vsub.s32 v1, v9  }
0x126: {  	vm0 =	vgt.s32 v1, $0x0  }
0x127: {  	[tilespmem:$0x1FE40] =	vst v12;
	v12 =	vnsel vm0, $0x0, v1  }
0x128: {  	v12 =	vmin.u32 v12, $0xC7  }
0x129: {  	vm12 =	vlt.u32 v1, $0xC8;
	v1 =	vshll.u32 v12, $0x7;
	v12 =	vld [tilespmem:$0x1FFD0];
	_ =	sdelay $0x4  }
0x12a: {  	v1 =	vor.u32 v12, v1;
	_ =	sdelay $0x4  }
0x12b: {  	v12 =	vld.idx.msk [tilespmem:v1+s18+$0x0], vm12;
	[tilespmem:v1+s18+$0x0] =	vst.idx.msk vm12, v13  }
0x12c: {  	v1 =	vld [tilespmem:$0x19060];
	_ =	sdelay $0x4  }
0x12d: {  	v1 =	vsub.s32 v1, v9  }
0x12e: {  	vm0 =	vgt.s32 v1, $0x0  }
0x12f: {  	[tilespmem:$0x1FE50] =	vst v12;
	v12 =	vnsel vm0, $0x0, v1  }
0x130: {  	v12 =	vmin.u32 v12, $0xC7  }
0x131: {  	vm14 =	vlt.u32 v1, $0xC8;
	v1 =	vshll.u32 v12, $0x7;
	v12 =	vld [tilespmem:$0x1FFE0];
	_ =	sdelay $0x4  }
0x132: {  	v1 =	vor.u32 v12, v1;
	_ =	sdelay $0x4  }
0x133: {  	v12 =	vld.idx.msk [tilespmem:v1+s18+$0x0], vm14;
	[tilespmem:v1+s18+$0x0] =	vst.idx.msk vm14, v13  }
0x134: {  	v1 =	vld [tilespmem:$0x19070];
	_ =	sdelay $0x4  }
0x135: {  	v1 =	vsub.s32 v1, v9  }
0x136: {  	vm0 =	vgt.s32 v1, $0x0  }
0x137: {  	v9 =	vnsel vm0, $0x0, v1  }
0x138: {  	v9 =	vmin.u32 v9, $0xC7  }
0x139: {  	vm0 =	vlt.u32 v1, $0xC8;
	v1 =	vshll.u32 v9, $0x7;
	v9 =	vld [tilespmem:$0x1FFF0];
	_ =	sdelay $0x4  }
0x13a: {  	v1 =	vor.u32 v9, v1;
	_ =	sdelay $0x4  }
0x13b: {  	v9 =	vld.idx.msk [tilespmem:v1+s18+$0x0], vm0  }
0x13c: {  	[tilespmem:v1+s18+$0x0] =	vst.idx.msk vm0, v13;
	v1 =	vld [tilespmem:$0x1FF70];
	_ =	sdelay $0x4  }
0x13d: {  	[tilespmem:$0x1FE70] =	vst v9;
	v9 =	vsel vm5, v38, v1;
	v1 =	vld [tilespmem:$0x1FF60];
	_ =	sdelay $0x3  }
0x13e: {  	v8 =	vmax.f32 v26, v8  }
0x13f: {  	v3 =	vmax.f32 v8, v3;
	v38 =	vsel vm7, v32, v1;
	v1 =	vld [tilespmem:$0x1FF50]  }
0x140: {  	v7 =	vmax.f32 v37, v7;
	v3 =	vmax.f32 v3, v50  }
0x141: {  	v2 =	vmax.f32 v7, v2;
	v3 =	vmax.f32 v3, v53;
	v14 =	vmax.f32 v14, v29;
	v29 =	vld [tilespmem:$0x1FE90]  }
0x142: {  	v2 =	vmax.f32 v2, v63;
	v63 =	vmax.f32 v3, v55;
	s15 =	simm.s32 $0x0;
	v55 =	vld [tilespmem:$0x1FEC0]  }
0x143: {  	v20 =	vld [tilespmem:s15+$0x6780]  }
0x144: {  	v16 =	vsel vm9, v42, v1;
	v1 =	vld [tilespmem:$0x1FF40]  }
0x145: {  	v24 =	vld [tilespmem:s15+$0x6790]  }
0x146: {  	v33 =	vld [tilespmem:s15+$0x67A0]  }
0x147: {  	v31 =	vld [tilespmem:s15+$0x67B0]  }
0x148: {  	v35 =	vld [tilespmem:s15+$0x67C0]  }
0x149: {  	v15 =	vsel vm3, v40, v30;
	v30 =	vsel vm11, v44, v1;
	v1 =	vld [tilespmem:$0x1FF30]  }
0x14a: {  	v13 =	vld [tilespmem:s15+$0x67D0]  }
0x14b: {  	[tilespmem:$0x1FE60] =	vst v12;
	v12 =	vld [tilespmem:s15+$0x67E0]  }
0x14c: {  	v18 =	vld [tilespmem:s15+$0x6700]  }
0x14d: {  	v19 =	vld [tilespmem:s15+$0x6710]  }
0x14e: {  	v32 =	vsel vm13, v45, v1;
	v1 =	vld [tilespmem:$0x1FF20]  }
0x14f: {  	v40 =	vld [tilespmem:s15+$0x6720]  }
0x150: {  	v26 =	vld [tilespmem:s15+$0x6750]  }
0x151: {  	v6 =	vmax.f32 v21, v6;
	v21 =	vld [tilespmem:s15+$0x6760]  }
0x152: {  	v0 =	vmax.f32 v6, v0;
	v17 =	vld [tilespmem:s15+$0x6680]  }
0x153: {  	v7 =	vld [tilespmem:s15+$0x6690];
	v45 =	vadd.f32 $1.000000000e+00, v49;
	v25 =	vsel vm15, v39, v1;
	v39 =	vsub.f32 $2.000000000e+00, v15  }
0x154: {  	v0 =	vmax.f32 v0, v51;
	v50 =	vld [tilespmem:s15+$0x66A0]  }
0x155: {  	v51 =	vld [tilespmem:s15+$0x66B0];
	v37 =	vmax.f32 v45, $0.0e+00;
	v45 =	vsub.f32 $2.000000000e+00, v9;
	v8 =	vmax.f32 v39, $0.0e+00  }
0x156: {  	v53 =	vld [tilespmem:s15+$0x66C0];
	v6 =	vadd.f32 v37, v8  }
0x157: {  	v2 =	vmax.f32 v2, v59;
	v59 =	vld [tilespmem:s15+$0x6620];
	v8 =	vmax.f32 v45, $0.0e+00;
	v45 =	vadd.f32 $1.000000000e+00, v48  }
0x158: {  	v0 =	vmax.f32 v0, v61;
	v2 =	vmax.f32 v2, v56;
	v56 =	vld [tilespmem:s15+$0x6630];
	v6 =	vadd.f32 v6, v8  }
0x159: {  	v23 =	vmax.f32 v23, v27;
	v61 =	vld [tilespmem:s15+$0x6640];
	v8 =	vmax.f32 v45, $0.0e+00;
	v45 =	vsub.f32 $2.000000000e+00, v38  }
0x15a: {  	v11 =	vmax.f32 v23, v11;
	v14 =	vmax.f32 v14, v46;
	v46 =	vld [tilespmem:s15+$0x6650];
	v3 =	vadd.f32 v6, v8  }
0x15b: {  	v5 =	vmax.f32 v11, v5;
	v11 =	vld [tilespmem:s15+$0x6580];
	v6 =	vmax.f32 v45, $0.0e+00;
	v8 =	vadd.f32 $1.000000000e+00, v63  }
0x15c: {  	v22 =	vmax.f32 v28, v22;
	v42 =	vld [tilespmem:s15+$0x6730];
	v3 =	vadd.f32 v3, v6  }
0x15d: {  	p1 =	seq.s32 s2, $0x4;
	v0 =	vmax.f32 v0, v54;
	v28 =	vsub.f32 $2.000000000e+00, v16;
	v44 =	vld [tilespmem:s15+$0x6740];
	v8 =	vmax.f32 v8, $0.0e+00  }
0x15e: {  	v5 =	vmax.f32 v5, v60;
	v60 =	vpsel p1, $0xFF800000, v49;
	v49 =	vld [tilespmem:s15+$0x6510];
	v3 =	vadd.f32 v3, v8  }
0x15f: {  	v1 =	vld [tilespmem:s15+$0x6610];
	v8 =	vmax.f32 v22, v10;
	v10 =	vmax.f32 v28, $0.0e+00;
	v22 =	vadd.f32 $1.000000000e+00, v0  }
0x160: {  	v39 =	vld [tilespmem:s15+$0x66D0];
	v3 =	vadd.f32 v3, v10  }
0x161: {  	v37 =	vld [tilespmem:s15+$0x66E0];
	v4 =	vmax.f32 v8, v4;
	v8 =	vmax.f32 v22, $0.0e+00;
	v10 =	vsub.f32 $2.000000000e+00, v30  }
0x162: {  	v45 =	vld [tilespmem:s15+$0x6660];
	v3 =	vadd.f32 v3, v8  }
0x163: {  	v6 =	vld [tilespmem:s15+$0x6600];
	v8 =	vmax.f32 v10, $0.0e+00;
	v10 =	vadd.f32 $1.000000000e+00, v2  }
0x164: {  	v4 =	vmax.f32 v4, v62;
	v22 =	vld [tilespmem:$0x1FE80];
	v8 =	vadd.f32 v3, v8  }
0x165: {  	v4 =	vmax.f32 v4, v58;
	v58 =	vld [tilespmem:$0x1FF00];
	v10 =	vmax.f32 v10, $0.0e+00  }
0x166: {  	v4 =	vmax.f32 v4, v52;
	v8 =	vadd.f32 v8, v10;
	v10 =	vmax.f32 v5, v57;
	v57 =	vld [tilespmem:$0x1FF10]  }
0x167: {  	v23 =	vsub.f32 $2.000000000e+00, v32;
	v52 =	vld [tilespmem:$0x1FEB0];
	v4 =	vmax.f32 v4, v43  }
0x168: {  	v27 =	vmax.f32 v4, v36;
	v10 =	vmax.f32 v10, v47;
	v47 =	vld [tilespmem:$0x1FEA0]  }
0x169: {  	v23 =	vmax.f32 v23, $0.0e+00;
	v36 =	vld [tilespmem:s15+$0x6400];
	v14 =	vmax.f32 v14, v22;
	v28 =	vadd.f32 $1.000000000e+00, v27  }
0x16a: {  	v14 =	vmax.f32 v14, v29;
	v29 =	vsub.f32 $2.000000000e+00, v25;
	v8 =	vadd.f32 v8, v23;
	v23 =	vld [tilespmem:s15+$0x6500]  }
0x16b: {  	v28 =	vmax.f32 v28, $0.0e+00;
	v10 =	vmax.f32 v10, v41;
	v62 =	vsel vm1, v58, v57;
	v57 =	vld [tilespmem:$0x1FED0]  }
0x16c: {  	v41 =	vld [tilespmem:s15+$0x6410];
	v10 =	vmax.f32 v10, v34;
	v8 =	vadd.f32 v8, v28  }
0x16d: {  	v29 =	vmax.f32 v29, $0.0e+00;
	v28 =	vld [tilespmem:s15+$0x6480];
	v54 =	vadd.f32 $1.000000000e+00, v10;
	v14 =	vmax.f32 v14, v47  }
0x16e: {  	v8 =	vadd.f32 v8, v29;
	v29 =	vld [tilespmem:s15+$0x6490];
	v14 =	vmax.f32 v14, v52  }
0x16f: {  	v3 =	vld [tilespmem:s15+$0x65A0];
	v34 =	vmax.f32 v54, $0.0e+00;
	v47 =	vsub.f32 $2.000000000e+00, v62;
	v14 =	vmax.f32 v14, v55  }
0x170: {  	v22 =	vld [tilespmem:s15+$0x6590];
	v8 =	vadd.f32 v8, v34;
	v34 =	vmax.f32 v60, v36;
	v14 =	vmax.f32 v14, v57  }
0x171: {  	v4 =	vld [tilespmem:s15+$0x65B0];
	v58 =	vmax.f32 v47, $0.0e+00;
	v60 =	vpsel p1, $0xFF800000, v48;
	v48 =	vadd.f32 $1.000000000e+00, v14  }
0x172: {  	v5 =	vld [tilespmem:s15+$0x65C0];
	v28 =	vmax.f32 v34, v28;
	v8 =	vadd.f32 v8, v58;
	v57 =	vmax.f32 v60, v41  }
0x173: {  	v54 =	vld [tilespmem:s15+$0x65E0];
	v23 =	vmax.f32 v28, v23;
	v29 =	vmax.f32 v57, v29;
	v28 =	vmax.f32 v48, $0.0e+00  }
0x174: {  	v55 =	vld [tilespmem:s15+$0x65D0];
	v8 =	vadd.f32 v8, v28;
	v28 =	vmax.f32 v29, v49  }
0x175: {  	v34 =	vld [tilespmem:s15+$0x6520];
	v22 =	vmax.f32 v28, v22  }
0x176: {  	v1 =	vmax.f32 v22, v1;
	v22 =	vld [tilespmem:$0x1FF80]  }
0x177: {  	v58 =	vld [tilespmem:s15+$0x64A0]  }
0x178: {  	v11 =	vmax.f32 v23, v11;
	v23 =	vld [tilespmem:s15+$0x6420]  }
0x179: {  	v6 =	vmax.f32 v11, v6;
	v11 =	vld [tilespmem:s15+$0x6430]  }
0x17a: {  	v6 =	vmax.f32 v6, v17;
	v17 =	vld [tilespmem:s15+$0x6440]  }
0x17b: {  	v6 =	vmax.f32 v6, v18;
	v18 =	vld [tilespmem:s15+$0x6540];
	v1 =	vmax.f32 v1, v7;
	v8 =	vadd.f32 v8, v22  }
0x17c: {  	v0 =	vpsel p1, $0xFF800000, v0;
	v2 =	vpsel p1, $0xFF800000, v2;
	v7 =	vld [tilespmem:s15+$0x64B0];
	v1 =	vmax.f32 v1, v19  }
0x17d: {  	v43 =	vpsel p1, $0x0, v9;
	v47 =	vmax.f32 v1, v24;
	v1 =	vld [tilespmem:s15+$0x6530];
	v8 =	vpsel p1, v8, v22  }
0x17e: {  	v52 =	vpsel p1, $0x0, v38;
	v60 =	vpsel p1, $0xFF800000, v27;
	v41 =	vpsel p1, $0x0, v15;
	[tilespmem:$0x1FEE0] =	vst v8;
	v8 =	vld [tilespmem:s15+$0x64C0]  }
0x17f: {  	v27 =	vpsel p1, $0x0, v16;
	v48 =	vmax.f32 v6, v20;
	v6 =	vpsel p1, $0xFF800000, v63;
	v20 =	vld [tilespmem:s15+$0x6450]  }
0x180: {  	v57 =	vpsel p1, $0xFF800000, v10;
	v63 =	vpsel p1, $0x0, v30;
	v30 =	vld [tilespmem:s15+$0x6460];
	v6 =	vmax.f32 v6, v23  }
0x181: {  	v0 =	vmax.f32 v0, v11;
	v11 =	vmax.f32 v6, v58;
	v6 =	vld [tilespmem:s15+$0x6550];
	v58 =	vpsel p1, $0xFF800000, v14  }
0x182: {  	v2 =	vmax.f32 v2, v17;
	v19 =	vmax.f32 v11, v34;
	v11 =	vld [tilespmem:s15+$0x64E0];
	v0 =	vmax.f32 v0, v7  }
0x183: {  	v7 =	vld [tilespmem:s15+$0x6560];
	v22 =	vmax.f32 v0, v1;
	v0 =	vpsel p1, $0x0, v62;
	v9 =	vmax.f32 v2, v8  }
0x184: {  	s2 =	simm.s32 $0x1000;
	v17 =	vpsel p1, $0x0, v32;
	[tilespmem:$0x1FEF0] =	vst v0;
	v8 =	vld [tilespmem:s15+$0x64D0];
	v2 =	vpsel p1, $0x0, v25;
	v15 =	vmax.f32 v9, v18  }
.LBB2_5:
0x185: {  	p1 =	sne.s32 s2, $0x18000;
	v10 =	vld [tilespmem:s15+$0x6470];
	v0 =	vmax.f32 v19, v3;
	v1 =	vmax.f32 v22, v4;
	v3 =	vmax.f32 v15, v5  }
0x186: {  	v4 =	vld [tilespmem:s15+$0x64F0];
	v0 =	vmax.f32 v0, v59;
	v1 =	vmax.f32 v1, v56;
	v3 =	vmax.f32 v3, v61  }
0x187: {  	v5 =	vld [tilespmem:s15+$0x6570];
	v0 =	vmax.f32 v0, v50;
	v1 =	vmax.f32 v1, v51;
	v3 =	vmax.f32 v3, v53  }
0x188: {  	v14 =	vld [tilespmem:s15+$0x65F0];
	v0 =	vmax.f32 v0, v40;
	v1 =	vmax.f32 v1, v42;
	v3 =	vmax.f32 v3, v44  }
0x189: {  	v15 =	vld [tilespmem:s15+$0x6670];
	v0 =	vmax.f32 v0, v33;
	v1 =	vmax.f32 v1, v31;
	v9 =	vmax.f32 v3, v35  }
0x18a: {  	v3 =	vmax.f32 v60, v20;
	v16 =	vmax.f32 v57, v30;
	v10 =	vmax.f32 v58, v10;
	v18 =	vld [tilespmem:s15+$0x66F0]  }
0x18b: {  	v3 =	vmax.f32 v3, v8;
	v8 =	vmax.f32 v16, v11;
	v4 =	vmax.f32 v10, v4;
	v16 =	vld [tilespmem:s15+$0x6770]  }
0x18c: {  	v3 =	vmax.f32 v3, v6;
	v6 =	vmax.f32 v8, v7;
	v4 =	vmax.f32 v4, v5;
	v5 =	vld [tilespmem:s15+$0x67F0];
	s15 =	sshra.s32 s2, $0x2  }
0x18d: {  	v3 =	vmax.f32 v3, v55;
	v6 =	vmax.f32 v6, v54;
	v10 =	vld [tilespmem:s15+$0x6780];
	v4 =	vmax.f32 v4, v14  }
0x18e: {  	v3 =	vmax.f32 v3, v46;
	v6 =	vmax.f32 v6, v45;
	v11 =	vld [tilespmem:s15+$0x6790];
	v4 =	vmax.f32 v4, v15  }
0x18f: {  	v3 =	vmax.f32 v3, v39;
	v6 =	vmax.f32 v6, v37;
	v33 =	vld [tilespmem:s15+$0x67A0];
	v4 =	vmax.f32 v4, v18  }
0x190: {  	v3 =	vmax.f32 v3, v26;
	v6 =	vmax.f32 v6, v21;
	v31 =	vld [tilespmem:s15+$0x67B0];
	v4 =	vmax.f32 v4, v16  }
0x191: {  	v60 =	vmax.f32 v3, v13;
	v57 =	vmax.f32 v6, v12;
	v35 =	vld [tilespmem:s15+$0x67C0];
	v58 =	vmax.f32 v4, v5  }
0x192: {  	v13 =	vld [tilespmem:s15+$0x67D0]  }
0x193: {  	v12 =	vld [tilespmem:s15+$0x67E0]  }
0x194: {  	v8 =	vld [tilespmem:s15+$0x6700]  }
0x195: {  	v14 =	vld [tilespmem:s15+$0x6710]  }
0x196: {  	v40 =	vld [tilespmem:s15+$0x6720]  }
0x197: {  	v42 =	vld [tilespmem:s15+$0x6730]  }
0x198: {  	v44 =	vld [tilespmem:s15+$0x6740]  }
0x199: {  	v26 =	vld [tilespmem:s15+$0x6750]  }
0x19a: {  	v21 =	vld [tilespmem:s15+$0x6760]  }
0x19b: {  	v7 =	vld [tilespmem:s15+$0x6680]  }
0x19c: {  	v15 =	vld [tilespmem:s15+$0x6690]  }
0x19d: {  	v50 =	vld [tilespmem:s15+$0x66A0]  }
0x19e: {  	v51 =	vld [tilespmem:s15+$0x66B0]  }
0x19f: {  	v53 =	vld [tilespmem:s15+$0x66C0]  }
0x1a0: {  	v39 =	vld [tilespmem:s15+$0x66D0]  }
0x1a1: {  	v37 =	vld [tilespmem:s15+$0x66E0]  }
0x1a2: {  	v6 =	vld [tilespmem:s15+$0x6600]  }
0x1a3: {  	v16 =	vld [tilespmem:s15+$0x6610]  }
0x1a4: {  	v59 =	vld [tilespmem:s15+$0x6620]  }
0x1a5: {  	v56 =	vld [tilespmem:s15+$0x6630]  }
0x1a6: {  	v61 =	vld [tilespmem:s15+$0x6640]  }
0x1a7: {  	v46 =	vld [tilespmem:s15+$0x6650]  }
0x1a8: {  	v45 =	vld [tilespmem:s15+$0x6660]  }
0x1a9: {  	v18 =	vld [tilespmem:s15+$0x6580]  }
0x1aa: {  	v19 =	vld [tilespmem:s15+$0x6590]  }
0x1ab: {  	v3 =	vld [tilespmem:s15+$0x65A0]  }
0x1ac: {  	v4 =	vld [tilespmem:s15+$0x65B0]  }
0x1ad: {  	v5 =	vld [tilespmem:s15+$0x65C0]  }
0x1ae: {  	v55 =	vld [tilespmem:s15+$0x65D0]  }
0x1af: {  	v54 =	vld [tilespmem:s15+$0x65E0]  }
0x1b0: {  	v20 =	vld [tilespmem:s15+$0x6500]  }
0x1b1: {  	v22 =	vld [tilespmem:s15+$0x6510]  }
0x1b2: {  	v23 =	vld [tilespmem:s15+$0x6520]  }
0x1b3: {  	v24 =	vld [tilespmem:s15+$0x6480]  }
0x1b4: {  	v25 =	vld [tilespmem:s15+$0x6400]  }
0x1b5: {  	v28 =	vld [tilespmem:s15+$0x6410]  }
0x1b6: {  	v29 =	vld [tilespmem:s15+$0x6490]  }
0x1b7: {  	v32 =	vld [tilespmem:s15+$0x6530]  }
0x1b8: {  	v34 =	vld [tilespmem:s15+$0x6540]  }
0x1b9: {  	v30 =	vld [tilespmem:s15+$0x64A0]  }
0x1ba: {  	v25 =	vmax.f32 v48, v25;
	v28 =	vmax.f32 v47, v28;
	v36 =	vld [tilespmem:s15+$0x64B0]  }
0x1bb: {  	v24 =	vmax.f32 v25, v24;
	v38 =	vld [tilespmem:s15+$0x6420];
	v25 =	vmax.f32 v28, v29  }
0x1bc: {  	v20 =	vmax.f32 v24, v20;
	v28 =	vld [tilespmem:s15+$0x6430];
	v22 =	vmax.f32 v25, v22  }
0x1bd: {  	v18 =	vmax.f32 v20, v18;
	v24 =	vld [tilespmem:s15+$0x6440];
	v19 =	vmax.f32 v22, v19  }
0x1be: {  	v18 =	vmax.f32 v18, v6;
	v22 =	vld [tilespmem:s15+$0x64C0];
	v16 =	vmax.f32 v19, v16  }
0x1bf: {  	v18 =	vmax.f32 v18, v7;
	v6 =	vld [tilespmem:s15+$0x6550];
	v15 =	vmax.f32 v16, v15  }
.Ltmp3:
0x1c0: {  	v16 =	vmax.f32 v18, v8;
	v7 =	vld [tilespmem:s15+$0x6560];
	v14 =	vmax.f32 v15, v14;
	(pc) =	sbr.rel @p1 .LBB2_5-.Ltmp3, $4  }
0x1c1: {  	v48 =	vmax.f32 v16, v10;
	v8 =	vld [tilespmem:s15+$0x64D0];
	v47 =	vmax.f32 v14, v11  }
0x1c2: {  	v0 =	vmax.f32 v0, v38;
	v1 =	vmax.f32 v1, v28;
	v9 =	vmax.f32 v9, v24;
	v11 =	vld [tilespmem:s15+$0x64E0]  }
0x1c3: {  	v0 =	vmax.f32 v0, v30;
	v1 =	vmax.f32 v1, v36;
	v20 =	vld [tilespmem:s15+$0x6450];
	v9 =	vmax.f32 v9, v22  }
0x1c4: {  	s2 =	sadd.s32 $0x1000, s2;
	v19 =	vmax.f32 v0, v23;
	v22 =	vmax.f32 v1, v32;
	v30 =	vld [tilespmem:s15+$0x6460];
	v15 =	vmax.f32 v9, v34  }
0x1c5: {  	v0 =	vld [tilespmem:s15+$0x6670];
	_ =	sdelay $0x4  }
0x1c6: {  	[tilespmem:$0x1FDA0] =	vst v0;
	v0 =	vld [tilespmem:s15+$0x66F0];
	_ =	sdelay $0x4  }
0x1c7: {  	[tilespmem:$0x1FDB0] =	vst v0;
	v0 =	vld [tilespmem:s15+$0x6770];
	_ =	sdelay $0x2  }
0x1c8: {  	v49 =	vld [tilespmem:s15+$0x6470]  }
0x1c9: {  	v25 =	vld [tilespmem:s15+$0x64F0]  }
0x1ca: {  	s2 =	sadd.s32 @!p0 s10, s31;
	[tilespmem:$0x1FDC0] =	vst v0;
	v0 =	vld [tilespmem:s15+$0x67F0]  }
0x1cb: {  	v28 =	vld [tilespmem:s15+$0x6570];
	s5 =	simm.s32 @!p0 $0x400;
	s2 =	sshrl.u32 @!p0 s2, $0x3  }
0x1cc: {  	v38 =	vld [tilespmem:s15+$0x65F0];
	s26 =	simm.s32 @!p0 $0x6400;
	s2 =	sadd.s32 @!p0 s1, s2;
	s15 =	simm.s32 @!p0 $0x8000  }
0x1cd: {  	[tilespmem:s26], [sflag:$0x2] =	stream.strided.gather @!p0 [hbm4b:s2+s5], $0x6400, s15, s5, $0x38;
	[tilespmem:$0x19100] =	vst v63  }
0x1ce: {  	s15 =	sor.u32 $0x2, s30  }
0x1cf: {  	s26 =	smulhi.u32 $0x66666667, s15;
	[tilespmem:$0x1FDD0] =	vst v0  }
0x1d0: {  	_ =	swait.ge [sflag:s24], $0x6400  }
0x1d1: {  	s5 =	sshrl.u32 s26, $0x1;
	[sflag:s24] =	ssyncset.done $0x0  }
0x1d2: {  	s5 =	smul.u32 $0x5, s5;
	[sflag:s24] =	ssyncadd.s32 $0xFFFF9C00  }
0x1d3: {  	v0 =	vld [tilespmem:$0x19000]  }
0x1d4: {  	s2 =	ssub.s32 s15, s5  }
0x1d5: {  	s5 =	smul.u32 $0xC8, s2;
	_ =	sdelay $0x1  }
0x1d6: {  	v1 =	vmov s5  }
0x1d7: {  	v0 =	vsub.s32 v0, v1  }
0x1d8: {  	vm1 =	vgt.s32 v0, $0x0  }
0x1d9: {  	v9 =	vnsel vm1, $0x0, v0  }
0x1da: {  	v9 =	vmin.u32 v9, $0xC7  }
0x1db: {  	vm3 =	vlt.u32 v0, $0xC8;
	v0 =	vshll.u32 v9, $0x7;
	v9 =	vlaneseq.u32  }
0x1dc: {  	v0 =	vor.u32 v9, v0;
	_ =	sdelay $0x3  }
0x1dd: {  	v10 =	vimm.f32 $-1.000000000e+10  }
0x1de: {  	v9 =	vld.idx.msk [tilespmem:v0+s20+$0x0], vm3;
	[tilespmem:v0+s20+$0x0] =	vst.idx.msk vm3, v10  }
0x1df: {  	v0 =	vld [tilespmem:$0x19010];
	_ =	sdelay $0x4  }
0x1e0: {  	v0 =	vsub.s32 v0, v1  }
0x1e1: {  	vm1 =	vgt.s32 v0, $0x0  }
0x1e2: {  	[tilespmem:$0x1FD20] =	vst v9;
	v9 =	vnsel vm1, $0x0, v0  }
0x1e3: {  	v9 =	vmin.u32 v9, $0xC7  }
0x1e4: {  	vm5 =	vlt.u32 v0, $0xC8;
	v0 =	vshll.u32 v9, $0x7;
	v9 =	vld [tilespmem:$0x1FF90];
	_ =	sdelay $0x4  }
0x1e5: {  	v0 =	vor.u32 v9, v0;
	_ =	sdelay $0x4  }
0x1e6: {  	v9 =	vld.idx.msk [tilespmem:v0+s20+$0x0], vm5;
	[tilespmem:v0+s20+$0x0] =	vst.idx.msk vm5, v10  }
0x1e7: {  	v0 =	vld [tilespmem:$0x19020];
	_ =	sdelay $0x4  }
0x1e8: {  	v0 =	vsub.s32 v0, v1  }
0x1e9: {  	vm1 =	vgt.s32 v0, $0x0  }
0x1ea: {  	[tilespmem:$0x1FD30] =	vst v9;
	v9 =	vnsel vm1, $0x0, v0  }
0x1eb: {  	v9 =	vmin.u32 v9, $0xC7  }
0x1ec: {  	vm7 =	vlt.u32 v0, $0xC8;
	v0 =	vshll.u32 v9, $0x7;
	v9 =	vld [tilespmem:$0x1FFA0];
	_ =	sdelay $0x4  }
0x1ed: {  	v0 =	vor.u32 v9, v0;
	_ =	sdelay $0x4  }
0x1ee: {  	v9 =	vld.idx.msk [tilespmem:v0+s20+$0x0], vm7;
	[tilespmem:v0+s20+$0x0] =	vst.idx.msk vm7, v10  }
0x1ef: {  	v0 =	vld [tilespmem:$0x19030];
	_ =	sdelay $0x4  }
0x1f0: {  	v0 =	vsub.s32 v0, v1  }
0x1f1: {  	vm1 =	vgt.s32 v0, $0x0  }
0x1f2: {  	[tilespmem:$0x1FD40] =	vst v9;
	v9 =	vnsel vm1, $0x0, v0  }
0x1f3: {  	v9 =	vmin.u32 v9, $0xC7  }
0x1f4: {  	vm9 =	vlt.u32 v0, $0xC8;
	v0 =	vshll.u32 v9, $0x7;
	v9 =	vld [tilespmem:$0x1FFB0];
	_ =	sdelay $0x4  }
0x1f5: {  	v0 =	vor.u32 v9, v0;
	_ =	sdelay $0x4  }
0x1f6: {  	v9 =	vld.idx.msk [tilespmem:v0+s20+$0x0], vm9;
	[tilespmem:v0+s20+$0x0] =	vst.idx.msk vm9, v10  }
0x1f7: {  	v0 =	vld [tilespmem:$0x19040];
	_ =	sdelay $0x4  }
0x1f8: {  	v0 =	vsub.s32 v0, v1  }
0x1f9: {  	vm1 =	vgt.s32 v0, $0x0  }
0x1fa: {  	[tilespmem:$0x1FD50] =	vst v9;
	v9 =	vnsel vm1, $0x0, v0  }
0x1fb: {  	v9 =	vmin.u32 v9, $0xC7  }
0x1fc: {  	vm11 =	vlt.u32 v0, $0xC8;
	v0 =	vshll.u32 v9, $0x7;
	v9 =	vld [tilespmem:$0x1FFC0];
	_ =	sdelay $0x4  }
0x1fd: {  	v0 =	vor.u32 v9, v0;
	_ =	sdelay $0x4  }
0x1fe: {  	v9 =	vld.idx.msk [tilespmem:v0+s20+$0x0], vm11;
	[tilespmem:v0+s20+$0x0] =	vst.idx.msk vm11, v10  }
0x1ff: {  	v0 =	vld [tilespmem:$0x19050];
	_ =	sdelay $0x4  }
0x200: {  	v0 =	vsub.s32 v0, v1  }
0x201: {  	vm1 =	vgt.s32 v0, $0x0  }
0x202: {  	[tilespmem:$0x1FD60] =	vst v9;
	v9 =	vnsel vm1, $0x0, v0  }
0x203: {  	v9 =	vmin.u32 v9, $0xC7  }
0x204: {  	vm13 =	vlt.u32 v0, $0xC8;
	v0 =	vshll.u32 v9, $0x7;
	v9 =	vld [tilespmem:$0x1FFD0];
	_ =	sdelay $0x4  }
0x205: {  	v0 =	vor.u32 v9, v0;
	_ =	sdelay $0x4  }
0x206: {  	v9 =	vld.idx.msk [tilespmem:v0+s20+$0x0], vm13;
	[tilespmem:v0+s20+$0x0] =	vst.idx.msk vm13, v10  }
0x207: {  	v0 =	vld [tilespmem:$0x19060];
	_ =	sdelay $0x4  }
0x208: {  	v0 =	vsub.s32 v0, v1  }
0x209: {  	vm1 =	vgt.s32 v0, $0x0  }
0x20a: {  	[tilespmem:$0x1FD70] =	vst v9;
	v9 =	vnsel vm1, $0x0, v0  }
0x20b: {  	v9 =	vmin.u32 v9, $0xC7  }
0x20c: {  	vm15 =	vlt.u32 v0, $0xC8;
	v0 =	vshll.u32 v9, $0x7;
	v9 =	vld [tilespmem:$0x1FFE0];
	_ =	sdelay $0x4  }
0x20d: {  	v0 =	vor.u32 v9, v0;
	_ =	sdelay $0x4  }
0x20e: {  	v9 =	vld.idx.msk [tilespmem:v0+s20+$0x0], vm15;
	[tilespmem:v0+s20+$0x0] =	vst.idx.msk vm15, v10  }
0x20f: {  	v0 =	vld [tilespmem:$0x19070];
	_ =	sdelay $0x2  }
0x210: {  	v29 =	vld [tilespmem:$0x1FE30];
	_ =	sdelay $0x1  }
0x211: {  	v0 =	vsub.s32 v0, v1  }
0x212: {  	vm1 =	vgt.s32 v0, $0x0  }
0x213: {  	v1 =	vnsel vm1, $0x0, v0  }
0x214: {  	v4 =	vmax.f32 v22, v4;
	v62 =	vsel vm8, v29, v27;
	v27 =	vld [tilespmem:$0x1FE40];
	v1 =	vmin.u32 v1, $0xC7  }
0x215: {  	v4 =	vmax.f32 v4, v56;
	vm1 =	vlt.u32 v0, $0xC8;
	v0 =	vshll.u32 v1, $0x7;
	v1 =	vld [tilespmem:$0x1FFF0]  }
0x216: {  	v4 =	vmax.f32 v4, v51  }
0x217: {  	v4 =	vmax.f32 v4, v42  }
0x218: {  	v31 =	vmax.f32 v4, v31;
	v4 =	vmax.f32 v60, v20  }
0x219: {  	v4 =	vmax.f32 v4, v8;
	v29 =	vsel vm10, v27, v63;
	v27 =	vld [tilespmem:$0x1FE50]  }
0x21a: {  	v30 =	vmax.f32 v57, v30;
	v4 =	vmax.f32 v4, v6;
	v0 =	vor.u32 v1, v0  }
0x21b: {  	v11 =	vmax.f32 v30, v11;
	v4 =	vmax.f32 v4, v55;
	v30 =	vld [tilespmem:$0x1FDA0]  }
0x21c: {  	v7 =	vmax.f32 v11, v7;
	v4 =	vmax.f32 v4, v46;
	v46 =	vld [tilespmem:$0x1FDC0]  }
0x21d: {  	v7 =	vmax.f32 v7, v54;
	v54 =	vld [tilespmem:$0x1FEF0]  }
0x21e: {  	v63 =	vsel vm12, v27, v17;
	v17 =	vld [tilespmem:$0x1FE60]  }
0x21f: {  	v1 =	vld.idx.msk [tilespmem:v0+s20+$0x0], vm1  }
0x220: {  	s15 =	simm.s32 $0x0;
	[tilespmem:v0+s20+$0x0] =	vst.idx.msk vm1, v10;
	v0 =	vld [tilespmem:$0x1FE00]  }
0x221: {  	v23 =	vld [tilespmem:s15+$0xCB80]  }
0x222: {  	v24 =	vld [tilespmem:s15+$0xCB90]  }
0x223: {  	v34 =	vld [tilespmem:s15+$0xCBA0]  }
0x224: {  	v32 =	vld [tilespmem:s15+$0xCBB0]  }
0x225: {  	v36 =	vld [tilespmem:s15+$0xCBC0]  }
0x226: {  	v14 =	vld [tilespmem:s15+$0xCBD0]  }
0x227: {  	v10 =	vld [tilespmem:s15+$0xCBE0]  }
0x228: {  	v16 =	vld [tilespmem:s15+$0xCB00]  }
0x229: {  	v18 =	vld [tilespmem:s15+$0xCB10]  }
0x22a: {  	[tilespmem:$0x1FD90] =	vst v1;
	v1 =	vld [tilespmem:$0x1FE20]  }
0x22b: {  	[tilespmem:$0x1FD80] =	vst v9;
	v9 =	vsel vm2, v0, v41;
	v0 =	vld [tilespmem:$0x1FE10]  }
0x22c: {  	v27 =	vld [tilespmem:s15+$0xCB40]  }
0x22d: {  	v3 =	vmax.f32 v19, v3;
	v2 =	vsel vm14, v17, v2;
	v17 =	vld [tilespmem:s15+$0xCB50]  }
0x22e: {  	v5 =	vmax.f32 v15, v5;
	v3 =	vmax.f32 v3, v59;
	v15 =	vld [tilespmem:s15+$0xCB60]  }
0x22f: {  	v59 =	vld [tilespmem:s15+$0xCA80];
	v19 =	vsub.f32 $2.000000000e+00, v9;
	v1 =	vsel vm6, v1, v52;
	v52 =	vadd.f32 $1.000000000e+00, v48  }
0x230: {  	v5 =	vmax.f32 v5, v61;
	v3 =	vmax.f32 v3, v50;
	v61 =	vld [tilespmem:s15+$0xCA90];
	v0 =	vsel vm4, v0, v43  }
0x231: {  	v50 =	vld [tilespmem:s15+$0xCAA0];
	v19 =	vmax.f32 v19, $0.0e+00;
	v22 =	vmax.f32 v52, $0.0e+00;
	v52 =	vsub.f32 $2.000000000e+00, v0  }
0x232: {  	v56 =	vadd.f32 $1.000000000e+00, v47;
	v5 =	vmax.f32 v5, v53;
	v51 =	vld [tilespmem:s15+$0xCAB0];
	v19 =	vadd.f32 v22, v19  }
0x233: {  	v3 =	vmax.f32 v3, v40;
	v5 =	vmax.f32 v5, v44;
	v44 =	vld [tilespmem:s15+$0xCA00];
	v22 =	vmax.f32 v52, $0.0e+00  }
0x234: {  	v33 =	vmax.f32 v3, v33;
	v35 =	vmax.f32 v5, v35;
	v60 =	vld [tilespmem:s15+$0xCA10];
	v19 =	vadd.f32 v19, v22  }
0x235: {  	v7 =	vmax.f32 v7, v45;
	v53 =	vld [tilespmem:s15+$0xCA30];
	v22 =	vmax.f32 v56, $0.0e+00;
	v56 =	vsub.f32 $2.000000000e+00, v1  }
0x236: {  	v4 =	vmax.f32 v4, v39;
	v7 =	vmax.f32 v7, v37;
	v57 =	vld [tilespmem:s15+$0xCA40];
	v3 =	vadd.f32 v19, v22  }
0x237: {  	v4 =	vmax.f32 v4, v26;
	v42 =	vld [tilespmem:s15+$0xCA50];
	v40 =	vmax.f32 v56, $0.0e+00;
	v56 =	vadd.f32 $1.000000000e+00, v33  }
0x238: {  	v7 =	vmax.f32 v7, v21;
	v13 =	vmax.f32 v4, v13;
	v4 =	vld [tilespmem:s15+$0xC9B0];
	v3 =	vadd.f32 v3, v40  }
0x239: {  	v7 =	vmax.f32 v7, v12;
	v20 =	vsub.f32 $2.000000000e+00, v62;
	v12 =	vld [tilespmem:s15+$0xC880];
	v5 =	vmax.f32 v56, $0.0e+00  }
0x23a: {  	v45 =	vld [tilespmem:s15+$0xC910];
	v3 =	vadd.f32 v3, v5  }
0x23b: {  	v8 =	vadd.f32 $1.000000000e+00, v31;
	v41 =	vld [tilespmem:s15+$0xCB20];
	v5 =	vmax.f32 v20, $0.0e+00  }
0x23c: {  	p1 =	seq.s32 s0, $0x4;
	v43 =	vld [tilespmem:s15+$0xCB30];
	v3 =	vadd.f32 v3, v5  }
0x23d: {  	v55 =	vpsel p1, $0xFF800000, v48;
	v6 =	vsub.f32 $2.000000000e+00, v29;
	v48 =	vld [tilespmem:s15+$0xC9E0];
	v5 =	vmax.f32 v8, $0.0e+00  }
0x23e: {  	v52 =	vld [tilespmem:s15+$0xCAC0];
	v3 =	vadd.f32 v3, v5  }
0x23f: {  	v22 =	vld [tilespmem:s15+$0xCAD0];
	v5 =	vmax.f32 v6, $0.0e+00;
	v6 =	vadd.f32 $1.000000000e+00, v35  }
0x240: {  	v49 =	vmax.f32 v58, v49;
	v19 =	vld [tilespmem:s15+$0xCAE0];
	v5 =	vadd.f32 v3, v5  }
0x241: {  	v56 =	vld [tilespmem:s15+$0xCA20];
	v20 =	vmax.f32 v49, v25;
	v25 =	vsub.f32 $2.000000000e+00, v63;
	v6 =	vmax.f32 v6, $0.0e+00  }
0x242: {  	v40 =	vld [tilespmem:s15+$0xCA60];
	v6 =	vadd.f32 v5, v6  }
0x243: {  	v26 =	vadd.f32 $1.000000000e+00, v13;
	v49 =	vld [tilespmem:$0x1FE70];
	v25 =	vmax.f32 v25, $0.0e+00  }
0x244: {  	v11 =	vmax.f32 v20, v28;
	v20 =	vld [tilespmem:s15+$0xC990];
	v6 =	vadd.f32 v6, v25  }
0x245: {  	v21 =	vmax.f32 v26, $0.0e+00;
	v28 =	vld [tilespmem:s15+$0xC800]  }
0x246: {  	v6 =	vadd.f32 v6, v21;
	v21 =	vld [tilespmem:$0x1FDB0]  }
0x247: {  	v8 =	vld [tilespmem:s15+$0xC980];
	v11 =	vmax.f32 v11, v38  }
0x248: {  	v11 =	vmax.f32 v11, v30;
	v30 =	vld [tilespmem:s15+$0xC810]  }
0x249: {  	v26 =	vsub.f32 $2.000000000e+00, v2;
	v37 =	vsel vm0, v49, v54;
	v54 =	vld [tilespmem:$0x1FDD0]  }
0x24a: {  	v49 =	vld [tilespmem:s15+$0xC9D0]  }
0x24b: {  	v3 =	vld [tilespmem:s15+$0xC9A0];
	v11 =	vmax.f32 v11, v21;
	v21 =	vmax.f32 v26, $0.0e+00;
	v26 =	vadd.f32 $1.000000000e+00, v7  }
0x24c: {  	v25 =	vld [tilespmem:s15+$0xC900];
	v6 =	vadd.f32 v6, v21  }
0x24d: {  	v58 =	vsub.f32 $2.000000000e+00, v37;
	v11 =	vmax.f32 v11, v46;
	v21 =	vld [tilespmem:s15+$0xC890];
	v26 =	vmax.f32 v26, $0.0e+00  }
0x24e: {  	v5 =	vld [tilespmem:s15+$0xC9C0];
	v11 =	vmax.f32 v11, v54;
	v54 =	vpsel p1, $0xFF800000, v7;
	v6 =	vadd.f32 v6, v26  }
0x24f: {  	v7 =	vld [tilespmem:s15+$0xC960];
	v26 =	vmax.f32 v55, v28;
	v28 =	vmax.f32 v58, $0.0e+00;
	v55 =	vpsel p1, $0xFF800000, v47  }
0x250: {  	v58 =	vadd.f32 $1.000000000e+00, v11;
	v6 =	vadd.f32 v6, v28;
	v28 =	vmax.f32 v55, v30;
	v30 =	vld [tilespmem:$0x1FEE0]  }
0x251: {  	v12 =	vmax.f32 v26, v12;
	v26 =	vld [tilespmem:s15+$0xC920]  }
0x252: {  	v12 =	vmax.f32 v12, v25;
	v25 =	vmax.f32 v58, $0.0e+00;
	v21 =	vmax.f32 v28, v21;
	v28 =	vld [tilespmem:s15+$0xC8A0]  }
0x253: {  	v8 =	vmax.f32 v12, v8;
	v12 =	vld [tilespmem:s15+$0xC820];
	v6 =	vadd.f32 v6, v25;
	v21 =	vmax.f32 v21, v45  }
0x254: {  	v62 =	vpsel p1, $0x0, v62;
	v8 =	vmax.f32 v8, v44;
	v20 =	vmax.f32 v21, v20;
	v21 =	vld [tilespmem:s15+$0xC830]  }
0x255: {  	v63 =	vpsel p1, $0x0, v63;
	v25 =	vld [tilespmem:s15+$0xC840];
	v8 =	vmax.f32 v8, v59;
	v6 =	vadd.f32 v6, v30  }
0x256: {  	v58 =	vpsel p1, $0xFF800000, v13;
	v20 =	vmax.f32 v20, v60;
	v8 =	vmax.f32 v8, v16;
	v16 =	vld [tilespmem:s15+$0xC8B0]  }
0x257: {  	v20 =	vmax.f32 v20, v61;
	v39 =	vmax.f32 v8, v23;
	v8 =	vld [tilespmem:s15+$0xC8C0];
	v6 =	vpsel p1, v6, v30  }
0x258: {  	v23 =	vld [tilespmem:s15+$0xC930];
	[tilespmem:$0x1FDE0] =	vst v6;
	v6 =	vmax.f32 v20, v18;
	v18 =	vpsel p1, $0xFF800000, v33;
	v20 =	vpsel p1, $0xFF800000, v31  }
0x259: {  	v38 =	vmax.f32 v6, v24;
	v6 =	vmax.f32 v18, v12;
	v18 =	vmax.f32 v20, v21;
	v21 =	vld [tilespmem:s15+$0xC940]  }
0x25a: {  	v55 =	vpsel p1, $0xFF800000, v11;
	v59 =	vpsel p1, $0x0, v9;
	v9 =	vld [tilespmem:s15+$0xC8E0];
	v60 =	vpsel p1, $0x0, v0  }
0x25b: {  	v61 =	vpsel p1, $0x0, v1;
	v1 =	vpsel p1, $0x0, v37;
	v30 =	vld [tilespmem:s15+$0xC850];
	v12 =	vpsel p1, $0xFF800000, v35  }
0x25c: {  	v12 =	vmax.f32 v12, v25;
	v13 =	vmax.f32 v6, v28;
	v6 =	vld [tilespmem:s15+$0xC950];
	v11 =	vmax.f32 v18, v16  }
0x25d: {  	v16 =	vpsel p1, $0x0, v29;
	v18 =	vpsel p1, $0x0, v2;
	v0 =	vmax.f32 v12, v8;
	v8 =	vld [tilespmem:s15+$0xC8D0]  }
0x25e: {  	s0 =	simm.s32 $0x1000;
	[tilespmem:$0x1FDF0] =	vst v1;
	v20 =	vmax.f32 v13, v26;
	v23 =	vmax.f32 v11, v23;
	v26 =	vld [tilespmem:s15+$0xC860];
	v28 =	vmax.f32 v0, v21  }
.LBB2_7:
0x25f: {  	p1 =	sne.s32 s0, $0x18000;
	v11 =	vld [tilespmem:s15+$0xC870];
	v0 =	vmax.f32 v20, v3;
	v1 =	vmax.f32 v23, v4;
	v2 =	vmax.f32 v28, v5  }
0x260: {  	v3 =	vld [tilespmem:s15+$0xC8F0];
	v0 =	vmax.f32 v0, v56;
	v1 =	vmax.f32 v1, v53;
	v2 =	vmax.f32 v2, v57  }
0x261: {  	v4 =	vld [tilespmem:s15+$0xC970];
	v0 =	vmax.f32 v0, v50;
	v1 =	vmax.f32 v1, v51;
	v2 =	vmax.f32 v2, v52  }
0x262: {  	v5 =	vld [tilespmem:s15+$0xC9F0];
	v0 =	vmax.f32 v0, v41;
	v1 =	vmax.f32 v1, v43;
	v2 =	vmax.f32 v2, v27  }
0x263: {  	v12 =	vld [tilespmem:s15+$0xCA70];
	v0 =	vmax.f32 v0, v34;
	v1 =	vmax.f32 v1, v32;
	v2 =	vmax.f32 v2, v36  }
0x264: {  	v13 =	vmax.f32 v58, v30;
	v20 =	vmax.f32 v54, v26;
	v11 =	vmax.f32 v55, v11;
	v21 =	vld [tilespmem:s15+$0xCAF0]  }
0x265: {  	v8 =	vmax.f32 v13, v8;
	v9 =	vmax.f32 v20, v9;
	v3 =	vmax.f32 v11, v3;
	v13 =	vld [tilespmem:s15+$0xCB70]  }
0x266: {  	v6 =	vmax.f32 v8, v6;
	v7 =	vmax.f32 v9, v7;
	v3 =	vmax.f32 v3, v4;
	v4 =	vld [tilespmem:s15+$0xCBF0];
	s15 =	sshra.s32 s0, $0x2  }
0x267: {  	v6 =	vmax.f32 v6, v49;
	v7 =	vmax.f32 v7, v48;
	v9 =	vld [tilespmem:s15+$0xCB80];
	v3 =	vmax.f32 v3, v5  }
0x268: {  	v5 =	vmax.f32 v6, v42;
	v6 =	vmax.f32 v7, v40;
	v11 =	vld [tilespmem:s15+$0xCB90];
	v3 =	vmax.f32 v3, v12  }
0x269: {  	v5 =	vmax.f32 v5, v22;
	v6 =	vmax.f32 v6, v19;
	v34 =	vld [tilespmem:s15+$0xCBA0];
	v3 =	vmax.f32 v3, v21  }
0x26a: {  	v5 =	vmax.f32 v5, v17;
	v6 =	vmax.f32 v6, v15;
	v32 =	vld [tilespmem:s15+$0xCBB0];
	v3 =	vmax.f32 v3, v13  }
0x26b: {  	v58 =	vmax.f32 v5, v14;
	v54 =	vmax.f32 v6, v10;
	v36 =	vld [tilespmem:s15+$0xCBC0];
	v55 =	vmax.f32 v3, v4  }
0x26c: {  	v14 =	vld [tilespmem:s15+$0xCBD0]  }
0x26d: {  	v10 =	vld [tilespmem:s15+$0xCBE0]  }
0x26e: {  	v8 =	vld [tilespmem:s15+$0xCB00]  }
0x26f: {  	v12 =	vld [tilespmem:s15+$0xCB10]  }
0x270: {  	v41 =	vld [tilespmem:s15+$0xCB20]  }
0x271: {  	v43 =	vld [tilespmem:s15+$0xCB30]  }
0x272: {  	v27 =	vld [tilespmem:s15+$0xCB40]  }
0x273: {  	v17 =	vld [tilespmem:s15+$0xCB50]  }
0x274: {  	v15 =	vld [tilespmem:s15+$0xCB60]  }
0x275: {  	v7 =	vld [tilespmem:s15+$0xCA80]  }
0x276: {  	v13 =	vld [tilespmem:s15+$0xCA90]  }
0x277: {  	v50 =	vld [tilespmem:s15+$0xCAA0]  }
0x278: {  	v51 =	vld [tilespmem:s15+$0xCAB0]  }
0x279: {  	v52 =	vld [tilespmem:s15+$0xCAC0]  }
0x27a: {  	v22 =	vld [tilespmem:s15+$0xCAD0]  }
0x27b: {  	v19 =	vld [tilespmem:s15+$0xCAE0]  }
0x27c: {  	v6 =	vld [tilespmem:s15+$0xCA00]  }
0x27d: {  	v20 =	vld [tilespmem:s15+$0xCA10]  }
0x27e: {  	v56 =	vld [tilespmem:s15+$0xCA20]  }
0x27f: {  	v53 =	vld [tilespmem:s15+$0xCA30]  }
0x280: {  	v57 =	vld [tilespmem:s15+$0xCA40]  }
0x281: {  	v42 =	vld [tilespmem:s15+$0xCA50]  }
0x282: {  	v40 =	vld [tilespmem:s15+$0xCA60]  }
0x283: {  	v21 =	vld [tilespmem:s15+$0xC980]  }
0x284: {  	v23 =	vld [tilespmem:s15+$0xC990]  }
0x285: {  	v3 =	vld [tilespmem:s15+$0xC9A0]  }
0x286: {  	v4 =	vld [tilespmem:s15+$0xC9B0]  }
0x287: {  	v5 =	vld [tilespmem:s15+$0xC9C0]  }
0x288: {  	v49 =	vld [tilespmem:s15+$0xC9D0]  }
0x289: {  	v48 =	vld [tilespmem:s15+$0xC9E0]  }
0x28a: {  	v24 =	vld [tilespmem:s15+$0xC900]  }
0x28b: {  	v25 =	vld [tilespmem:s15+$0xC910]  }
0x28c: {  	v28 =	vld [tilespmem:s15+$0xC920]  }
0x28d: {  	v26 =	vld [tilespmem:s15+$0xC880]  }
0x28e: {  	v29 =	vld [tilespmem:s15+$0xC800]  }
0x28f: {  	v30 =	vld [tilespmem:s15+$0xC810]  }
0x290: {  	v31 =	vld [tilespmem:s15+$0xC890]  }
0x291: {  	v33 =	vld [tilespmem:s15+$0xC930]  }
0x292: {  	v35 =	vld [tilespmem:s15+$0xC940]  }
0x293: {  	v37 =	vld [tilespmem:s15+$0xC8A0]  }
0x294: {  	v29 =	vmax.f32 v39, v29;
	v30 =	vmax.f32 v38, v30;
	v44 =	vld [tilespmem:s15+$0xC8B0]  }
0x295: {  	v26 =	vmax.f32 v29, v26;
	v45 =	vld [tilespmem:s15+$0xC820];
	v29 =	vmax.f32 v30, v31  }
0x296: {  	v24 =	vmax.f32 v26, v24;
	v30 =	vld [tilespmem:s15+$0xC830];
	v25 =	vmax.f32 v29, v25  }
0x297: {  	v21 =	vmax.f32 v24, v21;
	v26 =	vld [tilespmem:s15+$0xC840];
	v23 =	vmax.f32 v25, v23  }
0x298: {  	v21 =	vmax.f32 v21, v6;
	v24 =	vld [tilespmem:s15+$0xC8C0];
	v20 =	vmax.f32 v23, v20  }
0x299: {  	v21 =	vmax.f32 v21, v7;
	v6 =	vld [tilespmem:s15+$0xC950];
	v13 =	vmax.f32 v20, v13  }
.Ltmp4:
0x29a: {  	v20 =	vmax.f32 v21, v8;
	v7 =	vld [tilespmem:s15+$0xC960];
	v12 =	vmax.f32 v13, v12;
	(pc) =	sbr.rel @p1 .LBB2_7-.Ltmp4, $4  }
0x29b: {  	v39 =	vmax.f32 v20, v9;
	v8 =	vld [tilespmem:s15+$0xC8D0];
	v38 =	vmax.f32 v12, v11  }
0x29c: {  	v0 =	vmax.f32 v0, v45;
	v1 =	vmax.f32 v1, v30;
	v2 =	vmax.f32 v2, v26;
	v9 =	vld [tilespmem:s15+$0xC8E0]  }
0x29d: {  	v0 =	vmax.f32 v0, v37;
	v1 =	vmax.f32 v1, v44;
	v30 =	vld [tilespmem:s15+$0xC850];
	v2 =	vmax.f32 v2, v24  }
0x29e: {  	s0 =	sadd.s32 $0x1000, s0;
	v20 =	vmax.f32 v0, v28;
	v23 =	vmax.f32 v1, v33;
	v26 =	vld [tilespmem:s15+$0xC860];
	v28 =	vmax.f32 v2, v35  }
0x29f: {  	v0 =	vld [tilespmem:s15+$0xC9F0];
	_ =	sdelay $0x4  }
0x2a0: {  	[tilespmem:$0x1FCD0] =	vst v0;
	v0 =	vld [tilespmem:s15+$0xCA70];
	_ =	sdelay $0x4  }
0x2a1: {  	[tilespmem:$0x1FCE0] =	vst v0;
	v0 =	vld [tilespmem:s15+$0xCAF0];
	_ =	sdelay $0x4  }
0x2a2: {  	[tilespmem:$0x1FCF0] =	vst v0;
	v0 =	vld [tilespmem:s15+$0xCB70];
	_ =	sdelay $0x3  }
0x2a3: {  	v2 =	vld [tilespmem:s15+$0xC870]  }
0x2a4: {  	s0 =	sadd.s32 @!p0 s11, s31;
	[tilespmem:$0x1FD00] =	vst v0;
	v0 =	vld [tilespmem:s15+$0xCBF0]  }
0x2a5: {  	v33 =	vld [tilespmem:s15+$0xC8F0];
	s5 =	simm.s32 @!p0 $0x400;
	s0 =	sshrl.u32 @!p0 s0, $0x3  }
0x2a6: {  	v31 =	vld [tilespmem:s15+$0xC970];
	s26 =	simm.s32 @!p0 $0xC800;
	s0 =	sadd.s32 @!p0 s1, s0;
	s15 =	simm.s32 @!p0 $0x8000  }
0x2a7: {  	[tilespmem:s26], [sflag:$0x3] =	stream.strided.gather @!p0 [hbm4b:s0+s5], $0x6400, s15, s5, $0x38;
	[tilespmem:$0x19100] =	vst v63  }
0x2a8: {  	s26 =	sor.u32 $0x3, s30  }
0x2a9: {  	s31 =	smulhi.u32 $0x66666667, s26;
	[tilespmem:$0x1FD10] =	vst v0  }
0x2aa: {  	_ =	swait.ge [sflag:s25], $0x6400  }
0x2ab: {  	s5 =	sshrl.u32 s31, $0x1;
	[sflag:s25] =	ssyncset.done $0x0  }
0x2ac: {  	s5 =	smul.u32 $0x5, s5;
	[sflag:s25] =	ssyncadd.s32 $0xFFFF9C00  }
0x2ad: {  	v0 =	vld [tilespmem:$0x19000]  }
0x2ae: {  	s0 =	ssub.s32 s26, s5  }
0x2af: {  	s5 =	smul.u32 $0xC8, s0;
	_ =	sdelay $0x1  }
0x2b0: {  	v1 =	vmov s5  }
0x2b1: {  	v0 =	vsub.s32 v0, v1  }
0x2b2: {  	vm0 =	vgt.s32 v0, $0x0  }
0x2b3: {  	v11 =	vnsel vm0, $0x0, v0  }
0x2b4: {  	v11 =	vmin.u32 v11, $0xC7  }
0x2b5: {  	vm10 =	vlt.u32 v0, $0xC8;
	v0 =	vshll.u32 v11, $0x7;
	v11 =	vlaneseq.u32  }
0x2b6: {  	v0 =	vor.u32 v11, v0;
	_ =	sdelay $0x3  }
0x2b7: {  	v12 =	vimm.f32 $-1.000000000e+10  }
0x2b8: {  	v11 =	vld.idx.msk [tilespmem:v0+s21+$0x0], vm10;
	[tilespmem:v0+s21+$0x0] =	vst.idx.msk vm10, v12  }
0x2b9: {  	v0 =	vld [tilespmem:$0x19010];
	_ =	sdelay $0x4  }
0x2ba: {  	v0 =	vsub.s32 v0, v1  }
0x2bb: {  	vm0 =	vgt.s32 v0, $0x0  }
0x2bc: {  	[tilespmem:$0x1FC50] =	vst v11;
	v11 =	vnsel vm0, $0x0, v0  }
0x2bd: {  	v11 =	vmin.u32 v11, $0xC7  }
0x2be: {  	vm14 =	vlt.u32 v0, $0xC8;
	v0 =	vshll.u32 v11, $0x7;
	v11 =	vld [tilespmem:$0x1FF90];
	_ =	sdelay $0x4  }
0x2bf: {  	v0 =	vor.u32 v11, v0;
	_ =	sdelay $0x4  }
0x2c0: {  	v11 =	vld.idx.msk [tilespmem:v0+s21+$0x0], vm14;
	[tilespmem:v0+s21+$0x0] =	vst.idx.msk vm14, v12  }
0x2c1: {  	v0 =	vld [tilespmem:$0x19020];
	_ =	sdelay $0x4  }
0x2c2: {  	v0 =	vsub.s32 v0, v1  }
0x2c3: {  	vm0 =	vgt.s32 v0, $0x0  }
0x2c4: {  	[tilespmem:$0x1FC60] =	vst v11;
	v11 =	vnsel vm0, $0x0, v0  }
0x2c5: {  	v11 =	vmin.u32 v11, $0xC7  }
0x2c6: {  	vm12 =	vlt.u32 v0, $0xC8;
	v0 =	vshll.u32 v11, $0x7;
	v11 =	vld [tilespmem:$0x1FFA0];
	_ =	sdelay $0x4  }
0x2c7: {  	v0 =	vor.u32 v11, v0;
	_ =	sdelay $0x4  }
0x2c8: {  	v11 =	vld.idx.msk [tilespmem:v0+s21+$0x0], vm12;
	[tilespmem:v0+s21+$0x0] =	vst.idx.msk vm12, v12  }
0x2c9: {  	v0 =	vld [tilespmem:$0x19030];
	_ =	sdelay $0x4  }
0x2ca: {  	v0 =	vsub.s32 v0, v1  }
0x2cb: {  	vm0 =	vgt.s32 v0, $0x0  }
0x2cc: {  	[tilespmem:$0x1FC70] =	vst v11;
	v11 =	vnsel vm0, $0x0, v0  }
0x2cd: {  	v11 =	vmin.u32 v11, $0xC7  }
0x2ce: {  	vm8 =	vlt.u32 v0, $0xC8;
	v0 =	vshll.u32 v11, $0x7;
	v11 =	vld [tilespmem:$0x1FFB0];
	_ =	sdelay $0x4  }
0x2cf: {  	v0 =	vor.u32 v11, v0;
	_ =	sdelay $0x4  }
0x2d0: {  	v11 =	vld.idx.msk [tilespmem:v0+s21+$0x0], vm8;
	[tilespmem:v0+s21+$0x0] =	vst.idx.msk vm8, v12  }
0x2d1: {  	v0 =	vld [tilespmem:$0x19040];
	_ =	sdelay $0x4  }
0x2d2: {  	v0 =	vsub.s32 v0, v1  }
0x2d3: {  	vm0 =	vgt.s32 v0, $0x0  }
0x2d4: {  	[tilespmem:$0x1FC80] =	vst v11;
	v11 =	vnsel vm0, $0x0, v0  }
0x2d5: {  	v11 =	vmin.u32 v11, $0xC7  }
0x2d6: {  	vm6 =	vlt.u32 v0, $0xC8;
	v0 =	vshll.u32 v11, $0x7;
	v11 =	vld [tilespmem:$0x1FFC0];
	_ =	sdelay $0x4  }
0x2d7: {  	v0 =	vor.u32 v11, v0;
	_ =	sdelay $0x4  }
0x2d8: {  	v11 =	vld.idx.msk [tilespmem:v0+s21+$0x0], vm6;
	[tilespmem:v0+s21+$0x0] =	vst.idx.msk vm6, v12  }
0x2d9: {  	v0 =	vld [tilespmem:$0x19050];
	_ =	sdelay $0x4  }
0x2da: {  	v0 =	vsub.s32 v0, v1  }
0x2db: {  	vm0 =	vgt.s32 v0, $0x0  }
0x2dc: {  	[tilespmem:$0x1FC90] =	vst v11;
	v11 =	vnsel vm0, $0x0, v0  }
0x2dd: {  	v11 =	vmin.u32 v11, $0xC7  }
0x2de: {  	vm4 =	vlt.u32 v0, $0xC8;
	v0 =	vshll.u32 v11, $0x7;
	v11 =	vld [tilespmem:$0x1FFD0];
	_ =	sdelay $0x4  }
0x2df: {  	v0 =	vor.u32 v11, v0;
	_ =	sdelay $0x4  }
0x2e0: {  	v11 =	vld.idx.msk [tilespmem:v0+s21+$0x0], vm4;
	[tilespmem:v0+s21+$0x0] =	vst.idx.msk vm4, v12  }
0x2e1: {  	v0 =	vld [tilespmem:$0x19060];
	_ =	sdelay $0x4  }
0x2e2: {  	v0 =	vsub.s32 v0, v1  }
0x2e3: {  	vm0 =	vgt.s32 v0, $0x0  }
0x2e4: {  	[tilespmem:$0x1FCA0] =	vst v11;
	v11 =	vnsel vm0, $0x0, v0  }
0x2e5: {  	v11 =	vmin.u32 v11, $0xC7  }
0x2e6: {  	vm2 =	vlt.u32 v0, $0xC8;
	v0 =	vshll.u32 v11, $0x7;
	v11 =	vld [tilespmem:$0x1FFE0];
	_ =	sdelay $0x4  }
0x2e7: {  	v0 =	vor.u32 v11, v0;
	_ =	sdelay $0x4  }
0x2e8: {  	v11 =	vld.idx.msk [tilespmem:v0+s21+$0x0], vm2;
	[tilespmem:v0+s21+$0x0] =	vst.idx.msk vm2, v12  }
0x2e9: {  	v0 =	vld [tilespmem:$0x19070];
	_ =	sdelay $0x4  }
0x2ea: {  	v0 =	vsub.s32 v0, v1  }
0x2eb: {  	vm0 =	vgt.s32 v0, $0x0  }
0x2ec: {  	v1 =	vnsel vm0, $0x0, v0  }
0x2ed: {  	v1 =	vmin.u32 v1, $0xC7  }
0x2ee: {  	vm0 =	vlt.u32 v0, $0xC8;
	v0 =	vshll.u32 v1, $0x7;
	v1 =	vld [tilespmem:$0x1FFF0];
	_ =	sdelay $0x4  }
0x2ef: {  	v0 =	vor.u32 v1, v0;
	_ =	sdelay $0x4  }
0x2f0: {  	v1 =	vld.idx.msk [tilespmem:v0+s21+$0x0], vm0  }
0x2f1: {  	[tilespmem:v0+s21+$0x0] =	vst.idx.msk vm0, v12;
	v0 =	vld [tilespmem:$0x1FD20];
	_ =	sdelay $0x4  }
0x2f2: {  	v12 =	vsel vm3, v0, v59;
	v0 =	vld [tilespmem:$0x1FD30];
	_ =	sdelay $0x3  }
0x2f3: {  	v3 =	vmax.f32 v20, v3  }
0x2f4: {  	v4 =	vmax.f32 v23, v4;
	v5 =	vmax.f32 v28, v5;
	[tilespmem:$0x1FCC0] =	vst v1;
	v1 =	vsel vm5, v0, v60;
	v0 =	vld [tilespmem:$0x1FD40]  }
0x2f5: {  	v3 =	vmax.f32 v3, v56;
	v28 =	vmax.f32 v4, v53;
	v5 =	vmax.f32 v5, v57  }
0x2f6: {  	v3 =	vmax.f32 v3, v50;
	v50 =	vmax.f32 v28, v51;
	v51 =	vmax.f32 v5, v52  }
0x2f7: {  	v27 =	vmax.f32 v51, v27  }
0x2f8: {  	v36 =	vmax.f32 v27, v36;
	v27 =	vmax.f32 v58, v30;
	v58 =	vld [tilespmem:$0x1FD90]  }
0x2f9: {  	s30 =	simm.s32 $0x0;
	v44 =	vsel vm7, v0, v61;
	v0 =	vld [tilespmem:$0x1FD50]  }
0x2fa: {  	v24 =	vld [tilespmem:s30+$0x12F80]  }
0x2fb: {  	v29 =	vld [tilespmem:s30+$0x12F90]  }
0x2fc: {  	v45 =	vld [tilespmem:s30+$0x12FA0]  }
0x2fd: {  	v46 =	vld [tilespmem:s30+$0x12FB0]  }
0x2fe: {  	v21 =	vsel vm9, v0, v62;
	v0 =	vld [tilespmem:$0x1FD60]  }
0x2ff: {  	v47 =	vld [tilespmem:s30+$0x12FC0]  }
0x300: {  	v37 =	vld [tilespmem:s30+$0x12FD0]  }
0x301: {  	v35 =	vld [tilespmem:s30+$0x12FE0]  }
0x302: {  	[tilespmem:$0x1FCB0] =	vst v11;
	v11 =	vld [tilespmem:s30+$0x12F00]  }
0x303: {  	v62 =	vsel vm11, v0, v16;
	v0 =	vld [tilespmem:$0x1FD70]  }
0x304: {  	v13 =	vld [tilespmem:s30+$0x12F10]  }
0x305: {  	v25 =	vld [tilespmem:s30+$0x12F40]  }
0x306: {  	v56 =	vld [tilespmem:s30+$0x12E80]  }
0x307: {  	v53 =	vld [tilespmem:s30+$0x12E90]  }
0x308: {  	v63 =	vsel vm13, v0, v63;
	v0 =	vld [tilespmem:$0x1FD80]  }
0x309: {  	v4 =	vld [tilespmem:s30+$0x12EA0]  }
0x30a: {  	v3 =	vmax.f32 v3, v41;
	v43 =	vmax.f32 v50, v43;
	v5 =	vld [tilespmem:s30+$0x12EB0]  }
0x30b: {  	v3 =	vmax.f32 v3, v34;
	v43 =	vmax.f32 v43, v32;
	v26 =	vmax.f32 v54, v26;
	v28 =	vld [tilespmem:s30+$0x12EC0]  }
0x30c: {  	v2 =	vmax.f32 v55, v2;
	v8 =	vmax.f32 v27, v8;
	v9 =	vmax.f32 v26, v9;
	v50 =	vld [tilespmem:s30+$0x12E00]  }
0x30d: {  	v41 =	vld [tilespmem:s30+$0x12E10];
	v20 =	vsub.f32 $2.000000000e+00, v12;
	v61 =	vsel vm15, v0, v18;
	v0 =	vadd.f32 $1.000000000e+00, v39  }
0x30e: {  	v26 =	vmax.f32 v2, v33;
	v2 =	vmax.f32 v8, v6;
	v7 =	vmax.f32 v9, v7;
	v32 =	vld [tilespmem:s30+$0x12E30]  }
0x30f: {  	v34 =	vld [tilespmem:s30+$0x12E40];
	v20 =	vmax.f32 v20, $0.0e+00;
	v23 =	vsub.f32 $2.000000000e+00, v1;
	v0 =	vmax.f32 v0, $0.0e+00  }
0x310: {  	v9 =	vmax.f32 v2, v49;
	v55 =	vmax.f32 v26, v31;
	v2 =	vld [tilespmem:s30+$0x12E60];
	v0 =	vadd.f32 v0, v20  }
0x311: {  	v7 =	vmax.f32 v7, v48;
	v26 =	vld [tilespmem:s30+$0x12DA0];
	v20 =	vmax.f32 v23, $0.0e+00;
	v23 =	vadd.f32 $1.000000000e+00, v38  }
0x312: {  	v7 =	vmax.f32 v7, v40;
	v31 =	vld [tilespmem:s30+$0x12DB0];
	v0 =	vadd.f32 v0, v20  }
0x313: {  	v7 =	vmax.f32 v7, v19;
	v33 =	vld [tilespmem:s30+$0x12DC0];
	v57 =	vsub.f32 $2.000000000e+00, v44;
	v20 =	vmax.f32 v23, $0.0e+00  }
0x314: {  	v7 =	vmax.f32 v7, v15;
	v19 =	vld [tilespmem:s30+$0x12C00];
	v0 =	vadd.f32 v0, v20  }
0x315: {  	v7 =	vmax.f32 v7, v10;
	v10 =	vld [tilespmem:s30+$0x12C80];
	v52 =	vmax.f32 v57, $0.0e+00;
	v57 =	vadd.f32 $1.000000000e+00, v3  }
0x316: {  	v40 =	vld [tilespmem:s30+$0x12C90];
	v0 =	vadd.f32 v0, v52  }
0x317: {  	v49 =	vld [tilespmem:s30+$0x12D10];
	v30 =	vmax.f32 v57, $0.0e+00;
	v52 =	vsub.f32 $2.000000000e+00, v21  }
0x318: {  	v59 =	vld [tilespmem:s30+$0x12F20];
	v0 =	vadd.f32 v0, v30  }
0x319: {  	v54 =	vadd.f32 $1.000000000e+00, v43;
	v60 =	vld [tilespmem:s30+$0x12F30];
	v27 =	vmax.f32 v52, $0.0e+00  }
0x31a: {  	v57 =	vld [tilespmem:$0x1FD00];
	v0 =	vadd.f32 v0, v27  }
0x31b: {  	v6 =	vmax.f32 v54, $0.0e+00;
	v16 =	vld [tilespmem:s30+$0x12F60];
	v8 =	vsub.f32 $2.000000000e+00, v62  }
0x31c: {  	v18 =	vld [tilespmem:s30+$0x12F50];
	v0 =	vadd.f32 v0, v6  }
0x31d: {  	v8 =	vmax.f32 v8, $0.0e+00;
	v23 =	vld [tilespmem:s30+$0x12ED0];
	v6 =	vmax.f32 v9, v42;
	v9 =	vadd.f32 $1.000000000e+00, v36  }
0x31e: {  	v20 =	vld [tilespmem:s30+$0x12EE0];
	v6 =	vmax.f32 v6, v22;
	v0 =	vadd.f32 v0, v8  }
0x31f: {  	v30 =	vld [tilespmem:s30+$0x12E20];
	v6 =	vmax.f32 v6, v17;
	v9 =	vmax.f32 v9, $0.0e+00;
	v17 =	vsub.f32 $2.000000000e+00, v63  }
0x320: {  	v52 =	vld [tilespmem:$0x1FDF0];
	v6 =	vmax.f32 v6, v14;
	v0 =	vadd.f32 v0, v9  }
0x321: {  	v9 =	vmax.f32 v17, $0.0e+00;
	v14 =	vadd.f32 $1.000000000e+00, v6;
	v17 =	vld [tilespmem:$0x1FCD0]  }
0x322: {  	v27 =	vld [tilespmem:s30+$0x12E50];
	v0 =	vadd.f32 v0, v9  }
0x323: {  	v22 =	vld [tilespmem:$0x1FCE0];
	v14 =	vmax.f32 v14, $0.0e+00  }
0x324: {  	v0 =	vadd.f32 v0, v14;
	v14 =	vld [tilespmem:$0x1FCF0]  }
0x325: {  	v42 =	vld [tilespmem:s30+$0x12D80]  }
0x326: {  	v17 =	vmax.f32 v55, v17;
	v55 =	vld [tilespmem:$0x1FD10]  }
0x327: {  	v15 =	vsub.f32 $2.000000000e+00, v61;
	v48 =	vsel vm1, v58, v52;
	v52 =	vld [tilespmem:s30+$0x12D20]  }
0x328: {  	v8 =	vld [tilespmem:s30+$0x12D90];
	v17 =	vmax.f32 v17, v22  }
0x329: {  	p1 =	seq.s32 s2, $0x4;
	v15 =	vmax.f32 v15, $0.0e+00;
	v22 =	vld [tilespmem:s30+$0x12C10];
	v14 =	vmax.f32 v17, v14;
	v17 =	vadd.f32 $1.000000000e+00, v7  }
0x32a: {  	v3 =	vpsel p1, $0xFF800000, v3;
	v9 =	vld [tilespmem:s30+$0x12D00];
	v0 =	vadd.f32 v0, v15;
	v14 =	vmax.f32 v14, v57  }
0x32b: {  	v54 =	vsub.f32 $2.000000000e+00, v48;
	v15 =	vmax.f32 v17, $0.0e+00;
	v51 =	vmax.f32 v14, v55;
	v14 =	vld [tilespmem:s30+$0x12DE0]  }
0x32c: {  	v57 =	vpsel p1, $0xFF800000, v38;
	v17 =	vpsel p1, $0xFF800000, v39;
	v55 =	vld [tilespmem:s30+$0x12CB0];
	v0 =	vadd.f32 v0, v15  }
0x32d: {  	v17 =	vmax.f32 v17, v19;
	v19 =	vmax.f32 v54, $0.0e+00;
	v58 =	vadd.f32 $1.000000000e+00, v51;
	v54 =	vld [tilespmem:$0x1FDE0]  }
0x32e: {  	v39 =	vld [tilespmem:s30+$0x12D60];
	v10 =	vmax.f32 v17, v10;
	v0 =	vadd.f32 v0, v19;
	v19 =	vmax.f32 v57, v22  }
0x32f: {  	v9 =	vmax.f32 v10, v9;
	v10 =	vmax.f32 v58, $0.0e+00;
	v22 =	vld [tilespmem:s30+$0x12C40];
	v17 =	vmax.f32 v19, v40  }
0x330: {  	v9 =	vmax.f32 v9, v42;
	v0 =	vadd.f32 v0, v10;
	v10 =	vmax.f32 v17, v49;
	v17 =	vld [tilespmem:s30+$0x12C20]  }
0x331: {  	v38 =	vpsel p1, $0xFF800000, v7;
	v19 =	vld [tilespmem:s30+$0x12CA0];
	v9 =	vmax.f32 v9, v50;
	v8 =	vmax.f32 v10, v8  }
0x332: {  	v10 =	vld [tilespmem:s30+$0x12C30];
	v9 =	vmax.f32 v9, v56;
	v8 =	vmax.f32 v8, v41;
	v0 =	vadd.f32 v0, v54  }
0x333: {  	v7 =	vpsel p1, $0x0, v62;
	v15 =	vld [tilespmem:s30+$0x12DD0];
	v11 =	vmax.f32 v9, v11;
	v8 =	vmax.f32 v8, v53  }
0x334: {  	v56 =	vld [tilespmem:s30+$0x12D30];
	v11 =	vmax.f32 v11, v24;
	v9 =	vpsel p1, v0, v54;
	v0 =	vmax.f32 v8, v13  }
0x335: {  	v8 =	vld [tilespmem:s30+$0x12CC0];
	v13 =	vpsel p1, $0xFF800000, v43;
	v0 =	vmax.f32 v0, v29;
	v3 =	vmax.f32 v3, v17  }
0x336: {  	v57 =	vld [tilespmem:s30+$0x12D40];
	v17 =	vpsel p1, $0xFF800000, v36;
	v36 =	vpsel p1, $0xFF800000, v6;
	v6 =	vpsel p1, $0x0, v63  }
0x337: {  	v40 =	vld [tilespmem:s30+$0x12C50];
	v10 =	vmax.f32 v13, v10;
	v17 =	vmax.f32 v17, v22;
	v3 =	vmax.f32 v3, v19  }
0x338: {  	v42 =	vld [tilespmem:s30+$0x12C60];
	v22 =	vpsel p1, $0xFF800000, v51;
	v13 =	vpsel p1, $0x0, v12;
	v19 =	vpsel p1, $0x0, v1  }
0x339: {  	v41 =	vld [tilespmem:s30+$0x12CD0];
	v10 =	vmax.f32 v10, v55;
	v1 =	vmax.f32 v3, v52;
	v3 =	vpsel p1, $0x0, v48  }
0x33a: {  	v24 =	vld [tilespmem:s30+$0x12D50];
	v12 =	vmax.f32 v10, v56;
	v10 =	vpsel p1, $0x0, v61;
	v58 =	vmax.f32 v17, v8  }
0x33b: {  	s2 =	simm.s32 $0x1000;
	v29 =	vld [tilespmem:s30+$0x12CE0];
	v17 =	vpsel p1, $0x0, v44;
	v8 =	vpsel p1, $0x0, v21;
	v21 =	vmax.f32 v58, v57  }
.LBB2_9:
0x33c: {  	p1 =	sne.s32 s2, $0x18000;
	v43 =	vld [tilespmem:s30+$0x12C70];
	v1 =	vmax.f32 v1, v26;
	v12 =	vmax.f32 v12, v31;
	v21 =	vmax.f32 v21, v33  }
0x33d: {  	v26 =	vld [tilespmem:s30+$0x12CF0];
	v1 =	vmax.f32 v1, v30;
	v12 =	vmax.f32 v12, v32;
	v21 =	vmax.f32 v21, v34  }
0x33e: {  	v30 =	vld [tilespmem:s30+$0x12D70];
	v1 =	vmax.f32 v1, v4;
	v4 =	vmax.f32 v12, v5;
	v5 =	vmax.f32 v21, v28  }
0x33f: {  	v28 =	vld [tilespmem:s30+$0x12DF0];
	v1 =	vmax.f32 v1, v59;
	v4 =	vmax.f32 v4, v60;
	v5 =	vmax.f32 v5, v25  }
0x340: {  	v25 =	vld [tilespmem:s30+$0x12E70];
	v1 =	vmax.f32 v1, v45;
	v12 =	vmax.f32 v4, v46;
	v21 =	vmax.f32 v5, v47  }
0x341: {  	v4 =	vmax.f32 v36, v40;
	v5 =	vmax.f32 v38, v42;
	v22 =	vmax.f32 v22, v43;
	v31 =	vld [tilespmem:s30+$0x12EF0]  }
0x342: {  	v4 =	vmax.f32 v4, v41;
	v5 =	vmax.f32 v5, v29;
	v22 =	vmax.f32 v22, v26;
	v26 =	vld [tilespmem:s30+$0x12F70]  }
0x343: {  	v4 =	vmax.f32 v4, v24;
	v5 =	vmax.f32 v5, v39;
	v22 =	vmax.f32 v22, v30;
	v24 =	vld [tilespmem:s30+$0x12FF0];
	s30 =	sshra.s32 s2, $0x2  }
0x344: {  	v4 =	vmax.f32 v4, v15;
	v5 =	vmax.f32 v5, v14;
	v29 =	vld [tilespmem:s30+$0x12F80];
	v14 =	vmax.f32 v22, v28  }
0x345: {  	v4 =	vmax.f32 v4, v27;
	v2 =	vmax.f32 v5, v2;
	v40 =	vld [tilespmem:s30+$0x12F90];
	v5 =	vmax.f32 v14, v25  }
0x346: {  	v4 =	vmax.f32 v4, v23;
	v2 =	vmax.f32 v2, v20;
	v45 =	vld [tilespmem:s30+$0x12FA0];
	v5 =	vmax.f32 v5, v31  }
0x347: {  	v4 =	vmax.f32 v4, v18;
	v2 =	vmax.f32 v2, v16;
	v46 =	vld [tilespmem:s30+$0x12FB0];
	v5 =	vmax.f32 v5, v26  }
0x348: {  	v36 =	vmax.f32 v4, v37;
	v38 =	vmax.f32 v2, v35;
	v47 =	vld [tilespmem:s30+$0x12FC0];
	v22 =	vmax.f32 v5, v24  }
0x349: {  	v37 =	vld [tilespmem:s30+$0x12FD0]  }
0x34a: {  	v35 =	vld [tilespmem:s30+$0x12FE0]  }
0x34b: {  	v41 =	vld [tilespmem:s30+$0x12F00]  }
0x34c: {  	v42 =	vld [tilespmem:s30+$0x12F10]  }
0x34d: {  	v59 =	vld [tilespmem:s30+$0x12F20]  }
0x34e: {  	v60 =	vld [tilespmem:s30+$0x12F30]  }
0x34f: {  	v25 =	vld [tilespmem:s30+$0x12F40]  }
0x350: {  	v18 =	vld [tilespmem:s30+$0x12F50]  }
0x351: {  	v16 =	vld [tilespmem:s30+$0x12F60]  }
0x352: {  	v39 =	vld [tilespmem:s30+$0x12E80]  }
0x353: {  	v43 =	vld [tilespmem:s30+$0x12E90]  }
0x354: {  	v4 =	vld [tilespmem:s30+$0x12EA0]  }
0x355: {  	v5 =	vld [tilespmem:s30+$0x12EB0]  }
0x356: {  	v28 =	vld [tilespmem:s30+$0x12EC0]  }
0x357: {  	v23 =	vld [tilespmem:s30+$0x12ED0]  }
0x358: {  	v20 =	vld [tilespmem:s30+$0x12EE0]  }
0x359: {  	v24 =	vld [tilespmem:s30+$0x12E00]  }
0x35a: {  	v44 =	vld [tilespmem:s30+$0x12E10]  }
0x35b: {  	v30 =	vld [tilespmem:s30+$0x12E20]  }
0x35c: {  	v32 =	vld [tilespmem:s30+$0x12E30]  }
0x35d: {  	v34 =	vld [tilespmem:s30+$0x12E40]  }
0x35e: {  	v27 =	vld [tilespmem:s30+$0x12E50]  }
0x35f: {  	v2 =	vld [tilespmem:s30+$0x12E60]  }
0x360: {  	v48 =	vld [tilespmem:s30+$0x12D80]  }
0x361: {  	v49 =	vld [tilespmem:s30+$0x12D90]  }
0x362: {  	v26 =	vld [tilespmem:s30+$0x12DA0]  }
0x363: {  	v31 =	vld [tilespmem:s30+$0x12DB0]  }
0x364: {  	v33 =	vld [tilespmem:s30+$0x12DC0]  }
0x365: {  	v15 =	vld [tilespmem:s30+$0x12DD0]  }
0x366: {  	v14 =	vld [tilespmem:s30+$0x12DE0]  }
0x367: {  	v50 =	vld [tilespmem:s30+$0x12D00]  }
0x368: {  	v51 =	vld [tilespmem:s30+$0x12D10]  }
0x369: {  	v52 =	vld [tilespmem:s30+$0x12D20]  }
0x36a: {  	v53 =	vld [tilespmem:s30+$0x12C80]  }
0x36b: {  	v54 =	vld [tilespmem:s30+$0x12C00]  }
0x36c: {  	v55 =	vld [tilespmem:s30+$0x12C10]  }
0x36d: {  	v56 =	vld [tilespmem:s30+$0x12C90]  }
0x36e: {  	v57 =	vld [tilespmem:s30+$0x12D30]  }
0x36f: {  	v58 =	vld [tilespmem:s30+$0x12D40]  }
0x370: {  	v61 =	vld [tilespmem:s30+$0x12CA0]  }
0x371: {  	v11 =	vmax.f32 v11, v54;
	v0 =	vmax.f32 v0, v55;
	v54 =	vld [tilespmem:s30+$0x12CB0]  }
0x372: {  	v11 =	vmax.f32 v11, v53;
	v55 =	vld [tilespmem:s30+$0x12C20];
	v0 =	vmax.f32 v0, v56  }
0x373: {  	v11 =	vmax.f32 v11, v50;
	v53 =	vld [tilespmem:s30+$0x12C30];
	v0 =	vmax.f32 v0, v51  }
0x374: {  	v11 =	vmax.f32 v11, v48;
	v50 =	vld [tilespmem:s30+$0x12C40];
	v0 =	vmax.f32 v0, v49  }
0x375: {  	v11 =	vmax.f32 v11, v24;
	v48 =	vld [tilespmem:s30+$0x12CC0];
	v0 =	vmax.f32 v0, v44  }
0x376: {  	v11 =	vmax.f32 v11, v39;
	v24 =	vld [tilespmem:s30+$0x12D50];
	v0 =	vmax.f32 v0, v43  }
.Ltmp5:
0x377: {  	v11 =	vmax.f32 v11, v41;
	v39 =	vld [tilespmem:s30+$0x12D60];
	v0 =	vmax.f32 v0, v42;
	(pc) =	sbr.rel @p1 .LBB2_9-.Ltmp5, $4  }
0x378: {  	v11 =	vmax.f32 v11, v29;
	v41 =	vld [tilespmem:s30+$0x12CD0];
	v0 =	vmax.f32 v0, v40  }
0x379: {  	v1 =	vmax.f32 v1, v55;
	v12 =	vmax.f32 v12, v53;
	v21 =	vmax.f32 v21, v50;
	v29 =	vld [tilespmem:s30+$0x12CE0]  }
0x37a: {  	v1 =	vmax.f32 v1, v61;
	v12 =	vmax.f32 v12, v54;
	v40 =	vld [tilespmem:s30+$0x12C50];
	v21 =	vmax.f32 v21, v48  }
0x37b: {  	s2 =	sadd.s32 $0x1000, s2;
	v1 =	vmax.f32 v1, v52;
	v12 =	vmax.f32 v12, v57;
	v42 =	vld [tilespmem:s30+$0x12C60];
	v21 =	vmax.f32 v21, v58  }
0x37c: {  	v1 =	vmax.f32 v1, v26  }
0x37d: {  	v26 =	vmax.f32 v1, v30;
	v1 =	vld [tilespmem:$0x1FC50];
	_ =	sdelay $0x1  }
0x37e: {  	v26 =	vmax.f32 v26, v4;
	v4 =	vld [tilespmem:$0x1FC60];
	_ =	sdelay $0x1  }
0x37f: {  	v12 =	vmax.f32 v12, v31;
	v21 =	vmax.f32 v21, v33  }
0x380: {  	v57 =	vadd.f32 $1.000000000e+00, v11;
	v1 =	vsel vm10, v1, v13;
	v13 =	vmax.f32 v21, v34  }
0x381: {  	v12 =	vmax.f32 v12, v32;
	v56 =	vsub.f32 $2.000000000e+00, v1;
	v13 =	vmax.f32 v13, v28  }
0x382: {  	v5 =	vmax.f32 v12, v5;
	v4 =	vsel vm14, v4, v19;
	v25 =	vmax.f32 v13, v25;
	v13 =	vld [tilespmem:$0x1FC70]  }
0x383: {  	v19 =	vmax.f32 v57, $0.0e+00;
	v58 =	vsub.f32 $2.000000000e+00, v4;
	v12 =	vmax.f32 v56, $0.0e+00  }
0x384: {  	v12 =	vadd.f32 v19, v12  }
0x385: {  	v26 =	vmax.f32 v26, v59;
	v19 =	vmax.f32 v5, v60;
	v5 =	vmax.f32 v58, $0.0e+00  }
0x386: {  	v59 =	vadd.f32 $1.000000000e+00, v0;
	v61 =	vadd.f32 v12, v5;
	v5 =	vmax.f32 v26, v45;
	v45 =	vld [tilespmem:$0x1FC80]  }
0x387: {  	v17 =	vsel vm12, v13, v17  }
0x388: {  	v36 =	vmax.f32 v36, v40;
	v21 =	vmax.f32 v59, $0.0e+00;
	v62 =	vsub.f32 $2.000000000e+00, v17  }
0x389: {  	v12 =	vmax.f32 v25, v47;
	v13 =	vmax.f32 v19, v46;
	v19 =	vadd.f32 v61, v21  }
0x38a: {  	v50 =	vld [tilespmem:$0x1FC90];
	v43 =	vadd.f32 $1.000000000e+00, v5;
	v21 =	vmax.f32 v36, v41;
	v40 =	vmax.f32 v62, $0.0e+00  }
0x38b: {  	v21 =	vmax.f32 v21, v24;
	v8 =	vsel vm8, v45, v8;
	v19 =	vadd.f32 v19, v40  }
0x38c: {  	v26 =	vmax.f32 v43, $0.0e+00;
	v15 =	vmax.f32 v21, v15;
	v47 =	vsub.f32 $2.000000000e+00, v8  }
0x38d: {  	v15 =	vmax.f32 v15, v27;
	v19 =	vadd.f32 v19, v26  }
0x38e: {  	v49 =	vadd.f32 $1.000000000e+00, v13;
	v23 =	vmax.f32 v15, v23;
	v15 =	vld [tilespmem:$0x1FCA0];
	v48 =	vmax.f32 v47, $0.0e+00  }
0x38f: {  	v44 =	vmax.f32 v38, v42;
	v7 =	vsel vm6, v50, v7;
	v19 =	vadd.f32 v19, v48  }
0x390: {  	v29 =	vmax.f32 v44, v29;
	v53 =	vsub.f32 $2.000000000e+00, v7;
	v60 =	vld [tilespmem:s30+$0x12C70];
	v52 =	vmax.f32 v49, $0.0e+00  }
0x391: {  	v63 =	vld [tilespmem:s30+$0x12CF0];
	v51 =	vmax.f32 v29, v39;
	v19 =	vadd.f32 v19, v52  }
0x392: {  	v14 =	vmax.f32 v51, v14;
	v54 =	vmax.f32 v53, $0.0e+00;
	v46 =	vld [tilespmem:s30+$0x12D70];
	v55 =	vadd.f32 $1.000000000e+00, v12  }
0x393: {  	v2 =	vmax.f32 v14, v2;
	v56 =	vld [tilespmem:s30+$0x12DF0];
	v15 =	vsel vm4, v15, v6;
	v19 =	vadd.f32 v19, v54  }
0x394: {  	v58 =	vld [tilespmem:s30+$0x12E70];
	v6 =	vmax.f32 v23, v18;
	v18 =	vmax.f32 v55, $0.0e+00;
	v57 =	vsub.f32 $2.000000000e+00, v15  }
0x395: {  	v22 =	vmax.f32 v22, v60;
	v6 =	vmax.f32 v6, v37;
	v18 =	vadd.f32 v19, v18;
	v19 =	vld [tilespmem:s30+$0x12EF0]  }
0x396: {  	v61 =	vld [tilespmem:$0x1FCB0];
	v22 =	vmax.f32 v22, v63;
	v59 =	vadd.f32 $1.000000000e+00, v6;
	v14 =	vmax.f32 v57, $0.0e+00  }
0x397: {  	v2 =	vmax.f32 v2, v20;
	v22 =	vmax.f32 v22, v46;
	v14 =	vadd.f32 v18, v14  }
0x398: {  	v2 =	vmax.f32 v2, v16;
	v21 =	vmax.f32 v22, v56;
	v16 =	vmax.f32 v59, $0.0e+00  }
0x399: {  	v16 =	vadd.f32 v14, v16;
	v14 =	vmax.f32 v21, v58  }
0x39a: {  	v19 =	vmax.f32 v14, v19;
	v14 =	vld [tilespmem:$0x1FCC0]  }
0x39b: {  	v60 =	vld [tilespmem:s30+$0x12F70];
	v10 =	vsel vm2, v61, v10  }
0x39c: {  	v20 =	vsub.f32 $2.000000000e+00, v10;
	v18 =	vld [tilespmem:s30+$0x12FF0]  }
0x39d: {  	v2 =	vmax.f32 v2, v35  }
0x39e: {  	v62 =	vadd.f32 $1.000000000e+00, v2;
	v20 =	vmax.f32 v20, $0.0e+00  }
0x39f: {  	v16 =	vadd.f32 v16, v20;
	v14 =	vsel vm0, v14, v3  }
0x3a0: {  	v3 =	vmax.f32 v19, v60;
	v19 =	vmax.f32 v62, $0.0e+00;
	v63 =	vsub.f32 $2.000000000e+00, v14  }
0x3a1: {  	v3 =	vmax.f32 v3, v18;
	v16 =	vadd.f32 v16, v19  }
0x3a2: {  	v19 =	vadd.f32 $1.000000000e+00, v3;
	v18 =	vmax.f32 v63, $0.0e+00  }
0x3a3: {  	v16 =	vadd.f32 v16, v18  }
0x3a4: {  	v18 =	vmax.f32 v19, $0.0e+00  }
.Ltmp6:
0x3a5: {  	v16 =	vadd.f32 v16, v18;
	(pc) =	sbr.rel @p0 .LBB2_12-.Ltmp6, $4  }
0x3a6: {  	_ = 	snop  }
0x3a7: {  	v16 =	vadd.f32 v16, v9  }
0x3a8: {  	p1 =	seq.s32 s0, $0x4  }
0x3a9: {  	v9 =	vpsel p1, v16, v9  }
0x3aa: {  	[tilespmem:$0x1FF80] =	vst v9;
	v61 =	vpsel p1, $0x0, v14  }
0x3ab: {  	v62 =	vpsel p1, $0x0, v10;
	[tilespmem:$0x1FF10] =	vst v61  }
0x3ac: {  	v63 =	vpsel p1, $0x0, v15;
	[tilespmem:$0x1FF20] =	vst v62  }
0x3ad: {  	s0 =	smul.u32 $0x320000, s29;
	v7 =	vpsel p1, $0x0, v7;
	[tilespmem:$0x1FF30] =	vst v63  }
.Ltmp7:
0x3ae: {  	v4 =	vpsel p1, $0x0, v4;
	[tilespmem:$0x1FF40] =	vst v7;
	(pc) =	sbr.rel .LBB2_2-.Ltmp7, $4  }
0x3af: {  	v30 =	vpsel p1, $0x0, v1;
	v7 =	vpsel p1, $0x0, v8;
	[tilespmem:$0x1FF70] =	vst v4;
	s0 =	sadd.s32 s12, s0  }
0x3b0: {  	v14 =	vpsel p1, $0xFF800000, v3;
	v23 =	vpsel p1, $0xFF800000, v2;
	[tilespmem:$0x1FF50] =	vst v7;
	v7 =	vpsel p1, $0x0, v17;
	s0 =	sshrl.u32 s0, $0x3  }
0x3b1: {  	v28 =	vpsel p1, $0xFF800000, v6;
	v12 =	vpsel p1, $0xFF800000, v12;
	v13 =	vpsel p1, $0xFF800000, v13;
	s29 =	sadd.s32 $0x1, s29;
	[tilespmem:$0x1FF60] =	vst v7;
	s0 =	sadd.s32 s1, s0  }
0x3b2: {  	v15 =	vpsel p1, $0xFF800000, v5;
	v1 =	vpsel p1, $0xFF800000, v0;
	v4 =	vpsel p1, $0xFF800000, v11;
	[tilespmem:s21], [sflag:$0x4] =	stream.strided.gather [hbm4b:s0+s16], $0x6400, s17, s16, $0x38;
	[tilespmem:$0x19100] =	vst v63  }
.LBB2_13:
0x3b3: {  	_ =	sfence.sel $0x180000  }
0x3b4: {  	[bflag:$0x0] =	sbarrier.arrive $0xFFFF  }
0x3b5: {  	_ =	strace $0x90000047  }
0x3b6: {  	s0 =	stileid.u32;
	[bflag:$0x2] =	sbarrier.arrive $0xFFFF  }
0x3b7: {  	p0 =	sne.s32 s0, $0x0;
	s0 =	rddreg [dreg:$0x3]  }
0x3b8: {  	s0 =	sadd.s32 @!p0 $0x100000, s0  }
0x3b9: {  	[sflag:s0] =	ssyncadd.tile.s32 @!p0 $0x1;
	_ =	shalt  }
.Lfunc_end2:
_tile_overlayer_lowered:
.L_overlay_start_2:
0x3ba: {  	(tag) =	ssettag $0x2  }
0x3bb: {  	s0 =	rddreg [dreg:$0x0];
	s2 =	stileid.u32  }
0x3bc: {  	s1 =	rddreg [dreg:$0x1];
	p0 =	sne.s32 s2, $0x0  }
0x3bd: {  	s3 =	rddreg [dreg:$0x2];
	[bflag:$0x3] =	sbarrier.arrive $0xFFFF;
	s2 =	simm.s32 @!p0 $0x1C05  }
0x3be: {  	[timem:s3], [sflag:s2] =	dma.local @!p0 [hbm:s0], s1  }
0x3bf: {  	s0 =	simm.s32 @!p0 $0x5  }
0x3c0: {  	_ =	swait.ge @!p0 [sflag:s0], s1  }
0x3c1: {  	s1 =	ssub.s32 @!p0 $0x0, s1;
	[sflag:s0] =	ssyncset.done @!p0 $0x0  }
0x3c2: {  	[sflag:s0] =	ssyncadd.s32 @!p0 s1  }
0x3c3: {  	[bflag:$0x3] =	sbarrier.arrive $0xFFFF  }
0x3c4: {  	_ =	shalt  }

</sc_bundles>
